<compile_context>
chip_gen: v7x
topology: tpu7x:2x2x1
jax: 0.10.2.dev20260603
libtpu: 0.0.44.dev20260713+nightly
codegen_flags: <defaults>
</compile_context>

<pallas_src>
import functools

import jax
import jax.numpy as jnp
from jax import lax
from jax.experimental import pallas as pl
from jax.experimental.pallas import tpu as pltpu
from jax.experimental.pallas import tpu_sc as plsc

N = 10000
NPAD = 10240
E = 320000
NSLAB = 4
HE = E // NSLAB
DP = 128
NC = 2
NS = 16
NW = NC * NS
PER_TILE = HE // NW
DMA_B = 125
CH = 500
HCH = CH // 2
N_DMA = CH // DMA_B
N_DMA_H = HCH // DMA_B
N_CH = PER_TILE // CH
ROWS_PER_TILE = NPAD // NS

_f32 = jnp.float32
_bf16 = jnp.bfloat16


def _sc_mesh():
    return plsc.VectorSubcoreMesh(core_axis_name="c", subcore_axis_name="s")


_SC_PARAMS = pltpu.CompilerParams(use_tc_tiling_on_sc=False)


def _sc_gather(xpadb, row2):

    @functools.partial(
        pl.kernel,
        mesh=_sc_mesh(),
        compiler_params=_SC_PARAMS,
        out_type=jax.ShapeDtypeStruct((HE, DP), _f32),
        scratch_types=[
            pltpu.VMEM((N_DMA, DMA_B), jnp.int32),
            pltpu.VMEM((CH, DP), _f32),
            pltpu.SemaphoreType.DMA,
        ],
    )
    def k(x_hbm, row_hbm, out_hbm, idx_v, rows_v, sem):
        cid = lax.axis_index("c")
        sid = lax.axis_index("s")
        wid = sid * NC + cid

        def chunk(i, carry):
            ebase = pl.multiple_of(wid * PER_TILE + i * CH, CH)
            rbase = pl.multiple_of(
                wid * (PER_TILE // DMA_B) + i * N_DMA, N_DMA)
            pltpu.sync_copy(row_hbm.at[pl.ds(rbase, N_DMA)], idx_v)
            descs = []
            for j in range(N_DMA):
                descs.append(
                    pltpu.async_copy(
                        x_hbm.at[idx_v.at[j]],
                        rows_v.at[pl.ds(j * DMA_B, DMA_B)],
                        sem,
                    )
                )
            for d in descs:
                d.wait()
            pltpu.sync_copy(rows_v, out_hbm.at[pl.ds(ebase, CH)])
            return carry

        lax.fori_loop(0, N_CH, chunk, 0)

    return k(xpadb, row2)


def _sc_scatter(msg, col2, zeros_nd):

    @functools.partial(
        pl.kernel,
        mesh=_sc_mesh(),
        compiler_params=_SC_PARAMS,
        out_type=jax.ShapeDtypeStruct((NC * NPAD, 64), _f32),
        scratch_types=[
            pltpu.VMEM((N_DMA, DMA_B), jnp.int32),
            pltpu.VMEM((CH, 64), _f32),
            pltpu.VMEM_SHARED((NPAD, 64), _f32),
            pltpu.SemaphoreType.DMA,
        ],
    )
    def k(msg_hbm, col_hbm, z_hbm, out_hbm, idx_v, vals_v, shared, sem):
        cid = lax.axis_index("c")
        sid = lax.axis_index("s")
        wid = sid * NC + cid
        myrow = pl.multiple_of(sid * ROWS_PER_TILE, ROWS_PER_TILE)

        pltpu.sync_copy(
            z_hbm.at[pl.ds(myrow, ROWS_PER_TILE)],
            shared.at[pl.ds(myrow, ROWS_PER_TILE)],
        )
        plsc.subcore_barrier()

        def chunk(i, carry):
            ebase = pl.multiple_of(wid * PER_TILE + i * CH, CH)
            rbase = pl.multiple_of(
                wid * (PER_TILE // DMA_B) + i * N_DMA, N_DMA)
            pltpu.sync_copy(col_hbm.at[pl.ds(rbase, N_DMA)], idx_v)
            pltpu.sync_copy(msg_hbm.at[pl.ds(ebase, CH), pl.ds(0, 64)], vals_v)
            for j in range(N_DMA):
                pltpu.sync_copy(
                    vals_v.at[pl.ds(j * DMA_B, DMA_B)],
                    shared.at[idx_v.at[j]],
                    add=True,
                )
            return carry

        lax.fori_loop(0, N_CH, chunk, 0)
        plsc.subcore_barrier()
        pltpu.sync_copy(
            shared.at[pl.ds(myrow, ROWS_PER_TILE)],
            out_hbm.at[pl.ds(cid * NPAD + myrow, ROWS_PER_TILE)],
        )

    return k(msg, col2, zeros_nd)


_BE = 3200


def _tc_edge_mlp(xg, ea, wx, we, w1, b1, w2, b2, w3, b3, half):
    def body(xg_ref, ea_ref, wx_ref, we_ref, w1_ref, b1_ref,
             w2_ref, b2_ref, w3_ref, b3_ref, out_ref):
        xgb = xg_ref[...].astype(_bf16)
        eab = ea_ref[...].astype(_bf16)
        h = jnp.dot(xgb, wx_ref[...], preferred_element_type=_f32)
        h = h + lax.dot_general(eab, we_ref[...],
                                (((0,), (0,)), ((), ())),
                                preferred_element_type=_f32)
        h = jnp.maximum(h, 0.0).astype(_bf16)
        h = jnp.dot(h, w1_ref[...], preferred_element_type=_f32) + b1_ref[...]
        h = jnp.maximum(h, 0.0).astype(_bf16)
        h = jnp.dot(h, w2_ref[...], preferred_element_type=_f32) + b2_ref[...]
        h = jnp.maximum(h, 0.0).astype(_bf16)
        out_ref[...] = (
            jnp.dot(h, w3_ref[...], preferred_element_type=_f32) + b3_ref[...]
        )

    def full(shape):
        return pl.BlockSpec(shape, lambda i: (0, 0))

    off = half * (HE // _BE)
    return pl.pallas_call(
        body,
        grid=(HE // _BE,),
        in_specs=[
            pl.BlockSpec((_BE, DP), lambda i: (i, 0)),
            pl.BlockSpec((50, _BE), lambda i: (0, i + off)),
            full((DP, 1024)), full((50, 1024)),
            full((1024, 512)), full((1, 512)),
            full((512, 128)), full((1, 128)),
            full((128, DP)), full((1, DP)),
        ],
        out_specs=pl.BlockSpec((_BE, DP), lambda i: (i, 0)),
        out_shape=jax.ShapeDtypeStruct((HE, DP), _f32),
    )(xg, ea, wx, we, w1, b1, w2, b2, w3, b3)


_BN = 2000


def _tc_node_mlp(parts, xpadb, wx, wa, w1, b1, w2, b2, w3, b3):
    def body(*refs):
        part_refs = refs[:2 * NSLAB]
        (x_ref, wx_ref, wa_ref, w1_ref, b1_ref, w2_ref, b2_ref,
         w3_ref, b3_ref, out_ref) = refs[2 * NSLAB:]
        s = part_refs[0][0]
        for pr in part_refs[1:]:
            s = s + pr[0]
        cnt = jnp.maximum(s[:, 50:51], 1.0)
        agg = (s / cnt).astype(_bf16)
        xb = x_ref[...].astype(_bf16)
        h = jnp.dot(xb, wx_ref[...], preferred_element_type=_f32)
        h = h + jnp.dot(agg, wa_ref[...], preferred_element_type=_f32)
        h = jnp.maximum(h, 0.0).astype(_bf16)
        h = jnp.dot(h, w1_ref[...], preferred_element_type=_f32) + b1_ref[...]
        h = jnp.maximum(h, 0.0).astype(_bf16)
        h = jnp.dot(h, w2_ref[...], preferred_element_type=_f32) + b2_ref[...]
        h = jnp.maximum(h, 0.0).astype(_bf16)
        o = jnp.dot(h, w3_ref[...], preferred_element_type=_f32) + b3_ref[...]

        @pl.when(pl.program_id(0) == 0)
        def _init():
            out_ref[...] = jnp.zeros_like(out_ref)

        out_ref[...] += jnp.sum(o, axis=0, keepdims=True) * (1.0 / N)

    def full(shape):
        return pl.BlockSpec(shape, lambda i: (0, 0))

    part_spec0 = pl.BlockSpec((1, _BN, 64), lambda i: (0, i, 0))
    part_spec1 = pl.BlockSpec((1, _BN, 64), lambda i: (1, i, 0))
    part_specs = [part_spec0, part_spec1] * NSLAB
    part_args = [p for p in parts for _ in range(2)]
    return pl.pallas_call(
        body,
        grid=(N // _BN,),
        in_specs=[
            *part_specs,
            pl.BlockSpec((_BN, DP), lambda i: (i, 0)),
            full((DP, 1024)), full((64, 1024)),
            full((1024, 512)), full((1, 512)),
            full((512, 256)), full((1, 256)),
            full((256, 100)), full((1, 100)),
        ],
        out_specs=pl.BlockSpec((1, 100), lambda i: (0, 0)),
        out_shape=jax.ShapeDtypeStruct((1, 100), _f32),
    )(*part_args, xpadb, wx, wa, w1, b1, w2, b2, w3, b3)


def kernel(x, edge_index, edge_attr,
           W1_0, b1_0, W1_1, b1_1, W1_2, b1_2, W1_3, b1_3,
           W2_0, b2_0, W2_1, b2_1, W2_2, b2_2, W2_3, b2_3):
    row2 = edge_index[0].astype(jnp.int32).reshape(E // DMA_B, DMA_B)
    col2 = edge_index[1].astype(jnp.int32).reshape(E // DMA_B, DMA_B)
    pad = DP - 50
    xpadf = jnp.pad(jnp.pad(x, ((0, 0), (0, 1)), constant_values=1.0),
                    ((0, 0), (0, pad - 1)))

    wx = jnp.pad(W1_0[:50], ((0, pad), (0, 0))).at[50].set(b1_0).astype(_bf16)
    we = W1_0[50:].astype(_bf16)
    w1 = W1_1.astype(_bf16)
    b1 = b1_1.reshape(1, -1).astype(_bf16)
    w2 = W1_2.astype(_bf16)
    b2 = b1_2.reshape(1, -1).astype(_bf16)
    w3 = jnp.pad(W1_3, ((0, 0), (0, pad))).astype(_bf16)
    b3 = jnp.pad(b1_3, (0, pad)).at[50].set(1.0).reshape(1, -1)

    zeros_nd = jnp.zeros((NPAD, 64), _f32)

    eat = edge_attr.T
    rps = HE // DMA_B
    msgs = []
    for k in range(NSLAB):
        xg_k = _sc_gather(xpadf, row2[k * rps:(k + 1) * rps])
        msgs.append(_tc_edge_mlp(xg_k, eat, wx, we, w1, b1, w2, b2, w3, b3, k))
    parts = [
        _sc_scatter(msgs[k], col2[k * rps:(k + 1) * rps],
                    zeros_nd).reshape(NC, NPAD, 64)
        for k in range(NSLAB)
    ]

    ux = jnp.pad(W2_0[:50], ((0, pad), (0, 0))).at[50].set(b2_0).astype(_bf16)
    ua = jnp.pad(W2_0[50:], ((0, 14), (0, 0))).astype(_bf16)
    u1 = W2_1.astype(_bf16)
    d1 = b2_1.reshape(1, -1)
    u2 = W2_2.astype(_bf16)
    d2 = b2_2.reshape(1, -1)
    u3 = W2_3.astype(_bf16)
    d3 = b2_3.reshape(1, -1)

    return _tc_node_mlp(parts, xpadf, ux, ua, u1, d1, u2, d2, u3, d3)

# --- scband reference (transcript-rebuilt; emitter-appended) ---
"""Pipeline reference for scband-edge-net-mlp-75900662055230 (READ-ONLY COPY).

The authoritative reference and input builder live on the scoring server;
editing this copy changes nothing except your own understanding.
"""

import jax, jax.numpy as jnp
import numpy as np

N = 10000
E = 320000
D_IN = 50
D_OUT = 100
DIMS1 = [(2 * D_IN, 1024), (1024, 512), (512, 128), (128, D_IN)]
DIMS2 = [(2 * D_IN, 1024), (1024, 512), (512, 256), (256, D_OUT)]


def setup_inputs(seed: int = 0):
    key = jax.random.key(seed)
    ks = jax.random.split(key, 24)
    inp = {}
    inp['x'] = jax.random.normal(ks[0], (N, D_IN), dtype=jnp.float32)
    inp['edge_index'] = jax.random.randint(ks[1], (2, E), 0, N, dtype=jnp.int64)
    inp['edge_attr'] = jax.random.normal(ks[2], (E, D_IN), dtype=jnp.float32)
    ki = 3
    for j, (a, b) in enumerate(DIMS1):
        inp[f'W1_{j}'] = jax.random.normal(ks[ki], (a, b), dtype=jnp.float32) * (1.0 / np.sqrt(a)); ki += 1
        inp[f'b1_{j}'] = jnp.zeros((b,), dtype=jnp.float32)
    for j, (a, b) in enumerate(DIMS2):
        inp[f'W2_{j}'] = jax.random.normal(ks[ki], (a, b), dtype=jnp.float32) * (1.0 / np.sqrt(a)); ki += 1
        inp[f'b2_{j}'] = jnp.zeros((b,), dtype=jnp.float32)
    return inp


def _mlp(h, Ws, bs):
    n = len(Ws)
    for i in range(n):
        h = h @ Ws[i] + bs[i]
        if i < n - 1:
            h = jax.nn.relu(h)
    return h


def reference(x, edge_index, edge_attr,
              W1_0, b1_0, W1_1, b1_1, W1_2, b1_2, W1_3, b1_3,
              W2_0, b2_0, W2_1, b2_1, W2_2, b2_2, W2_3, b2_3):
    row = edge_index[0]
    col = edge_index[1]
    out = jnp.concatenate([x[row], edge_attr], axis=1)
    out = _mlp(out, [W1_0, W1_1, W1_2, W1_3], [b1_0, b1_1, b1_2, b1_3])
    # dropout with p=0 is identity
    summed = jax.ops.segment_sum(out, col, num_segments=N)
    counts = jax.ops.segment_sum(jnp.ones((E,), dtype=jnp.float32), col, num_segments=N)
    agg = summed / jnp.maximum(counts, 1.0)[:, None]
    out = jnp.concatenate([x, agg], axis=1)
    out = _mlp(out, [W2_0, W2_1, W2_2, W2_3], [b2_0, b2_1, b2_2, b2_3])
    return jnp.mean(out, axis=0, keepdims=True)

if __name__ == "__main__":
    import jax
    _d = setup_inputs()
    print(jax.jit(kernel)(*tuple(_d.values())))

</pallas_src>

<mosaic_0001>
#map = affine_map<(d0, d1) -> (0, 0)>
module attributes {stable_mosaic.version = 14 : i64} {
  func.func @k(%arg0: i32, %arg1: i32, %arg2: memref<10000x128xf32, #tpu.memory_space<hbm>>, %arg3: memref<640x125xi32, #tpu.memory_space<hbm>>, %arg4: memref<80000x128xf32, #tpu.memory_space<hbm>>, %arg5: memref<4x125xi32, #tpu.memory_space<vmem>>, %arg6: memref<500x128xf32, #tpu.memory_space<vmem>>, %arg7: memref<!tpu.dma_semaphore, #tpu.memory_space<semaphore_mem>>) attributes {dimension_semantics = [#tpu.dimension_semantics<core_parallel>, #tpu.dimension_semantics<subcore_parallel>], iteration_bounds = array<i64: 2, 16>, scalar_prefetch = 0 : i64, scratch_operands = 3 : i64, tpu.core_type = #tpu.core_type<sc_vector_subcore>, window_params = [{transform_indices = #map}, {transform_indices = #map}, {transform_indices = #map}]} {
    %mul3A = arith.constant 2 : i32
    %mul3A_0 = arith.muli %arg1, %mul3A : i32
    %add3A = arith.addi %mul3A_0, %arg0 : i32
    %scan3A = arith.constant 0 : i32
    %scan3A_1 = arith.constant 0 : i32
    %scan3A_2 = arith.constant 5 : i32
    %scan3A_3 = arith.addi %scan3A_1, %scan3A_2 : i32
    %scan3A_4 = arith.constant 1 : i32
    scf.for %scan3A_6 = %scan3A_1 to %scan3A_3 step %scan3A_4  : i32 {
      %mul3A_7 = arith.constant 2500 : i32
      %mul3A_8 = arith.muli %add3A, %mul3A_7 : i32
      %mul3A_9 = arith.constant 500 : i32
      %mul3A_10 = arith.muli %scan3A_6, %mul3A_9 : i32
      %add3A_11 = arith.addi %mul3A_8, %mul3A_10 : i32
      %multiple_of3A = tpu.assume_multiple %add3A_11, 500 : i32
      %mul3A_12 = arith.constant 20 : i32
      %mul3A_13 = arith.muli %add3A, %mul3A_12 : i32
      %mul3A_14 = arith.constant 4 : i32
      %mul3A_15 = arith.muli %scan3A_6, %mul3A_14 : i32
      %add3A_16 = arith.addi %mul3A_13, %mul3A_15 : i32
      %multiple_of3A_17 = tpu.assume_multiple %add3A_16, 4 : i32
      "tpu.region"() ({
        %run_scoped3A = tpu.sem_alloc : memref<!tpu.dma_semaphore, #tpu.memory_space<semaphore_mem>>
        %dma_start3A_96 = arith.constant 0 : i32
        %dma_start3A_97 = tpu.memref_slice %arg3[%multiple_of3A_17, %dma_start3A_96] : memref<640x125xi32, #tpu.memory_space<hbm>> -> memref<4x125xi32, #tpu.memory_space<hbm>>
        %dma_start3A_98 = arith.constant 0 : i32
        %dma_start3A_99 = tpu.memref_slice %arg3[%multiple_of3A_17, %dma_start3A_98] : memref<640x125xi32, #tpu.memory_space<hbm>> -> memref<4x125xi32, #tpu.memory_space<hbm>>
        tpu.enqueue_dma source(%dma_start3A_99 : memref<4x125xi32, #tpu.memory_space<hbm>>) target(%arg5 : memref<4x125xi32, #tpu.memory_space<vmem>>) target_semaphore(%run_scoped3A : memref<!tpu.dma_semaphore, #tpu.memory_space<semaphore_mem>>)
        %dma_wait3A_100 = arith.constant 0 : i32
        %dma_wait3A_101 = tpu.memref_slice %arg3[%multiple_of3A_17, %dma_wait3A_100] : memref<640x125xi32, #tpu.memory_space<hbm>> -> memref<4x125xi32, #tpu.memory_space<hbm>>
        %dma_wait3A_102 = arith.constant 0 : i32
        %dma_wait3A_103 = tpu.memref_slice %arg3[%multiple_of3A_17, %dma_wait3A_102] : memref<640x125xi32, #tpu.memory_space<hbm>> -> memref<4x125xi32, #tpu.memory_space<hbm>>
        tpu.wait_dma2 semaphore(%run_scoped3A : memref<!tpu.dma_semaphore, #tpu.memory_space<semaphore_mem>>) src(%dma_wait3A_103 : memref<4x125xi32, #tpu.memory_space<hbm>>) dst(%arg5 : memref<4x125xi32, #tpu.memory_space<vmem>>)
        tpu.yield
      }) : () -> ()
      %dma_start3A = arith.constant 0 : i32
      %dma_start3A_18 = arith.constant 0 : i32
      %dma_start3A_19 = arith.constant 0 : i32
      %dma_start3A_20 = tpu.memref_slice %arg6[%dma_start3A_18, %dma_start3A_19] : memref<500x128xf32, #tpu.memory_space<vmem>> -> memref<125x128xf32, #tpu.memory_space<vmem>>
      %dma_start3A_21 = arith.constant 0 : i32
      %dma_start3A_22 = tpu.memref_slice %arg5[%dma_start3A, %dma_start3A_21] : memref<4x125xi32, #tpu.memory_space<vmem>> -> memref<1x125xi32, #tpu.memory_space<vmem>>
      %dma_start3A_23 = tpu.memref_squeeze %dma_start3A_22 : memref<1x125xi32, #tpu.memory_space<vmem>> -> memref<125xi32, #tpu.memory_space<vmem>>
      %dma_start3A_24 = arith.constant 0 : i32
      %dma_start3A_25 = arith.constant 0 : i32
      %dma_start3A_26 = tpu.memref_slice %arg2[%dma_start3A_24, %dma_start3A_25] : memref<10000x128xf32, #tpu.memory_space<hbm>> -> memref<10000x128xf32, #tpu.memory_space<hbm>>
      tpu.enqueue_indirect_dma source(%dma_start3A_26 : memref<10000x128xf32, #tpu.memory_space<hbm>>) target(%dma_start3A_20 : memref<125x128xf32, #tpu.memory_space<vmem>>) offsets(%dma_start3A_23 : memref<125xi32, #tpu.memory_space<vmem>>) semaphore(%arg7 : memref<!tpu.dma_semaphore, #tpu.memory_space<semaphore_mem>>)
      %dma_start3A_27 = arith.constant 1 : i32
      %dma_start3A_28 = arith.constant 125 : i32
      %dma_start3A_29 = arith.constant 0 : i32
      %dma_start3A_30 = tpu.memref_slice %arg6[%dma_start3A_28, %dma_start3A_29] : memref<500x128xf32, #tpu.memory_space<vmem>> -> memref<125x128xf32, #tpu.memory_space<vmem>>
      %dma_start3A_31 = arith.constant 0 : i32
      %dma_start3A_32 = tpu.memref_slice %arg5[%dma_start3A_27, %dma_start3A_31] : memref<4x125xi32, #tpu.memory_space<vmem>> -> memref<1x125xi32, #tpu.memory_space<vmem>>
      %dma_start3A_33 = tpu.memref_squeeze %dma_start3A_32 : memref<1x125xi32, #tpu.memory_space<vmem>> -> memref<125xi32, #tpu.memory_space<vmem>>
      %dma_start3A_34 = arith.constant 0 : i32
      %dma_start3A_35 = arith.constant 0 : i32
      %dma_start3A_36 = tpu.memref_slice %arg2[%dma_start3A_34, %dma_start3A_35] : memref<10000x128xf32, #tpu.memory_space<hbm>> -> memref<10000x128xf32, #tpu.memory_space<hbm>>
      tpu.enqueue_indirect_dma source(%dma_start3A_36 : memref<10000x128xf32, #tpu.memory_space<hbm>>) target(%dma_start3A_30 : memref<125x128xf32, #tpu.memory_space<vmem>>) offsets(%dma_start3A_33 : memref<125xi32, #tpu.memory_space<vmem>>) semaphore(%arg7 : memref<!tpu.dma_semaphore, #tpu.memory_space<semaphore_mem>>)
      %dma_start3A_37 = arith.constant 2 : i32
      %dma_start3A_38 = arith.constant 250 : i32
      %dma_start3A_39 = arith.constant 0 : i32
      %dma_start3A_40 = tpu.memref_slice %arg6[%dma_start3A_38, %dma_start3A_39] : memref<500x128xf32, #tpu.memory_space<vmem>> -> memref<125x128xf32, #tpu.memory_space<vmem>>
      %dma_start3A_41 = arith.constant 0 : i32
      %dma_start3A_42 = tpu.memref_slice %arg5[%dma_start3A_37, %dma_start3A_41] : memref<4x125xi32, #tpu.memory_space<vmem>> -> memref<1x125xi32, #tpu.memory_space<vmem>>
      %dma_start3A_43 = tpu.memref_squeeze %dma_start3A_42 : memref<1x125xi32, #tpu.memory_space<vmem>> -> memref<125xi32, #tpu.memory_space<vmem>>
      %dma_start3A_44 = arith.constant 0 : i32
      %dma_start3A_45 = arith.constant 0 : i32
      %dma_start3A_46 = tpu.memref_slice %arg2[%dma_start3A_44, %dma_start3A_45] : memref<10000x128xf32, #tpu.memory_space<hbm>> -> memref<10000x128xf32, #tpu.memory_space<hbm>>
      tpu.enqueue_indirect_dma source(%dma_start3A_46 : memref<10000x128xf32, #tpu.memory_space<hbm>>) target(%dma_start3A_40 : memref<125x128xf32, #tpu.memory_space<vmem>>) offsets(%dma_start3A_43 : memref<125xi32, #tpu.memory_space<vmem>>) semaphore(%arg7 : memref<!tpu.dma_semaphore, #tpu.memory_space<semaphore_mem>>)
      %dma_start3A_47 = arith.constant 3 : i32
      %dma_start3A_48 = arith.constant 375 : i32
      %dma_start3A_49 = arith.constant 0 : i32
      %dma_start3A_50 = tpu.memref_slice %arg6[%dma_start3A_48, %dma_start3A_49] : memref<500x128xf32, #tpu.memory_space<vmem>> -> memref<125x128xf32, #tpu.memory_space<vmem>>
      %dma_start3A_51 = arith.constant 0 : i32
      %dma_start3A_52 = tpu.memref_slice %arg5[%dma_start3A_47, %dma_start3A_51] : memref<4x125xi32, #tpu.memory_space<vmem>> -> memref<1x125xi32, #tpu.memory_space<vmem>>
      %dma_start3A_53 = tpu.memref_squeeze %dma_start3A_52 : memref<1x125xi32, #tpu.memory_space<vmem>> -> memref<125xi32, #tpu.memory_space<vmem>>
      %dma_start3A_54 = arith.constant 0 : i32
      %dma_start3A_55 = arith.constant 0 : i32
      %dma_start3A_56 = tpu.memref_slice %arg2[%dma_start3A_54, %dma_start3A_55] : memref<10000x128xf32, #tpu.memory_space<hbm>> -> memref<10000x128xf32, #tpu.memory_space<hbm>>
      tpu.enqueue_indirect_dma source(%dma_start3A_56 : memref<10000x128xf32, #tpu.memory_space<hbm>>) target(%dma_start3A_50 : memref<125x128xf32, #tpu.memory_space<vmem>>) offsets(%dma_start3A_53 : memref<125xi32, #tpu.memory_space<vmem>>) semaphore(%arg7 : memref<!tpu.dma_semaphore, #tpu.memory_space<semaphore_mem>>)
      %dma_wait3A = arith.constant 0 : i32
      %dma_wait3A_57 = arith.constant 0 : i32
      %dma_wait3A_58 = arith.constant 0 : i32
      %dma_wait3A_59 = tpu.memref_slice %arg6[%dma_wait3A_57, %dma_wait3A_58] : memref<500x128xf32, #tpu.memory_space<vmem>> -> memref<125x128xf32, #tpu.memory_space<vmem>>
      %dma_wait3A_60 = arith.constant 0 : i32
      %dma_wait3A_61 = tpu.memref_slice %arg5[%dma_wait3A, %dma_wait3A_60] : memref<4x125xi32, #tpu.memory_space<vmem>> -> memref<1x125xi32, #tpu.memory_space<vmem>>
      %dma_wait3A_62 = tpu.memref_squeeze %dma_wait3A_61 : memref<1x125xi32, #tpu.memory_space<vmem>> -> memref<125xi32, #tpu.memory_space<vmem>>
      %dma_wait3A_63 = arith.constant 0 : i32
      %dma_wait3A_64 = arith.constant 0 : i32
      %dma_wait3A_65 = tpu.memref_slice %arg2[%dma_wait3A_63, %dma_wait3A_64] : memref<10000x128xf32, #tpu.memory_space<hbm>> -> memref<10000x128xf32, #tpu.memory_space<hbm>>
      tpu.wait_indirect_dma semaphore(%arg7 : memref<!tpu.dma_semaphore, #tpu.memory_space<semaphore_mem>>) src(%dma_wait3A_65 : memref<10000x128xf32, #tpu.memory_space<hbm>>) dst(%dma_wait3A_59 : memref<125x128xf32, #tpu.memory_space<vmem>>)
      %dma_wait3A_66 = arith.constant 1 : i32
      %dma_wait3A_67 = arith.constant 125 : i32
      %dma_wait3A_68 = arith.constant 0 : i32
      %dma_wait3A_69 = tpu.memref_slice %arg6[%dma_wait3A_67, %dma_wait3A_68] : memref<500x128xf32, #tpu.memory_space<vmem>> -> memref<125x128xf32, #tpu.memory_space<vmem>>
      %dma_wait3A_70 = arith.constant 0 : i32
      %dma_wait3A_71 = tpu.memref_slice %arg5[%dma_wait3A_66, %dma_wait3A_70] : memref<4x125xi32, #tpu.memory_space<vmem>> -> memref<1x125xi32, #tpu.memory_space<vmem>>
      %dma_wait3A_72 = tpu.memref_squeeze %dma_wait3A_71 : memref<1x125xi32, #tpu.memory_space<vmem>> -> memref<125xi32, #tpu.memory_space<vmem>>
      %dma_wait3A_73 = arith.constant 0 : i32
      %dma_wait3A_74 = arith.constant 0 : i32
      %dma_wait3A_75 = tpu.memref_slice %arg2[%dma_wait3A_73, %dma_wait3A_74] : memref<10000x128xf32, #tpu.memory_space<hbm>> -> memref<10000x128xf32, #tpu.memory_space<hbm>>
      tpu.wait_indirect_dma semaphore(%arg7 : memref<!tpu.dma_semaphore, #tpu.memory_space<semaphore_mem>>) src(%dma_wait3A_75 : memref<10000x128xf32, #tpu.memory_space<hbm>>) dst(%dma_wait3A_69 : memref<125x128xf32, #tpu.memory_space<vmem>>)
      %dma_wait3A_76 = arith.constant 2 : i32
      %dma_wait3A_77 = arith.constant 250 : i32
      %dma_wait3A_78 = arith.constant 0 : i32
      %dma_wait3A_79 = tpu.memref_slice %arg6[%dma_wait3A_77, %dma_wait3A_78] : memref<500x128xf32, #tpu.memory_space<vmem>> -> memref<125x128xf32, #tpu.memory_space<vmem>>
      %dma_wait3A_80 = arith.constant 0 : i32
      %dma_wait3A_81 = tpu.memref_slice %arg5[%dma_wait3A_76, %dma_wait3A_80] : memref<4x125xi32, #tpu.memory_space<vmem>> -> memref<1x125xi32, #tpu.memory_space<vmem>>
      %dma_wait3A_82 = tpu.memref_squeeze %dma_wait3A_81 : memref<1x125xi32, #tpu.memory_space<vmem>> -> memref<125xi32, #tpu.memory_space<vmem>>
      %dma_wait3A_83 = arith.constant 0 : i32
      %dma_wait3A_84 = arith.constant 0 : i32
      %dma_wait3A_85 = tpu.memref_slice %arg2[%dma_wait3A_83, %dma_wait3A_84] : memref<10000x128xf32, #tpu.memory_space<hbm>> -> memref<10000x128xf32, #tpu.memory_space<hbm>>
      tpu.wait_indirect_dma semaphore(%arg7 : memref<!tpu.dma_semaphore, #tpu.memory_space<semaphore_mem>>) src(%dma_wait3A_85 : memref<10000x128xf32, #tpu.memory_space<hbm>>) dst(%dma_wait3A_79 : memref<125x128xf32, #tpu.memory_space<vmem>>)
      %dma_wait3A_86 = arith.constant 3 : i32
      %dma_wait3A_87 = arith.constant 375 : i32
      %dma_wait3A_88 = arith.constant 0 : i32
      %dma_wait3A_89 = tpu.memref_slice %arg6[%dma_wait3A_87, %dma_wait3A_88] : memref<500x128xf32, #tpu.memory_space<vmem>> -> memref<125x128xf32, #tpu.memory_space<vmem>>
      %dma_wait3A_90 = arith.constant 0 : i32
      %dma_wait3A_91 = tpu.memref_slice %arg5[%dma_wait3A_86, %dma_wait3A_90] : memref<4x125xi32, #tpu.memory_space<vmem>> -> memref<1x125xi32, #tpu.memory_space<vmem>>
      %dma_wait3A_92 = tpu.memref_squeeze %dma_wait3A_91 : memref<1x125xi32, #tpu.memory_space<vmem>> -> memref<125xi32, #tpu.memory_space<vmem>>
      %dma_wait3A_93 = arith.constant 0 : i32
      %dma_wait3A_94 = arith.constant 0 : i32
      %dma_wait3A_95 = tpu.memref_slice %arg2[%dma_wait3A_93, %dma_wait3A_94] : memref<10000x128xf32, #tpu.memory_space<hbm>> -> memref<10000x128xf32, #tpu.memory_space<hbm>>
      tpu.wait_indirect_dma semaphore(%arg7 : memref<!tpu.dma_semaphore, #tpu.memory_space<semaphore_mem>>) src(%dma_wait3A_95 : memref<10000x128xf32, #tpu.memory_space<hbm>>) dst(%dma_wait3A_89 : memref<125x128xf32, #tpu.memory_space<vmem>>)
      "tpu.region"() ({
        %run_scoped3A = tpu.sem_alloc : memref<!tpu.dma_semaphore, #tpu.memory_space<semaphore_mem>>
        %dma_start3A_96 = arith.constant 0 : i32
        %dma_start3A_97 = tpu.memref_slice %arg4[%multiple_of3A, %dma_start3A_96] : memref<80000x128xf32, #tpu.memory_space<hbm>> -> memref<500x128xf32, #tpu.memory_space<hbm>>
        %dma_start3A_98 = arith.constant 0 : i32
        %dma_start3A_99 = tpu.memref_slice %arg4[%multiple_of3A, %dma_start3A_98] : memref<80000x128xf32, #tpu.memory_space<hbm>> -> memref<500x128xf32, #tpu.memory_space<hbm>>
        tpu.enqueue_dma source(%arg6 : memref<500x128xf32, #tpu.memory_space<vmem>>) target(%dma_start3A_99 : memref<500x128xf32, #tpu.memory_space<hbm>>) target_semaphore(%run_scoped3A : memref<!tpu.dma_semaphore, #tpu.memory_space<semaphore_mem>>)
        %dma_wait3A_100 = arith.constant 0 : i32
        %dma_wait3A_101 = tpu.memref_slice %arg4[%multiple_of3A, %dma_wait3A_100] : memref<80000x128xf32, #tpu.memory_space<hbm>> -> memref<500x128xf32, #tpu.memory_space<hbm>>
        %dma_wait3A_102 = arith.constant 0 : i32
        %dma_wait3A_103 = tpu.memref_slice %arg4[%multiple_of3A, %dma_wait3A_102] : memref<80000x128xf32, #tpu.memory_space<hbm>> -> memref<500x128xf32, #tpu.memory_space<hbm>>
        tpu.wait_dma2 semaphore(%run_scoped3A : memref<!tpu.dma_semaphore, #tpu.memory_space<semaphore_mem>>) src(%arg6 : memref<500x128xf32, #tpu.memory_space<vmem>>) dst(%dma_wait3A_103 : memref<500x128xf32, #tpu.memory_space<hbm>>)
        tpu.yield
      }) : () -> ()
    }
    %scan3A_5 = arith.constant 5 : i32
    return
  }
}

#map = affine_map<(d0, d1) -> (0, 0)>
module attributes {stable_mosaic.version = 14 : i64} {
  func.func @k(%arg0: i32, %arg1: i32, %arg2: memref<10000x128xf32, #tpu.memory_space<hbm>>, %arg3: memref<640x125xi32, #tpu.memory_space<hbm>>, %arg4: memref<80000x128xf32, #tpu.memory_space<hbm>>, %arg5: memref<4x125xi32, #tpu.memory_space<vmem>>, %arg6: memref<500x128xf32, #tpu.memory_space<vmem>>, %arg7: memref<!tpu.dma_semaphore, #tpu.memory_space<semaphore_mem>>) attributes {dimension_semantics = [#tpu.dimension_semantics<core_parallel>, #tpu.dimension_semantics<subcore_parallel>], iteration_bounds = array<i64: 2, 16>, scalar_prefetch = 0 : i64, scratch_operands = 3 : i64, tpu.core_type = #tpu.core_type<sc_vector_subcore>, window_params = [{transform_indices = #map}, {transform_indices = #map}, {transform_indices = #map}]} {
    %mul3A = arith.constant 2 : i32
    %mul3A_0 = arith.muli %arg1, %mul3A : i32
    %add3A = arith.addi %mul3A_0, %arg0 : i32
    %scan3A = arith.constant 0 : i32
    %scan3A_1 = arith.constant 0 : i32
    %scan3A_2 = arith.constant 5 : i32
    %scan3A_3 = arith.addi %scan3A_1, %scan3A_2 : i32
    %scan3A_4 = arith.constant 1 : i32
    scf.for %scan3A_6 = %scan3A_1 to %scan3A_3 step %scan3A_4  : i32 {
      %mul3A_7 = arith.constant 2500 : i32
      %mul3A_8 = arith.muli %add3A, %mul3A_7 : i32
      %mul3A_9 = arith.constant 500 : i32
      %mul3A_10 = arith.muli %scan3A_6, %mul3A_9 : i32
      %add3A_11 = arith.addi %mul3A_8, %mul3A_10 : i32
      %multiple_of3A = tpu.assume_multiple %add3A_11, 500 : i32
      %mul3A_12 = arith.constant 20 : i32
      %mul3A_13 = arith.muli %add3A, %mul3A_12 : i32
      %mul3A_14 = arith.constant 4 : i32
      %mul3A_15 = arith.muli %scan3A_6, %mul3A_14 : i32
      %add3A_16 = arith.addi %mul3A_13, %mul3A_15 : i32
      %multiple_of3A_17 = tpu.assume_multiple %add3A_16, 4 : i32
      "tpu.region"() ({
        %run_scoped3A = tpu.sem_alloc : memref<!tpu.dma_semaphore, #tpu.memory_space<semaphore_mem>>
        %dma_start3A_96 = arith.constant 0 : i32
        %dma_start3A_97 = tpu.memref_slice %arg3[%multiple_of3A_17, %dma_start3A_96] : memref<640x125xi32, #tpu.memory_space<hbm>> -> memref<4x125xi32, #tpu.memory_space<hbm>>
        %dma_start3A_98 = arith.constant 0 : i32
        %dma_start3A_99 = tpu.memref_slice %arg3[%multiple_of3A_17, %dma_start3A_98] : memref<640x125xi32, #tpu.memory_space<hbm>> -> memref<4x125xi32, #tpu.memory_space<hbm>>
        tpu.enqueue_dma source(%dma_start3A_99 : memref<4x125xi32, #tpu.memory_space<hbm>>) target(%arg5 : memref<4x125xi32, #tpu.memory_space<vmem>>) target_semaphore(%run_scoped3A : memref<!tpu.dma_semaphore, #tpu.memory_space<semaphore_mem>>)
        %dma_wait3A_100 = arith.constant 0 : i32
        %dma_wait3A_101 = tpu.memref_slice %arg3[%multiple_of3A_17, %dma_wait3A_100] : memref<640x125xi32, #tpu.memory_space<hbm>> -> memref<4x125xi32, #tpu.memory_space<hbm>>
        %dma_wait3A_102 = arith.constant 0 : i32
        %dma_wait3A_103 = tpu.memref_slice %arg3[%multiple_of3A_17, %dma_wait3A_102] : memref<640x125xi32, #tpu.memory_space<hbm>> -> memref<4x125xi32, #tpu.memory_space<hbm>>
        tpu.wait_dma2 semaphore(%run_scoped3A : memref<!tpu.dma_semaphore, #tpu.memory_space<semaphore_mem>>) src(%dma_wait3A_103 : memref<4x125xi32, #tpu.memory_space<hbm>>) dst(%arg5 : memref<4x125xi32, #tpu.memory_space<vmem>>)
        tpu.yield
      }) : () -> ()
      %dma_start3A = arith.constant 0 : i32
      %dma_start3A_18 = arith.constant 0 : i32
      %dma_start3A_19 = arith.constant 0 : i32
      %dma_start3A_20 = tpu.memref_slice %arg6[%dma_start3A_18, %dma_start3A_19] : memref<500x128xf32, #tpu.memory_space<vmem>> -> memref<125x128xf32, #tpu.memory_space<vmem>>
      %dma_start3A_21 = arith.constant 0 : i32
      %dma_start3A_22 = tpu.memref_slice %arg5[%dma_start3A, %dma_start3A_21] : memref<4x125xi32, #tpu.memory_space<vmem>> -> memref<1x125xi32, #tpu.memory_space<vmem>>
      %dma_start3A_23 = tpu.memref_squeeze %dma_start3A_22 : memref<1x125xi32, #tpu.memory_space<vmem>> -> memref<125xi32, #tpu.memory_space<vmem>>
      %dma_start3A_24 = arith.constant 0 : i32
      %dma_start3A_25 = arith.constant 0 : i32
      %dma_start3A_26 = tpu.memref_slice %arg2[%dma_start3A_24, %dma_start3A_25] : memref<10000x128xf32, #tpu.memory_space<hbm>> -> memref<10000x128xf32, #tpu.memory_space<hbm>>
      tpu.enqueue_indirect_dma source(%dma_start3A_26 : memref<10000x128xf32, #tpu.memory_space<hbm>>) target(%dma_start3A_20 : memref<125x128xf32, #tpu.memory_space<vmem>>) offsets(%dma_start3A_23 : memref<125xi32, #tpu.memory_space<vmem>>) semaphore(%arg7 : memref<!tpu.dma_semaphore, #tpu.memory_space<semaphore_mem>>)
      %dma_start3A_27 = arith.constant 1 : i32
      %dma_start3A_28 = arith.constant 125 : i32
      %dma_start3A_29 = arith.constant 0 : i32
      %dma_start3A_30 = tpu.memref_slice %arg6[%dma_start3A_28, %dma_start3A_29] : memref<500x128xf32, #tpu.memory_space<vmem>> -> memref<125x128xf32, #tpu.memory_space<vmem>>
      %dma_start3A_31 = arith.constant 0 : i32
      %dma_start3A_32 = tpu.memref_slice %arg5[%dma_start3A_27, %dma_start3A_31] : memref<4x125xi32, #tpu.memory_space<vmem>> -> memref<1x125xi32, #tpu.memory_space<vmem>>
      %dma_start3A_33 = tpu.memref_squeeze %dma_start3A_32 : memref<1x125xi32, #tpu.memory_space<vmem>> -> memref<125xi32, #tpu.memory_space<vmem>>
      %dma_start3A_34 = arith.constant 0 : i32
      %dma_start3A_35 = arith.constant 0 : i32
      %dma_start3A_36 = tpu.memref_slice %arg2[%dma_start3A_34, %dma_start3A_35] : memref<10000x128xf32, #tpu.memory_space<hbm>> -> memref<10000x128xf32, #tpu.memory_space<hbm>>
      tpu.enqueue_indirect_dma source(%dma_start3A_36 : memref<10000x128xf32, #tpu.memory_space<hbm>>) target(%dma_start3A_30 : memref<125x128xf32, #tpu.memory_space<vmem>>) offsets(%dma_start3A_33 : memref<125xi32, #tpu.memory_space<vmem>>) semaphore(%arg7 : memref<!tpu.dma_semaphore, #tpu.memory_space<semaphore_mem>>)
      %dma_start3A_37 = arith.constant 2 : i32
      %dma_start3A_38 = arith.constant 250 : i32
      %dma_start3A_39 = arith.constant 0 : i32
      %dma_start3A_40 = tpu.memref_slice %arg6[%dma_start3A_38, %dma_start3A_39] : memref<500x128xf32, #tpu.memory_space<vmem>> -> memref<125x128xf32, #tpu.memory_space<vmem>>
      %dma_start3A_41 = arith.constant 0 : i32
      %dma_start3A_42 = tpu.memref_slice %arg5[%dma_start3A_37, %dma_start3A_41] : memref<4x125xi32, #tpu.memory_space<vmem>> -> memref<1x125xi32, #tpu.memory_space<vmem>>
      %dma_start3A_43 = tpu.memref_squeeze %dma_start3A_42 : memref<1x125xi32, #tpu.memory_space<vmem>> -> memref<125xi32, #tpu.memory_space<vmem>>
      %dma_start3A_44 = arith.constant 0 : i32
      %dma_start3A_45 = arith.constant 0 : i32
      %dma_start3A_46 = tpu.memref_slice %arg2[%dma_start3A_44, %dma_start3A_45] : memref<10000x128xf32, #tpu.memory_space<hbm>> -> memref<10000x128xf32, #tpu.memory_space<hbm>>
      tpu.enqueue_indirect_dma source(%dma_start3A_46 : memref<10000x128xf32, #tpu.memory_space<hbm>>) target(%dma_start3A_40 : memref<125x128xf32, #tpu.memory_space<vmem>>) offsets(%dma_start3A_43 : memref<125xi32, #tpu.memory_space<vmem>>) semaphore(%arg7 : memref<!tpu.dma_semaphore, #tpu.memory_space<semaphore_mem>>)
      %dma_start3A_47 = arith.constant 3 : i32
      %dma_start3A_48 = arith.constant 375 : i32
      %dma_start3A_49 = arith.constant 0 : i32
      %dma_start3A_50 = tpu.memref_slice %arg6[%dma_start3A_48, %dma_start3A_49] : memref<500x128xf32, #tpu.memory_space<vmem>> -> memref<125x128xf32, #tpu.memory_space<vmem>>
      %dma_start3A_51 = arith.constant 0 : i32
      %dma_start3A_52 = tpu.memref_slice %arg5[%dma_start3A_47, %dma_start3A_51] : memref<4x125xi32, #tpu.memory_space<vmem>> -> memref<1x125xi32, #tpu.memory_space<vmem>>
      %dma_start3A_53 = tpu.memref_squeeze %dma_start3A_52 : memref<1x125xi32, #tpu.memory_space<vmem>> -> memref<125xi32, #tpu.memory_space<vmem>>
      %dma_start3A_54 = arith.constant 0 : i32
      %dma_start3A_55 = arith.constant 0 : i32
      %dma_start3A_56 = tpu.memref_slice %arg2[%dma_start3A_54, %dma_start3A_55] : memref<10000x128xf32, #tpu.memory_space<hbm>> -> memref<10000x128xf32, #tpu.memory_space<hbm>>
      tpu.enqueue_indirect_dma source(%dma_start3A_56 : memref<10000x128xf32, #tpu.memory_space<hbm>>) target(%dma_start3A_50 : memref<125x128xf32, #tpu.memory_space<vmem>>) offsets(%dma_start3A_53 : memref<125xi32, #tpu.memory_space<vmem>>) semaphore(%arg7 : memref<!tpu.dma_semaphore, #tpu.memory_space<semaphore_mem>>)
      %dma_wait3A = arith.constant 0 : i32
      %dma_wait3A_57 = arith.constant 0 : i32
      %dma_wait3A_58 = arith.constant 0 : i32
      %dma_wait3A_59 = tpu.memref_slice %arg6[%dma_wait3A_57, %dma_wait3A_58] : memref<500x128xf32, #tpu.memory_space<vmem>> -> memref<125x128xf32, #tpu.memory_space<vmem>>
      %dma_wait3A_60 = arith.constant 0 : i32
      %dma_wait3A_61 = tpu.memref_slice %arg5[%dma_wait3A, %dma_wait3A_60] : memref<4x125xi32, #tpu.memory_space<vmem>> -> memref<1x125xi32, #tpu.memory_space<vmem>>
      %dma_wait3A_62 = tpu.memref_squeeze %dma_wait3A_61 : memref<1x125xi32, #tpu.memory_space<vmem>> -> memref<125xi32, #tpu.memory_space<vmem>>
      %dma_wait3A_63 = arith.constant 0 : i32
      %dma_wait3A_64 = arith.constant 0 : i32
      %dma_wait3A_65 = tpu.memref_slice %arg2[%dma_wait3A_63, %dma_wait3A_64] : memref<10000x128xf32, #tpu.memory_space<hbm>> -> memref<10000x128xf32, #tpu.memory_space<hbm>>
      tpu.wait_indirect_dma semaphore(%arg7 : memref<!tpu.dma_semaphore, #tpu.memory_space<semaphore_mem>>) src(%dma_wait3A_65 : memref<10000x128xf32, #tpu.memory_space<hbm>>) dst(%dma_wait3A_59 : memref<125x128xf32, #tpu.memory_space<vmem>>)
      %dma_wait3A_66 = arith.constant 1 : i32
      %dma_wait3A_67 = arith.constant 125 : i32
      %dma_wait3A_68 = arith.constant 0 : i32
      %dma_wait3A_69 = tpu.memref_slice %arg6[%dma_wait3A_67, %dma_wait3A_68] : memref<500x128xf32, #tpu.memory_space<vmem>> -> memref<125x128xf32, #tpu.memory_space<vmem>>
      %dma_wait3A_70 = arith.constant 0 : i32
      %dma_wait3A_71 = tpu.memref_slice %arg5[%dma_wait3A_66, %dma_wait3A_70] : memref<4x125xi32, #tpu.memory_space<vmem>> -> memref<1x125xi32, #tpu.memory_space<vmem>>
      %dma_wait3A_72 = tpu.memref_squeeze %dma_wait3A_71 : memref<1x125xi32, #tpu.memory_space<vmem>> -> memref<125xi32, #tpu.memory_space<vmem>>
      %dma_wait3A_73 = arith.constant 0 : i32
      %dma_wait3A_74 = arith.constant 0 : i32
      %dma_wait3A_75 = tpu.memref_slice %arg2[%dma_wait3A_73, %dma_wait3A_74] : memref<10000x128xf32, #tpu.memory_space<hbm>> -> memref<10000x128xf32, #tpu.memory_space<hbm>>
      tpu.wait_indirect_dma semaphore(%arg7 : memref<!tpu.dma_semaphore, #tpu.memory_space<semaphore_mem>>) src(%dma_wait3A_75 : memref<10000x128xf32, #tpu.memory_space<hbm>>) dst(%dma_wait3A_69 : memref<125x128xf32, #tpu.memory_space<vmem>>)
      %dma_wait3A_76 = arith.constant 2 : i32
      %dma_wait3A_77 = arith.constant 250 : i32
      %dma_wait3A_78 = arith.constant 0 : i32
      %dma_wait3A_79 = tpu.memref_slice %arg6[%dma_wait3A_77, %dma_wait3A_78] : memref<500x128xf32, #tpu.memory_space<vmem>> -> memref<125x128xf32, #tpu.memory_space<vmem>>
      %dma_wait3A_80 = arith.constant 0 : i32
      %dma_wait3A_81 = tpu.memref_slice %arg5[%dma_wait3A_76, %dma_wait3A_80] : memref<4x125xi32, #tpu.memory_space<vmem>> -> memref<1x125xi32, #tpu.memory_space<vmem>>
      %dma_wait3A_82 = tpu.memref_squeeze %dma_wait3A_81 : memref<1x125xi32, #tpu.memory_space<vmem>> -> memref<125xi32, #tpu.memory_space<vmem>>
      %dma_wait3A_83 = arith.constant 0 : i32
      %dma_wait3A_84 = arith.constant 0 : i32
      %dma_wait3A_85 = tpu.memref_slice %arg2[%dma_wait3A_83, %dma_wait3A_84] : memref<10000x128xf32, #tpu.memory_space<hbm>> -> memref<10000x128xf32, #tpu.memory_space<hbm>>
      tpu.wait_indirect_dma semaphore(%arg7 : memref<!tpu.dma_semaphore, #tpu.memory_space<semaphore_mem>>) src(%dma_wait3A_85 : memref<10000x128xf32, #tpu.memory_space<hbm>>) dst(%dma_wait3A_79 : memref<125x128xf32, #tpu.memory_space<vmem>>)
      %dma_wait3A_86 = arith.constant 3 : i32
      %dma_wait3A_87 = arith.constant 375 : i32
      %dma_wait3A_88 = arith.constant 0 : i32
      %dma_wait3A_89 = tpu.memref_slice %arg6[%dma_wait3A_87, %dma_wait3A_88] : memref<500x128xf32, #tpu.memory_space<vmem>> -> memref<125x128xf32, #tpu.memory_space<vmem>>
      %dma_wait3A_90 = arith.constant 0 : i32
      %dma_wait3A_91 = tpu.memref_slice %arg5[%dma_wait3A_86, %dma_wait3A_90] : memref<4x125xi32, #tpu.memory_space<vmem>> -> memref<1x125xi32, #tpu.memory_space<vmem>>
      %dma_wait3A_92 = tpu.memref_squeeze %dma_wait3A_91 : memref<1x125xi32, #tpu.memory_space<vmem>> -> memref<125xi32, #tpu.memory_space<vmem>>
      %dma_wait3A_93 = arith.constant 0 : i32
      %dma_wait3A_94 = arith.constant 0 : i32
      %dma_wait3A_95 = tpu.memref_slice %arg2[%dma_wait3A_93, %dma_wait3A_94] : memref<10000x128xf32, #tpu.memory_space<hbm>> -> memref<10000x128xf32, #tpu.memory_space<hbm>>
      tpu.wait_indirect_dma semaphore(%arg7 : memref<!tpu.dma_semaphore, #tpu.memory_space<semaphore_mem>>) src(%dma_wait3A_95 : memref<10000x128xf32, #tpu.memory_space<hbm>>) dst(%dma_wait3A_89 : memref<125x128xf32, #tpu.memory_space<vmem>>)
      "tpu.region"() ({
        %run_scoped3A = tpu.sem_alloc : memref<!tpu.dma_semaphore, #tpu.memory_space<semaphore_mem>>
        %dma_start3A_96 = arith.constant 0 : i32
        %dma_start3A_97 = tpu.memref_slice %arg4[%multiple_of3A, %dma_start3A_96] : memref<80000x128xf32, #tpu.memory_space<hbm>> -> memref<500x128xf32, #tpu.memory_space<hbm>>
        %dma_start3A_98 = arith.constant 0 : i32
        %dma_start3A_99 = tpu.memref_slice %arg4[%multiple_of3A, %dma_start3A_98] : memref<80000x128xf32, #tpu.memory_space<hbm>> -> memref<500x128xf32, #tpu.memory_space<hbm>>
        tpu.enqueue_dma source(%arg6 : memref<500x128xf32, #tpu.memory_space<vmem>>) target(%dma_start3A_99 : memref<500x128xf32, #tpu.memory_space<hbm>>) target_semaphore(%run_scoped3A : memref<!tpu.dma_semaphore, #tpu.memory_space<semaphore_mem>>)
        %dma_wait3A_100 = arith.constant 0 : i32
        %dma_wait3A_101 = tpu.memref_slice %arg4[%multiple_of3A, %dma_wait3A_100] : memref<80000x128xf32, #tpu.memory_space<hbm>> -> memref<500x128xf32, #tpu.memory_space<hbm>>
        %dma_wait3A_102 = arith.constant 0 : i32
        %dma_wait3A_103 = tpu.memref_slice %arg4[%multiple_of3A, %dma_wait3A_102] : memref<80000x128xf32, #tpu.memory_space<hbm>> -> memref<500x128xf32, #tpu.memory_space<hbm>>
        tpu.wait_dma2 semaphore(%run_scoped3A : memref<!tpu.dma_semaphore, #tpu.memory_space<semaphore_mem>>) src(%arg6 : memref<500x128xf32, #tpu.memory_space<vmem>>) dst(%dma_wait3A_103 : memref<500x128xf32, #tpu.memory_space<hbm>>)
        tpu.yield
      }) : () -> ()
    }
    %scan3A_5 = arith.constant 5 : i32
    return
  }
}

#map = affine_map<(d0, d1) -> (0, 0)>
module attributes {stable_mosaic.version = 14 : i64} {
  func.func @k(%arg0: i32, %arg1: i32, %arg2: memref<10000x128xf32, #tpu.memory_space<hbm>>, %arg3: memref<640x125xi32, #tpu.memory_space<hbm>>, %arg4: memref<80000x128xf32, #tpu.memory_space<hbm>>, %arg5: memref<4x125xi32, #tpu.memory_space<vmem>>, %arg6: memref<500x128xf32, #tpu.memory_space<vmem>>, %arg7: memref<!tpu.dma_semaphore, #tpu.memory_space<semaphore_mem>>) attributes {dimension_semantics = [#tpu.dimension_semantics<core_parallel>, #tpu.dimension_semantics<subcore_parallel>], iteration_bounds = array<i64: 2, 16>, scalar_prefetch = 0 : i64, scratch_operands = 3 : i64, tpu.core_type = #tpu.core_type<sc_vector_subcore>, window_params = [{transform_indices = #map}, {transform_indices = #map}, {transform_indices = #map}]} {
    %mul3A = arith.constant 2 : i32
    %mul3A_0 = arith.muli %arg1, %mul3A : i32
    %add3A = arith.addi %mul3A_0, %arg0 : i32
    %scan3A = arith.constant 0 : i32
    %scan3A_1 = arith.constant 0 : i32
    %scan3A_2 = arith.constant 5 : i32
    %scan3A_3 = arith.addi %scan3A_1, %scan3A_2 : i32
    %scan3A_4 = arith.constant 1 : i32
    scf.for %scan3A_6 = %scan3A_1 to %scan3A_3 step %scan3A_4  : i32 {
      %mul3A_7 = arith.constant 2500 : i32
      %mul3A_8 = arith.muli %add3A, %mul3A_7 : i32
      %mul3A_9 = arith.constant 500 : i32
      %mul3A_10 = arith.muli %scan3A_6, %mul3A_9 : i32
      %add3A_11 = arith.addi %mul3A_8, %mul3A_10 : i32
      %multiple_of3A = tpu.assume_multiple %add3A_11, 500 : i32
      %mul3A_12 = arith.constant 20 : i32
      %mul3A_13 = arith.muli %add3A, %mul3A_12 : i32
      %mul3A_14 = arith.constant 4 : i32
      %mul3A_15 = arith.muli %scan3A_6, %mul3A_14 : i32
      %add3A_16 = arith.addi %mul3A_13, %mul3A_15 : i32
      %multiple_of3A_17 = tpu.assume_multiple %add3A_16, 4 : i32
      "tpu.region"() ({
        %run_scoped3A = tpu.sem_alloc : memref<!tpu.dma_semaphore, #tpu.memory_space<semaphore_mem>>
        %dma_start3A_96 = arith.constant 0 : i32
        %dma_start3A_97 = tpu.memref_slice %arg3[%multiple_of3A_17, %dma_start3A_96] : memref<640x125xi32, #tpu.memory_space<hbm>> -> memref<4x125xi32, #tpu.memory_space<hbm>>
        %dma_start3A_98 = arith.constant 0 : i32
        %dma_start3A_99 = tpu.memref_slice %arg3[%multiple_of3A_17, %dma_start3A_98] : memref<640x125xi32, #tpu.memory_space<hbm>> -> memref<4x125xi32, #tpu.memory_space<hbm>>
        tpu.enqueue_dma source(%dma_start3A_99 : memref<4x125xi32, #tpu.memory_space<hbm>>) target(%arg5 : memref<4x125xi32, #tpu.memory_space<vmem>>) target_semaphore(%run_scoped3A : memref<!tpu.dma_semaphore, #tpu.memory_space<semaphore_mem>>)
        %dma_wait3A_100 = arith.constant 0 : i32
        %dma_wait3A_101 = tpu.memref_slice %arg3[%multiple_of3A_17, %dma_wait3A_100] : memref<640x125xi32, #tpu.memory_space<hbm>> -> memref<4x125xi32, #tpu.memory_space<hbm>>
        %dma_wait3A_102 = arith.constant 0 : i32
        %dma_wait3A_103 = tpu.memref_slice %arg3[%multiple_of3A_17, %dma_wait3A_102] : memref<640x125xi32, #tpu.memory_space<hbm>> -> memref<4x125xi32, #tpu.memory_space<hbm>>
        tpu.wait_dma2 semaphore(%run_scoped3A : memref<!tpu.dma_semaphore, #tpu.memory_space<semaphore_mem>>) src(%dma_wait3A_103 : memref<4x125xi32, #tpu.memory_space<hbm>>) dst(%arg5 : memref<4x125xi32, #tpu.memory_space<vmem>>)
        tpu.yield
      }) : () -> ()
      %dma_start3A = arith.constant 0 : i32
      %dma_start3A_18 = arith.constant 0 : i32
      %dma_start3A_19 = arith.constant 0 : i32
      %dma_start3A_20 = tpu.memref_slice %arg6[%dma_start3A_18, %dma_start3A_19] : memref<500x128xf32, #tpu.memory_space<vmem>> -> memref<125x128xf32, #tpu.memory_space<vmem>>
      %dma_start3A_21 = arith.constant 0 : i32
      %dma_start3A_22 = tpu.memref_slice %arg5[%dma_start3A, %dma_start3A_21] : memref<4x125xi32, #tpu.memory_space<vmem>> -> memref<1x125xi32, #tpu.memory_space<vmem>>
      %dma_start3A_23 = tpu.memref_squeeze %dma_start3A_22 : memref<1x125xi32, #tpu.memory_space<vmem>> -> memref<125xi32, #tpu.memory_space<vmem>>
      %dma_start3A_24 = arith.constant 0 : i32
      %dma_start3A_25 = arith.constant 0 : i32
      %dma_start3A_26 = tpu.memref_slice %arg2[%dma_start3A_24, %dma_start3A_25] : memref<10000x128xf32, #tpu.memory_space<hbm>> -> memref<10000x128xf32, #tpu.memory_space<hbm>>
      tpu.enqueue_indirect_dma source(%dma_start3A_26 : memref<10000x128xf32, #tpu.memory_space<hbm>>) target(%dma_start3A_20 : memref<125x128xf32, #tpu.memory_space<vmem>>) offsets(%dma_start3A_23 : memref<125xi32, #tpu.memory_space<vmem>>) semaphore(%arg7 : memref<!tpu.dma_semaphore, #tpu.memory_space<semaphore_mem>>)
      %dma_start3A_27 = arith.constant 1 : i32
      %dma_start3A_28 = arith.constant 125 : i32
      %dma_start3A_29 = arith.constant 0 : i32
      %dma_start3A_30 = tpu.memref_slice %arg6[%dma_start3A_28, %dma_start3A_29] : memref<500x128xf32, #tpu.memory_space<vmem>> -> memref<125x128xf32, #tpu.memory_space<vmem>>
      %dma_start3A_31 = arith.constant 0 : i32
      %dma_start3A_32 = tpu.memref_slice %arg5[%dma_start3A_27, %dma_start3A_31] : memref<4x125xi32, #tpu.memory_space<vmem>> -> memref<1x125xi32, #tpu.memory_space<vmem>>
      %dma_start3A_33 = tpu.memref_squeeze %dma_start3A_32 : memref<1x125xi32, #tpu.memory_space<vmem>> -> memref<125xi32, #tpu.memory_space<vmem>>
      %dma_start3A_34 = arith.constant 0 : i32
      %dma_start3A_35 = arith.constant 0 : i32
      %dma_start3A_36 = tpu.memref_slice %arg2[%dma_start3A_34, %dma_start3A_35] : memref<10000x128xf32, #tpu.memory_space<hbm>> -> memref<10000x128xf32, #tpu.memory_space<hbm>>
      tpu.enqueue_indirect_dma source(%dma_start3A_36 : memref<10000x128xf32, #tpu.memory_space<hbm>>) target(%dma_start3A_30 : memref<125x128xf32, #tpu.memory_space<vmem>>) offsets(%dma_start3A_33 : memref<125xi32, #tpu.memory_space<vmem>>) semaphore(%arg7 : memref<!tpu.dma_semaphore, #tpu.memory_space<semaphore_mem>>)
      %dma_start3A_37 = arith.constant 2 : i32
      %dma_start3A_38 = arith.constant 250 : i32
      %dma_start3A_39 = arith.constant 0 : i32
      %dma_start3A_40 = tpu.memref_slice %arg6[%dma_start3A_38, %dma_start3A_39] : memref<500x128xf32, #tpu.memory_space<vmem>> -> memref<125x128xf32, #tpu.memory_space<vmem>>
      %dma_start3A_41 = arith.constant 0 : i32
      %dma_start3A_42 = tpu.memref_slice %arg5[%dma_start3A_37, %dma_start3A_41] : memref<4x125xi32, #tpu.memory_space<vmem>> -> memref<1x125xi32, #tpu.memory_space<vmem>>
      %dma_start3A_43 = tpu.memref_squeeze %dma_start3A_42 : memref<1x125xi32, #tpu.memory_space<vmem>> -> memref<125xi32, #tpu.memory_space<vmem>>
      %dma_start3A_44 = arith.constant 0 : i32
      %dma_start3A_45 = arith.constant 0 : i32
      %dma_start3A_46 = tpu.memref_slice %arg2[%dma_start3A_44, %dma_start3A_45] : memref<10000x128xf32, #tpu.memory_space<hbm>> -> memref<10000x128xf32, #tpu.memory_space<hbm>>
      tpu.enqueue_indirect_dma source(%dma_start3A_46 : memref<10000x128xf32, #tpu.memory_space<hbm>>) target(%dma_start3A_40 : memref<125x128xf32, #tpu.memory_space<vmem>>) offsets(%dma_start3A_43 : memref<125xi32, #tpu.memory_space<vmem>>) semaphore(%arg7 : memref<!tpu.dma_semaphore, #tpu.memory_space<semaphore_mem>>)
      %dma_start3A_47 = arith.constant 3 : i32
      %dma_start3A_48 = arith.constant 375 : i32
      %dma_start3A_49 = arith.constant 0 : i32
      %dma_start3A_50 = tpu.memref_slice %arg6[%dma_start3A_48, %dma_start3A_49] : memref<500x128xf32, #tpu.memory_space<vmem>> -> memref<125x128xf32, #tpu.memory_space<vmem>>
      %dma_start3A_51 = arith.constant 0 : i32
      %dma_start3A_52 = tpu.memref_slice %arg5[%dma_start3A_47, %dma_start3A_51] : memref<4x125xi32, #tpu.memory_space<vmem>> -> memref<1x125xi32, #tpu.memory_space<vmem>>
      %dma_start3A_53 = tpu.memref_squeeze %dma_start3A_52 : memref<1x125xi32, #tpu.memory_space<vmem>> -> memref<125xi32, #tpu.memory_space<vmem>>
      %dma_start3A_54 = arith.constant 0 : i32
      %dma_start3A_55 = arith.constant 0 : i32
      %dma_start3A_56 = tpu.memref_slice %arg2[%dma_start3A_54, %dma_start3A_55] : memref<10000x128xf32, #tpu.memory_space<hbm>> -> memref<10000x128xf32, #tpu.memory_space<hbm>>
      tpu.enqueue_indirect_dma source(%dma_start3A_56 : memref<10000x128xf32, #tpu.memory_space<hbm>>) target(%dma_start3A_50 : memref<125x128xf32, #tpu.memory_space<vmem>>) offsets(%dma_start3A_53 : memref<125xi32, #tpu.memory_space<vmem>>) semaphore(%arg7 : memref<!tpu.dma_semaphore, #tpu.memory_space<semaphore_mem>>)
      %dma_wait3A = arith.constant 0 : i32
      %dma_wait3A_57 = arith.constant 0 : i32
      %dma_wait3A_58 = arith.constant 0 : i32
      %dma_wait3A_59 = tpu.memref_slice %arg6[%dma_wait3A_57, %dma_wait3A_58] : memref<500x128xf32, #tpu.memory_space<vmem>> -> memref<125x128xf32, #tpu.memory_space<vmem>>
      %dma_wait3A_60 = arith.constant 0 : i32
      %dma_wait3A_61 = tpu.memref_slice %arg5[%dma_wait3A, %dma_wait3A_60] : memref<4x125xi32, #tpu.memory_space<vmem>> -> memref<1x125xi32, #tpu.memory_space<vmem>>
      %dma_wait3A_62 = tpu.memref_squeeze %dma_wait3A_61 : memref<1x125xi32, #tpu.memory_space<vmem>> -> memref<125xi32, #tpu.memory_space<vmem>>
      %dma_wait3A_63 = arith.constant 0 : i32
      %dma_wait3A_64 = arith.constant 0 : i32
      %dma_wait3A_65 = tpu.memref_slice %arg2[%dma_wait3A_63, %dma_wait3A_64] : memref<10000x128xf32, #tpu.memory_space<hbm>> -> memref<10000x128xf32, #tpu.memory_space<hbm>>
      tpu.wait_indirect_dma semaphore(%arg7 : memref<!tpu.dma_semaphore, #tpu.memory_space<semaphore_mem>>) src(%dma_wait3A_65 : memref<10000x128xf32, #tpu.memory_space<hbm>>) dst(%dma_wait3A_59 : memref<125x128xf32, #tpu.memory_space<vmem>>)
      %dma_wait3A_66 = arith.constant 1 : i32
      %dma_wait3A_67 = arith.constant 125 : i32
      %dma_wait3A_68 = arith.constant 0 : i32
      %dma_wait3A_69 = tpu.memref_slice %arg6[%dma_wait3A_67, %dma_wait3A_68] : memref<500x128xf32, #tpu.memory_space<vmem>> -> memref<125x128xf32, #tpu.memory_space<vmem>>
      %dma_wait3A_70 = arith.constant 0 : i32
      %dma_wait3A_71 = tpu.memref_slice %arg5[%dma_wait3A_66, %dma_wait3A_70] : memref<4x125xi32, #tpu.memory_space<vmem>> -> memref<1x125xi32, #tpu.memory_space<vmem>>
      %dma_wait3A_72 = tpu.memref_squeeze %dma_wait3A_71 : memref<1x125xi32, #tpu.memory_space<vmem>> -> memref<125xi32, #tpu.memory_space<vmem>>
      %dma_wait3A_73 = arith.constant 0 : i32
      %dma_wait3A_74 = arith.constant 0 : i32
      %dma_wait3A_75 = tpu.memref_slice %arg2[%dma_wait3A_73, %dma_wait3A_74] : memref<10000x128xf32, #tpu.memory_space<hbm>> -> memref<10000x128xf32, #tpu.memory_space<hbm>>
      tpu.wait_indirect_dma semaphore(%arg7 : memref<!tpu.dma_semaphore, #tpu.memory_space<semaphore_mem>>) src(%dma_wait3A_75 : memref<10000x128xf32, #tpu.memory_space<hbm>>) dst(%dma_wait3A_69 : memref<125x128xf32, #tpu.memory_space<vmem>>)
      %dma_wait3A_76 = arith.constant 2 : i32
      %dma_wait3A_77 = arith.constant 250 : i32
      %dma_wait3A_78 = arith.constant 0 : i32
      %dma_wait3A_79 = tpu.memref_slice %arg6[%dma_wait3A_77, %dma_wait3A_78] : memref<500x128xf32, #tpu.memory_space<vmem>> -> memref<125x128xf32, #tpu.memory_space<vmem>>
      %dma_wait3A_80 = arith.constant 0 : i32
      %dma_wait3A_81 = tpu.memref_slice %arg5[%dma_wait3A_76, %dma_wait3A_80] : memref<4x125xi32, #tpu.memory_space<vmem>> -> memref<1x125xi32, #tpu.memory_space<vmem>>
      %dma_wait3A_82 = tpu.memref_squeeze %dma_wait3A_81 : memref<1x125xi32, #tpu.memory_space<vmem>> -> memref<125xi32, #tpu.memory_space<vmem>>
      %dma_wait3A_83 = arith.constant 0 : i32
      %dma_wait3A_84 = arith.constant 0 : i32
      %dma_wait3A_85 = tpu.memref_slice %arg2[%dma_wait3A_83, %dma_wait3A_84] : memref<10000x128xf32, #tpu.memory_space<hbm>> -> memref<10000x128xf32, #tpu.memory_space<hbm>>
      tpu.wait_indirect_dma semaphore(%arg7 : memref<!tpu.dma_semaphore, #tpu.memory_space<semaphore_mem>>) src(%dma_wait3A_85 : memref<10000x128xf32, #tpu.memory_space<hbm>>) dst(%dma_wait3A_79 : memref<125x128xf32, #tpu.memory_space<vmem>>)
      %dma_wait3A_86 = arith.constant 3 : i32
      %dma_wait3A_87 = arith.constant 375 : i32
      %dma_wait3A_88 = arith.constant 0 : i32
      %dma_wait3A_89 = tpu.memref_slice %arg6[%dma_wait3A_87, %dma_wait3A_88] : memref<500x128xf32, #tpu.memory_space<vmem>> -> memref<125x128xf32, #tpu.memory_space<vmem>>
      %dma_wait3A_90 = arith.constant 0 : i32
      %dma_wait3A_91 = tpu.memref_slice %arg5[%dma_wait3A_86, %dma_wait3A_90] : memref<4x125xi32, #tpu.memory_space<vmem>> -> memref<1x125xi32, #tpu.memory_space<vmem>>
      %dma_wait3A_92 = tpu.memref_squeeze %dma_wait3A_91 : memref<1x125xi32, #tpu.memory_space<vmem>> -> memref<125xi32, #tpu.memory_space<vmem>>
      %dma_wait3A_93 = arith.constant 0 : i32
      %dma_wait3A_94 = arith.constant 0 : i32
      %dma_wait3A_95 = tpu.memref_slice %arg2[%dma_wait3A_93, %dma_wait3A_94] : memref<10000x128xf32, #tpu.memory_space<hbm>> -> memref<10000x128xf32, #tpu.memory_space<hbm>>
      tpu.wait_indirect_dma semaphore(%arg7 : memref<!tpu.dma_semaphore, #tpu.memory_space<semaphore_mem>>) src(%dma_wait3A_95 : memref<10000x128xf32, #tpu.memory_space<hbm>>) dst(%dma_wait3A_89 : memref<125x128xf32, #tpu.memory_space<vmem>>)
      "tpu.region"() ({
        %run_scoped3A = tpu.sem_alloc : memref<!tpu.dma_semaphore, #tpu.memory_space<semaphore_mem>>
        %dma_start3A_96 = arith.constant 0 : i32
        %dma_start3A_97 = tpu.memref_slice %arg4[%multiple_of3A, %dma_start3A_96] : memref<80000x128xf32, #tpu.memory_space<hbm>> -> memref<500x128xf32, #tpu.memory_space<hbm>>
        %dma_start3A_98 = arith.constant 0 : i32
        %dma_start3A_99 = tpu.memref_slice %arg4[%multiple_of3A, %dma_start3A_98] : memref<80000x128xf32, #tpu.memory_space<hbm>> -> memref<500x128xf32, #tpu.memory_space<hbm>>
        tpu.enqueue_dma source(%arg6 : memref<500x128xf32, #tpu.memory_space<vmem>>) target(%dma_start3A_99 : memref<500x128xf32, #tpu.memory_space<hbm>>) target_semaphore(%run_scoped3A : memref<!tpu.dma_semaphore, #tpu.memory_space<semaphore_mem>>)
        %dma_wait3A_100 = arith.constant 0 : i32
        %dma_wait3A_101 = tpu.memref_slice %arg4[%multiple_of3A, %dma_wait3A_100] : memref<80000x128xf32, #tpu.memory_space<hbm>> -> memref<500x128xf32, #tpu.memory_space<hbm>>
        %dma_wait3A_102 = arith.constant 0 : i32
        %dma_wait3A_103 = tpu.memref_slice %arg4[%multiple_of3A, %dma_wait3A_102] : memref<80000x128xf32, #tpu.memory_space<hbm>> -> memref<500x128xf32, #tpu.memory_space<hbm>>
        tpu.wait_dma2 semaphore(%run_scoped3A : memref<!tpu.dma_semaphore, #tpu.memory_space<semaphore_mem>>) src(%arg6 : memref<500x128xf32, #tpu.memory_space<vmem>>) dst(%dma_wait3A_103 : memref<500x128xf32, #tpu.memory_space<hbm>>)
        tpu.yield
      }) : () -> ()
    }
    %scan3A_5 = arith.constant 5 : i32
    return
  }
}

#map = affine_map<(d0, d1) -> (0, 0)>
module attributes {stable_mosaic.version = 14 : i64} {
  func.func @k(%arg0: i32, %arg1: i32, %arg2: memref<10000x128xf32, #tpu.memory_space<hbm>>, %arg3: memref<640x125xi32, #tpu.memory_space<hbm>>, %arg4: memref<80000x128xf32, #tpu.memory_space<hbm>>, %arg5: memref<4x125xi32, #tpu.memory_space<vmem>>, %arg6: memref<500x128xf32, #tpu.memory_space<vmem>>, %arg7: memref<!tpu.dma_semaphore, #tpu.memory_space<semaphore_mem>>) attributes {dimension_semantics = [#tpu.dimension_semantics<core_parallel>, #tpu.dimension_semantics<subcore_parallel>], iteration_bounds = array<i64: 2, 16>, scalar_prefetch = 0 : i64, scratch_operands = 3 : i64, tpu.core_type = #tpu.core_type<sc_vector_subcore>, window_params = [{transform_indices = #map}, {transform_indices = #map}, {transform_indices = #map}]} {
    %mul3A = arith.constant 2 : i32
    %mul3A_0 = arith.muli %arg1, %mul3A : i32
    %add3A = arith.addi %mul3A_0, %arg0 : i32
    %scan3A = arith.constant 0 : i32
    %scan3A_1 = arith.constant 0 : i32
    %scan3A_2 = arith.constant 5 : i32
    %scan3A_3 = arith.addi %scan3A_1, %scan3A_2 : i32
    %scan3A_4 = arith.constant 1 : i32
    scf.for %scan3A_6 = %scan3A_1 to %scan3A_3 step %scan3A_4  : i32 {
      %mul3A_7 = arith.constant 2500 : i32
      %mul3A_8 = arith.muli %add3A, %mul3A_7 : i32
      %mul3A_9 = arith.constant 500 : i32
      %mul3A_10 = arith.muli %scan3A_6, %mul3A_9 : i32
      %add3A_11 = arith.addi %mul3A_8, %mul3A_10 : i32
      %multiple_of3A = tpu.assume_multiple %add3A_11, 500 : i32
      %mul3A_12 = arith.constant 20 : i32
      %mul3A_13 = arith.muli %add3A, %mul3A_12 : i32
      %mul3A_14 = arith.constant 4 : i32
      %mul3A_15 = arith.muli %scan3A_6, %mul3A_14 : i32
      %add3A_16 = arith.addi %mul3A_13, %mul3A_15 : i32
      %multiple_of3A_17 = tpu.assume_multiple %add3A_16, 4 : i32
      "tpu.region"() ({
        %run_scoped3A = tpu.sem_alloc : memref<!tpu.dma_semaphore, #tpu.memory_space<semaphore_mem>>
        %dma_start3A_96 = arith.constant 0 : i32
        %dma_start3A_97 = tpu.memref_slice %arg3[%multiple_of3A_17, %dma_start3A_96] : memref<640x125xi32, #tpu.memory_space<hbm>> -> memref<4x125xi32, #tpu.memory_space<hbm>>
        %dma_start3A_98 = arith.constant 0 : i32
        %dma_start3A_99 = tpu.memref_slice %arg3[%multiple_of3A_17, %dma_start3A_98] : memref<640x125xi32, #tpu.memory_space<hbm>> -> memref<4x125xi32, #tpu.memory_space<hbm>>
        tpu.enqueue_dma source(%dma_start3A_99 : memref<4x125xi32, #tpu.memory_space<hbm>>) target(%arg5 : memref<4x125xi32, #tpu.memory_space<vmem>>) target_semaphore(%run_scoped3A : memref<!tpu.dma_semaphore, #tpu.memory_space<semaphore_mem>>)
        %dma_wait3A_100 = arith.constant 0 : i32
        %dma_wait3A_101 = tpu.memref_slice %arg3[%multiple_of3A_17, %dma_wait3A_100] : memref<640x125xi32, #tpu.memory_space<hbm>> -> memref<4x125xi32, #tpu.memory_space<hbm>>
        %dma_wait3A_102 = arith.constant 0 : i32
        %dma_wait3A_103 = tpu.memref_slice %arg3[%multiple_of3A_17, %dma_wait3A_102] : memref<640x125xi32, #tpu.memory_space<hbm>> -> memref<4x125xi32, #tpu.memory_space<hbm>>
        tpu.wait_dma2 semaphore(%run_scoped3A : memref<!tpu.dma_semaphore, #tpu.memory_space<semaphore_mem>>) src(%dma_wait3A_103 : memref<4x125xi32, #tpu.memory_space<hbm>>) dst(%arg5 : memref<4x125xi32, #tpu.memory_space<vmem>>)
        tpu.yield
      }) : () -> ()
      %dma_start3A = arith.constant 0 : i32
      %dma_start3A_18 = arith.constant 0 : i32
      %dma_start3A_19 = arith.constant 0 : i32
      %dma_start3A_20 = tpu.memref_slice %arg6[%dma_start3A_18, %dma_start3A_19] : memref<500x128xf32, #tpu.memory_space<vmem>> -> memref<125x128xf32, #tpu.memory_space<vmem>>
      %dma_start3A_21 = arith.constant 0 : i32
      %dma_start3A_22 = tpu.memref_slice %arg5[%dma_start3A, %dma_start3A_21] : memref<4x125xi32, #tpu.memory_space<vmem>> -> memref<1x125xi32, #tpu.memory_space<vmem>>
      %dma_start3A_23 = tpu.memref_squeeze %dma_start3A_22 : memref<1x125xi32, #tpu.memory_space<vmem>> -> memref<125xi32, #tpu.memory_space<vmem>>
      %dma_start3A_24 = arith.constant 0 : i32
      %dma_start3A_25 = arith.constant 0 : i32
      %dma_start3A_26 = tpu.memref_slice %arg2[%dma_start3A_24, %dma_start3A_25] : memref<10000x128xf32, #tpu.memory_space<hbm>> -> memref<10000x128xf32, #tpu.memory_space<hbm>>
      tpu.enqueue_indirect_dma source(%dma_start3A_26 : memref<10000x128xf32, #tpu.memory_space<hbm>>) target(%dma_start3A_20 : memref<125x128xf32, #tpu.memory_space<vmem>>) offsets(%dma_start3A_23 : memref<125xi32, #tpu.memory_space<vmem>>) semaphore(%arg7 : memref<!tpu.dma_semaphore, #tpu.memory_space<semaphore_mem>>)
      %dma_start3A_27 = arith.constant 1 : i32
      %dma_start3A_28 = arith.constant 125 : i32
      %dma_start3A_29 = arith.constant 0 : i32
      %dma_start3A_30 = tpu.memref_slice %arg6[%dma_start3A_28, %dma_start3A_29] : memref<500x128xf32, #tpu.memory_space<vmem>> -> memref<125x128xf32, #tpu.memory_space<vmem>>
      %dma_start3A_31 = arith.constant 0 : i32
      %dma_start3A_32 = tpu.memref_slice %arg5[%dma_start3A_27, %dma_start3A_31] : memref<4x125xi32, #tpu.memory_space<vmem>> -> memref<1x125xi32, #tpu.memory_space<vmem>>
      %dma_start3A_33 = tpu.memref_squeeze %dma_start3A_32 : memref<1x125xi32, #tpu.memory_space<vmem>> -> memref<125xi32, #tpu.memory_space<vmem>>
      %dma_start3A_34 = arith.constant 0 : i32
      %dma_start3A_35 = arith.constant 0 : i32
      %dma_start3A_36 = tpu.memref_slice %arg2[%dma_start3A_34, %dma_start3A_35] : memref<10000x128xf32, #tpu.memory_space<hbm>> -> memref<10000x128xf32, #tpu.memory_space<hbm>>
      tpu.enqueue_indirect_dma source(%dma_start3A_36 : memref<10000x128xf32, #tpu.memory_space<hbm>>) target(%dma_start3A_30 : memref<125x128xf32, #tpu.memory_space<vmem>>) offsets(%dma_start3A_33 : memref<125xi32, #tpu.memory_space<vmem>>) semaphore(%arg7 : memref<!tpu.dma_semaphore, #tpu.memory_space<semaphore_mem>>)
      %dma_start3A_37 = arith.constant 2 : i32
      %dma_start3A_38 = arith.constant 250 : i32
      %dma_start3A_39 = arith.constant 0 : i32
      %dma_start3A_40 = tpu.memref_slice %arg6[%dma_start3A_38, %dma_start3A_39] : memref<500x128xf32, #tpu.memory_space<vmem>> -> memref<125x128xf32, #tpu.memory_space<vmem>>
      %dma_start3A_41 = arith.constant 0 : i32
      %dma_start3A_42 = tpu.memref_slice %arg5[%dma_start3A_37, %dma_start3A_41] : memref<4x125xi32, #tpu.memory_space<vmem>> -> memref<1x125xi32, #tpu.memory_space<vmem>>
      %dma_start3A_43 = tpu.memref_squeeze %dma_start3A_42 : memref<1x125xi32, #tpu.memory_space<vmem>> -> memref<125xi32, #tpu.memory_space<vmem>>
      %dma_start3A_44 = arith.constant 0 : i32
      %dma_start3A_45 = arith.constant 0 : i32
      %dma_start3A_46 = tpu.memref_slice %arg2[%dma_start3A_44, %dma_start3A_45] : memref<10000x128xf32, #tpu.memory_space<hbm>> -> memref<10000x128xf32, #tpu.memory_space<hbm>>
      tpu.enqueue_indirect_dma source(%dma_start3A_46 : memref<10000x128xf32, #tpu.memory_space<hbm>>) target(%dma_start3A_40 : memref<125x128xf32, #tpu.memory_space<vmem>>) offsets(%dma_start3A_43 : memref<125xi32, #tpu.memory_space<vmem>>) semaphore(%arg7 : memref<!tpu.dma_semaphore, #tpu.memory_space<semaphore_mem>>)
      %dma_start3A_47 = arith.constant 3 : i32
      %dma_start3A_48 = arith.constant 375 : i32
      %dma_start3A_49 = arith.constant 0 : i32
      %dma_start3A_50 = tpu.memref_slice %arg6[%dma_start3A_48, %dma_start3A_49] : memref<500x128xf32, #tpu.memory_space<vmem>> -> memref<125x128xf32, #tpu.memory_space<vmem>>
      %dma_start3A_51 = arith.constant 0 : i32
      %dma_start3A_52 = tpu.memref_slice %arg5[%dma_start3A_47, %dma_start3A_51] : memref<4x125xi32, #tpu.memory_space<vmem>> -> memref<1x125xi32, #tpu.memory_space<vmem>>
      %dma_start3A_53 = tpu.memref_squeeze %dma_start3A_52 : memref<1x125xi32, #tpu.memory_space<vmem>> -> memref<125xi32, #tpu.memory_space<vmem>>
      %dma_start3A_54 = arith.constant 0 : i32
      %dma_start3A_55 = arith.constant 0 : i32
      %dma_start3A_56 = tpu.memref_slice %arg2[%dma_start3A_54, %dma_start3A_55] : memref<10000x128xf32, #tpu.memory_space<hbm>> -> memref<10000x128xf32, #tpu.memory_space<hbm>>
      tpu.enqueue_indirect_dma source(%dma_start3A_56 : memref<10000x128xf32, #tpu.memory_space<hbm>>) target(%dma_start3A_50 : memref<125x128xf32, #tpu.memory_space<vmem>>) offsets(%dma_start3A_53 : memref<125xi32, #tpu.memory_space<vmem>>) semaphore(%arg7 : memref<!tpu.dma_semaphore, #tpu.memory_space<semaphore_mem>>)
      %dma_wait3A = arith.constant 0 : i32
      %dma_wait3A_57 = arith.constant 0 : i32
      %dma_wait3A_58 = arith.constant 0 : i32
      %dma_wait3A_59 = tpu.memref_slice %arg6[%dma_wait3A_57, %dma_wait3A_58] : memref<500x128xf32, #tpu.memory_space<vmem>> -> memref<125x128xf32, #tpu.memory_space<vmem>>
      %dma_wait3A_60 = arith.constant 0 : i32
      %dma_wait3A_61 = tpu.memref_slice %arg5[%dma_wait3A, %dma_wait3A_60] : memref<4x125xi32, #tpu.memory_space<vmem>> -> memref<1x125xi32, #tpu.memory_space<vmem>>
      %dma_wait3A_62 = tpu.memref_squeeze %dma_wait3A_61 : memref<1x125xi32, #tpu.memory_space<vmem>> -> memref<125xi32, #tpu.memory_space<vmem>>
      %dma_wait3A_63 = arith.constant 0 : i32
      %dma_wait3A_64 = arith.constant 0 : i32
      %dma_wait3A_65 = tpu.memref_slice %arg2[%dma_wait3A_63, %dma_wait3A_64] : memref<10000x128xf32, #tpu.memory_space<hbm>> -> memref<10000x128xf32, #tpu.memory_space<hbm>>
      tpu.wait_indirect_dma semaphore(%arg7 : memref<!tpu.dma_semaphore, #tpu.memory_space<semaphore_mem>>) src(%dma_wait3A_65 : memref<10000x128xf32, #tpu.memory_space<hbm>>) dst(%dma_wait3A_59 : memref<125x128xf32, #tpu.memory_space<vmem>>)
      %dma_wait3A_66 = arith.constant 1 : i32
      %dma_wait3A_67 = arith.constant 125 : i32
      %dma_wait3A_68 = arith.constant 0 : i32
      %dma_wait3A_69 = tpu.memref_slice %arg6[%dma_wait3A_67, %dma_wait3A_68] : memref<500x128xf32, #tpu.memory_space<vmem>> -> memref<125x128xf32, #tpu.memory_space<vmem>>
      %dma_wait3A_70 = arith.constant 0 : i32
      %dma_wait3A_71 = tpu.memref_slice %arg5[%dma_wait3A_66, %dma_wait3A_70] : memref<4x125xi32, #tpu.memory_space<vmem>> -> memref<1x125xi32, #tpu.memory_space<vmem>>
      %dma_wait3A_72 = tpu.memref_squeeze %dma_wait3A_71 : memref<1x125xi32, #tpu.memory_space<vmem>> -> memref<125xi32, #tpu.memory_space<vmem>>
      %dma_wait3A_73 = arith.constant 0 : i32
      %dma_wait3A_74 = arith.constant 0 : i32
      %dma_wait3A_75 = tpu.memref_slice %arg2[%dma_wait3A_73, %dma_wait3A_74] : memref<10000x128xf32, #tpu.memory_space<hbm>> -> memref<10000x128xf32, #tpu.memory_space<hbm>>
      tpu.wait_indirect_dma semaphore(%arg7 : memref<!tpu.dma_semaphore, #tpu.memory_space<semaphore_mem>>) src(%dma_wait3A_75 : memref<10000x128xf32, #tpu.memory_space<hbm>>) dst(%dma_wait3A_69 : memref<125x128xf32, #tpu.memory_space<vmem>>)
      %dma_wait3A_76 = arith.constant 2 : i32
      %dma_wait3A_77 = arith.constant 250 : i32
      %dma_wait3A_78 = arith.constant 0 : i32
      %dma_wait3A_79 = tpu.memref_slice %arg6[%dma_wait3A_77, %dma_wait3A_78] : memref<500x128xf32, #tpu.memory_space<vmem>> -> memref<125x128xf32, #tpu.memory_space<vmem>>
      %dma_wait3A_80 = arith.constant 0 : i32
      %dma_wait3A_81 = tpu.memref_slice %arg5[%dma_wait3A_76, %dma_wait3A_80] : memref<4x125xi32, #tpu.memory_space<vmem>> -> memref<1x125xi32, #tpu.memory_space<vmem>>
      %dma_wait3A_82 = tpu.memref_squeeze %dma_wait3A_81 : memref<1x125xi32, #tpu.memory_space<vmem>> -> memref<125xi32, #tpu.memory_space<vmem>>
      %dma_wait3A_83 = arith.constant 0 : i32
      %dma_wait3A_84 = arith.constant 0 : i32
      %dma_wait3A_85 = tpu.memref_slice %arg2[%dma_wait3A_83, %dma_wait3A_84] : memref<10000x128xf32, #tpu.memory_space<hbm>> -> memref<10000x128xf32, #tpu.memory_space<hbm>>
      tpu.wait_indirect_dma semaphore(%arg7 : memref<!tpu.dma_semaphore, #tpu.memory_space<semaphore_mem>>) src(%dma_wait3A_85 : memref<10000x128xf32, #tpu.memory_space<hbm>>) dst(%dma_wait3A_79 : memref<125x128xf32, #tpu.memory_space<vmem>>)
      %dma_wait3A_86 = arith.constant 3 : i32
      %dma_wait3A_87 = arith.constant 375 : i32
      %dma_wait3A_88 = arith.constant 0 : i32
      %dma_wait3A_89 = tpu.memref_slice %arg6[%dma_wait3A_87, %dma_wait3A_88] : memref<500x128xf32, #tpu.memory_space<vmem>> -> memref<125x128xf32, #tpu.memory_space<vmem>>
      %dma_wait3A_90 = arith.constant 0 : i32
      %dma_wait3A_91 = tpu.memref_slice %arg5[%dma_wait3A_86, %dma_wait3A_90] : memref<4x125xi32, #tpu.memory_space<vmem>> -> memref<1x125xi32, #tpu.memory_space<vmem>>
      %dma_wait3A_92 = tpu.memref_squeeze %dma_wait3A_91 : memref<1x125xi32, #tpu.memory_space<vmem>> -> memref<125xi32, #tpu.memory_space<vmem>>
      %dma_wait3A_93 = arith.constant 0 : i32
      %dma_wait3A_94 = arith.constant 0 : i32
      %dma_wait3A_95 = tpu.memref_slice %arg2[%dma_wait3A_93, %dma_wait3A_94] : memref<10000x128xf32, #tpu.memory_space<hbm>> -> memref<10000x128xf32, #tpu.memory_space<hbm>>
      tpu.wait_indirect_dma semaphore(%arg7 : memref<!tpu.dma_semaphore, #tpu.memory_space<semaphore_mem>>) src(%dma_wait3A_95 : memref<10000x128xf32, #tpu.memory_space<hbm>>) dst(%dma_wait3A_89 : memref<125x128xf32, #tpu.memory_space<vmem>>)
      "tpu.region"() ({
        %run_scoped3A = tpu.sem_alloc : memref<!tpu.dma_semaphore, #tpu.memory_space<semaphore_mem>>
        %dma_start3A_96 = arith.constant 0 : i32
        %dma_start3A_97 = tpu.memref_slice %arg4[%multiple_of3A, %dma_start3A_96] : memref<80000x128xf32, #tpu.memory_space<hbm>> -> memref<500x128xf32, #tpu.memory_space<hbm>>
        %dma_start3A_98 = arith.constant 0 : i32
        %dma_start3A_99 = tpu.memref_slice %arg4[%multiple_of3A, %dma_start3A_98] : memref<80000x128xf32, #tpu.memory_space<hbm>> -> memref<500x128xf32, #tpu.memory_space<hbm>>
        tpu.enqueue_dma source(%arg6 : memref<500x128xf32, #tpu.memory_space<vmem>>) target(%dma_start3A_99 : memref<500x128xf32, #tpu.memory_space<hbm>>) target_semaphore(%run_scoped3A : memref<!tpu.dma_semaphore, #tpu.memory_space<semaphore_mem>>)
        %dma_wait3A_100 = arith.constant 0 : i32
        %dma_wait3A_101 = tpu.memref_slice %arg4[%multiple_of3A, %dma_wait3A_100] : memref<80000x128xf32, #tpu.memory_space<hbm>> -> memref<500x128xf32, #tpu.memory_space<hbm>>
        %dma_wait3A_102 = arith.constant 0 : i32
        %dma_wait3A_103 = tpu.memref_slice %arg4[%multiple_of3A, %dma_wait3A_102] : memref<80000x128xf32, #tpu.memory_space<hbm>> -> memref<500x128xf32, #tpu.memory_space<hbm>>
        tpu.wait_dma2 semaphore(%run_scoped3A : memref<!tpu.dma_semaphore, #tpu.memory_space<semaphore_mem>>) src(%arg6 : memref<500x128xf32, #tpu.memory_space<vmem>>) dst(%dma_wait3A_103 : memref<500x128xf32, #tpu.memory_space<hbm>>)
        tpu.yield
      }) : () -> ()
    }
    %scan3A_5 = arith.constant 5 : i32
    return
  }
}

#map = affine_map<(d0, d1) -> (0, 0)>
module attributes {stable_mosaic.version = 14 : i64} {
  func.func @k(%arg0: i32, %arg1: i32, %arg2: memref<80000x128xf32, #tpu.memory_space<hbm>>, %arg3: memref<640x125xi32, #tpu.memory_space<hbm>>, %arg4: memref<10240x64xf32, #tpu.memory_space<hbm>>, %arg5: memref<20480x64xf32, #tpu.memory_space<hbm>>, %arg6: memref<4x125xi32, #tpu.memory_space<vmem>>, %arg7: memref<500x64xf32, #tpu.memory_space<vmem>>, %arg8: memref<10240x64xf32, #tpu.memory_space<vmem_shared>>, %arg9: memref<!tpu.dma_semaphore, #tpu.memory_space<semaphore_mem>>) attributes {dimension_semantics = [#tpu.dimension_semantics<core_parallel>, #tpu.dimension_semantics<subcore_parallel>], iteration_bounds = array<i64: 2, 16>, scalar_prefetch = 0 : i64, scratch_operands = 4 : i64, tpu.core_type = #tpu.core_type<sc_vector_subcore>, window_params = [{transform_indices = #map}, {transform_indices = #map}, {transform_indices = #map}, {transform_indices = #map}]} {
    %mul3A = arith.constant 2 : i32
    %mul3A_0 = arith.muli %arg1, %mul3A : i32
    %add3A = arith.addi %mul3A_0, %arg0 : i32
    %mul3A_1 = arith.constant 640 : i32
    %mul3A_2 = arith.muli %arg1, %mul3A_1 : i32
    %multiple_of3A = tpu.assume_multiple %mul3A_2, 640 : i32
    "tpu.region"() ({
      %run_scoped3A = tpu.sem_alloc : memref<!tpu.dma_semaphore, #tpu.memory_space<semaphore_mem>>
      %dma_start3A = arith.constant 0 : i32
      %dma_start3A_12 = tpu.memref_slice %arg8[%multiple_of3A, %dma_start3A] : memref<10240x64xf32, #tpu.memory_space<vmem_shared>> -> memref<640x64xf32, #tpu.memory_space<vmem_shared>>
      %dma_start3A_13 = arith.constant 0 : i32
      %dma_start3A_14 = tpu.memref_slice %arg4[%multiple_of3A, %dma_start3A_13] : memref<10240x64xf32, #tpu.memory_space<hbm>> -> memref<640x64xf32, #tpu.memory_space<hbm>>
      tpu.enqueue_dma source(%dma_start3A_14 : memref<640x64xf32, #tpu.memory_space<hbm>>) target(%dma_start3A_12 : memref<640x64xf32, #tpu.memory_space<vmem_shared>>) target_semaphore(%run_scoped3A : memref<!tpu.dma_semaphore, #tpu.memory_space<semaphore_mem>>)
      %dma_wait3A = arith.constant 0 : i32
      %dma_wait3A_15 = tpu.memref_slice %arg8[%multiple_of3A, %dma_wait3A] : memref<10240x64xf32, #tpu.memory_space<vmem_shared>> -> memref<640x64xf32, #tpu.memory_space<vmem_shared>>
      %dma_wait3A_16 = arith.constant 0 : i32
      %dma_wait3A_17 = tpu.memref_slice %arg4[%multiple_of3A, %dma_wait3A_16] : memref<10240x64xf32, #tpu.memory_space<hbm>> -> memref<640x64xf32, #tpu.memory_space<hbm>>
      tpu.wait_dma2 semaphore(%run_scoped3A : memref<!tpu.dma_semaphore, #tpu.memory_space<semaphore_mem>>) src(%dma_wait3A_17 : memref<640x64xf32, #tpu.memory_space<hbm>>) dst(%dma_wait3A_15 : memref<640x64xf32, #tpu.memory_space<vmem_shared>>)
      tpu.yield
    }) : () -> ()
    %barrier3A = arith.constant 0 : index
    tpu.barrier barrier_id(%barrier3A)
    %scan3A = arith.constant 0 : i32
    %scan3A_3 = arith.constant 0 : i32
    %scan3A_4 = arith.constant 5 : i32
    %scan3A_5 = arith.addi %scan3A_3, %scan3A_4 : i32
    %scan3A_6 = arith.constant 1 : i32
    scf.for %scan3A_12 = %scan3A_3 to %scan3A_5 step %scan3A_6  : i32 {
      %mul3A_13 = arith.constant 2500 : i32
      %mul3A_14 = arith.muli %add3A, %mul3A_13 : i32
      %mul3A_15 = arith.constant 500 : i32
      %mul3A_16 = arith.muli %scan3A_12, %mul3A_15 : i32
      %add3A_17 = arith.addi %mul3A_14, %mul3A_16 : i32
      %multiple_of3A_18 = tpu.assume_multiple %add3A_17, 500 : i32
      %mul3A_19 = arith.constant 20 : i32
      %mul3A_20 = arith.muli %add3A, %mul3A_19 : i32
      %mul3A_21 = arith.constant 4 : i32
      %mul3A_22 = arith.muli %scan3A_12, %mul3A_21 : i32
      %add3A_23 = arith.addi %mul3A_20, %mul3A_22 : i32
      %multiple_of3A_24 = tpu.assume_multiple %add3A_23, 4 : i32
      "tpu.region"() ({
        %run_scoped3A_28 = tpu.sem_alloc : memref<!tpu.dma_semaphore, #tpu.memory_space<semaphore_mem>>
        %dma_start3A = arith.constant 0 : i32
        %dma_start3A_29 = tpu.memref_slice %arg3[%multiple_of3A_24, %dma_start3A] : memref<640x125xi32, #tpu.memory_space<hbm>> -> memref<4x125xi32, #tpu.memory_space<hbm>>
        %dma_start3A_30 = arith.constant 0 : i32
        %dma_start3A_31 = tpu.memref_slice %arg3[%multiple_of3A_24, %dma_start3A_30] : memref<640x125xi32, #tpu.memory_space<hbm>> -> memref<4x125xi32, #tpu.memory_space<hbm>>
        tpu.enqueue_dma source(%dma_start3A_31 : memref<4x125xi32, #tpu.memory_space<hbm>>) target(%arg6 : memref<4x125xi32, #tpu.memory_space<vmem>>) target_semaphore(%run_scoped3A_28 : memref<!tpu.dma_semaphore, #tpu.memory_space<semaphore_mem>>)
        %dma_wait3A = arith.constant 0 : i32
        %dma_wait3A_32 = tpu.memref_slice %arg3[%multiple_of3A_24, %dma_wait3A] : memref<640x125xi32, #tpu.memory_space<hbm>> -> memref<4x125xi32, #tpu.memory_space<hbm>>
        %dma_wait3A_33 = arith.constant 0 : i32
        %dma_wait3A_34 = tpu.memref_slice %arg3[%multiple_of3A_24, %dma_wait3A_33] : memref<640x125xi32, #tpu.memory_space<hbm>> -> memref<4x125xi32, #tpu.memory_space<hbm>>
        tpu.wait_dma2 semaphore(%run_scoped3A_28 : memref<!tpu.dma_semaphore, #tpu.memory_space<semaphore_mem>>) src(%dma_wait3A_34 : memref<4x125xi32, #tpu.memory_space<hbm>>) dst(%arg6 : memref<4x125xi32, #tpu.memory_space<vmem>>)
        tpu.yield
      }) : () -> ()
      "tpu.region"() ({
        %run_scoped3A_28 = tpu.sem_alloc : memref<!tpu.dma_semaphore, #tpu.memory_space<semaphore_mem>>
        %dma_start3A = arith.constant 0 : i32
        %dma_start3A_29 = tpu.memref_slice %arg2[%multiple_of3A_18, %dma_start3A] : memref<80000x128xf32, #tpu.memory_space<hbm>> -> memref<500x64xf32, #tpu.memory_space<hbm>>
        %dma_start3A_30 = arith.constant 0 : i32
        %dma_start3A_31 = tpu.memref_slice %arg2[%multiple_of3A_18, %dma_start3A_30] : memref<80000x128xf32, #tpu.memory_space<hbm>> -> memref<500x64xf32, #tpu.memory_space<hbm>>
        tpu.enqueue_dma source(%dma_start3A_31 : memref<500x64xf32, #tpu.memory_space<hbm>>) target(%arg7 : memref<500x64xf32, #tpu.memory_space<vmem>>) target_semaphore(%run_scoped3A_28 : memref<!tpu.dma_semaphore, #tpu.memory_space<semaphore_mem>>)
        %dma_wait3A = arith.constant 0 : i32
        %dma_wait3A_32 = tpu.memref_slice %arg2[%multiple_of3A_18, %dma_wait3A] : memref<80000x128xf32, #tpu.memory_space<hbm>> -> memref<500x64xf32, #tpu.memory_space<hbm>>
        %dma_wait3A_33 = arith.constant 0 : i32
        %dma_wait3A_34 = tpu.memref_slice %arg2[%multiple_of3A_18, %dma_wait3A_33] : memref<80000x128xf32, #tpu.memory_space<hbm>> -> memref<500x64xf32, #tpu.memory_space<hbm>>
        tpu.wait_dma2 semaphore(%run_scoped3A_28 : memref<!tpu.dma_semaphore, #tpu.memory_space<semaphore_mem>>) src(%dma_wait3A_34 : memref<500x64xf32, #tpu.memory_space<hbm>>) dst(%arg7 : memref<500x64xf32, #tpu.memory_space<vmem>>)
        tpu.yield
      }) : () -> ()
      %run_scoped3A = arith.constant 0 : i32
      "tpu.region"() ({
        %run_scoped3A_28 = tpu.sem_alloc : memref<!tpu.dma_semaphore, #tpu.memory_space<semaphore_mem>>
        %dma_start3A = arith.constant 0 : i32
        %dma_start3A_29 = arith.constant 0 : i32
        %dma_start3A_30 = tpu.memref_slice %arg7[%dma_start3A, %dma_start3A_29] : memref<500x64xf32, #tpu.memory_space<vmem>> -> memref<125x64xf32, #tpu.memory_space<vmem>>
        %dma_start3A_31 = arith.constant 0 : i32
        %dma_start3A_32 = tpu.memref_slice %arg6[%run_scoped3A, %dma_start3A_31] : memref<4x125xi32, #tpu.memory_space<vmem>> -> memref<1x125xi32, #tpu.memory_space<vmem>>
        %dma_start3A_33 = tpu.memref_squeeze %dma_start3A_32 : memref<1x125xi32, #tpu.memory_space<vmem>> -> memref<125xi32, #tpu.memory_space<vmem>>
        %dma_start3A_34 = arith.constant 0 : i32
        %dma_start3A_35 = arith.constant 0 : i32
        %dma_start3A_36 = tpu.memref_slice %arg8[%dma_start3A_34, %dma_start3A_35] : memref<10240x64xf32, #tpu.memory_space<vmem_shared>> -> memref<10240x64xf32, #tpu.memory_space<vmem_shared>>
        tpu.enqueue_indirect_dma source(%dma_start3A_30 : memref<125x64xf32, #tpu.memory_space<vmem>>) target(%dma_start3A_36 : memref<10240x64xf32, #tpu.memory_space<vmem_shared>>) offsets(%dma_start3A_33 : memref<125xi32, #tpu.memory_space<vmem>>) semaphore(%run_scoped3A_28 : memref<!tpu.dma_semaphore, #tpu.memory_space<semaphore_mem>>) {add = true}
        %dma_wait3A = arith.constant 0 : i32
        %dma_wait3A_37 = arith.constant 0 : i32
        %dma_wait3A_38 = tpu.memref_slice %arg7[%dma_wait3A, %dma_wait3A_37] : memref<500x64xf32, #tpu.memory_space<vmem>> -> memref<125x64xf32, #tpu.memory_space<vmem>>
        %dma_wait3A_39 = arith.constant 0 : i32
        %dma_wait3A_40 = tpu.memref_slice %arg6[%run_scoped3A, %dma_wait3A_39] : memref<4x125xi32, #tpu.memory_space<vmem>> -> memref<1x125xi32, #tpu.memory_space<vmem>>
        %dma_wait3A_41 = tpu.memref_squeeze %dma_wait3A_40 : memref<1x125xi32, #tpu.memory_space<vmem>> -> memref<125xi32, #tpu.memory_space<vmem>>
        %dma_wait3A_42 = arith.constant 0 : i32
        %dma_wait3A_43 = arith.constant 0 : i32
        %dma_wait3A_44 = tpu.memref_slice %arg8[%dma_wait3A_42, %dma_wait3A_43] : memref<10240x64xf32, #tpu.memory_space<vmem_shared>> -> memref<10240x64xf32, #tpu.memory_space<vmem_shared>>
        tpu.wait_indirect_dma semaphore(%run_scoped3A_28 : memref<!tpu.dma_semaphore, #tpu.memory_space<semaphore_mem>>) src(%dma_wait3A_38 : memref<125x64xf32, #tpu.memory_space<vmem>>) dst(%dma_wait3A_44 : memref<10240x64xf32, #tpu.memory_space<vmem_shared>>)
        tpu.yield
      }) : () -> ()
      %run_scoped3A_25 = arith.constant 1 : i32
      "tpu.region"() ({
        %run_scoped3A_28 = tpu.sem_alloc : memref<!tpu.dma_semaphore, #tpu.memory_space<semaphore_mem>>
        %dma_start3A = arith.constant 125 : i32
        %dma_start3A_29 = arith.constant 0 : i32
        %dma_start3A_30 = tpu.memref_slice %arg7[%dma_start3A, %dma_start3A_29] : memref<500x64xf32, #tpu.memory_space<vmem>> -> memref<125x64xf32, #tpu.memory_space<vmem>>
        %dma_start3A_31 = arith.constant 0 : i32
        %dma_start3A_32 = tpu.memref_slice %arg6[%run_scoped3A_25, %dma_start3A_31] : memref<4x125xi32, #tpu.memory_space<vmem>> -> memref<1x125xi32, #tpu.memory_space<vmem>>
        %dma_start3A_33 = tpu.memref_squeeze %dma_start3A_32 : memref<1x125xi32, #tpu.memory_space<vmem>> -> memref<125xi32, #tpu.memory_space<vmem>>
        %dma_start3A_34 = arith.constant 0 : i32
        %dma_start3A_35 = arith.constant 0 : i32
        %dma_start3A_36 = tpu.memref_slice %arg8[%dma_start3A_34, %dma_start3A_35] : memref<10240x64xf32, #tpu.memory_space<vmem_shared>> -> memref<10240x64xf32, #tpu.memory_space<vmem_shared>>
        tpu.enqueue_indirect_dma source(%dma_start3A_30 : memref<125x64xf32, #tpu.memory_space<vmem>>) target(%dma_start3A_36 : memref<10240x64xf32, #tpu.memory_space<vmem_shared>>) offsets(%dma_start3A_33 : memref<125xi32, #tpu.memory_space<vmem>>) semaphore(%run_scoped3A_28 : memref<!tpu.dma_semaphore, #tpu.memory_space<semaphore_mem>>) {add = true}
        %dma_wait3A = arith.constant 125 : i32
        %dma_wait3A_37 = arith.constant 0 : i32
        %dma_wait3A_38 = tpu.memref_slice %arg7[%dma_wait3A, %dma_wait3A_37] : memref<500x64xf32, #tpu.memory_space<vmem>> -> memref<125x64xf32, #tpu.memory_space<vmem>>
        %dma_wait3A_39 = arith.constant 0 : i32
        %dma_wait3A_40 = tpu.memref_slice %arg6[%run_scoped3A_25, %dma_wait3A_39] : memref<4x125xi32, #tpu.memory_space<vmem>> -> memref<1x125xi32, #tpu.memory_space<vmem>>
        %dma_wait3A_41 = tpu.memref_squeeze %dma_wait3A_40 : memref<1x125xi32, #tpu.memory_space<vmem>> -> memref<125xi32, #tpu.memory_space<vmem>>
        %dma_wait3A_42 = arith.constant 0 : i32
        %dma_wait3A_43 = arith.constant 0 : i32
        %dma_wait3A_44 = tpu.memref_slice %arg8[%dma_wait3A_42, %dma_wait3A_43] : memref<10240x64xf32, #tpu.memory_space<vmem_shared>> -> memref<10240x64xf32, #tpu.memory_space<vmem_shared>>
        tpu.wait_indirect_dma semaphore(%run_scoped3A_28 : memref<!tpu.dma_semaphore, #tpu.memory_space<semaphore_mem>>) src(%dma_wait3A_38 : memref<125x64xf32, #tpu.memory_space<vmem>>) dst(%dma_wait3A_44 : memref<10240x64xf32, #tpu.memory_space<vmem_shared>>)
        tpu.yield
      }) : () -> ()
      %run_scoped3A_26 = arith.constant 2 : i32
      "tpu.region"() ({
        %run_scoped3A_28 = tpu.sem_alloc : memref<!tpu.dma_semaphore, #tpu.memory_space<semaphore_mem>>
        %dma_start3A = arith.constant 250 : i32
        %dma_start3A_29 = arith.constant 0 : i32
        %dma_start3A_30 = tpu.memref_slice %arg7[%dma_start3A, %dma_start3A_29] : memref<500x64xf32, #tpu.memory_space<vmem>> -> memref<125x64xf32, #tpu.memory_space<vmem>>
        %dma_start3A_31 = arith.constant 0 : i32
        %dma_start3A_32 = tpu.memref_slice %arg6[%run_scoped3A_26, %dma_start3A_31] : memref<4x125xi32, #tpu.memory_space<vmem>> -> memref<1x125xi32, #tpu.memory_space<vmem>>
        %dma_start3A_33 = tpu.memref_squeeze %dma_start3A_32 : memref<1x125xi32, #tpu.memory_space<vmem>> -> memref<125xi32, #tpu.memory_space<vmem>>
        %dma_start3A_34 = arith.constant 0 : i32
        %dma_start3A_35 = arith.constant 0 : i32
        %dma_start3A_36 = tpu.memref_slice %arg8[%dma_start3A_34, %dma_start3A_35] : memref<10240x64xf32, #tpu.memory_space<vmem_shared>> -> memref<10240x64xf32, #tpu.memory_space<vmem_shared>>
        tpu.enqueue_indirect_dma source(%dma_start3A_30 : memref<125x64xf32, #tpu.memory_space<vmem>>) target(%dma_start3A_36 : memref<10240x64xf32, #tpu.memory_space<vmem_shared>>) offsets(%dma_start3A_33 : memref<125xi32, #tpu.memory_space<vmem>>) semaphore(%run_scoped3A_28 : memref<!tpu.dma_semaphore, #tpu.memory_space<semaphore_mem>>) {add = true}
        %dma_wait3A = arith.constant 250 : i32
        %dma_wait3A_37 = arith.constant 0 : i32
        %dma_wait3A_38 = tpu.memref_slice %arg7[%dma_wait3A, %dma_wait3A_37] : memref<500x64xf32, #tpu.memory_space<vmem>> -> memref<125x64xf32, #tpu.memory_space<vmem>>
        %dma_wait3A_39 = arith.constant 0 : i32
        %dma_wait3A_40 = tpu.memref_slice %arg6[%run_scoped3A_26, %dma_wait3A_39] : memref<4x125xi32, #tpu.memory_space<vmem>> -> memref<1x125xi32, #tpu.memory_space<vmem>>
        %dma_wait3A_41 = tpu.memref_squeeze %dma_wait3A_40 : memref<1x125xi32, #tpu.memory_space<vmem>> -> memref<125xi32, #tpu.memory_space<vmem>>
        %dma_wait3A_42 = arith.constant 0 : i32
        %dma_wait3A_43 = arith.constant 0 : i32
        %dma_wait3A_44 = tpu.memref_slice %arg8[%dma_wait3A_42, %dma_wait3A_43] : memref<10240x64xf32, #tpu.memory_space<vmem_shared>> -> memref<10240x64xf32, #tpu.memory_space<vmem_shared>>
        tpu.wait_indirect_dma semaphore(%run_scoped3A_28 : memref<!tpu.dma_semaphore, #tpu.memory_space<semaphore_mem>>) src(%dma_wait3A_38 : memref<125x64xf32, #tpu.memory_space<vmem>>) dst(%dma_wait3A_44 : memref<10240x64xf32, #tpu.memory_space<vmem_shared>>)
        tpu.yield
      }) : () -> ()
      %run_scoped3A_27 = arith.constant 3 : i32
      "tpu.region"() ({
        %run_scoped3A_28 = tpu.sem_alloc : memref<!tpu.dma_semaphore, #tpu.memory_space<semaphore_mem>>
        %dma_start3A = arith.constant 375 : i32
        %dma_start3A_29 = arith.constant 0 : i32
        %dma_start3A_30 = tpu.memref_slice %arg7[%dma_start3A, %dma_start3A_29] : memref<500x64xf32, #tpu.memory_space<vmem>> -> memref<125x64xf32, #tpu.memory_space<vmem>>
        %dma_start3A_31 = arith.constant 0 : i32
        %dma_start3A_32 = tpu.memref_slice %arg6[%run_scoped3A_27, %dma_start3A_31] : memref<4x125xi32, #tpu.memory_space<vmem>> -> memref<1x125xi32, #tpu.memory_space<vmem>>
        %dma_start3A_33 = tpu.memref_squeeze %dma_start3A_32 : memref<1x125xi32, #tpu.memory_space<vmem>> -> memref<125xi32, #tpu.memory_space<vmem>>
        %dma_start3A_34 = arith.constant 0 : i32
        %dma_start3A_35 = arith.constant 0 : i32
        %dma_start3A_36 = tpu.memref_slice %arg8[%dma_start3A_34, %dma_start3A_35] : memref<10240x64xf32, #tpu.memory_space<vmem_shared>> -> memref<10240x64xf32, #tpu.memory_space<vmem_shared>>
        tpu.enqueue_indirect_dma source(%dma_start3A_30 : memref<125x64xf32, #tpu.memory_space<vmem>>) target(%dma_start3A_36 : memref<10240x64xf32, #tpu.memory_space<vmem_shared>>) offsets(%dma_start3A_33 : memref<125xi32, #tpu.memory_space<vmem>>) semaphore(%run_scoped3A_28 : memref<!tpu.dma_semaphore, #tpu.memory_space<semaphore_mem>>) {add = true}
        %dma_wait3A = arith.constant 375 : i32
        %dma_wait3A_37 = arith.constant 0 : i32
        %dma_wait3A_38 = tpu.memref_slice %arg7[%dma_wait3A, %dma_wait3A_37] : memref<500x64xf32, #tpu.memory_space<vmem>> -> memref<125x64xf32, #tpu.memory_space<vmem>>
        %dma_wait3A_39 = arith.constant 0 : i32
        %dma_wait3A_40 = tpu.memref_slice %arg6[%run_scoped3A_27, %dma_wait3A_39] : memref<4x125xi32, #tpu.memory_space<vmem>> -> memref<1x125xi32, #tpu.memory_space<vmem>>
        %dma_wait3A_41 = tpu.memref_squeeze %dma_wait3A_40 : memref<1x125xi32, #tpu.memory_space<vmem>> -> memref<125xi32, #tpu.memory_space<vmem>>
        %dma_wait3A_42 = arith.constant 0 : i32
        %dma_wait3A_43 = arith.constant 0 : i32
        %dma_wait3A_44 = tpu.memref_slice %arg8[%dma_wait3A_42, %dma_wait3A_43] : memref<10240x64xf32, #tpu.memory_space<vmem_shared>> -> memref<10240x64xf32, #tpu.memory_space<vmem_shared>>
        tpu.wait_indirect_dma semaphore(%run_scoped3A_28 : memref<!tpu.dma_semaphore, #tpu.memory_space<semaphore_mem>>) src(%dma_wait3A_38 : memref<125x64xf32, #tpu.memory_space<vmem>>) dst(%dma_wait3A_44 : memref<10240x64xf32, #tpu.memory_space<vmem_shared>>)
        tpu.yield
      }) : () -> ()
    }
    %scan3A_7 = arith.constant 5 : i32
    %barrier3A_8 = arith.constant 0 : index
    tpu.barrier barrier_id(%barrier3A_8)
    %mul3A_9 = arith.constant 10240 : i32
    %mul3A_10 = arith.muli %arg0, %mul3A_9 : i32
    %add3A_11 = arith.addi %mul3A_10, %multiple_of3A : i32
    "tpu.region"() ({
      %run_scoped3A = tpu.sem_alloc : memref<!tpu.dma_semaphore, #tpu.memory_space<semaphore_mem>>
      %dma_start3A = arith.constant 0 : i32
      %dma_start3A_12 = tpu.memref_slice %arg5[%add3A_11, %dma_start3A] : memref<20480x64xf32, #tpu.memory_space<hbm>> -> memref<640x64xf32, #tpu.memory_space<hbm>>
      %dma_start3A_13 = arith.constant 0 : i32
      %dma_start3A_14 = tpu.memref_slice %arg8[%multiple_of3A, %dma_start3A_13] : memref<10240x64xf32, #tpu.memory_space<vmem_shared>> -> memref<640x64xf32, #tpu.memory_space<vmem_shared>>
      tpu.enqueue_dma source(%dma_start3A_14 : memref<640x64xf32, #tpu.memory_space<vmem_shared>>) target(%dma_start3A_12 : memref<640x64xf32, #tpu.memory_space<hbm>>) target_semaphore(%run_scoped3A : memref<!tpu.dma_semaphore, #tpu.memory_space<semaphore_mem>>)
      %dma_wait3A = arith.constant 0 : i32
      %dma_wait3A_15 = tpu.memref_slice %arg5[%add3A_11, %dma_wait3A] : memref<20480x64xf32, #tpu.memory_space<hbm>> -> memref<640x64xf32, #tpu.memory_space<hbm>>
      %dma_wait3A_16 = arith.constant 0 : i32
      %dma_wait3A_17 = tpu.memref_slice %arg8[%multiple_of3A, %dma_wait3A_16] : memref<10240x64xf32, #tpu.memory_space<vmem_shared>> -> memref<640x64xf32, #tpu.memory_space<vmem_shared>>
      tpu.wait_dma2 semaphore(%run_scoped3A : memref<!tpu.dma_semaphore, #tpu.memory_space<semaphore_mem>>) src(%dma_wait3A_17 : memref<640x64xf32, #tpu.memory_space<vmem_shared>>) dst(%dma_wait3A_15 : memref<640x64xf32, #tpu.memory_space<hbm>>)
      tpu.yield
    }) : () -> ()
    return
  }
}

#map = affine_map<(d0, d1) -> (0, 0)>
module attributes {stable_mosaic.version = 14 : i64} {
  func.func @k(%arg0: i32, %arg1: i32, %arg2: memref<80000x128xf32, #tpu.memory_space<hbm>>, %arg3: memref<640x125xi32, #tpu.memory_space<hbm>>, %arg4: memref<10240x64xf32, #tpu.memory_space<hbm>>, %arg5: memref<20480x64xf32, #tpu.memory_space<hbm>>, %arg6: memref<4x125xi32, #tpu.memory_space<vmem>>, %arg7: memref<500x64xf32, #tpu.memory_space<vmem>>, %arg8: memref<10240x64xf32, #tpu.memory_space<vmem_shared>>, %arg9: memref<!tpu.dma_semaphore, #tpu.memory_space<semaphore_mem>>) attributes {dimension_semantics = [#tpu.dimension_semantics<core_parallel>, #tpu.dimension_semantics<subcore_parallel>], iteration_bounds = array<i64: 2, 16>, scalar_prefetch = 0 : i64, scratch_operands = 4 : i64, tpu.core_type = #tpu.core_type<sc_vector_subcore>, window_params = [{transform_indices = #map}, {transform_indices = #map}, {transform_indices = #map}, {transform_indices = #map}]} {
    %mul3A = arith.constant 2 : i32
    %mul3A_0 = arith.muli %arg1, %mul3A : i32
    %add3A = arith.addi %mul3A_0, %arg0 : i32
    %mul3A_1 = arith.constant 640 : i32
    %mul3A_2 = arith.muli %arg1, %mul3A_1 : i32
    %multiple_of3A = tpu.assume_multiple %mul3A_2, 640 : i32
    "tpu.region"() ({
      %run_scoped3A = tpu.sem_alloc : memref<!tpu.dma_semaphore, #tpu.memory_space<semaphore_mem>>
      %dma_start3A = arith.constant 0 : i32
      %dma_start3A_12 = tpu.memref_slice %arg8[%multiple_of3A, %dma_start3A] : memref<10240x64xf32, #tpu.memory_space<vmem_shared>> -> memref<640x64xf32, #tpu.memory_space<vmem_shared>>
      %dma_start3A_13 = arith.constant 0 : i32
      %dma_start3A_14 = tpu.memref_slice %arg4[%multiple_of3A, %dma_start3A_13] : memref<10240x64xf32, #tpu.memory_space<hbm>> -> memref<640x64xf32, #tpu.memory_space<hbm>>
      tpu.enqueue_dma source(%dma_start3A_14 : memref<640x64xf32, #tpu.memory_space<hbm>>) target(%dma_start3A_12 : memref<640x64xf32, #tpu.memory_space<vmem_shared>>) target_semaphore(%run_scoped3A : memref<!tpu.dma_semaphore, #tpu.memory_space<semaphore_mem>>)
      %dma_wait3A = arith.constant 0 : i32
      %dma_wait3A_15 = tpu.memref_slice %arg8[%multiple_of3A, %dma_wait3A] : memref<10240x64xf32, #tpu.memory_space<vmem_shared>> -> memref<640x64xf32, #tpu.memory_space<vmem_shared>>
      %dma_wait3A_16 = arith.constant 0 : i32
      %dma_wait3A_17 = tpu.memref_slice %arg4[%multiple_of3A, %dma_wait3A_16] : memref<10240x64xf32, #tpu.memory_space<hbm>> -> memref<640x64xf32, #tpu.memory_space<hbm>>
      tpu.wait_dma2 semaphore(%run_scoped3A : memref<!tpu.dma_semaphore, #tpu.memory_space<semaphore_mem>>) src(%dma_wait3A_17 : memref<640x64xf32, #tpu.memory_space<hbm>>) dst(%dma_wait3A_15 : memref<640x64xf32, #tpu.memory_space<vmem_shared>>)
      tpu.yield
    }) : () -> ()
    %barrier3A = arith.constant 0 : index
    tpu.barrier barrier_id(%barrier3A)
    %scan3A = arith.constant 0 : i32
    %scan3A_3 = arith.constant 0 : i32
    %scan3A_4 = arith.constant 5 : i32
    %scan3A_5 = arith.addi %scan3A_3, %scan3A_4 : i32
    %scan3A_6 = arith.constant 1 : i32
    scf.for %scan3A_12 = %scan3A_3 to %scan3A_5 step %scan3A_6  : i32 {
      %mul3A_13 = arith.constant 2500 : i32
      %mul3A_14 = arith.muli %add3A, %mul3A_13 : i32
      %mul3A_15 = arith.constant 500 : i32
      %mul3A_16 = arith.muli %scan3A_12, %mul3A_15 : i32
      %add3A_17 = arith.addi %mul3A_14, %mul3A_16 : i32
      %multiple_of3A_18 = tpu.assume_multiple %add3A_17, 500 : i32
      %mul3A_19 = arith.constant 20 : i32
      %mul3A_20 = arith.muli %add3A, %mul3A_19 : i32
      %mul3A_21 = arith.constant 4 : i32
      %mul3A_22 = arith.muli %scan3A_12, %mul3A_21 : i32
      %add3A_23 = arith.addi %mul3A_20, %mul3A_22 : i32
      %multiple_of3A_24 = tpu.assume_multiple %add3A_23, 4 : i32
      "tpu.region"() ({
        %run_scoped3A_28 = tpu.sem_alloc : memref<!tpu.dma_semaphore, #tpu.memory_space<semaphore_mem>>
        %dma_start3A = arith.constant 0 : i32
        %dma_start3A_29 = tpu.memref_slice %arg3[%multiple_of3A_24, %dma_start3A] : memref<640x125xi32, #tpu.memory_space<hbm>> -> memref<4x125xi32, #tpu.memory_space<hbm>>
        %dma_start3A_30 = arith.constant 0 : i32
        %dma_start3A_31 = tpu.memref_slice %arg3[%multiple_of3A_24, %dma_start3A_30] : memref<640x125xi32, #tpu.memory_space<hbm>> -> memref<4x125xi32, #tpu.memory_space<hbm>>
        tpu.enqueue_dma source(%dma_start3A_31 : memref<4x125xi32, #tpu.memory_space<hbm>>) target(%arg6 : memref<4x125xi32, #tpu.memory_space<vmem>>) target_semaphore(%run_scoped3A_28 : memref<!tpu.dma_semaphore, #tpu.memory_space<semaphore_mem>>)
        %dma_wait3A = arith.constant 0 : i32
        %dma_wait3A_32 = tpu.memref_slice %arg3[%multiple_of3A_24, %dma_wait3A] : memref<640x125xi32, #tpu.memory_space<hbm>> -> memref<4x125xi32, #tpu.memory_space<hbm>>
        %dma_wait3A_33 = arith.constant 0 : i32
        %dma_wait3A_34 = tpu.memref_slice %arg3[%multiple_of3A_24, %dma_wait3A_33] : memref<640x125xi32, #tpu.memory_space<hbm>> -> memref<4x125xi32, #tpu.memory_space<hbm>>
        tpu.wait_dma2 semaphore(%run_scoped3A_28 : memref<!tpu.dma_semaphore, #tpu.memory_space<semaphore_mem>>) src(%dma_wait3A_34 : memref<4x125xi32, #tpu.memory_space<hbm>>) dst(%arg6 : memref<4x125xi32, #tpu.memory_space<vmem>>)
        tpu.yield
      }) : () -> ()
      "tpu.region"() ({
        %run_scoped3A_28 = tpu.sem_alloc : memref<!tpu.dma_semaphore, #tpu.memory_space<semaphore_mem>>
        %dma_start3A = arith.constant 0 : i32
        %dma_start3A_29 = tpu.memref_slice %arg2[%multiple_of3A_18, %dma_start3A] : memref<80000x128xf32, #tpu.memory_space<hbm>> -> memref<500x64xf32, #tpu.memory_space<hbm>>
        %dma_start3A_30 = arith.constant 0 : i32
        %dma_start3A_31 = tpu.memref_slice %arg2[%multiple_of3A_18, %dma_start3A_30] : memref<80000x128xf32, #tpu.memory_space<hbm>> -> memref<500x64xf32, #tpu.memory_space<hbm>>
        tpu.enqueue_dma source(%dma_start3A_31 : memref<500x64xf32, #tpu.memory_space<hbm>>) target(%arg7 : memref<500x64xf32, #tpu.memory_space<vmem>>) target_semaphore(%run_scoped3A_28 : memref<!tpu.dma_semaphore, #tpu.memory_space<semaphore_mem>>)
        %dma_wait3A = arith.constant 0 : i32
        %dma_wait3A_32 = tpu.memref_slice %arg2[%multiple_of3A_18, %dma_wait3A] : memref<80000x128xf32, #tpu.memory_space<hbm>> -> memref<500x64xf32, #tpu.memory_space<hbm>>
        %dma_wait3A_33 = arith.constant 0 : i32
        %dma_wait3A_34 = tpu.memref_slice %arg2[%multiple_of3A_18, %dma_wait3A_33] : memref<80000x128xf32, #tpu.memory_space<hbm>> -> memref<500x64xf32, #tpu.memory_space<hbm>>
        tpu.wait_dma2 semaphore(%run_scoped3A_28 : memref<!tpu.dma_semaphore, #tpu.memory_space<semaphore_mem>>) src(%dma_wait3A_34 : memref<500x64xf32, #tpu.memory_space<hbm>>) dst(%arg7 : memref<500x64xf32, #tpu.memory_space<vmem>>)
        tpu.yield
      }) : () -> ()
      %run_scoped3A = arith.constant 0 : i32
      "tpu.region"() ({
        %run_scoped3A_28 = tpu.sem_alloc : memref<!tpu.dma_semaphore, #tpu.memory_space<semaphore_mem>>
        %dma_start3A = arith.constant 0 : i32
        %dma_start3A_29 = arith.constant 0 : i32
        %dma_start3A_30 = tpu.memref_slice %arg7[%dma_start3A, %dma_start3A_29] : memref<500x64xf32, #tpu.memory_space<vmem>> -> memref<125x64xf32, #tpu.memory_space<vmem>>
        %dma_start3A_31 = arith.constant 0 : i32
        %dma_start3A_32 = tpu.memref_slice %arg6[%run_scoped3A, %dma_start3A_31] : memref<4x125xi32, #tpu.memory_space<vmem>> -> memref<1x125xi32, #tpu.memory_space<vmem>>
        %dma_start3A_33 = tpu.memref_squeeze %dma_start3A_32 : memref<1x125xi32, #tpu.memory_space<vmem>> -> memref<125xi32, #tpu.memory_space<vmem>>
        %dma_start3A_34 = arith.constant 0 : i32
        %dma_start3A_35 = arith.constant 0 : i32
        %dma_start3A_36 = tpu.memref_slice %arg8[%dma_start3A_34, %dma_start3A_35] : memref<10240x64xf32, #tpu.memory_space<vmem_shared>> -> memref<10240x64xf32, #tpu.memory_space<vmem_shared>>
        tpu.enqueue_indirect_dma source(%dma_start3A_30 : memref<125x64xf32, #tpu.memory_space<vmem>>) target(%dma_start3A_36 : memref<10240x64xf32, #tpu.memory_space<vmem_shared>>) offsets(%dma_start3A_33 : memref<125xi32, #tpu.memory_space<vmem>>) semaphore(%run_scoped3A_28 : memref<!tpu.dma_semaphore, #tpu.memory_space<semaphore_mem>>) {add = true}
        %dma_wait3A = arith.constant 0 : i32
        %dma_wait3A_37 = arith.constant 0 : i32
        %dma_wait3A_38 = tpu.memref_slice %arg7[%dma_wait3A, %dma_wait3A_37] : memref<500x64xf32, #tpu.memory_space<vmem>> -> memref<125x64xf32, #tpu.memory_space<vmem>>
        %dma_wait3A_39 = arith.constant 0 : i32
        %dma_wait3A_40 = tpu.memref_slice %arg6[%run_scoped3A, %dma_wait3A_39] : memref<4x125xi32, #tpu.memory_space<vmem>> -> memref<1x125xi32, #tpu.memory_space<vmem>>
        %dma_wait3A_41 = tpu.memref_squeeze %dma_wait3A_40 : memref<1x125xi32, #tpu.memory_space<vmem>> -> memref<125xi32, #tpu.memory_space<vmem>>
        %dma_wait3A_42 = arith.constant 0 : i32
        %dma_wait3A_43 = arith.constant 0 : i32
        %dma_wait3A_44 = tpu.memref_slice %arg8[%dma_wait3A_42, %dma_wait3A_43] : memref<10240x64xf32, #tpu.memory_space<vmem_shared>> -> memref<10240x64xf32, #tpu.memory_space<vmem_shared>>
        tpu.wait_indirect_dma semaphore(%run_scoped3A_28 : memref<!tpu.dma_semaphore, #tpu.memory_space<semaphore_mem>>) src(%dma_wait3A_38 : memref<125x64xf32, #tpu.memory_space<vmem>>) dst(%dma_wait3A_44 : memref<10240x64xf32, #tpu.memory_space<vmem_shared>>)
        tpu.yield
      }) : () -> ()
      %run_scoped3A_25 = arith.constant 1 : i32
      "tpu.region"() ({
        %run_scoped3A_28 = tpu.sem_alloc : memref<!tpu.dma_semaphore, #tpu.memory_space<semaphore_mem>>
        %dma_start3A = arith.constant 125 : i32
        %dma_start3A_29 = arith.constant 0 : i32
        %dma_start3A_30 = tpu.memref_slice %arg7[%dma_start3A, %dma_start3A_29] : memref<500x64xf32, #tpu.memory_space<vmem>> -> memref<125x64xf32, #tpu.memory_space<vmem>>
        %dma_start3A_31 = arith.constant 0 : i32
        %dma_start3A_32 = tpu.memref_slice %arg6[%run_scoped3A_25, %dma_start3A_31] : memref<4x125xi32, #tpu.memory_space<vmem>> -> memref<1x125xi32, #tpu.memory_space<vmem>>
        %dma_start3A_33 = tpu.memref_squeeze %dma_start3A_32 : memref<1x125xi32, #tpu.memory_space<vmem>> -> memref<125xi32, #tpu.memory_space<vmem>>
        %dma_start3A_34 = arith.constant 0 : i32
        %dma_start3A_35 = arith.constant 0 : i32
        %dma_start3A_36 = tpu.memref_slice %arg8[%dma_start3A_34, %dma_start3A_35] : memref<10240x64xf32, #tpu.memory_space<vmem_shared>> -> memref<10240x64xf32, #tpu.memory_space<vmem_shared>>
        tpu.enqueue_indirect_dma source(%dma_start3A_30 : memref<125x64xf32, #tpu.memory_space<vmem>>) target(%dma_start3A_36 : memref<10240x64xf32, #tpu.memory_space<vmem_shared>>) offsets(%dma_start3A_33 : memref<125xi32, #tpu.memory_space<vmem>>) semaphore(%run_scoped3A_28 : memref<!tpu.dma_semaphore, #tpu.memory_space<semaphore_mem>>) {add = true}
        %dma_wait3A = arith.constant 125 : i32
        %dma_wait3A_37 = arith.constant 0 : i32
        %dma_wait3A_38 = tpu.memref_slice %arg7[%dma_wait3A, %dma_wait3A_37] : memref<500x64xf32, #tpu.memory_space<vmem>> -> memref<125x64xf32, #tpu.memory_space<vmem>>
        %dma_wait3A_39 = arith.constant 0 : i32
        %dma_wait3A_40 = tpu.memref_slice %arg6[%run_scoped3A_25, %dma_wait3A_39] : memref<4x125xi32, #tpu.memory_space<vmem>> -> memref<1x125xi32, #tpu.memory_space<vmem>>
        %dma_wait3A_41 = tpu.memref_squeeze %dma_wait3A_40 : memref<1x125xi32, #tpu.memory_space<vmem>> -> memref<125xi32, #tpu.memory_space<vmem>>
        %dma_wait3A_42 = arith.constant 0 : i32
        %dma_wait3A_43 = arith.constant 0 : i32
        %dma_wait3A_44 = tpu.memref_slice %arg8[%dma_wait3A_42, %dma_wait3A_43] : memref<10240x64xf32, #tpu.memory_space<vmem_shared>> -> memref<10240x64xf32, #tpu.memory_space<vmem_shared>>
        tpu.wait_indirect_dma semaphore(%run_scoped3A_28 : memref<!tpu.dma_semaphore, #tpu.memory_space<semaphore_mem>>) src(%dma_wait3A_38 : memref<125x64xf32, #tpu.memory_space<vmem>>) dst(%dma_wait3A_44 : memref<10240x64xf32, #tpu.memory_space<vmem_shared>>)
        tpu.yield
      }) : () -> ()
      %run_scoped3A_26 = arith.constant 2 : i32
      "tpu.region"() ({
        %run_scoped3A_28 = tpu.sem_alloc : memref<!tpu.dma_semaphore, #tpu.memory_space<semaphore_mem>>
        %dma_start3A = arith.constant 250 : i32
        %dma_start3A_29 = arith.constant 0 : i32
        %dma_start3A_30 = tpu.memref_slice %arg7[%dma_start3A, %dma_start3A_29] : memref<500x64xf32, #tpu.memory_space<vmem>> -> memref<125x64xf32, #tpu.memory_space<vmem>>
        %dma_start3A_31 = arith.constant 0 : i32
        %dma_start3A_32 = tpu.memref_slice %arg6[%run_scoped3A_26, %dma_start3A_31] : memref<4x125xi32, #tpu.memory_space<vmem>> -> memref<1x125xi32, #tpu.memory_space<vmem>>
        %dma_start3A_33 = tpu.memref_squeeze %dma_start3A_32 : memref<1x125xi32, #tpu.memory_space<vmem>> -> memref<125xi32, #tpu.memory_space<vmem>>
        %dma_start3A_34 = arith.constant 0 : i32
        %dma_start3A_35 = arith.constant 0 : i32
        %dma_start3A_36 = tpu.memref_slice %arg8[%dma_start3A_34, %dma_start3A_35] : memref<10240x64xf32, #tpu.memory_space<vmem_shared>> -> memref<10240x64xf32, #tpu.memory_space<vmem_shared>>
        tpu.enqueue_indirect_dma source(%dma_start3A_30 : memref<125x64xf32, #tpu.memory_space<vmem>>) target(%dma_start3A_36 : memref<10240x64xf32, #tpu.memory_space<vmem_shared>>) offsets(%dma_start3A_33 : memref<125xi32, #tpu.memory_space<vmem>>) semaphore(%run_scoped3A_28 : memref<!tpu.dma_semaphore, #tpu.memory_space<semaphore_mem>>) {add = true}
        %dma_wait3A = arith.constant 250 : i32
        %dma_wait3A_37 = arith.constant 0 : i32
        %dma_wait3A_38 = tpu.memref_slice %arg7[%dma_wait3A, %dma_wait3A_37] : memref<500x64xf32, #tpu.memory_space<vmem>> -> memref<125x64xf32, #tpu.memory_space<vmem>>
        %dma_wait3A_39 = arith.constant 0 : i32
        %dma_wait3A_40 = tpu.memref_slice %arg6[%run_scoped3A_26, %dma_wait3A_39] : memref<4x125xi32, #tpu.memory_space<vmem>> -> memref<1x125xi32, #tpu.memory_space<vmem>>
        %dma_wait3A_41 = tpu.memref_squeeze %dma_wait3A_40 : memref<1x125xi32, #tpu.memory_space<vmem>> -> memref<125xi32, #tpu.memory_space<vmem>>
        %dma_wait3A_42 = arith.constant 0 : i32
        %dma_wait3A_43 = arith.constant 0 : i32
        %dma_wait3A_44 = tpu.memref_slice %arg8[%dma_wait3A_42, %dma_wait3A_43] : memref<10240x64xf32, #tpu.memory_space<vmem_shared>> -> memref<10240x64xf32, #tpu.memory_space<vmem_shared>>
        tpu.wait_indirect_dma semaphore(%run_scoped3A_28 : memref<!tpu.dma_semaphore, #tpu.memory_space<semaphore_mem>>) src(%dma_wait3A_38 : memref<125x64xf32, #tpu.memory_space<vmem>>) dst(%dma_wait3A_44 : memref<10240x64xf32, #tpu.memory_space<vmem_shared>>)
        tpu.yield
      }) : () -> ()
      %run_scoped3A_27 = arith.constant 3 : i32
      "tpu.region"() ({
        %run_scoped3A_28 = tpu.sem_alloc : memref<!tpu.dma_semaphore, #tpu.memory_space<semaphore_mem>>
        %dma_start3A = arith.constant 375 : i32
        %dma_start3A_29 = arith.constant 0 : i32
        %dma_start3A_30 = tpu.memref_slice %arg7[%dma_start3A, %dma_start3A_29] : memref<500x64xf32, #tpu.memory_space<vmem>> -> memref<125x64xf32, #tpu.memory_space<vmem>>
        %dma_start3A_31 = arith.constant 0 : i32
        %dma_start3A_32 = tpu.memref_slice %arg6[%run_scoped3A_27, %dma_start3A_31] : memref<4x125xi32, #tpu.memory_space<vmem>> -> memref<1x125xi32, #tpu.memory_space<vmem>>
        %dma_start3A_33 = tpu.memref_squeeze %dma_start3A_32 : memref<1x125xi32, #tpu.memory_space<vmem>> -> memref<125xi32, #tpu.memory_space<vmem>>
        %dma_start3A_34 = arith.constant 0 : i32
        %dma_start3A_35 = arith.constant 0 : i32
        %dma_start3A_36 = tpu.memref_slice %arg8[%dma_start3A_34, %dma_start3A_35] : memref<10240x64xf32, #tpu.memory_space<vmem_shared>> -> memref<10240x64xf32, #tpu.memory_space<vmem_shared>>
        tpu.enqueue_indirect_dma source(%dma_start3A_30 : memref<125x64xf32, #tpu.memory_space<vmem>>) target(%dma_start3A_36 : memref<10240x64xf32, #tpu.memory_space<vmem_shared>>) offsets(%dma_start3A_33 : memref<125xi32, #tpu.memory_space<vmem>>) semaphore(%run_scoped3A_28 : memref<!tpu.dma_semaphore, #tpu.memory_space<semaphore_mem>>) {add = true}
        %dma_wait3A = arith.constant 375 : i32
        %dma_wait3A_37 = arith.constant 0 : i32
        %dma_wait3A_38 = tpu.memref_slice %arg7[%dma_wait3A, %dma_wait3A_37] : memref<500x64xf32, #tpu.memory_space<vmem>> -> memref<125x64xf32, #tpu.memory_space<vmem>>
        %dma_wait3A_39 = arith.constant 0 : i32
        %dma_wait3A_40 = tpu.memref_slice %arg6[%run_scoped3A_27, %dma_wait3A_39] : memref<4x125xi32, #tpu.memory_space<vmem>> -> memref<1x125xi32, #tpu.memory_space<vmem>>
        %dma_wait3A_41 = tpu.memref_squeeze %dma_wait3A_40 : memref<1x125xi32, #tpu.memory_space<vmem>> -> memref<125xi32, #tpu.memory_space<vmem>>
        %dma_wait3A_42 = arith.constant 0 : i32
        %dma_wait3A_43 = arith.constant 0 : i32
        %dma_wait3A_44 = tpu.memref_slice %arg8[%dma_wait3A_42, %dma_wait3A_43] : memref<10240x64xf32, #tpu.memory_space<vmem_shared>> -> memref<10240x64xf32, #tpu.memory_space<vmem_shared>>
        tpu.wait_indirect_dma semaphore(%run_scoped3A_28 : memref<!tpu.dma_semaphore, #tpu.memory_space<semaphore_mem>>) src(%dma_wait3A_38 : memref<125x64xf32, #tpu.memory_space<vmem>>) dst(%dma_wait3A_44 : memref<10240x64xf32, #tpu.memory_space<vmem_shared>>)
        tpu.yield
      }) : () -> ()
    }
    %scan3A_7 = arith.constant 5 : i32
    %barrier3A_8 = arith.constant 0 : index
    tpu.barrier barrier_id(%barrier3A_8)
    %mul3A_9 = arith.constant 10240 : i32
    %mul3A_10 = arith.muli %arg0, %mul3A_9 : i32
    %add3A_11 = arith.addi %mul3A_10, %multiple_of3A : i32
    "tpu.region"() ({
      %run_scoped3A = tpu.sem_alloc : memref<!tpu.dma_semaphore, #tpu.memory_space<semaphore_mem>>
      %dma_start3A = arith.constant 0 : i32
      %dma_start3A_12 = tpu.memref_slice %arg5[%add3A_11, %dma_start3A] : memref<20480x64xf32, #tpu.memory_space<hbm>> -> memref<640x64xf32, #tpu.memory_space<hbm>>
      %dma_start3A_13 = arith.constant 0 : i32
      %dma_start3A_14 = tpu.memref_slice %arg8[%multiple_of3A, %dma_start3A_13] : memref<10240x64xf32, #tpu.memory_space<vmem_shared>> -> memref<640x64xf32, #tpu.memory_space<vmem_shared>>
      tpu.enqueue_dma source(%dma_start3A_14 : memref<640x64xf32, #tpu.memory_space<vmem_shared>>) target(%dma_start3A_12 : memref<640x64xf32, #tpu.memory_space<hbm>>) target_semaphore(%run_scoped3A : memref<!tpu.dma_semaphore, #tpu.memory_space<semaphore_mem>>)
      %dma_wait3A = arith.constant 0 : i32
      %dma_wait3A_15 = tpu.memref_slice %arg5[%add3A_11, %dma_wait3A] : memref<20480x64xf32, #tpu.memory_space<hbm>> -> memref<640x64xf32, #tpu.memory_space<hbm>>
      %dma_wait3A_16 = arith.constant 0 : i32
      %dma_wait3A_17 = tpu.memref_slice %arg8[%multiple_of3A, %dma_wait3A_16] : memref<10240x64xf32, #tpu.memory_space<vmem_shared>> -> memref<640x64xf32, #tpu.memory_space<vmem_shared>>
      tpu.wait_dma2 semaphore(%run_scoped3A : memref<!tpu.dma_semaphore, #tpu.memory_space<semaphore_mem>>) src(%dma_wait3A_17 : memref<640x64xf32, #tpu.memory_space<vmem_shared>>) dst(%dma_wait3A_15 : memref<640x64xf32, #tpu.memory_space<hbm>>)
      tpu.yield
    }) : () -> ()
    return
  }
}

#map = affine_map<(d0, d1) -> (0, 0)>
module attributes {stable_mosaic.version = 14 : i64} {
  func.func @k(%arg0: i32, %arg1: i32, %arg2: memref<80000x128xf32, #tpu.memory_space<hbm>>, %arg3: memref<640x125xi32, #tpu.memory_space<hbm>>, %arg4: memref<10240x64xf32, #tpu.memory_space<hbm>>, %arg5: memref<20480x64xf32, #tpu.memory_space<hbm>>, %arg6: memref<4x125xi32, #tpu.memory_space<vmem>>, %arg7: memref<500x64xf32, #tpu.memory_space<vmem>>, %arg8: memref<10240x64xf32, #tpu.memory_space<vmem_shared>>, %arg9: memref<!tpu.dma_semaphore, #tpu.memory_space<semaphore_mem>>) attributes {dimension_semantics = [#tpu.dimension_semantics<core_parallel>, #tpu.dimension_semantics<subcore_parallel>], iteration_bounds = array<i64: 2, 16>, scalar_prefetch = 0 : i64, scratch_operands = 4 : i64, tpu.core_type = #tpu.core_type<sc_vector_subcore>, window_params = [{transform_indices = #map}, {transform_indices = #map}, {transform_indices = #map}, {transform_indices = #map}]} {
    %mul3A = arith.constant 2 : i32
    %mul3A_0 = arith.muli %arg1, %mul3A : i32
    %add3A = arith.addi %mul3A_0, %arg0 : i32
    %mul3A_1 = arith.constant 640 : i32
    %mul3A_2 = arith.muli %arg1, %mul3A_1 : i32
    %multiple_of3A = tpu.assume_multiple %mul3A_2, 640 : i32
    "tpu.region"() ({
      %run_scoped3A = tpu.sem_alloc : memref<!tpu.dma_semaphore, #tpu.memory_space<semaphore_mem>>
      %dma_start3A = arith.constant 0 : i32
      %dma_start3A_12 = tpu.memref_slice %arg8[%multiple_of3A, %dma_start3A] : memref<10240x64xf32, #tpu.memory_space<vmem_shared>> -> memref<640x64xf32, #tpu.memory_space<vmem_shared>>
      %dma_start3A_13 = arith.constant 0 : i32
      %dma_start3A_14 = tpu.memref_slice %arg4[%multiple_of3A, %dma_start3A_13] : memref<10240x64xf32, #tpu.memory_space<hbm>> -> memref<640x64xf32, #tpu.memory_space<hbm>>
      tpu.enqueue_dma source(%dma_start3A_14 : memref<640x64xf32, #tpu.memory_space<hbm>>) target(%dma_start3A_12 : memref<640x64xf32, #tpu.memory_space<vmem_shared>>) target_semaphore(%run_scoped3A : memref<!tpu.dma_semaphore, #tpu.memory_space<semaphore_mem>>)
      %dma_wait3A = arith.constant 0 : i32
      %dma_wait3A_15 = tpu.memref_slice %arg8[%multiple_of3A, %dma_wait3A] : memref<10240x64xf32, #tpu.memory_space<vmem_shared>> -> memref<640x64xf32, #tpu.memory_space<vmem_shared>>
      %dma_wait3A_16 = arith.constant 0 : i32
      %dma_wait3A_17 = tpu.memref_slice %arg4[%multiple_of3A, %dma_wait3A_16] : memref<10240x64xf32, #tpu.memory_space<hbm>> -> memref<640x64xf32, #tpu.memory_space<hbm>>
      tpu.wait_dma2 semaphore(%run_scoped3A : memref<!tpu.dma_semaphore, #tpu.memory_space<semaphore_mem>>) src(%dma_wait3A_17 : memref<640x64xf32, #tpu.memory_space<hbm>>) dst(%dma_wait3A_15 : memref<640x64xf32, #tpu.memory_space<vmem_shared>>)
      tpu.yield
    }) : () -> ()
    %barrier3A = arith.constant 0 : index
    tpu.barrier barrier_id(%barrier3A)
    %scan3A = arith.constant 0 : i32
    %scan3A_3 = arith.constant 0 : i32
    %scan3A_4 = arith.constant 5 : i32
    %scan3A_5 = arith.addi %scan3A_3, %scan3A_4 : i32
    %scan3A_6 = arith.constant 1 : i32
    scf.for %scan3A_12 = %scan3A_3 to %scan3A_5 step %scan3A_6  : i32 {
      %mul3A_13 = arith.constant 2500 : i32
      %mul3A_14 = arith.muli %add3A, %mul3A_13 : i32
      %mul3A_15 = arith.constant 500 : i32
      %mul3A_16 = arith.muli %scan3A_12, %mul3A_15 : i32
      %add3A_17 = arith.addi %mul3A_14, %mul3A_16 : i32
      %multiple_of3A_18 = tpu.assume_multiple %add3A_17, 500 : i32
      %mul3A_19 = arith.constant 20 : i32
      %mul3A_20 = arith.muli %add3A, %mul3A_19 : i32
      %mul3A_21 = arith.constant 4 : i32
      %mul3A_22 = arith.muli %scan3A_12, %mul3A_21 : i32
      %add3A_23 = arith.addi %mul3A_20, %mul3A_22 : i32
      %multiple_of3A_24 = tpu.assume_multiple %add3A_23, 4 : i32
      "tpu.region"() ({
        %run_scoped3A_28 = tpu.sem_alloc : memref<!tpu.dma_semaphore, #tpu.memory_space<semaphore_mem>>
        %dma_start3A = arith.constant 0 : i32
        %dma_start3A_29 = tpu.memref_slice %arg3[%multiple_of3A_24, %dma_start3A] : memref<640x125xi32, #tpu.memory_space<hbm>> -> memref<4x125xi32, #tpu.memory_space<hbm>>
        %dma_start3A_30 = arith.constant 0 : i32
        %dma_start3A_31 = tpu.memref_slice %arg3[%multiple_of3A_24, %dma_start3A_30] : memref<640x125xi32, #tpu.memory_space<hbm>> -> memref<4x125xi32, #tpu.memory_space<hbm>>
        tpu.enqueue_dma source(%dma_start3A_31 : memref<4x125xi32, #tpu.memory_space<hbm>>) target(%arg6 : memref<4x125xi32, #tpu.memory_space<vmem>>) target_semaphore(%run_scoped3A_28 : memref<!tpu.dma_semaphore, #tpu.memory_space<semaphore_mem>>)
        %dma_wait3A = arith.constant 0 : i32
        %dma_wait3A_32 = tpu.memref_slice %arg3[%multiple_of3A_24, %dma_wait3A] : memref<640x125xi32, #tpu.memory_space<hbm>> -> memref<4x125xi32, #tpu.memory_space<hbm>>
        %dma_wait3A_33 = arith.constant 0 : i32
        %dma_wait3A_34 = tpu.memref_slice %arg3[%multiple_of3A_24, %dma_wait3A_33] : memref<640x125xi32, #tpu.memory_space<hbm>> -> memref<4x125xi32, #tpu.memory_space<hbm>>
        tpu.wait_dma2 semaphore(%run_scoped3A_28 : memref<!tpu.dma_semaphore, #tpu.memory_space<semaphore_mem>>) src(%dma_wait3A_34 : memref<4x125xi32, #tpu.memory_space<hbm>>) dst(%arg6 : memref<4x125xi32, #tpu.memory_space<vmem>>)
        tpu.yield
      }) : () -> ()
      "tpu.region"() ({
        %run_scoped3A_28 = tpu.sem_alloc : memref<!tpu.dma_semaphore, #tpu.memory_space<semaphore_mem>>
        %dma_start3A = arith.constant 0 : i32
        %dma_start3A_29 = tpu.memref_slice %arg2[%multiple_of3A_18, %dma_start3A] : memref<80000x128xf32, #tpu.memory_space<hbm>> -> memref<500x64xf32, #tpu.memory_space<hbm>>
        %dma_start3A_30 = arith.constant 0 : i32
        %dma_start3A_31 = tpu.memref_slice %arg2[%multiple_of3A_18, %dma_start3A_30] : memref<80000x128xf32, #tpu.memory_space<hbm>> -> memref<500x64xf32, #tpu.memory_space<hbm>>
        tpu.enqueue_dma source(%dma_start3A_31 : memref<500x64xf32, #tpu.memory_space<hbm>>) target(%arg7 : memref<500x64xf32, #tpu.memory_space<vmem>>) target_semaphore(%run_scoped3A_28 : memref<!tpu.dma_semaphore, #tpu.memory_space<semaphore_mem>>)
        %dma_wait3A = arith.constant 0 : i32
        %dma_wait3A_32 = tpu.memref_slice %arg2[%multiple_of3A_18, %dma_wait3A] : memref<80000x128xf32, #tpu.memory_space<hbm>> -> memref<500x64xf32, #tpu.memory_space<hbm>>
        %dma_wait3A_33 = arith.constant 0 : i32
        %dma_wait3A_34 = tpu.memref_slice %arg2[%multiple_of3A_18, %dma_wait3A_33] : memref<80000x128xf32, #tpu.memory_space<hbm>> -> memref<500x64xf32, #tpu.memory_space<hbm>>
        tpu.wait_dma2 semaphore(%run_scoped3A_28 : memref<!tpu.dma_semaphore, #tpu.memory_space<semaphore_mem>>) src(%dma_wait3A_34 : memref<500x64xf32, #tpu.memory_space<hbm>>) dst(%arg7 : memref<500x64xf32, #tpu.memory_space<vmem>>)
        tpu.yield
      }) : () -> ()
      %run_scoped3A = arith.constant 0 : i32
      "tpu.region"() ({
        %run_scoped3A_28 = tpu.sem_alloc : memref<!tpu.dma_semaphore, #tpu.memory_space<semaphore_mem>>
        %dma_start3A = arith.constant 0 : i32
        %dma_start3A_29 = arith.constant 0 : i32
        %dma_start3A_30 = tpu.memref_slice %arg7[%dma_start3A, %dma_start3A_29] : memref<500x64xf32, #tpu.memory_space<vmem>> -> memref<125x64xf32, #tpu.memory_space<vmem>>
        %dma_start3A_31 = arith.constant 0 : i32
        %dma_start3A_32 = tpu.memref_slice %arg6[%run_scoped3A, %dma_start3A_31] : memref<4x125xi32, #tpu.memory_space<vmem>> -> memref<1x125xi32, #tpu.memory_space<vmem>>
        %dma_start3A_33 = tpu.memref_squeeze %dma_start3A_32 : memref<1x125xi32, #tpu.memory_space<vmem>> -> memref<125xi32, #tpu.memory_space<vmem>>
        %dma_start3A_34 = arith.constant 0 : i32
        %dma_start3A_35 = arith.constant 0 : i32
        %dma_start3A_36 = tpu.memref_slice %arg8[%dma_start3A_34, %dma_start3A_35] : memref<10240x64xf32, #tpu.memory_space<vmem_shared>> -> memref<10240x64xf32, #tpu.memory_space<vmem_shared>>
        tpu.enqueue_indirect_dma source(%dma_start3A_30 : memref<125x64xf32, #tpu.memory_space<vmem>>) target(%dma_start3A_36 : memref<10240x64xf32, #tpu.memory_space<vmem_shared>>) offsets(%dma_start3A_33 : memref<125xi32, #tpu.memory_space<vmem>>) semaphore(%run_scoped3A_28 : memref<!tpu.dma_semaphore, #tpu.memory_space<semaphore_mem>>) {add = true}
        %dma_wait3A = arith.constant 0 : i32
        %dma_wait3A_37 = arith.constant 0 : i32
        %dma_wait3A_38 = tpu.memref_slice %arg7[%dma_wait3A, %dma_wait3A_37] : memref<500x64xf32, #tpu.memory_space<vmem>> -> memref<125x64xf32, #tpu.memory_space<vmem>>
        %dma_wait3A_39 = arith.constant 0 : i32
        %dma_wait3A_40 = tpu.memref_slice %arg6[%run_scoped3A, %dma_wait3A_39] : memref<4x125xi32, #tpu.memory_space<vmem>> -> memref<1x125xi32, #tpu.memory_space<vmem>>
        %dma_wait3A_41 = tpu.memref_squeeze %dma_wait3A_40 : memref<1x125xi32, #tpu.memory_space<vmem>> -> memref<125xi32, #tpu.memory_space<vmem>>
        %dma_wait3A_42 = arith.constant 0 : i32
        %dma_wait3A_43 = arith.constant 0 : i32
        %dma_wait3A_44 = tpu.memref_slice %arg8[%dma_wait3A_42, %dma_wait3A_43] : memref<10240x64xf32, #tpu.memory_space<vmem_shared>> -> memref<10240x64xf32, #tpu.memory_space<vmem_shared>>
        tpu.wait_indirect_dma semaphore(%run_scoped3A_28 : memref<!tpu.dma_semaphore, #tpu.memory_space<semaphore_mem>>) src(%dma_wait3A_38 : memref<125x64xf32, #tpu.memory_space<vmem>>) dst(%dma_wait3A_44 : memref<10240x64xf32, #tpu.memory_space<vmem_shared>>)
        tpu.yield
      }) : () -> ()
      %run_scoped3A_25 = arith.constant 1 : i32
      "tpu.region"() ({
        %run_scoped3A_28 = tpu.sem_alloc : memref<!tpu.dma_semaphore, #tpu.memory_space<semaphore_mem>>
        %dma_start3A = arith.constant 125 : i32
        %dma_start3A_29 = arith.constant 0 : i32
        %dma_start3A_30 = tpu.memref_slice %arg7[%dma_start3A, %dma_start3A_29] : memref<500x64xf32, #tpu.memory_space<vmem>> -> memref<125x64xf32, #tpu.memory_space<vmem>>
        %dma_start3A_31 = arith.constant 0 : i32
        %dma_start3A_32 = tpu.memref_slice %arg6[%run_scoped3A_25, %dma_start3A_31] : memref<4x125xi32, #tpu.memory_space<vmem>> -> memref<1x125xi32, #tpu.memory_space<vmem>>
        %dma_start3A_33 = tpu.memref_squeeze %dma_start3A_32 : memref<1x125xi32, #tpu.memory_space<vmem>> -> memref<125xi32, #tpu.memory_space<vmem>>
        %dma_start3A_34 = arith.constant 0 : i32
        %dma_start3A_35 = arith.constant 0 : i32
        %dma_start3A_36 = tpu.memref_slice %arg8[%dma_start3A_34, %dma_start3A_35] : memref<10240x64xf32, #tpu.memory_space<vmem_shared>> -> memref<10240x64xf32, #tpu.memory_space<vmem_shared>>
        tpu.enqueue_indirect_dma source(%dma_start3A_30 : memref<125x64xf32, #tpu.memory_space<vmem>>) target(%dma_start3A_36 : memref<10240x64xf32, #tpu.memory_space<vmem_shared>>) offsets(%dma_start3A_33 : memref<125xi32, #tpu.memory_space<vmem>>) semaphore(%run_scoped3A_28 : memref<!tpu.dma_semaphore, #tpu.memory_space<semaphore_mem>>) {add = true}
        %dma_wait3A = arith.constant 125 : i32
        %dma_wait3A_37 = arith.constant 0 : i32
        %dma_wait3A_38 = tpu.memref_slice %arg7[%dma_wait3A, %dma_wait3A_37] : memref<500x64xf32, #tpu.memory_space<vmem>> -> memref<125x64xf32, #tpu.memory_space<vmem>>
        %dma_wait3A_39 = arith.constant 0 : i32
        %dma_wait3A_40 = tpu.memref_slice %arg6[%run_scoped3A_25, %dma_wait3A_39] : memref<4x125xi32, #tpu.memory_space<vmem>> -> memref<1x125xi32, #tpu.memory_space<vmem>>
        %dma_wait3A_41 = tpu.memref_squeeze %dma_wait3A_40 : memref<1x125xi32, #tpu.memory_space<vmem>> -> memref<125xi32, #tpu.memory_space<vmem>>
        %dma_wait3A_42 = arith.constant 0 : i32
        %dma_wait3A_43 = arith.constant 0 : i32
        %dma_wait3A_44 = tpu.memref_slice %arg8[%dma_wait3A_42, %dma_wait3A_43] : memref<10240x64xf32, #tpu.memory_space<vmem_shared>> -> memref<10240x64xf32, #tpu.memory_space<vmem_shared>>
        tpu.wait_indirect_dma semaphore(%run_scoped3A_28 : memref<!tpu.dma_semaphore, #tpu.memory_space<semaphore_mem>>) src(%dma_wait3A_38 : memref<125x64xf32, #tpu.memory_space<vmem>>) dst(%dma_wait3A_44 : memref<10240x64xf32, #tpu.memory_space<vmem_shared>>)
        tpu.yield
      }) : () -> ()
      %run_scoped3A_26 = arith.constant 2 : i32
      "tpu.region"() ({
        %run_scoped3A_28 = tpu.sem_alloc : memref<!tpu.dma_semaphore, #tpu.memory_space<semaphore_mem>>
        %dma_start3A = arith.constant 250 : i32
        %dma_start3A_29 = arith.constant 0 : i32
        %dma_start3A_30 = tpu.memref_slice %arg7[%dma_start3A, %dma_start3A_29] : memref<500x64xf32, #tpu.memory_space<vmem>> -> memref<125x64xf32, #tpu.memory_space<vmem>>
        %dma_start3A_31 = arith.constant 0 : i32
        %dma_start3A_32 = tpu.memref_slice %arg6[%run_scoped3A_26, %dma_start3A_31] : memref<4x125xi32, #tpu.memory_space<vmem>> -> memref<1x125xi32, #tpu.memory_space<vmem>>
        %dma_start3A_33 = tpu.memref_squeeze %dma_start3A_32 : memref<1x125xi32, #tpu.memory_space<vmem>> -> memref<125xi32, #tpu.memory_space<vmem>>
        %dma_start3A_34 = arith.constant 0 : i32
        %dma_start3A_35 = arith.constant 0 : i32
        %dma_start3A_36 = tpu.memref_slice %arg8[%dma_start3A_34, %dma_start3A_35] : memref<10240x64xf32, #tpu.memory_space<vmem_shared>> -> memref<10240x64xf32, #tpu.memory_space<vmem_shared>>
        tpu.enqueue_indirect_dma source(%dma_start3A_30 : memref<125x64xf32, #tpu.memory_space<vmem>>) target(%dma_start3A_36 : memref<10240x64xf32, #tpu.memory_space<vmem_shared>>) offsets(%dma_start3A_33 : memref<125xi32, #tpu.memory_space<vmem>>) semaphore(%run_scoped3A_28 : memref<!tpu.dma_semaphore, #tpu.memory_space<semaphore_mem>>) {add = true}
        %dma_wait3A = arith.constant 250 : i32
        %dma_wait3A_37 = arith.constant 0 : i32
        %dma_wait3A_38 = tpu.memref_slice %arg7[%dma_wait3A, %dma_wait3A_37] : memref<500x64xf32, #tpu.memory_space<vmem>> -> memref<125x64xf32, #tpu.memory_space<vmem>>
        %dma_wait3A_39 = arith.constant 0 : i32
        %dma_wait3A_40 = tpu.memref_slice %arg6[%run_scoped3A_26, %dma_wait3A_39] : memref<4x125xi32, #tpu.memory_space<vmem>> -> memref<1x125xi32, #tpu.memory_space<vmem>>
        %dma_wait3A_41 = tpu.memref_squeeze %dma_wait3A_40 : memref<1x125xi32, #tpu.memory_space<vmem>> -> memref<125xi32, #tpu.memory_space<vmem>>
        %dma_wait3A_42 = arith.constant 0 : i32
        %dma_wait3A_43 = arith.constant 0 : i32
        %dma_wait3A_44 = tpu.memref_slice %arg8[%dma_wait3A_42, %dma_wait3A_43] : memref<10240x64xf32, #tpu.memory_space<vmem_shared>> -> memref<10240x64xf32, #tpu.memory_space<vmem_shared>>
        tpu.wait_indirect_dma semaphore(%run_scoped3A_28 : memref<!tpu.dma_semaphore, #tpu.memory_space<semaphore_mem>>) src(%dma_wait3A_38 : memref<125x64xf32, #tpu.memory_space<vmem>>) dst(%dma_wait3A_44 : memref<10240x64xf32, #tpu.memory_space<vmem_shared>>)
        tpu.yield
      }) : () -> ()
      %run_scoped3A_27 = arith.constant 3 : i32
      "tpu.region"() ({
        %run_scoped3A_28 = tpu.sem_alloc : memref<!tpu.dma_semaphore, #tpu.memory_space<semaphore_mem>>
        %dma_start3A = arith.constant 375 : i32
        %dma_start3A_29 = arith.constant 0 : i32
        %dma_start3A_30 = tpu.memref_slice %arg7[%dma_start3A, %dma_start3A_29] : memref<500x64xf32, #tpu.memory_space<vmem>> -> memref<125x64xf32, #tpu.memory_space<vmem>>
        %dma_start3A_31 = arith.constant 0 : i32
        %dma_start3A_32 = tpu.memref_slice %arg6[%run_scoped3A_27, %dma_start3A_31] : memref<4x125xi32, #tpu.memory_space<vmem>> -> memref<1x125xi32, #tpu.memory_space<vmem>>
        %dma_start3A_33 = tpu.memref_squeeze %dma_start3A_32 : memref<1x125xi32, #tpu.memory_space<vmem>> -> memref<125xi32, #tpu.memory_space<vmem>>
        %dma_start3A_34 = arith.constant 0 : i32
        %dma_start3A_35 = arith.constant 0 : i32
        %dma_start3A_36 = tpu.memref_slice %arg8[%dma_start3A_34, %dma_start3A_35] : memref<10240x64xf32, #tpu.memory_space<vmem_shared>> -> memref<10240x64xf32, #tpu.memory_space<vmem_shared>>
        tpu.enqueue_indirect_dma source(%dma_start3A_30 : memref<125x64xf32, #tpu.memory_space<vmem>>) target(%dma_start3A_36 : memref<10240x64xf32, #tpu.memory_space<vmem_shared>>) offsets(%dma_start3A_33 : memref<125xi32, #tpu.memory_space<vmem>>) semaphore(%run_scoped3A_28 : memref<!tpu.dma_semaphore, #tpu.memory_space<semaphore_mem>>) {add = true}
        %dma_wait3A = arith.constant 375 : i32
        %dma_wait3A_37 = arith.constant 0 : i32
        %dma_wait3A_38 = tpu.memref_slice %arg7[%dma_wait3A, %dma_wait3A_37] : memref<500x64xf32, #tpu.memory_space<vmem>> -> memref<125x64xf32, #tpu.memory_space<vmem>>
        %dma_wait3A_39 = arith.constant 0 : i32
        %dma_wait3A_40 = tpu.memref_slice %arg6[%run_scoped3A_27, %dma_wait3A_39] : memref<4x125xi32, #tpu.memory_space<vmem>> -> memref<1x125xi32, #tpu.memory_space<vmem>>
        %dma_wait3A_41 = tpu.memref_squeeze %dma_wait3A_40 : memref<1x125xi32, #tpu.memory_space<vmem>> -> memref<125xi32, #tpu.memory_space<vmem>>
        %dma_wait3A_42 = arith.constant 0 : i32
        %dma_wait3A_43 = arith.constant 0 : i32
        %dma_wait3A_44 = tpu.memref_slice %arg8[%dma_wait3A_42, %dma_wait3A_43] : memref<10240x64xf32, #tpu.memory_space<vmem_shared>> -> memref<10240x64xf32, #tpu.memory_space<vmem_shared>>
        tpu.wait_indirect_dma semaphore(%run_scoped3A_28 : memref<!tpu.dma_semaphore, #tpu.memory_space<semaphore_mem>>) src(%dma_wait3A_38 : memref<125x64xf32, #tpu.memory_space<vmem>>) dst(%dma_wait3A_44 : memref<10240x64xf32, #tpu.memory_space<vmem_shared>>)
        tpu.yield
      }) : () -> ()
    }
    %scan3A_7 = arith.constant 5 : i32
    %barrier3A_8 = arith.constant 0 : index
    tpu.barrier barrier_id(%barrier3A_8)
    %mul3A_9 = arith.constant 10240 : i32
    %mul3A_10 = arith.muli %arg0, %mul3A_9 : i32
    %add3A_11 = arith.addi %mul3A_10, %multiple_of3A : i32
    "tpu.region"() ({
      %run_scoped3A = tpu.sem_alloc : memref<!tpu.dma_semaphore, #tpu.memory_space<semaphore_mem>>
      %dma_start3A = arith.constant 0 : i32
      %dma_start3A_12 = tpu.memref_slice %arg5[%add3A_11, %dma_start3A] : memref<20480x64xf32, #tpu.memory_space<hbm>> -> memref<640x64xf32, #tpu.memory_space<hbm>>
      %dma_start3A_13 = arith.constant 0 : i32
      %dma_start3A_14 = tpu.memref_slice %arg8[%multiple_of3A, %dma_start3A_13] : memref<10240x64xf32, #tpu.memory_space<vmem_shared>> -> memref<640x64xf32, #tpu.memory_space<vmem_shared>>
      tpu.enqueue_dma source(%dma_start3A_14 : memref<640x64xf32, #tpu.memory_space<vmem_shared>>) target(%dma_start3A_12 : memref<640x64xf32, #tpu.memory_space<hbm>>) target_semaphore(%run_scoped3A : memref<!tpu.dma_semaphore, #tpu.memory_space<semaphore_mem>>)
      %dma_wait3A = arith.constant 0 : i32
      %dma_wait3A_15 = tpu.memref_slice %arg5[%add3A_11, %dma_wait3A] : memref<20480x64xf32, #tpu.memory_space<hbm>> -> memref<640x64xf32, #tpu.memory_space<hbm>>
      %dma_wait3A_16 = arith.constant 0 : i32
      %dma_wait3A_17 = tpu.memref_slice %arg8[%multiple_of3A, %dma_wait3A_16] : memref<10240x64xf32, #tpu.memory_space<vmem_shared>> -> memref<640x64xf32, #tpu.memory_space<vmem_shared>>
      tpu.wait_dma2 semaphore(%run_scoped3A : memref<!tpu.dma_semaphore, #tpu.memory_space<semaphore_mem>>) src(%dma_wait3A_17 : memref<640x64xf32, #tpu.memory_space<vmem_shared>>) dst(%dma_wait3A_15 : memref<640x64xf32, #tpu.memory_space<hbm>>)
      tpu.yield
    }) : () -> ()
    return
  }
}

#map = affine_map<(d0, d1) -> (0, 0)>
module attributes {stable_mosaic.version = 14 : i64} {
  func.func @k(%arg0: i32, %arg1: i32, %arg2: memref<80000x128xf32, #tpu.memory_space<hbm>>, %arg3: memref<640x125xi32, #tpu.memory_space<hbm>>, %arg4: memref<10240x64xf32, #tpu.memory_space<hbm>>, %arg5: memref<20480x64xf32, #tpu.memory_space<hbm>>, %arg6: memref<4x125xi32, #tpu.memory_space<vmem>>, %arg7: memref<500x64xf32, #tpu.memory_space<vmem>>, %arg8: memref<10240x64xf32, #tpu.memory_space<vmem_shared>>, %arg9: memref<!tpu.dma_semaphore, #tpu.memory_space<semaphore_mem>>) attributes {dimension_semantics = [#tpu.dimension_semantics<core_parallel>, #tpu.dimension_semantics<subcore_parallel>], iteration_bounds = array<i64: 2, 16>, scalar_prefetch = 0 : i64, scratch_operands = 4 : i64, tpu.core_type = #tpu.core_type<sc_vector_subcore>, window_params = [{transform_indices = #map}, {transform_indices = #map}, {transform_indices = #map}, {transform_indices = #map}]} {
    %mul3A = arith.constant 2 : i32
    %mul3A_0 = arith.muli %arg1, %mul3A : i32
    %add3A = arith.addi %mul3A_0, %arg0 : i32
    %mul3A_1 = arith.constant 640 : i32
    %mul3A_2 = arith.muli %arg1, %mul3A_1 : i32
    %multiple_of3A = tpu.assume_multiple %mul3A_2, 640 : i32
    "tpu.region"() ({
      %run_scoped3A = tpu.sem_alloc : memref<!tpu.dma_semaphore, #tpu.memory_space<semaphore_mem>>
      %dma_start3A = arith.constant 0 : i32
      %dma_start3A_12 = tpu.memref_slice %arg8[%multiple_of3A, %dma_start3A] : memref<10240x64xf32, #tpu.memory_space<vmem_shared>> -> memref<640x64xf32, #tpu.memory_space<vmem_shared>>
      %dma_start3A_13 = arith.constant 0 : i32
      %dma_start3A_14 = tpu.memref_slice %arg4[%multiple_of3A, %dma_start3A_13] : memref<10240x64xf32, #tpu.memory_space<hbm>> -> memref<640x64xf32, #tpu.memory_space<hbm>>
      tpu.enqueue_dma source(%dma_start3A_14 : memref<640x64xf32, #tpu.memory_space<hbm>>) target(%dma_start3A_12 : memref<640x64xf32, #tpu.memory_space<vmem_shared>>) target_semaphore(%run_scoped3A : memref<!tpu.dma_semaphore, #tpu.memory_space<semaphore_mem>>)
      %dma_wait3A = arith.constant 0 : i32
      %dma_wait3A_15 = tpu.memref_slice %arg8[%multiple_of3A, %dma_wait3A] : memref<10240x64xf32, #tpu.memory_space<vmem_shared>> -> memref<640x64xf32, #tpu.memory_space<vmem_shared>>
      %dma_wait3A_16 = arith.constant 0 : i32
      %dma_wait3A_17 = tpu.memref_slice %arg4[%multiple_of3A, %dma_wait3A_16] : memref<10240x64xf32, #tpu.memory_space<hbm>> -> memref<640x64xf32, #tpu.memory_space<hbm>>
      tpu.wait_dma2 semaphore(%run_scoped3A : memref<!tpu.dma_semaphore, #tpu.memory_space<semaphore_mem>>) src(%dma_wait3A_17 : memref<640x64xf32, #tpu.memory_space<hbm>>) dst(%dma_wait3A_15 : memref<640x64xf32, #tpu.memory_space<vmem_shared>>)
      tpu.yield
    }) : () -> ()
    %barrier3A = arith.constant 0 : index
    tpu.barrier barrier_id(%barrier3A)
    %scan3A = arith.constant 0 : i32
    %scan3A_3 = arith.constant 0 : i32
    %scan3A_4 = arith.constant 5 : i32
    %scan3A_5 = arith.addi %scan3A_3, %scan3A_4 : i32
    %scan3A_6 = arith.constant 1 : i32
    scf.for %scan3A_12 = %scan3A_3 to %scan3A_5 step %scan3A_6  : i32 {
      %mul3A_13 = arith.constant 2500 : i32
      %mul3A_14 = arith.muli %add3A, %mul3A_13 : i32
      %mul3A_15 = arith.constant 500 : i32
      %mul3A_16 = arith.muli %scan3A_12, %mul3A_15 : i32
      %add3A_17 = arith.addi %mul3A_14, %mul3A_16 : i32
      %multiple_of3A_18 = tpu.assume_multiple %add3A_17, 500 : i32
      %mul3A_19 = arith.constant 20 : i32
      %mul3A_20 = arith.muli %add3A, %mul3A_19 : i32
      %mul3A_21 = arith.constant 4 : i32
      %mul3A_22 = arith.muli %scan3A_12, %mul3A_21 : i32
      %add3A_23 = arith.addi %mul3A_20, %mul3A_22 : i32
      %multiple_of3A_24 = tpu.assume_multiple %add3A_23, 4 : i32
      "tpu.region"() ({
        %run_scoped3A_28 = tpu.sem_alloc : memref<!tpu.dma_semaphore, #tpu.memory_space<semaphore_mem>>
        %dma_start3A = arith.constant 0 : i32
        %dma_start3A_29 = tpu.memref_slice %arg3[%multiple_of3A_24, %dma_start3A] : memref<640x125xi32, #tpu.memory_space<hbm>> -> memref<4x125xi32, #tpu.memory_space<hbm>>
        %dma_start3A_30 = arith.constant 0 : i32
        %dma_start3A_31 = tpu.memref_slice %arg3[%multiple_of3A_24, %dma_start3A_30] : memref<640x125xi32, #tpu.memory_space<hbm>> -> memref<4x125xi32, #tpu.memory_space<hbm>>
        tpu.enqueue_dma source(%dma_start3A_31 : memref<4x125xi32, #tpu.memory_space<hbm>>) target(%arg6 : memref<4x125xi32, #tpu.memory_space<vmem>>) target_semaphore(%run_scoped3A_28 : memref<!tpu.dma_semaphore, #tpu.memory_space<semaphore_mem>>)
        %dma_wait3A = arith.constant 0 : i32
        %dma_wait3A_32 = tpu.memref_slice %arg3[%multiple_of3A_24, %dma_wait3A] : memref<640x125xi32, #tpu.memory_space<hbm>> -> memref<4x125xi32, #tpu.memory_space<hbm>>
        %dma_wait3A_33 = arith.constant 0 : i32
        %dma_wait3A_34 = tpu.memref_slice %arg3[%multiple_of3A_24, %dma_wait3A_33] : memref<640x125xi32, #tpu.memory_space<hbm>> -> memref<4x125xi32, #tpu.memory_space<hbm>>
        tpu.wait_dma2 semaphore(%run_scoped3A_28 : memref<!tpu.dma_semaphore, #tpu.memory_space<semaphore_mem>>) src(%dma_wait3A_34 : memref<4x125xi32, #tpu.memory_space<hbm>>) dst(%arg6 : memref<4x125xi32, #tpu.memory_space<vmem>>)
        tpu.yield
      }) : () -> ()
      "tpu.region"() ({
        %run_scoped3A_28 = tpu.sem_alloc : memref<!tpu.dma_semaphore, #tpu.memory_space<semaphore_mem>>
        %dma_start3A = arith.constant 0 : i32
        %dma_start3A_29 = tpu.memref_slice %arg2[%multiple_of3A_18, %dma_start3A] : memref<80000x128xf32, #tpu.memory_space<hbm>> -> memref<500x64xf32, #tpu.memory_space<hbm>>
        %dma_start3A_30 = arith.constant 0 : i32
        %dma_start3A_31 = tpu.memref_slice %arg2[%multiple_of3A_18, %dma_start3A_30] : memref<80000x128xf32, #tpu.memory_space<hbm>> -> memref<500x64xf32, #tpu.memory_space<hbm>>
        tpu.enqueue_dma source(%dma_start3A_31 : memref<500x64xf32, #tpu.memory_space<hbm>>) target(%arg7 : memref<500x64xf32, #tpu.memory_space<vmem>>) target_semaphore(%run_scoped3A_28 : memref<!tpu.dma_semaphore, #tpu.memory_space<semaphore_mem>>)
        %dma_wait3A = arith.constant 0 : i32
        %dma_wait3A_32 = tpu.memref_slice %arg2[%multiple_of3A_18, %dma_wait3A] : memref<80000x128xf32, #tpu.memory_space<hbm>> -> memref<500x64xf32, #tpu.memory_space<hbm>>
        %dma_wait3A_33 = arith.constant 0 : i32
        %dma_wait3A_34 = tpu.memref_slice %arg2[%multiple_of3A_18, %dma_wait3A_33] : memref<80000x128xf32, #tpu.memory_space<hbm>> -> memref<500x64xf32, #tpu.memory_space<hbm>>
        tpu.wait_dma2 semaphore(%run_scoped3A_28 : memref<!tpu.dma_semaphore, #tpu.memory_space<semaphore_mem>>) src(%dma_wait3A_34 : memref<500x64xf32, #tpu.memory_space<hbm>>) dst(%arg7 : memref<500x64xf32, #tpu.memory_space<vmem>>)
        tpu.yield
      }) : () -> ()
      %run_scoped3A = arith.constant 0 : i32
      "tpu.region"() ({
        %run_scoped3A_28 = tpu.sem_alloc : memref<!tpu.dma_semaphore, #tpu.memory_space<semaphore_mem>>
        %dma_start3A = arith.constant 0 : i32
        %dma_start3A_29 = arith.constant 0 : i32
        %dma_start3A_30 = tpu.memref_slice %arg7[%dma_start3A, %dma_start3A_29] : memref<500x64xf32, #tpu.memory_space<vmem>> -> memref<125x64xf32, #tpu.memory_space<vmem>>
        %dma_start3A_31 = arith.constant 0 : i32
        %dma_start3A_32 = tpu.memref_slice %arg6[%run_scoped3A, %dma_start3A_31] : memref<4x125xi32, #tpu.memory_space<vmem>> -> memref<1x125xi32, #tpu.memory_space<vmem>>
        %dma_start3A_33 = tpu.memref_squeeze %dma_start3A_32 : memref<1x125xi32, #tpu.memory_space<vmem>> -> memref<125xi32, #tpu.memory_space<vmem>>
        %dma_start3A_34 = arith.constant 0 : i32
        %dma_start3A_35 = arith.constant 0 : i32
        %dma_start3A_36 = tpu.memref_slice %arg8[%dma_start3A_34, %dma_start3A_35] : memref<10240x64xf32, #tpu.memory_space<vmem_shared>> -> memref<10240x64xf32, #tpu.memory_space<vmem_shared>>
        tpu.enqueue_indirect_dma source(%dma_start3A_30 : memref<125x64xf32, #tpu.memory_space<vmem>>) target(%dma_start3A_36 : memref<10240x64xf32, #tpu.memory_space<vmem_shared>>) offsets(%dma_start3A_33 : memref<125xi32, #tpu.memory_space<vmem>>) semaphore(%run_scoped3A_28 : memref<!tpu.dma_semaphore, #tpu.memory_space<semaphore_mem>>) {add = true}
        %dma_wait3A = arith.constant 0 : i32
        %dma_wait3A_37 = arith.constant 0 : i32
        %dma_wait3A_38 = tpu.memref_slice %arg7[%dma_wait3A, %dma_wait3A_37] : memref<500x64xf32, #tpu.memory_space<vmem>> -> memref<125x64xf32, #tpu.memory_space<vmem>>
        %dma_wait3A_39 = arith.constant 0 : i32
        %dma_wait3A_40 = tpu.memref_slice %arg6[%run_scoped3A, %dma_wait3A_39] : memref<4x125xi32, #tpu.memory_space<vmem>> -> memref<1x125xi32, #tpu.memory_space<vmem>>
        %dma_wait3A_41 = tpu.memref_squeeze %dma_wait3A_40 : memref<1x125xi32, #tpu.memory_space<vmem>> -> memref<125xi32, #tpu.memory_space<vmem>>
        %dma_wait3A_42 = arith.constant 0 : i32
        %dma_wait3A_43 = arith.constant 0 : i32
        %dma_wait3A_44 = tpu.memref_slice %arg8[%dma_wait3A_42, %dma_wait3A_43] : memref<10240x64xf32, #tpu.memory_space<vmem_shared>> -> memref<10240x64xf32, #tpu.memory_space<vmem_shared>>
        tpu.wait_indirect_dma semaphore(%run_scoped3A_28 : memref<!tpu.dma_semaphore, #tpu.memory_space<semaphore_mem>>) src(%dma_wait3A_38 : memref<125x64xf32, #tpu.memory_space<vmem>>) dst(%dma_wait3A_44 : memref<10240x64xf32, #tpu.memory_space<vmem_shared>>)
        tpu.yield
      }) : () -> ()
      %run_scoped3A_25 = arith.constant 1 : i32
      "tpu.region"() ({
        %run_scoped3A_28 = tpu.sem_alloc : memref<!tpu.dma_semaphore, #tpu.memory_space<semaphore_mem>>
        %dma_start3A = arith.constant 125 : i32
        %dma_start3A_29 = arith.constant 0 : i32
        %dma_start3A_30 = tpu.memref_slice %arg7[%dma_start3A, %dma_start3A_29] : memref<500x64xf32, #tpu.memory_space<vmem>> -> memref<125x64xf32, #tpu.memory_space<vmem>>
        %dma_start3A_31 = arith.constant 0 : i32
        %dma_start3A_32 = tpu.memref_slice %arg6[%run_scoped3A_25, %dma_start3A_31] : memref<4x125xi32, #tpu.memory_space<vmem>> -> memref<1x125xi32, #tpu.memory_space<vmem>>
        %dma_start3A_33 = tpu.memref_squeeze %dma_start3A_32 : memref<1x125xi32, #tpu.memory_space<vmem>> -> memref<125xi32, #tpu.memory_space<vmem>>
        %dma_start3A_34 = arith.constant 0 : i32
        %dma_start3A_35 = arith.constant 0 : i32
        %dma_start3A_36 = tpu.memref_slice %arg8[%dma_start3A_34, %dma_start3A_35] : memref<10240x64xf32, #tpu.memory_space<vmem_shared>> -> memref<10240x64xf32, #tpu.memory_space<vmem_shared>>
        tpu.enqueue_indirect_dma source(%dma_start3A_30 : memref<125x64xf32, #tpu.memory_space<vmem>>) target(%dma_start3A_36 : memref<10240x64xf32, #tpu.memory_space<vmem_shared>>) offsets(%dma_start3A_33 : memref<125xi32, #tpu.memory_space<vmem>>) semaphore(%run_scoped3A_28 : memref<!tpu.dma_semaphore, #tpu.memory_space<semaphore_mem>>) {add = true}
        %dma_wait3A = arith.constant 125 : i32
        %dma_wait3A_37 = arith.constant 0 : i32
        %dma_wait3A_38 = tpu.memref_slice %arg7[%dma_wait3A, %dma_wait3A_37] : memref<500x64xf32, #tpu.memory_space<vmem>> -> memref<125x64xf32, #tpu.memory_space<vmem>>
        %dma_wait3A_39 = arith.constant 0 : i32
        %dma_wait3A_40 = tpu.memref_slice %arg6[%run_scoped3A_25, %dma_wait3A_39] : memref<4x125xi32, #tpu.memory_space<vmem>> -> memref<1x125xi32, #tpu.memory_space<vmem>>
        %dma_wait3A_41 = tpu.memref_squeeze %dma_wait3A_40 : memref<1x125xi32, #tpu.memory_space<vmem>> -> memref<125xi32, #tpu.memory_space<vmem>>
        %dma_wait3A_42 = arith.constant 0 : i32
        %dma_wait3A_43 = arith.constant 0 : i32
        %dma_wait3A_44 = tpu.memref_slice %arg8[%dma_wait3A_42, %dma_wait3A_43] : memref<10240x64xf32, #tpu.memory_space<vmem_shared>> -> memref<10240x64xf32, #tpu.memory_space<vmem_shared>>
        tpu.wait_indirect_dma semaphore(%run_scoped3A_28 : memref<!tpu.dma_semaphore, #tpu.memory_space<semaphore_mem>>) src(%dma_wait3A_38 : memref<125x64xf32, #tpu.memory_space<vmem>>) dst(%dma_wait3A_44 : memref<10240x64xf32, #tpu.memory_space<vmem_shared>>)
        tpu.yield
      }) : () -> ()
      %run_scoped3A_26 = arith.constant 2 : i32
      "tpu.region"() ({
        %run_scoped3A_28 = tpu.sem_alloc : memref<!tpu.dma_semaphore, #tpu.memory_space<semaphore_mem>>
        %dma_start3A = arith.constant 250 : i32
        %dma_start3A_29 = arith.constant 0 : i32
        %dma_start3A_30 = tpu.memref_slice %arg7[%dma_start3A, %dma_start3A_29] : memref<500x64xf32, #tpu.memory_space<vmem>> -> memref<125x64xf32, #tpu.memory_space<vmem>>
        %dma_start3A_31 = arith.constant 0 : i32
        %dma_start3A_32 = tpu.memref_slice %arg6[%run_scoped3A_26, %dma_start3A_31] : memref<4x125xi32, #tpu.memory_space<vmem>> -> memref<1x125xi32, #tpu.memory_space<vmem>>
        %dma_start3A_33 = tpu.memref_squeeze %dma_start3A_32 : memref<1x125xi32, #tpu.memory_space<vmem>> -> memref<125xi32, #tpu.memory_space<vmem>>
        %dma_start3A_34 = arith.constant 0 : i32
        %dma_start3A_35 = arith.constant 0 : i32
        %dma_start3A_36 = tpu.memref_slice %arg8[%dma_start3A_34, %dma_start3A_35] : memref<10240x64xf32, #tpu.memory_space<vmem_shared>> -> memref<10240x64xf32, #tpu.memory_space<vmem_shared>>
        tpu.enqueue_indirect_dma source(%dma_start3A_30 : memref<125x64xf32, #tpu.memory_space<vmem>>) target(%dma_start3A_36 : memref<10240x64xf32, #tpu.memory_space<vmem_shared>>) offsets(%dma_start3A_33 : memref<125xi32, #tpu.memory_space<vmem>>) semaphore(%run_scoped3A_28 : memref<!tpu.dma_semaphore, #tpu.memory_space<semaphore_mem>>) {add = true}
        %dma_wait3A = arith.constant 250 : i32
        %dma_wait3A_37 = arith.constant 0 : i32
        %dma_wait3A_38 = tpu.memref_slice %arg7[%dma_wait3A, %dma_wait3A_37] : memref<500x64xf32, #tpu.memory_space<vmem>> -> memref<125x64xf32, #tpu.memory_space<vmem>>
        %dma_wait3A_39 = arith.constant 0 : i32
        %dma_wait3A_40 = tpu.memref_slice %arg6[%run_scoped3A_26, %dma_wait3A_39] : memref<4x125xi32, #tpu.memory_space<vmem>> -> memref<1x125xi32, #tpu.memory_space<vmem>>
        %dma_wait3A_41 = tpu.memref_squeeze %dma_wait3A_40 : memref<1x125xi32, #tpu.memory_space<vmem>> -> memref<125xi32, #tpu.memory_space<vmem>>
        %dma_wait3A_42 = arith.constant 0 : i32
        %dma_wait3A_43 = arith.constant 0 : i32
        %dma_wait3A_44 = tpu.memref_slice %arg8[%dma_wait3A_42, %dma_wait3A_43] : memref<10240x64xf32, #tpu.memory_space<vmem_shared>> -> memref<10240x64xf32, #tpu.memory_space<vmem_shared>>
        tpu.wait_indirect_dma semaphore(%run_scoped3A_28 : memref<!tpu.dma_semaphore, #tpu.memory_space<semaphore_mem>>) src(%dma_wait3A_38 : memref<125x64xf32, #tpu.memory_space<vmem>>) dst(%dma_wait3A_44 : memref<10240x64xf32, #tpu.memory_space<vmem_shared>>)
        tpu.yield
      }) : () -> ()
      %run_scoped3A_27 = arith.constant 3 : i32
      "tpu.region"() ({
        %run_scoped3A_28 = tpu.sem_alloc : memref<!tpu.dma_semaphore, #tpu.memory_space<semaphore_mem>>
        %dma_start3A = arith.constant 375 : i32
        %dma_start3A_29 = arith.constant 0 : i32
        %dma_start3A_30 = tpu.memref_slice %arg7[%dma_start3A, %dma_start3A_29] : memref<500x64xf32, #tpu.memory_space<vmem>> -> memref<125x64xf32, #tpu.memory_space<vmem>>
        %dma_start3A_31 = arith.constant 0 : i32
        %dma_start3A_32 = tpu.memref_slice %arg6[%run_scoped3A_27, %dma_start3A_31] : memref<4x125xi32, #tpu.memory_space<vmem>> -> memref<1x125xi32, #tpu.memory_space<vmem>>
        %dma_start3A_33 = tpu.memref_squeeze %dma_start3A_32 : memref<1x125xi32, #tpu.memory_space<vmem>> -> memref<125xi32, #tpu.memory_space<vmem>>
        %dma_start3A_34 = arith.constant 0 : i32
        %dma_start3A_35 = arith.constant 0 : i32
        %dma_start3A_36 = tpu.memref_slice %arg8[%dma_start3A_34, %dma_start3A_35] : memref<10240x64xf32, #tpu.memory_space<vmem_shared>> -> memref<10240x64xf32, #tpu.memory_space<vmem_shared>>
        tpu.enqueue_indirect_dma source(%dma_start3A_30 : memref<125x64xf32, #tpu.memory_space<vmem>>) target(%dma_start3A_36 : memref<10240x64xf32, #tpu.memory_space<vmem_shared>>) offsets(%dma_start3A_33 : memref<125xi32, #tpu.memory_space<vmem>>) semaphore(%run_scoped3A_28 : memref<!tpu.dma_semaphore, #tpu.memory_space<semaphore_mem>>) {add = true}
        %dma_wait3A = arith.constant 375 : i32
        %dma_wait3A_37 = arith.constant 0 : i32
        %dma_wait3A_38 = tpu.memref_slice %arg7[%dma_wait3A, %dma_wait3A_37] : memref<500x64xf32, #tpu.memory_space<vmem>> -> memref<125x64xf32, #tpu.memory_space<vmem>>
        %dma_wait3A_39 = arith.constant 0 : i32
        %dma_wait3A_40 = tpu.memref_slice %arg6[%run_scoped3A_27, %dma_wait3A_39] : memref<4x125xi32, #tpu.memory_space<vmem>> -> memref<1x125xi32, #tpu.memory_space<vmem>>
        %dma_wait3A_41 = tpu.memref_squeeze %dma_wait3A_40 : memref<1x125xi32, #tpu.memory_space<vmem>> -> memref<125xi32, #tpu.memory_space<vmem>>
        %dma_wait3A_42 = arith.constant 0 : i32
        %dma_wait3A_43 = arith.constant 0 : i32
        %dma_wait3A_44 = tpu.memref_slice %arg8[%dma_wait3A_42, %dma_wait3A_43] : memref<10240x64xf32, #tpu.memory_space<vmem_shared>> -> memref<10240x64xf32, #tpu.memory_space<vmem_shared>>
        tpu.wait_indirect_dma semaphore(%run_scoped3A_28 : memref<!tpu.dma_semaphore, #tpu.memory_space<semaphore_mem>>) src(%dma_wait3A_38 : memref<125x64xf32, #tpu.memory_space<vmem>>) dst(%dma_wait3A_44 : memref<10240x64xf32, #tpu.memory_space<vmem_shared>>)
        tpu.yield
      }) : () -> ()
    }
    %scan3A_7 = arith.constant 5 : i32
    %barrier3A_8 = arith.constant 0 : index
    tpu.barrier barrier_id(%barrier3A_8)
    %mul3A_9 = arith.constant 10240 : i32
    %mul3A_10 = arith.muli %arg0, %mul3A_9 : i32
    %add3A_11 = arith.addi %mul3A_10, %multiple_of3A : i32
    "tpu.region"() ({
      %run_scoped3A = tpu.sem_alloc : memref<!tpu.dma_semaphore, #tpu.memory_space<semaphore_mem>>
      %dma_start3A = arith.constant 0 : i32
      %dma_start3A_12 = tpu.memref_slice %arg5[%add3A_11, %dma_start3A] : memref<20480x64xf32, #tpu.memory_space<hbm>> -> memref<640x64xf32, #tpu.memory_space<hbm>>
      %dma_start3A_13 = arith.constant 0 : i32
      %dma_start3A_14 = tpu.memref_slice %arg8[%multiple_of3A, %dma_start3A_13] : memref<10240x64xf32, #tpu.memory_space<vmem_shared>> -> memref<640x64xf32, #tpu.memory_space<vmem_shared>>
      tpu.enqueue_dma source(%dma_start3A_14 : memref<640x64xf32, #tpu.memory_space<vmem_shared>>) target(%dma_start3A_12 : memref<640x64xf32, #tpu.memory_space<hbm>>) target_semaphore(%run_scoped3A : memref<!tpu.dma_semaphore, #tpu.memory_space<semaphore_mem>>)
      %dma_wait3A = arith.constant 0 : i32
      %dma_wait3A_15 = tpu.memref_slice %arg5[%add3A_11, %dma_wait3A] : memref<20480x64xf32, #tpu.memory_space<hbm>> -> memref<640x64xf32, #tpu.memory_space<hbm>>
      %dma_wait3A_16 = arith.constant 0 : i32
      %dma_wait3A_17 = tpu.memref_slice %arg8[%multiple_of3A, %dma_wait3A_16] : memref<10240x64xf32, #tpu.memory_space<vmem_shared>> -> memref<640x64xf32, #tpu.memory_space<vmem_shared>>
      tpu.wait_dma2 semaphore(%run_scoped3A : memref<!tpu.dma_semaphore, #tpu.memory_space<semaphore_mem>>) src(%dma_wait3A_17 : memref<640x64xf32, #tpu.memory_space<vmem_shared>>) dst(%dma_wait3A_15 : memref<640x64xf32, #tpu.memory_space<hbm>>)
      tpu.yield
    }) : () -> ()
    return
  }
}

module attributes {stable_mosaic.version = 14 : i64} {
  func.func @body(%arg0: i32, %arg1: memref<3200x128xf32, #tpu.memory_space<vmem>>, %arg2: memref<50x3200xf32, #tpu.memory_space<vmem>>, %arg3: memref<128x1024xbf16, #tpu.memory_space<vmem>>, %arg4: memref<50x1024xbf16, #tpu.memory_space<vmem>>, %arg5: memref<1024x512xbf16, #tpu.memory_space<vmem>>, %arg6: memref<1x512xbf16, #tpu.memory_space<vmem>>, %arg7: memref<512x128xbf16, #tpu.memory_space<vmem>>, %arg8: memref<1x128xbf16, #tpu.memory_space<vmem>>, %arg9: memref<128x128xbf16, #tpu.memory_space<vmem>>, %arg10: memref<1x128xf32, #tpu.memory_space<vmem>>, %arg11: memref<3200x128xf32, #tpu.memory_space<vmem>>) attributes {dimension_semantics = [#tpu.dimension_semantics<arbitrary>], iteration_bounds = array<i64: 25>, scalar_prefetch = 0 : i64, scratch_operands = 0 : i64, tpu.core_type = #tpu.core_type<tc>, window_params = [{transform_indices = @transform_0, window_bounds = array<i64: 3200, 128>}, {transform_indices = @transform_1, window_bounds = array<i64: 50, 3200>}, {pipeline_mode = #tpu.pipeline_mode<synchronous>, transform_indices = @transform_2, window_bounds = array<i64: 128, 1024>}, {pipeline_mode = #tpu.pipeline_mode<synchronous>, transform_indices = @transform_3, window_bounds = array<i64: 50, 1024>}, {pipeline_mode = #tpu.pipeline_mode<synchronous>, transform_indices = @transform_4, window_bounds = array<i64: 1024, 512>}, {pipeline_mode = #tpu.pipeline_mode<synchronous>, transform_indices = @transform_5, window_bounds = array<i64: 1, 512>}, {pipeline_mode = #tpu.pipeline_mode<synchronous>, transform_indices = @transform_6, window_bounds = array<i64: 512, 128>}, {pipeline_mode = #tpu.pipeline_mode<synchronous>, transform_indices = @transform_7, window_bounds = array<i64: 1, 128>}, {pipeline_mode = #tpu.pipeline_mode<synchronous>, transform_indices = @transform_8, window_bounds = array<i64: 128, 128>}, {pipeline_mode = #tpu.pipeline_mode<synchronous>, transform_indices = @transform_9, window_bounds = array<i64: 1, 128>}, {transform_indices = @transform_10, window_bounds = array<i64: 3200, 128>}]} {
    %get3A = arith.constant 0 : index
    %get3A_0 = arith.constant 0 : index
    %get3A_1 = vector.load %arg1[%get3A, %get3A_0] : memref<3200x128xf32, #tpu.memory_space<vmem>>, vector<3200x128xf32>
    %convert_element_type3A = arith.truncf %get3A_1 : vector<3200x128xf32> to vector<3200x128xbf16>
    %get3A_2 = arith.constant 0 : index
    %get3A_3 = arith.constant 0 : index
    %get3A_4 = vector.load %arg2[%get3A_2, %get3A_3] : memref<50x3200xf32, #tpu.memory_space<vmem>>, vector<50x3200xf32>
    %convert_element_type3A_5 = arith.truncf %get3A_4 : vector<50x3200xf32> to vector<50x3200xbf16>
    %get3A_6 = arith.constant 0 : index
    %get3A_7 = arith.constant 0 : index
    %get3A_8 = vector.load %arg3[%get3A_6, %get3A_7] : memref<128x1024xbf16, #tpu.memory_space<vmem>>, vector<128x1024xbf16>
    %dot_general3A = arith.constant dense<0.000000e+00> : vector<3200x1024xf32>
    %dot_general3A_9 = tpu.matmul %convert_element_type3A, %get3A_8, %dot_general3A {dimension_numbers = #tpu.dot_dimension_numbers<[1], [0], [0], [1], [0, 0, 1, 1], [], []>, transpose_lhs_hint = false} : vector<3200x128xbf16>, vector<128x1024xbf16>, vector<3200x1024xf32> -> vector<3200x1024xf32>
    %get3A_10 = arith.constant 0 : index
    %get3A_11 = arith.constant 0 : index
    %get3A_12 = vector.load %arg4[%get3A_10, %get3A_11] : memref<50x1024xbf16, #tpu.memory_space<vmem>>, vector<50x1024xbf16>
    %dot_general3A_13 = arith.constant dense<0.000000e+00> : vector<3200x1024xf32>
    %dot_general3A_14 = tpu.matmul %convert_element_type3A_5, %get3A_12, %dot_general3A_13 {dimension_numbers = #tpu.dot_dimension_numbers<[0], [0], [1], [1], [0, 1, 1, 1], [], []>, transpose_lhs_hint = false} : vector<50x3200xbf16>, vector<50x1024xbf16>, vector<3200x1024xf32> -> vector<3200x1024xf32>
    %add3A = arith.addf %dot_general3A_9, %dot_general3A_14 : vector<3200x1024xf32>
    %max3A = arith.constant 0.000000e+00 : f32
    %max3A_15 = vector.broadcast %max3A : f32 to vector<3200x1024xf32>
    %max3A_16 = arith.maximumf %add3A, %max3A_15 : vector<3200x1024xf32>
    %convert_element_type3A_17 = arith.truncf %max3A_16 : vector<3200x1024xf32> to vector<3200x1024xbf16>
    %get3A_18 = arith.constant 0 : index
    %get3A_19 = arith.constant 0 : index
    %get3A_20 = vector.load %arg5[%get3A_18, %get3A_19] : memref<1024x512xbf16, #tpu.memory_space<vmem>>, vector<1024x512xbf16>
    %dot_general3A_21 = arith.constant dense<0.000000e+00> : vector<3200x512xf32>
    %dot_general3A_22 = tpu.matmul %convert_element_type3A_17, %get3A_20, %dot_general3A_21 {dimension_numbers = #tpu.dot_dimension_numbers<[1], [0], [0], [1], [0, 0, 1, 1], [], []>, transpose_lhs_hint = false} : vector<3200x1024xbf16>, vector<1024x512xbf16>, vector<3200x512xf32> -> vector<3200x512xf32>
    %get3A_23 = arith.constant 0 : index
    %get3A_24 = arith.constant 0 : index
    %get3A_25 = vector.load %arg6[%get3A_23, %get3A_24] : memref<1x512xbf16, #tpu.memory_space<vmem>>, vector<1x512xbf16>
    %convert_element_type3A_26 = arith.extf %get3A_25 : vector<1x512xbf16> to vector<1x512xf32>
    %add3A_27 = vector.broadcast %convert_element_type3A_26 : vector<1x512xf32> to vector<3200x512xf32>
    %add3A_28 = arith.addf %dot_general3A_22, %add3A_27 : vector<3200x512xf32>
    %max3A_29 = arith.constant 0.000000e+00 : f32
    %max3A_30 = vector.broadcast %max3A_29 : f32 to vector<3200x512xf32>
    %max3A_31 = arith.maximumf %add3A_28, %max3A_30 : vector<3200x512xf32>
    %convert_element_type3A_32 = arith.truncf %max3A_31 : vector<3200x512xf32> to vector<3200x512xbf16>
    %get3A_33 = arith.constant 0 : index
    %get3A_34 = arith.constant 0 : index
    %get3A_35 = vector.load %arg7[%get3A_33, %get3A_34] : memref<512x128xbf16, #tpu.memory_space<vmem>>, vector<512x128xbf16>
    %dot_general3A_36 = arith.constant dense<0.000000e+00> : vector<3200x128xf32>
    %dot_general3A_37 = tpu.matmul %convert_element_type3A_32, %get3A_35, %dot_general3A_36 {dimension_numbers = #tpu.dot_dimension_numbers<[1], [0], [0], [1], [0, 0, 1, 1], [], []>, transpose_lhs_hint = false} : vector<3200x512xbf16>, vector<512x128xbf16>, vector<3200x128xf32> -> vector<3200x128xf32>
    %get3A_38 = arith.constant 0 : index
    %get3A_39 = arith.constant 0 : index
    %get3A_40 = vector.load %arg8[%get3A_38, %get3A_39] : memref<1x128xbf16, #tpu.memory_space<vmem>>, vector<1x128xbf16>
    %convert_element_type3A_41 = arith.extf %get3A_40 : vector<1x128xbf16> to vector<1x128xf32>
    %add3A_42 = vector.broadcast %convert_element_type3A_41 : vector<1x128xf32> to vector<3200x128xf32>
    %add3A_43 = arith.addf %dot_general3A_37, %add3A_42 : vector<3200x128xf32>
    %max3A_44 = arith.constant 0.000000e+00 : f32
    %max3A_45 = vector.broadcast %max3A_44 : f32 to vector<3200x128xf32>
    %max3A_46 = arith.maximumf %add3A_43, %max3A_45 : vector<3200x128xf32>
    %convert_element_type3A_47 = arith.truncf %max3A_46 : vector<3200x128xf32> to vector<3200x128xbf16>
    %get3A_48 = arith.constant 0 : index
    %get3A_49 = arith.constant 0 : index
    %get3A_50 = vector.load %arg9[%get3A_48, %get3A_49] : memref<128x128xbf16, #tpu.memory_space<vmem>>, vector<128x128xbf16>
    %dot_general3A_51 = arith.constant dense<0.000000e+00> : vector<3200x128xf32>
    %dot_general3A_52 = tpu.matmul %convert_element_type3A_47, %get3A_50, %dot_general3A_51 {dimension_numbers = #tpu.dot_dimension_numbers<[1], [0], [0], [1], [0, 0, 1, 1], [], []>, transpose_lhs_hint = false} : vector<3200x128xbf16>, vector<128x128xbf16>, vector<3200x128xf32> -> vector<3200x128xf32>
    %get3A_53 = arith.constant 0 : index
    %get3A_54 = arith.constant 0 : index
    %get3A_55 = vector.load %arg10[%get3A_53, %get3A_54] : memref<1x128xf32, #tpu.memory_space<vmem>>, vector<1x128xf32>
    %add3A_56 = vector.broadcast %get3A_55 : vector<1x128xf32> to vector<3200x128xf32>
    %add3A_57 = arith.addf %dot_general3A_52, %add3A_56 : vector<3200x128xf32>
    %swap3A = arith.constant 0 : index
    %swap3A_58 = arith.constant 0 : index
    %swap3A_59 = vector.load %arg11[%swap3A, %swap3A_58] : memref<3200x128xf32, #tpu.memory_space<vmem>>, vector<3200x128xf32>
    tpu.vector_store %arg11[%swap3A, %swap3A_58], %add3A_57 {strides = array<i32>} : memref<3200x128xf32, #tpu.memory_space<vmem>>, vector<3200x128xf32>,
    return
  }
  func.func @transform_0(%arg0: i32) -> (i32, i32) {
    %c0_i32 = arith.constant 0 : i32
    %c0_i32_0 = arith.constant 0 : i32
    return %arg0, %c0_i32 : i32, i32
  }
  func.func @transform_1(%arg0: i32) -> (i32, i32) {
    %add3A = arith.constant 25 : i32
    %add3A_0 = arith.addi %arg0, %add3A : i32
    %c0_i32 = arith.constant 0 : i32
    %c0_i32_1 = arith.constant 0 : i32
    return %c0_i32, %add3A_0 : i32, i32
  }
  func.func @transform_2(%arg0: i32) -> (i32, i32) {
    %c0_i32 = arith.constant 0 : i32
    %c0_i32_0 = arith.constant 0 : i32
    %c0_i32_1 = arith.constant 0 : i32
    return %c0_i32, %c0_i32_0 : i32, i32
  }
  func.func @transform_3(%arg0: i32) -> (i32, i32) {
    %c0_i32 = arith.constant 0 : i32
    %c0_i32_0 = arith.constant 0 : i32
    %c0_i32_1 = arith.constant 0 : i32
    return %c0_i32, %c0_i32_0 : i32, i32
  }
  func.func @transform_4(%arg0: i32) -> (i32, i32) {
    %c0_i32 = arith.constant 0 : i32
    %c0_i32_0 = arith.constant 0 : i32
    %c0_i32_1 = arith.constant 0 : i32
    return %c0_i32, %c0_i32_0 : i32, i32
  }
  func.func @transform_5(%arg0: i32) -> (i32, i32) {
    %c0_i32 = arith.constant 0 : i32
    %c0_i32_0 = arith.constant 0 : i32
    %c0_i32_1 = arith.constant 0 : i32
    return %c0_i32, %c0_i32_0 : i32, i32
  }
  func.func @transform_6(%arg0: i32) -> (i32, i32) {
    %c0_i32 = arith.constant 0 : i32
    %c0_i32_0 = arith.constant 0 : i32
    %c0_i32_1 = arith.constant 0 : i32
    return %c0_i32, %c0_i32_0 : i32, i32
  }
  func.func @transform_7(%arg0: i32) -> (i32, i32) {
    %c0_i32 = arith.constant 0 : i32
    %c0_i32_0 = arith.constant 0 : i32
    %c0_i32_1 = arith.constant 0 : i32
    return %c0_i32, %c0_i32_0 : i32, i32
  }
  func.func @transform_8(%arg0: i32) -> (i32, i32) {
    %c0_i32 = arith.constant 0 : i32
    %c0_i32_0 = arith.constant 0 : i32
    %c0_i32_1 = arith.constant 0 : i32
    return %c0_i32, %c0_i32_0 : i32, i32
  }
  func.func @transform_9(%arg0: i32) -> (i32, i32) {
    %c0_i32 = arith.constant 0 : i32
    %c0_i32_0 = arith.constant 0 : i32
    %c0_i32_1 = arith.constant 0 : i32
    return %c0_i32, %c0_i32_0 : i32, i32
  }
  func.func @transform_10(%arg0: i32) -> (i32, i32) {
    %c0_i32 = arith.constant 0 : i32
    %c0_i32_0 = arith.constant 0 : i32
    return %arg0, %c0_i32 : i32, i32
  }
}

module attributes {stable_mosaic.version = 14 : i64} {
  func.func @body(%arg0: i32, %arg1: memref<3200x128xf32, #tpu.memory_space<vmem>>, %arg2: memref<50x3200xf32, #tpu.memory_space<vmem>>, %arg3: memref<128x1024xbf16, #tpu.memory_space<vmem>>, %arg4: memref<50x1024xbf16, #tpu.memory_space<vmem>>, %arg5: memref<1024x512xbf16, #tpu.memory_space<vmem>>, %arg6: memref<1x512xbf16, #tpu.memory_space<vmem>>, %arg7: memref<512x128xbf16, #tpu.memory_space<vmem>>, %arg8: memref<1x128xbf16, #tpu.memory_space<vmem>>, %arg9: memref<128x128xbf16, #tpu.memory_space<vmem>>, %arg10: memref<1x128xf32, #tpu.memory_space<vmem>>, %arg11: memref<3200x128xf32, #tpu.memory_space<vmem>>) attributes {dimension_semantics = [#tpu.dimension_semantics<arbitrary>], iteration_bounds = array<i64: 25>, scalar_prefetch = 0 : i64, scratch_operands = 0 : i64, tpu.core_type = #tpu.core_type<tc>, window_params = [{transform_indices = @transform_0, window_bounds = array<i64: 3200, 128>}, {transform_indices = @transform_1, window_bounds = array<i64: 50, 3200>}, {pipeline_mode = #tpu.pipeline_mode<synchronous>, transform_indices = @transform_2, window_bounds = array<i64: 128, 1024>}, {pipeline_mode = #tpu.pipeline_mode<synchronous>, transform_indices = @transform_3, window_bounds = array<i64: 50, 1024>}, {pipeline_mode = #tpu.pipeline_mode<synchronous>, transform_indices = @transform_4, window_bounds = array<i64: 1024, 512>}, {pipeline_mode = #tpu.pipeline_mode<synchronous>, transform_indices = @transform_5, window_bounds = array<i64: 1, 512>}, {pipeline_mode = #tpu.pipeline_mode<synchronous>, transform_indices = @transform_6, window_bounds = array<i64: 512, 128>}, {pipeline_mode = #tpu.pipeline_mode<synchronous>, transform_indices = @transform_7, window_bounds = array<i64: 1, 128>}, {pipeline_mode = #tpu.pipeline_mode<synchronous>, transform_indices = @transform_8, window_bounds = array<i64: 128, 128>}, {pipeline_mode = #tpu.pipeline_mode<synchronous>, transform_indices = @transform_9, window_bounds = array<i64: 1, 128>}, {transform_indices = @transform_10, window_bounds = array<i64: 3200, 128>}]} {
    %get3A = arith.constant 0 : index
    %get3A_0 = arith.constant 0 : index
    %get3A_1 = vector.load %arg1[%get3A, %get3A_0] : memref<3200x128xf32, #tpu.memory_space<vmem>>, vector<3200x128xf32>
    %convert_element_type3A = arith.truncf %get3A_1 : vector<3200x128xf32> to vector<3200x128xbf16>
    %get3A_2 = arith.constant 0 : index
    %get3A_3 = arith.constant 0 : index
    %get3A_4 = vector.load %arg2[%get3A_2, %get3A_3] : memref<50x3200xf32, #tpu.memory_space<vmem>>, vector<50x3200xf32>
    %convert_element_type3A_5 = arith.truncf %get3A_4 : vector<50x3200xf32> to vector<50x3200xbf16>
    %get3A_6 = arith.constant 0 : index
    %get3A_7 = arith.constant 0 : index
    %get3A_8 = vector.load %arg3[%get3A_6, %get3A_7] : memref<128x1024xbf16, #tpu.memory_space<vmem>>, vector<128x1024xbf16>
    %dot_general3A = arith.constant dense<0.000000e+00> : vector<3200x1024xf32>
    %dot_general3A_9 = tpu.matmul %convert_element_type3A, %get3A_8, %dot_general3A {dimension_numbers = #tpu.dot_dimension_numbers<[1], [0], [0], [1], [0, 0, 1, 1], [], []>, transpose_lhs_hint = false} : vector<3200x128xbf16>, vector<128x1024xbf16>, vector<3200x1024xf32> -> vector<3200x1024xf32>
    %get3A_10 = arith.constant 0 : index
    %get3A_11 = arith.constant 0 : index
    %get3A_12 = vector.load %arg4[%get3A_10, %get3A_11] : memref<50x1024xbf16, #tpu.memory_space<vmem>>, vector<50x1024xbf16>
    %dot_general3A_13 = arith.constant dense<0.000000e+00> : vector<3200x1024xf32>
    %dot_general3A_14 = tpu.matmul %convert_element_type3A_5, %get3A_12, %dot_general3A_13 {dimension_numbers = #tpu.dot_dimension_numbers<[0], [0], [1], [1], [0, 1, 1, 1], [], []>, transpose_lhs_hint = false} : vector<50x3200xbf16>, vector<50x1024xbf16>, vector<3200x1024xf32> -> vector<3200x1024xf32>
    %add3A = arith.addf %dot_general3A_9, %dot_general3A_14 : vector<3200x1024xf32>
    %max3A = arith.constant 0.000000e+00 : f32
    %max3A_15 = vector.broadcast %max3A : f32 to vector<3200x1024xf32>
    %max3A_16 = arith.maximumf %add3A, %max3A_15 : vector<3200x1024xf32>
    %convert_element_type3A_17 = arith.truncf %max3A_16 : vector<3200x1024xf32> to vector<3200x1024xbf16>
    %get3A_18 = arith.constant 0 : index
    %get3A_19 = arith.constant 0 : index
    %get3A_20 = vector.load %arg5[%get3A_18, %get3A_19] : memref<1024x512xbf16, #tpu.memory_space<vmem>>, vector<1024x512xbf16>
    %dot_general3A_21 = arith.constant dense<0.000000e+00> : vector<3200x512xf32>
    %dot_general3A_22 = tpu.matmul %convert_element_type3A_17, %get3A_20, %dot_general3A_21 {dimension_numbers = #tpu.dot_dimension_numbers<[1], [0], [0], [1], [0, 0, 1, 1], [], []>, transpose_lhs_hint = false} : vector<3200x1024xbf16>, vector<1024x512xbf16>, vector<3200x512xf32> -> vector<3200x512xf32>
    %get3A_23 = arith.constant 0 : index
    %get3A_24 = arith.constant 0 : index
    %get3A_25 = vector.load %arg6[%get3A_23, %get3A_24] : memref<1x512xbf16, #tpu.memory_space<vmem>>, vector<1x512xbf16>
    %convert_element_type3A_26 = arith.extf %get3A_25 : vector<1x512xbf16> to vector<1x512xf32>
    %add3A_27 = vector.broadcast %convert_element_type3A_26 : vector<1x512xf32> to vector<3200x512xf32>
    %add3A_28 = arith.addf %dot_general3A_22, %add3A_27 : vector<3200x512xf32>
    %max3A_29 = arith.constant 0.000000e+00 : f32
    %max3A_30 = vector.broadcast %max3A_29 : f32 to vector<3200x512xf32>
    %max3A_31 = arith.maximumf %add3A_28, %max3A_30 : vector<3200x512xf32>
    %convert_element_type3A_32 = arith.truncf %max3A_31 : vector<3200x512xf32> to vector<3200x512xbf16>
    %get3A_33 = arith.constant 0 : index
    %get3A_34 = arith.constant 0 : index
    %get3A_35 = vector.load %arg7[%get3A_33, %get3A_34] : memref<512x128xbf16, #tpu.memory_space<vmem>>, vector<512x128xbf16>
    %dot_general3A_36 = arith.constant dense<0.000000e+00> : vector<3200x128xf32>
    %dot_general3A_37 = tpu.matmul %convert_element_type3A_32, %get3A_35, %dot_general3A_36 {dimension_numbers = #tpu.dot_dimension_numbers<[1], [0], [0], [1], [0, 0, 1, 1], [], []>, transpose_lhs_hint = false} : vector<3200x512xbf16>, vector<512x128xbf16>, vector<3200x128xf32> -> vector<3200x128xf32>
    %get3A_38 = arith.constant 0 : index
    %get3A_39 = arith.constant 0 : index
    %get3A_40 = vector.load %arg8[%get3A_38, %get3A_39] : memref<1x128xbf16, #tpu.memory_space<vmem>>, vector<1x128xbf16>
    %convert_element_type3A_41 = arith.extf %get3A_40 : vector<1x128xbf16> to vector<1x128xf32>
    %add3A_42 = vector.broadcast %convert_element_type3A_41 : vector<1x128xf32> to vector<3200x128xf32>
    %add3A_43 = arith.addf %dot_general3A_37, %add3A_42 : vector<3200x128xf32>
    %max3A_44 = arith.constant 0.000000e+00 : f32
    %max3A_45 = vector.broadcast %max3A_44 : f32 to vector<3200x128xf32>
    %max3A_46 = arith.maximumf %add3A_43, %max3A_45 : vector<3200x128xf32>
    %convert_element_type3A_47 = arith.truncf %max3A_46 : vector<3200x128xf32> to vector<3200x128xbf16>
    %get3A_48 = arith.constant 0 : index
    %get3A_49 = arith.constant 0 : index
    %get3A_50 = vector.load %arg9[%get3A_48, %get3A_49] : memref<128x128xbf16, #tpu.memory_space<vmem>>, vector<128x128xbf16>
    %dot_general3A_51 = arith.constant dense<0.000000e+00> : vector<3200x128xf32>
    %dot_general3A_52 = tpu.matmul %convert_element_type3A_47, %get3A_50, %dot_general3A_51 {dimension_numbers = #tpu.dot_dimension_numbers<[1], [0], [0], [1], [0, 0, 1, 1], [], []>, transpose_lhs_hint = false} : vector<3200x128xbf16>, vector<128x128xbf16>, vector<3200x128xf32> -> vector<3200x128xf32>
    %get3A_53 = arith.constant 0 : index
    %get3A_54 = arith.constant 0 : index
    %get3A_55 = vector.load %arg10[%get3A_53, %get3A_54] : memref<1x128xf32, #tpu.memory_space<vmem>>, vector<1x128xf32>
    %add3A_56 = vector.broadcast %get3A_55 : vector<1x128xf32> to vector<3200x128xf32>
    %add3A_57 = arith.addf %dot_general3A_52, %add3A_56 : vector<3200x128xf32>
    %swap3A = arith.constant 0 : index
    %swap3A_58 = arith.constant 0 : index
    %swap3A_59 = vector.load %arg11[%swap3A, %swap3A_58] : memref<3200x128xf32, #tpu.memory_space<vmem>>, vector<3200x128xf32>
    tpu.vector_store %arg11[%swap3A, %swap3A_58], %add3A_57 {strides = array<i32>} : memref<3200x128xf32, #tpu.memory_space<vmem>>, vector<3200x128xf32>,
    return
  }
  func.func @transform_0(%arg0: i32) -> (i32, i32) {
    %c0_i32 = arith.constant 0 : i32
    %c0_i32_0 = arith.constant 0 : i32
    return %arg0, %c0_i32 : i32, i32
  }
  func.func @transform_1(%arg0: i32) -> (i32, i32) {
    %add3A = arith.constant 50 : i32
    %add3A_0 = arith.addi %arg0, %add3A : i32
    %c0_i32 = arith.constant 0 : i32
    %c0_i32_1 = arith.constant 0 : i32
    return %c0_i32, %add3A_0 : i32, i32
  }
  func.func @transform_2(%arg0: i32) -> (i32, i32) {
    %c0_i32 = arith.constant 0 : i32
    %c0_i32_0 = arith.constant 0 : i32
    %c0_i32_1 = arith.constant 0 : i32
    return %c0_i32, %c0_i32_0 : i32, i32
  }
  func.func @transform_3(%arg0: i32) -> (i32, i32) {
    %c0_i32 = arith.constant 0 : i32
    %c0_i32_0 = arith.constant 0 : i32
    %c0_i32_1 = arith.constant 0 : i32
    return %c0_i32, %c0_i32_0 : i32, i32
  }
  func.func @transform_4(%arg0: i32) -> (i32, i32) {
    %c0_i32 = arith.constant 0 : i32
    %c0_i32_0 = arith.constant 0 : i32
    %c0_i32_1 = arith.constant 0 : i32
    return %c0_i32, %c0_i32_0 : i32, i32
  }
  func.func @transform_5(%arg0: i32) -> (i32, i32) {
    %c0_i32 = arith.constant 0 : i32
    %c0_i32_0 = arith.constant 0 : i32
    %c0_i32_1 = arith.constant 0 : i32
    return %c0_i32, %c0_i32_0 : i32, i32
  }
  func.func @transform_6(%arg0: i32) -> (i32, i32) {
    %c0_i32 = arith.constant 0 : i32
    %c0_i32_0 = arith.constant 0 : i32
    %c0_i32_1 = arith.constant 0 : i32
    return %c0_i32, %c0_i32_0 : i32, i32
  }
  func.func @transform_7(%arg0: i32) -> (i32, i32) {
    %c0_i32 = arith.constant 0 : i32
    %c0_i32_0 = arith.constant 0 : i32
    %c0_i32_1 = arith.constant 0 : i32
    return %c0_i32, %c0_i32_0 : i32, i32
  }
  func.func @transform_8(%arg0: i32) -> (i32, i32) {
    %c0_i32 = arith.constant 0 : i32
    %c0_i32_0 = arith.constant 0 : i32
    %c0_i32_1 = arith.constant 0 : i32
    return %c0_i32, %c0_i32_0 : i32, i32
  }
  func.func @transform_9(%arg0: i32) -> (i32, i32) {
    %c0_i32 = arith.constant 0 : i32
    %c0_i32_0 = arith.constant 0 : i32
    %c0_i32_1 = arith.constant 0 : i32
    return %c0_i32, %c0_i32_0 : i32, i32
  }
  func.func @transform_10(%arg0: i32) -> (i32, i32) {
    %c0_i32 = arith.constant 0 : i32
    %c0_i32_0 = arith.constant 0 : i32
    return %arg0, %c0_i32 : i32, i32
  }
}

module attributes {stable_mosaic.version = 14 : i64} {
  func.func @body(%arg0: i32, %arg1: memref<3200x128xf32, #tpu.memory_space<vmem>>, %arg2: memref<50x3200xf32, #tpu.memory_space<vmem>>, %arg3: memref<128x1024xbf16, #tpu.memory_space<vmem>>, %arg4: memref<50x1024xbf16, #tpu.memory_space<vmem>>, %arg5: memref<1024x512xbf16, #tpu.memory_space<vmem>>, %arg6: memref<1x512xbf16, #tpu.memory_space<vmem>>, %arg7: memref<512x128xbf16, #tpu.memory_space<vmem>>, %arg8: memref<1x128xbf16, #tpu.memory_space<vmem>>, %arg9: memref<128x128xbf16, #tpu.memory_space<vmem>>, %arg10: memref<1x128xf32, #tpu.memory_space<vmem>>, %arg11: memref<3200x128xf32, #tpu.memory_space<vmem>>) attributes {dimension_semantics = [#tpu.dimension_semantics<arbitrary>], iteration_bounds = array<i64: 25>, scalar_prefetch = 0 : i64, scratch_operands = 0 : i64, tpu.core_type = #tpu.core_type<tc>, window_params = [{transform_indices = @transform_0, window_bounds = array<i64: 3200, 128>}, {transform_indices = @transform_1, window_bounds = array<i64: 50, 3200>}, {pipeline_mode = #tpu.pipeline_mode<synchronous>, transform_indices = @transform_2, window_bounds = array<i64: 128, 1024>}, {pipeline_mode = #tpu.pipeline_mode<synchronous>, transform_indices = @transform_3, window_bounds = array<i64: 50, 1024>}, {pipeline_mode = #tpu.pipeline_mode<synchronous>, transform_indices = @transform_4, window_bounds = array<i64: 1024, 512>}, {pipeline_mode = #tpu.pipeline_mode<synchronous>, transform_indices = @transform_5, window_bounds = array<i64: 1, 512>}, {pipeline_mode = #tpu.pipeline_mode<synchronous>, transform_indices = @transform_6, window_bounds = array<i64: 512, 128>}, {pipeline_mode = #tpu.pipeline_mode<synchronous>, transform_indices = @transform_7, window_bounds = array<i64: 1, 128>}, {pipeline_mode = #tpu.pipeline_mode<synchronous>, transform_indices = @transform_8, window_bounds = array<i64: 128, 128>}, {pipeline_mode = #tpu.pipeline_mode<synchronous>, transform_indices = @transform_9, window_bounds = array<i64: 1, 128>}, {transform_indices = @transform_10, window_bounds = array<i64: 3200, 128>}]} {
    %get3A = arith.constant 0 : index
    %get3A_0 = arith.constant 0 : index
    %get3A_1 = vector.load %arg1[%get3A, %get3A_0] : memref<3200x128xf32, #tpu.memory_space<vmem>>, vector<3200x128xf32>
    %convert_element_type3A = arith.truncf %get3A_1 : vector<3200x128xf32> to vector<3200x128xbf16>
    %get3A_2 = arith.constant 0 : index
    %get3A_3 = arith.constant 0 : index
    %get3A_4 = vector.load %arg2[%get3A_2, %get3A_3] : memref<50x3200xf32, #tpu.memory_space<vmem>>, vector<50x3200xf32>
    %convert_element_type3A_5 = arith.truncf %get3A_4 : vector<50x3200xf32> to vector<50x3200xbf16>
    %get3A_6 = arith.constant 0 : index
    %get3A_7 = arith.constant 0 : index
    %get3A_8 = vector.load %arg3[%get3A_6, %get3A_7] : memref<128x1024xbf16, #tpu.memory_space<vmem>>, vector<128x1024xbf16>
    %dot_general3A = arith.constant dense<0.000000e+00> : vector<3200x1024xf32>
    %dot_general3A_9 = tpu.matmul %convert_element_type3A, %get3A_8, %dot_general3A {dimension_numbers = #tpu.dot_dimension_numbers<[1], [0], [0], [1], [0, 0, 1, 1], [], []>, transpose_lhs_hint = false} : vector<3200x128xbf16>, vector<128x1024xbf16>, vector<3200x1024xf32> -> vector<3200x1024xf32>
    %get3A_10 = arith.constant 0 : index
    %get3A_11 = arith.constant 0 : index
    %get3A_12 = vector.load %arg4[%get3A_10, %get3A_11] : memref<50x1024xbf16, #tpu.memory_space<vmem>>, vector<50x1024xbf16>
    %dot_general3A_13 = arith.constant dense<0.000000e+00> : vector<3200x1024xf32>
    %dot_general3A_14 = tpu.matmul %convert_element_type3A_5, %get3A_12, %dot_general3A_13 {dimension_numbers = #tpu.dot_dimension_numbers<[0], [0], [1], [1], [0, 1, 1, 1], [], []>, transpose_lhs_hint = false} : vector<50x3200xbf16>, vector<50x1024xbf16>, vector<3200x1024xf32> -> vector<3200x1024xf32>
    %add3A = arith.addf %dot_general3A_9, %dot_general3A_14 : vector<3200x1024xf32>
    %max3A = arith.constant 0.000000e+00 : f32
    %max3A_15 = vector.broadcast %max3A : f32 to vector<3200x1024xf32>
    %max3A_16 = arith.maximumf %add3A, %max3A_15 : vector<3200x1024xf32>
    %convert_element_type3A_17 = arith.truncf %max3A_16 : vector<3200x1024xf32> to vector<3200x1024xbf16>
    %get3A_18 = arith.constant 0 : index
    %get3A_19 = arith.constant 0 : index
    %get3A_20 = vector.load %arg5[%get3A_18, %get3A_19] : memref<1024x512xbf16, #tpu.memory_space<vmem>>, vector<1024x512xbf16>
    %dot_general3A_21 = arith.constant dense<0.000000e+00> : vector<3200x512xf32>
    %dot_general3A_22 = tpu.matmul %convert_element_type3A_17, %get3A_20, %dot_general3A_21 {dimension_numbers = #tpu.dot_dimension_numbers<[1], [0], [0], [1], [0, 0, 1, 1], [], []>, transpose_lhs_hint = false} : vector<3200x1024xbf16>, vector<1024x512xbf16>, vector<3200x512xf32> -> vector<3200x512xf32>
    %get3A_23 = arith.constant 0 : index
    %get3A_24 = arith.constant 0 : index
    %get3A_25 = vector.load %arg6[%get3A_23, %get3A_24] : memref<1x512xbf16, #tpu.memory_space<vmem>>, vector<1x512xbf16>
    %convert_element_type3A_26 = arith.extf %get3A_25 : vector<1x512xbf16> to vector<1x512xf32>
    %add3A_27 = vector.broadcast %convert_element_type3A_26 : vector<1x512xf32> to vector<3200x512xf32>
    %add3A_28 = arith.addf %dot_general3A_22, %add3A_27 : vector<3200x512xf32>
    %max3A_29 = arith.constant 0.000000e+00 : f32
    %max3A_30 = vector.broadcast %max3A_29 : f32 to vector<3200x512xf32>
    %max3A_31 = arith.maximumf %add3A_28, %max3A_30 : vector<3200x512xf32>
    %convert_element_type3A_32 = arith.truncf %max3A_31 : vector<3200x512xf32> to vector<3200x512xbf16>
    %get3A_33 = arith.constant 0 : index
    %get3A_34 = arith.constant 0 : index
    %get3A_35 = vector.load %arg7[%get3A_33, %get3A_34] : memref<512x128xbf16, #tpu.memory_space<vmem>>, vector<512x128xbf16>
    %dot_general3A_36 = arith.constant dense<0.000000e+00> : vector<3200x128xf32>
    %dot_general3A_37 = tpu.matmul %convert_element_type3A_32, %get3A_35, %dot_general3A_36 {dimension_numbers = #tpu.dot_dimension_numbers<[1], [0], [0], [1], [0, 0, 1, 1], [], []>, transpose_lhs_hint = false} : vector<3200x512xbf16>, vector<512x128xbf16>, vector<3200x128xf32> -> vector<3200x128xf32>
    %get3A_38 = arith.constant 0 : index
    %get3A_39 = arith.constant 0 : index
    %get3A_40 = vector.load %arg8[%get3A_38, %get3A_39] : memref<1x128xbf16, #tpu.memory_space<vmem>>, vector<1x128xbf16>
    %convert_element_type3A_41 = arith.extf %get3A_40 : vector<1x128xbf16> to vector<1x128xf32>
    %add3A_42 = vector.broadcast %convert_element_type3A_41 : vector<1x128xf32> to vector<3200x128xf32>
    %add3A_43 = arith.addf %dot_general3A_37, %add3A_42 : vector<3200x128xf32>
    %max3A_44 = arith.constant 0.000000e+00 : f32
    %max3A_45 = vector.broadcast %max3A_44 : f32 to vector<3200x128xf32>
    %max3A_46 = arith.maximumf %add3A_43, %max3A_45 : vector<3200x128xf32>
    %convert_element_type3A_47 = arith.truncf %max3A_46 : vector<3200x128xf32> to vector<3200x128xbf16>
    %get3A_48 = arith.constant 0 : index
    %get3A_49 = arith.constant 0 : index
    %get3A_50 = vector.load %arg9[%get3A_48, %get3A_49] : memref<128x128xbf16, #tpu.memory_space<vmem>>, vector<128x128xbf16>
    %dot_general3A_51 = arith.constant dense<0.000000e+00> : vector<3200x128xf32>
    %dot_general3A_52 = tpu.matmul %convert_element_type3A_47, %get3A_50, %dot_general3A_51 {dimension_numbers = #tpu.dot_dimension_numbers<[1], [0], [0], [1], [0, 0, 1, 1], [], []>, transpose_lhs_hint = false} : vector<3200x128xbf16>, vector<128x128xbf16>, vector<3200x128xf32> -> vector<3200x128xf32>
    %get3A_53 = arith.constant 0 : index
    %get3A_54 = arith.constant 0 : index
    %get3A_55 = vector.load %arg10[%get3A_53, %get3A_54] : memref<1x128xf32, #tpu.memory_space<vmem>>, vector<1x128xf32>
    %add3A_56 = vector.broadcast %get3A_55 : vector<1x128xf32> to vector<3200x128xf32>
    %add3A_57 = arith.addf %dot_general3A_52, %add3A_56 : vector<3200x128xf32>
    %swap3A = arith.constant 0 : index
    %swap3A_58 = arith.constant 0 : index
    %swap3A_59 = vector.load %arg11[%swap3A, %swap3A_58] : memref<3200x128xf32, #tpu.memory_space<vmem>>, vector<3200x128xf32>
    tpu.vector_store %arg11[%swap3A, %swap3A_58], %add3A_57 {strides = array<i32>} : memref<3200x128xf32, #tpu.memory_space<vmem>>, vector<3200x128xf32>,
    return
  }
  func.func @transform_0(%arg0: i32) -> (i32, i32) {
    %c0_i32 = arith.constant 0 : i32
    %c0_i32_0 = arith.constant 0 : i32
    return %arg0, %c0_i32 : i32, i32
  }
  func.func @transform_1(%arg0: i32) -> (i32, i32) {
    %add3A = arith.constant 75 : i32
    %add3A_0 = arith.addi %arg0, %add3A : i32
    %c0_i32 = arith.constant 0 : i32
    %c0_i32_1 = arith.constant 0 : i32
    return %c0_i32, %add3A_0 : i32, i32
  }
  func.func @transform_2(%arg0: i32) -> (i32, i32) {
    %c0_i32 = arith.constant 0 : i32
    %c0_i32_0 = arith.constant 0 : i32
    %c0_i32_1 = arith.constant 0 : i32
    return %c0_i32, %c0_i32_0 : i32, i32
  }
  func.func @transform_3(%arg0: i32) -> (i32, i32) {
    %c0_i32 = arith.constant 0 : i32
    %c0_i32_0 = arith.constant 0 : i32
    %c0_i32_1 = arith.constant 0 : i32
    return %c0_i32, %c0_i32_0 : i32, i32
  }
  func.func @transform_4(%arg0: i32) -> (i32, i32) {
    %c0_i32 = arith.constant 0 : i32
    %c0_i32_0 = arith.constant 0 : i32
    %c0_i32_1 = arith.constant 0 : i32
    return %c0_i32, %c0_i32_0 : i32, i32
  }
  func.func @transform_5(%arg0: i32) -> (i32, i32) {
    %c0_i32 = arith.constant 0 : i32
    %c0_i32_0 = arith.constant 0 : i32
    %c0_i32_1 = arith.constant 0 : i32
    return %c0_i32, %c0_i32_0 : i32, i32
  }
  func.func @transform_6(%arg0: i32) -> (i32, i32) {
    %c0_i32 = arith.constant 0 : i32
    %c0_i32_0 = arith.constant 0 : i32
    %c0_i32_1 = arith.constant 0 : i32
    return %c0_i32, %c0_i32_0 : i32, i32
  }
  func.func @transform_7(%arg0: i32) -> (i32, i32) {
    %c0_i32 = arith.constant 0 : i32
    %c0_i32_0 = arith.constant 0 : i32
    %c0_i32_1 = arith.constant 0 : i32
    return %c0_i32, %c0_i32_0 : i32, i32
  }
  func.func @transform_8(%arg0: i32) -> (i32, i32) {
    %c0_i32 = arith.constant 0 : i32
    %c0_i32_0 = arith.constant 0 : i32
    %c0_i32_1 = arith.constant 0 : i32
    return %c0_i32, %c0_i32_0 : i32, i32
  }
  func.func @transform_9(%arg0: i32) -> (i32, i32) {
    %c0_i32 = arith.constant 0 : i32
    %c0_i32_0 = arith.constant 0 : i32
    %c0_i32_1 = arith.constant 0 : i32
    return %c0_i32, %c0_i32_0 : i32, i32
  }
  func.func @transform_10(%arg0: i32) -> (i32, i32) {
    %c0_i32 = arith.constant 0 : i32
    %c0_i32_0 = arith.constant 0 : i32
    return %arg0, %c0_i32 : i32, i32
  }
}

module attributes {stable_mosaic.version = 14 : i64} {
  func.func @body(%arg0: i32, %arg1: memref<3200x128xf32, #tpu.memory_space<vmem>>, %arg2: memref<50x3200xf32, #tpu.memory_space<vmem>>, %arg3: memref<128x1024xbf16, #tpu.memory_space<vmem>>, %arg4: memref<50x1024xbf16, #tpu.memory_space<vmem>>, %arg5: memref<1024x512xbf16, #tpu.memory_space<vmem>>, %arg6: memref<1x512xbf16, #tpu.memory_space<vmem>>, %arg7: memref<512x128xbf16, #tpu.memory_space<vmem>>, %arg8: memref<1x128xbf16, #tpu.memory_space<vmem>>, %arg9: memref<128x128xbf16, #tpu.memory_space<vmem>>, %arg10: memref<1x128xf32, #tpu.memory_space<vmem>>, %arg11: memref<3200x128xf32, #tpu.memory_space<vmem>>) attributes {dimension_semantics = [#tpu.dimension_semantics<arbitrary>], iteration_bounds = array<i64: 25>, scalar_prefetch = 0 : i64, scratch_operands = 0 : i64, tpu.core_type = #tpu.core_type<tc>, window_params = [{transform_indices = @transform_0, window_bounds = array<i64: 3200, 128>}, {transform_indices = @transform_1, window_bounds = array<i64: 50, 3200>}, {pipeline_mode = #tpu.pipeline_mode<synchronous>, transform_indices = @transform_2, window_bounds = array<i64: 128, 1024>}, {pipeline_mode = #tpu.pipeline_mode<synchronous>, transform_indices = @transform_3, window_bounds = array<i64: 50, 1024>}, {pipeline_mode = #tpu.pipeline_mode<synchronous>, transform_indices = @transform_4, window_bounds = array<i64: 1024, 512>}, {pipeline_mode = #tpu.pipeline_mode<synchronous>, transform_indices = @transform_5, window_bounds = array<i64: 1, 512>}, {pipeline_mode = #tpu.pipeline_mode<synchronous>, transform_indices = @transform_6, window_bounds = array<i64: 512, 128>}, {pipeline_mode = #tpu.pipeline_mode<synchronous>, transform_indices = @transform_7, window_bounds = array<i64: 1, 128>}, {pipeline_mode = #tpu.pipeline_mode<synchronous>, transform_indices = @transform_8, window_bounds = array<i64: 128, 128>}, {pipeline_mode = #tpu.pipeline_mode<synchronous>, transform_indices = @transform_9, window_bounds = array<i64: 1, 128>}, {transform_indices = @transform_10, window_bounds = array<i64: 3200, 128>}]} {
    %get3A = arith.constant 0 : index
    %get3A_0 = arith.constant 0 : index
    %get3A_1 = vector.load %arg1[%get3A, %get3A_0] : memref<3200x128xf32, #tpu.memory_space<vmem>>, vector<3200x128xf32>
    %convert_element_type3A = arith.truncf %get3A_1 : vector<3200x128xf32> to vector<3200x128xbf16>
    %get3A_2 = arith.constant 0 : index
    %get3A_3 = arith.constant 0 : index
    %get3A_4 = vector.load %arg2[%get3A_2, %get3A_3] : memref<50x3200xf32, #tpu.memory_space<vmem>>, vector<50x3200xf32>
    %convert_element_type3A_5 = arith.truncf %get3A_4 : vector<50x3200xf32> to vector<50x3200xbf16>
    %get3A_6 = arith.constant 0 : index
    %get3A_7 = arith.constant 0 : index
    %get3A_8 = vector.load %arg3[%get3A_6, %get3A_7] : memref<128x1024xbf16, #tpu.memory_space<vmem>>, vector<128x1024xbf16>
    %dot_general3A = arith.constant dense<0.000000e+00> : vector<3200x1024xf32>
    %dot_general3A_9 = tpu.matmul %convert_element_type3A, %get3A_8, %dot_general3A {dimension_numbers = #tpu.dot_dimension_numbers<[1], [0], [0], [1], [0, 0, 1, 1], [], []>, transpose_lhs_hint = false} : vector<3200x128xbf16>, vector<128x1024xbf16>, vector<3200x1024xf32> -> vector<3200x1024xf32>
    %get3A_10 = arith.constant 0 : index
    %get3A_11 = arith.constant 0 : index
    %get3A_12 = vector.load %arg4[%get3A_10, %get3A_11] : memref<50x1024xbf16, #tpu.memory_space<vmem>>, vector<50x1024xbf16>
    %dot_general3A_13 = arith.constant dense<0.000000e+00> : vector<3200x1024xf32>
    %dot_general3A_14 = tpu.matmul %convert_element_type3A_5, %get3A_12, %dot_general3A_13 {dimension_numbers = #tpu.dot_dimension_numbers<[0], [0], [1], [1], [0, 1, 1, 1], [], []>, transpose_lhs_hint = false} : vector<50x3200xbf16>, vector<50x1024xbf16>, vector<3200x1024xf32> -> vector<3200x1024xf32>
    %add3A = arith.addf %dot_general3A_9, %dot_general3A_14 : vector<3200x1024xf32>
    %max3A = arith.constant 0.000000e+00 : f32
    %max3A_15 = vector.broadcast %max3A : f32 to vector<3200x1024xf32>
    %max3A_16 = arith.maximumf %add3A, %max3A_15 : vector<3200x1024xf32>
    %convert_element_type3A_17 = arith.truncf %max3A_16 : vector<3200x1024xf32> to vector<3200x1024xbf16>
    %get3A_18 = arith.constant 0 : index
    %get3A_19 = arith.constant 0 : index
    %get3A_20 = vector.load %arg5[%get3A_18, %get3A_19] : memref<1024x512xbf16, #tpu.memory_space<vmem>>, vector<1024x512xbf16>
    %dot_general3A_21 = arith.constant dense<0.000000e+00> : vector<3200x512xf32>
    %dot_general3A_22 = tpu.matmul %convert_element_type3A_17, %get3A_20, %dot_general3A_21 {dimension_numbers = #tpu.dot_dimension_numbers<[1], [0], [0], [1], [0, 0, 1, 1], [], []>, transpose_lhs_hint = false} : vector<3200x1024xbf16>, vector<1024x512xbf16>, vector<3200x512xf32> -> vector<3200x512xf32>
    %get3A_23 = arith.constant 0 : index
    %get3A_24 = arith.constant 0 : index
    %get3A_25 = vector.load %arg6[%get3A_23, %get3A_24] : memref<1x512xbf16, #tpu.memory_space<vmem>>, vector<1x512xbf16>
    %convert_element_type3A_26 = arith.extf %get3A_25 : vector<1x512xbf16> to vector<1x512xf32>
    %add3A_27 = vector.broadcast %convert_element_type3A_26 : vector<1x512xf32> to vector<3200x512xf32>
    %add3A_28 = arith.addf %dot_general3A_22, %add3A_27 : vector<3200x512xf32>
    %max3A_29 = arith.constant 0.000000e+00 : f32
    %max3A_30 = vector.broadcast %max3A_29 : f32 to vector<3200x512xf32>
    %max3A_31 = arith.maximumf %add3A_28, %max3A_30 : vector<3200x512xf32>
    %convert_element_type3A_32 = arith.truncf %max3A_31 : vector<3200x512xf32> to vector<3200x512xbf16>
    %get3A_33 = arith.constant 0 : index
    %get3A_34 = arith.constant 0 : index
    %get3A_35 = vector.load %arg7[%get3A_33, %get3A_34] : memref<512x128xbf16, #tpu.memory_space<vmem>>, vector<512x128xbf16>
    %dot_general3A_36 = arith.constant dense<0.000000e+00> : vector<3200x128xf32>
    %dot_general3A_37 = tpu.matmul %convert_element_type3A_32, %get3A_35, %dot_general3A_36 {dimension_numbers = #tpu.dot_dimension_numbers<[1], [0], [0], [1], [0, 0, 1, 1], [], []>, transpose_lhs_hint = false} : vector<3200x512xbf16>, vector<512x128xbf16>, vector<3200x128xf32> -> vector<3200x128xf32>
    %get3A_38 = arith.constant 0 : index
    %get3A_39 = arith.constant 0 : index
    %get3A_40 = vector.load %arg8[%get3A_38, %get3A_39] : memref<1x128xbf16, #tpu.memory_space<vmem>>, vector<1x128xbf16>
    %convert_element_type3A_41 = arith.extf %get3A_40 : vector<1x128xbf16> to vector<1x128xf32>
    %add3A_42 = vector.broadcast %convert_element_type3A_41 : vector<1x128xf32> to vector<3200x128xf32>
    %add3A_43 = arith.addf %dot_general3A_37, %add3A_42 : vector<3200x128xf32>
    %max3A_44 = arith.constant 0.000000e+00 : f32
    %max3A_45 = vector.broadcast %max3A_44 : f32 to vector<3200x128xf32>
    %max3A_46 = arith.maximumf %add3A_43, %max3A_45 : vector<3200x128xf32>
    %convert_element_type3A_47 = arith.truncf %max3A_46 : vector<3200x128xf32> to vector<3200x128xbf16>
    %get3A_48 = arith.constant 0 : index
    %get3A_49 = arith.constant 0 : index
    %get3A_50 = vector.load %arg9[%get3A_48, %get3A_49] : memref<128x128xbf16, #tpu.memory_space<vmem>>, vector<128x128xbf16>
    %dot_general3A_51 = arith.constant dense<0.000000e+00> : vector<3200x128xf32>
    %dot_general3A_52 = tpu.matmul %convert_element_type3A_47, %get3A_50, %dot_general3A_51 {dimension_numbers = #tpu.dot_dimension_numbers<[1], [0], [0], [1], [0, 0, 1, 1], [], []>, transpose_lhs_hint = false} : vector<3200x128xbf16>, vector<128x128xbf16>, vector<3200x128xf32> -> vector<3200x128xf32>
    %get3A_53 = arith.constant 0 : index
    %get3A_54 = arith.constant 0 : index
    %get3A_55 = vector.load %arg10[%get3A_53, %get3A_54] : memref<1x128xf32, #tpu.memory_space<vmem>>, vector<1x128xf32>
    %add3A_56 = vector.broadcast %get3A_55 : vector<1x128xf32> to vector<3200x128xf32>
    %add3A_57 = arith.addf %dot_general3A_52, %add3A_56 : vector<3200x128xf32>
    %swap3A = arith.constant 0 : index
    %swap3A_58 = arith.constant 0 : index
    %swap3A_59 = vector.load %arg11[%swap3A, %swap3A_58] : memref<3200x128xf32, #tpu.memory_space<vmem>>, vector<3200x128xf32>
    tpu.vector_store %arg11[%swap3A, %swap3A_58], %add3A_57 {strides = array<i32>} : memref<3200x128xf32, #tpu.memory_space<vmem>>, vector<3200x128xf32>,
    return
  }
  func.func @transform_0(%arg0: i32) -> (i32, i32) {
    %c0_i32 = arith.constant 0 : i32
    %c0_i32_0 = arith.constant 0 : i32
    return %arg0, %c0_i32 : i32, i32
  }
  func.func @transform_1(%arg0: i32) -> (i32, i32) {
    %add3A = arith.constant 0 : i32
    %add3A_0 = arith.addi %arg0, %add3A : i32
    %c0_i32 = arith.constant 0 : i32
    %c0_i32_1 = arith.constant 0 : i32
    return %c0_i32, %add3A_0 : i32, i32
  }
  func.func @transform_2(%arg0: i32) -> (i32, i32) {
    %c0_i32 = arith.constant 0 : i32
    %c0_i32_0 = arith.constant 0 : i32
    %c0_i32_1 = arith.constant 0 : i32
    return %c0_i32, %c0_i32_0 : i32, i32
  }
  func.func @transform_3(%arg0: i32) -> (i32, i32) {
    %c0_i32 = arith.constant 0 : i32
    %c0_i32_0 = arith.constant 0 : i32
    %c0_i32_1 = arith.constant 0 : i32
    return %c0_i32, %c0_i32_0 : i32, i32
  }
  func.func @transform_4(%arg0: i32) -> (i32, i32) {
    %c0_i32 = arith.constant 0 : i32
    %c0_i32_0 = arith.constant 0 : i32
    %c0_i32_1 = arith.constant 0 : i32
    return %c0_i32, %c0_i32_0 : i32, i32
  }
  func.func @transform_5(%arg0: i32) -> (i32, i32) {
    %c0_i32 = arith.constant 0 : i32
    %c0_i32_0 = arith.constant 0 : i32
    %c0_i32_1 = arith.constant 0 : i32
    return %c0_i32, %c0_i32_0 : i32, i32
  }
  func.func @transform_6(%arg0: i32) -> (i32, i32) {
    %c0_i32 = arith.constant 0 : i32
    %c0_i32_0 = arith.constant 0 : i32
    %c0_i32_1 = arith.constant 0 : i32
    return %c0_i32, %c0_i32_0 : i32, i32
  }
  func.func @transform_7(%arg0: i32) -> (i32, i32) {
    %c0_i32 = arith.constant 0 : i32
    %c0_i32_0 = arith.constant 0 : i32
    %c0_i32_1 = arith.constant 0 : i32
    return %c0_i32, %c0_i32_0 : i32, i32
  }
  func.func @transform_8(%arg0: i32) -> (i32, i32) {
    %c0_i32 = arith.constant 0 : i32
    %c0_i32_0 = arith.constant 0 : i32
    %c0_i32_1 = arith.constant 0 : i32
    return %c0_i32, %c0_i32_0 : i32, i32
  }
  func.func @transform_9(%arg0: i32) -> (i32, i32) {
    %c0_i32 = arith.constant 0 : i32
    %c0_i32_0 = arith.constant 0 : i32
    %c0_i32_1 = arith.constant 0 : i32
    return %c0_i32, %c0_i32_0 : i32, i32
  }
  func.func @transform_10(%arg0: i32) -> (i32, i32) {
    %c0_i32 = arith.constant 0 : i32
    %c0_i32_0 = arith.constant 0 : i32
    return %arg0, %c0_i32 : i32, i32
  }
}

module attributes {stable_mosaic.version = 14 : i64} {
  func.func @body(%arg0: i32, %arg1: memref<1x2000x64xf32, #tpu.memory_space<vmem>>, %arg2: memref<1x2000x64xf32, #tpu.memory_space<vmem>>, %arg3: memref<1x2000x64xf32, #tpu.memory_space<vmem>>, %arg4: memref<1x2000x64xf32, #tpu.memory_space<vmem>>, %arg5: memref<1x2000x64xf32, #tpu.memory_space<vmem>>, %arg6: memref<1x2000x64xf32, #tpu.memory_space<vmem>>, %arg7: memref<1x2000x64xf32, #tpu.memory_space<vmem>>, %arg8: memref<1x2000x64xf32, #tpu.memory_space<vmem>>, %arg9: memref<2000x128xf32, #tpu.memory_space<vmem>>, %arg10: memref<128x1024xbf16, #tpu.memory_space<vmem>>, %arg11: memref<64x1024xbf16, #tpu.memory_space<vmem>>, %arg12: memref<1024x512xbf16, #tpu.memory_space<vmem>>, %arg13: memref<1x512xf32, #tpu.memory_space<vmem>>, %arg14: memref<512x256xbf16, #tpu.memory_space<vmem>>, %arg15: memref<1x256xf32, #tpu.memory_space<vmem>>, %arg16: memref<256x100xbf16, #tpu.memory_space<vmem>>, %arg17: memref<1x100xf32, #tpu.memory_space<vmem>>, %arg18: memref<1x100xf32, #tpu.memory_space<vmem>>) attributes {dimension_semantics = [#tpu.dimension_semantics<arbitrary>], iteration_bounds = array<i64: 5>, scalar_prefetch = 0 : i64, scratch_operands = 0 : i64, tpu.core_type = #tpu.core_type<tc>, window_params = [{transform_indices = @transform_0, window_bounds = array<i64: 1, 2000, 64>}, {transform_indices = @transform_1, window_bounds = array<i64: 1, 2000, 64>}, {transform_indices = @transform_2, window_bounds = array<i64: 1, 2000, 64>}, {transform_indices = @transform_3, window_bounds = array<i64: 1, 2000, 64>}, {transform_indices = @transform_4, window_bounds = array<i64: 1, 2000, 64>}, {transform_indices = @transform_5, window_bounds = array<i64: 1, 2000, 64>}, {transform_indices = @transform_6, window_bounds = array<i64: 1, 2000, 64>}, {transform_indices = @transform_7, window_bounds = array<i64: 1, 2000, 64>}, {transform_indices = @transform_8, window_bounds = array<i64: 2000, 128>}, {pipeline_mode = #tpu.pipeline_mode<synchronous>, transform_indices = @transform_9, window_bounds = array<i64: 128, 1024>}, {pipeline_mode = #tpu.pipeline_mode<synchronous>, transform_indices = @transform_10, window_bounds = array<i64: 64, 1024>}, {pipeline_mode = #tpu.pipeline_mode<synchronous>, transform_indices = @transform_11, window_bounds = array<i64: 1024, 512>}, {pipeline_mode = #tpu.pipeline_mode<synchronous>, transform_indices = @transform_12, window_bounds = array<i64: 1, 512>}, {pipeline_mode = #tpu.pipeline_mode<synchronous>, transform_indices = @transform_13, window_bounds = array<i64: 512, 256>}, {pipeline_mode = #tpu.pipeline_mode<synchronous>, transform_indices = @transform_14, window_bounds = array<i64: 1, 256>}, {pipeline_mode = #tpu.pipeline_mode<synchronous>, transform_indices = @transform_15, window_bounds = array<i64: 256, 100>}, {pipeline_mode = #tpu.pipeline_mode<synchronous>, transform_indices = @transform_16, window_bounds = array<i64: 1, 100>}, {pipeline_mode = #tpu.pipeline_mode<synchronous>, transform_indices = @transform_17, window_bounds = array<i64: 1, 100>}]} {
    %get3A = arith.constant 0 : index
    %get3A_0 = arith.constant 0 : index
    %get3A_1 = arith.constant 0 : index
    %get3A_2 = vector.load %arg1[%get3A, %get3A_0, %get3A_1] : memref<1x2000x64xf32, #tpu.memory_space<vmem>>, vector<1x2000x64xf32>
    %get3A_3 = vector.shape_cast %get3A_2 : vector<1x2000x64xf32> to vector<2000x64xf32>
    %get3A_4 = arith.constant 0 : index
    %get3A_5 = arith.constant 0 : index
    %get3A_6 = arith.constant 0 : index
    %get3A_7 = vector.load %arg2[%get3A_4, %get3A_5, %get3A_6] : memref<1x2000x64xf32, #tpu.memory_space<vmem>>, vector<1x2000x64xf32>
    %get3A_8 = vector.shape_cast %get3A_7 : vector<1x2000x64xf32> to vector<2000x64xf32>
    %add3A = arith.addf %get3A_3, %get3A_8 : vector<2000x64xf32>
    %get3A_9 = arith.constant 0 : index
    %get3A_10 = arith.constant 0 : index
    %get3A_11 = arith.constant 0 : index
    %get3A_12 = vector.load %arg3[%get3A_9, %get3A_10, %get3A_11] : memref<1x2000x64xf32, #tpu.memory_space<vmem>>, vector<1x2000x64xf32>
    %get3A_13 = vector.shape_cast %get3A_12 : vector<1x2000x64xf32> to vector<2000x64xf32>
    %add3A_14 = arith.addf %add3A, %get3A_13 : vector<2000x64xf32>
    %get3A_15 = arith.constant 0 : index
    %get3A_16 = arith.constant 0 : index
    %get3A_17 = arith.constant 0 : index
    %get3A_18 = vector.load %arg4[%get3A_15, %get3A_16, %get3A_17] : memref<1x2000x64xf32, #tpu.memory_space<vmem>>, vector<1x2000x64xf32>
    %get3A_19 = vector.shape_cast %get3A_18 : vector<1x2000x64xf32> to vector<2000x64xf32>
    %add3A_20 = arith.addf %add3A_14, %get3A_19 : vector<2000x64xf32>
    %get3A_21 = arith.constant 0 : index
    %get3A_22 = arith.constant 0 : index
    %get3A_23 = arith.constant 0 : index
    %get3A_24 = vector.load %arg5[%get3A_21, %get3A_22, %get3A_23] : memref<1x2000x64xf32, #tpu.memory_space<vmem>>, vector<1x2000x64xf32>
    %get3A_25 = vector.shape_cast %get3A_24 : vector<1x2000x64xf32> to vector<2000x64xf32>
    %add3A_26 = arith.addf %add3A_20, %get3A_25 : vector<2000x64xf32>
    %get3A_27 = arith.constant 0 : index
    %get3A_28 = arith.constant 0 : index
    %get3A_29 = arith.constant 0 : index
    %get3A_30 = vector.load %arg6[%get3A_27, %get3A_28, %get3A_29] : memref<1x2000x64xf32, #tpu.memory_space<vmem>>, vector<1x2000x64xf32>
    %get3A_31 = vector.shape_cast %get3A_30 : vector<1x2000x64xf32> to vector<2000x64xf32>
    %add3A_32 = arith.addf %add3A_26, %get3A_31 : vector<2000x64xf32>
    %get3A_33 = arith.constant 0 : index
    %get3A_34 = arith.constant 0 : index
    %get3A_35 = arith.constant 0 : index
    %get3A_36 = vector.load %arg7[%get3A_33, %get3A_34, %get3A_35] : memref<1x2000x64xf32, #tpu.memory_space<vmem>>, vector<1x2000x64xf32>
    %get3A_37 = vector.shape_cast %get3A_36 : vector<1x2000x64xf32> to vector<2000x64xf32>
    %add3A_38 = arith.addf %add3A_32, %get3A_37 : vector<2000x64xf32>
    %get3A_39 = arith.constant 0 : index
    %get3A_40 = arith.constant 0 : index
    %get3A_41 = arith.constant 0 : index
    %get3A_42 = vector.load %arg8[%get3A_39, %get3A_40, %get3A_41] : memref<1x2000x64xf32, #tpu.memory_space<vmem>>, vector<1x2000x64xf32>
    %get3A_43 = vector.shape_cast %get3A_42 : vector<1x2000x64xf32> to vector<2000x64xf32>
    %add3A_44 = arith.addf %add3A_38, %get3A_43 : vector<2000x64xf32>
    %slice3A = vector.extract_strided_slice %add3A_44 {offsets = [0, 50], sizes = [2000, 1], strides = [1, 1]} : vector<2000x64xf32> to vector<2000x1xf32>
    %max3A = arith.constant 1.000000e+00 : f32
    %max3A_45 = vector.broadcast %max3A : f32 to vector<2000x1xf32>
    %max3A_46 = arith.maximumf %slice3A, %max3A_45 : vector<2000x1xf32>
    %div3A = vector.broadcast %max3A_46 : vector<2000x1xf32> to vector<2000x64xf32>
    %div3A_47 = arith.divf %add3A_44, %div3A : vector<2000x64xf32>
    %convert_element_type3A = arith.truncf %div3A_47 : vector<2000x64xf32> to vector<2000x64xbf16>
    %get3A_48 = arith.constant 0 : index
    %get3A_49 = arith.constant 0 : index
    %get3A_50 = vector.load %arg9[%get3A_48, %get3A_49] : memref<2000x128xf32, #tpu.memory_space<vmem>>, vector<2000x128xf32>
    %convert_element_type3A_51 = arith.truncf %get3A_50 : vector<2000x128xf32> to vector<2000x128xbf16>
    %get3A_52 = arith.constant 0 : index
    %get3A_53 = arith.constant 0 : index
    %get3A_54 = vector.load %arg10[%get3A_52, %get3A_53] : memref<128x1024xbf16, #tpu.memory_space<vmem>>, vector<128x1024xbf16>
    %dot_general3A = arith.constant dense<0.000000e+00> : vector<2000x1024xf32>
    %dot_general3A_55 = tpu.matmul %convert_element_type3A_51, %get3A_54, %dot_general3A {dimension_numbers = #tpu.dot_dimension_numbers<[1], [0], [0], [1], [0, 0, 1, 1], [], []>, transpose_lhs_hint = false} : vector<2000x128xbf16>, vector<128x1024xbf16>, vector<2000x1024xf32> -> vector<2000x1024xf32>
    %get3A_56 = arith.constant 0 : index
    %get3A_57 = arith.constant 0 : index
    %get3A_58 = vector.load %arg11[%get3A_56, %get3A_57] : memref<64x1024xbf16, #tpu.memory_space<vmem>>, vector<64x1024xbf16>
    %dot_general3A_59 = arith.constant dense<0.000000e+00> : vector<2000x1024xf32>
    %dot_general3A_60 = tpu.matmul %convert_element_type3A, %get3A_58, %dot_general3A_59 {dimension_numbers = #tpu.dot_dimension_numbers<[1], [0], [0], [1], [0, 0, 1, 1], [], []>, transpose_lhs_hint = false} : vector<2000x64xbf16>, vector<64x1024xbf16>, vector<2000x1024xf32> -> vector<2000x1024xf32>
    %add3A_61 = arith.addf %dot_general3A_55, %dot_general3A_60 : vector<2000x1024xf32>
    %max3A_62 = arith.constant 0.000000e+00 : f32
    %max3A_63 = vector.broadcast %max3A_62 : f32 to vector<2000x1024xf32>
    %max3A_64 = arith.maximumf %add3A_61, %max3A_63 : vector<2000x1024xf32>
    %convert_element_type3A_65 = arith.truncf %max3A_64 : vector<2000x1024xf32> to vector<2000x1024xbf16>
    %get3A_66 = arith.constant 0 : index
    %get3A_67 = arith.constant 0 : index
    %get3A_68 = vector.load %arg12[%get3A_66, %get3A_67] : memref<1024x512xbf16, #tpu.memory_space<vmem>>, vector<1024x512xbf16>
    %dot_general3A_69 = arith.constant dense<0.000000e+00> : vector<2000x512xf32>
    %dot_general3A_70 = tpu.matmul %convert_element_type3A_65, %get3A_68, %dot_general3A_69 {dimension_numbers = #tpu.dot_dimension_numbers<[1], [0], [0], [1], [0, 0, 1, 1], [], []>, transpose_lhs_hint = false} : vector<2000x1024xbf16>, vector<1024x512xbf16>, vector<2000x512xf32> -> vector<2000x512xf32>
    %get3A_71 = arith.constant 0 : index
    %get3A_72 = arith.constant 0 : index
    %get3A_73 = vector.load %arg13[%get3A_71, %get3A_72] : memref<1x512xf32, #tpu.memory_space<vmem>>, vector<1x512xf32>
    %add3A_74 = vector.broadcast %get3A_73 : vector<1x512xf32> to vector<2000x512xf32>
    %add3A_75 = arith.addf %dot_general3A_70, %add3A_74 : vector<2000x512xf32>
    %max3A_76 = arith.constant 0.000000e+00 : f32
    %max3A_77 = vector.broadcast %max3A_76 : f32 to vector<2000x512xf32>
    %max3A_78 = arith.maximumf %add3A_75, %max3A_77 : vector<2000x512xf32>
    %convert_element_type3A_79 = arith.truncf %max3A_78 : vector<2000x512xf32> to vector<2000x512xbf16>
    %get3A_80 = arith.constant 0 : index
    %get3A_81 = arith.constant 0 : index
    %get3A_82 = vector.load %arg14[%get3A_80, %get3A_81] : memref<512x256xbf16, #tpu.memory_space<vmem>>, vector<512x256xbf16>
    %dot_general3A_83 = arith.constant dense<0.000000e+00> : vector<2000x256xf32>
    %dot_general3A_84 = tpu.matmul %convert_element_type3A_79, %get3A_82, %dot_general3A_83 {dimension_numbers = #tpu.dot_dimension_numbers<[1], [0], [0], [1], [0, 0, 1, 1], [], []>, transpose_lhs_hint = false} : vector<2000x512xbf16>, vector<512x256xbf16>, vector<2000x256xf32> -> vector<2000x256xf32>
    %get3A_85 = arith.constant 0 : index
    %get3A_86 = arith.constant 0 : index
    %get3A_87 = vector.load %arg15[%get3A_85, %get3A_86] : memref<1x256xf32, #tpu.memory_space<vmem>>, vector<1x256xf32>
    %add3A_88 = vector.broadcast %get3A_87 : vector<1x256xf32> to vector<2000x256xf32>
    %add3A_89 = arith.addf %dot_general3A_84, %add3A_88 : vector<2000x256xf32>
    %max3A_90 = arith.constant 0.000000e+00 : f32
    %max3A_91 = vector.broadcast %max3A_90 : f32 to vector<2000x256xf32>
    %max3A_92 = arith.maximumf %add3A_89, %max3A_91 : vector<2000x256xf32>
    %convert_element_type3A_93 = arith.truncf %max3A_92 : vector<2000x256xf32> to vector<2000x256xbf16>
    %get3A_94 = arith.constant 0 : index
    %get3A_95 = arith.constant 0 : index
    %get3A_96 = vector.load %arg16[%get3A_94, %get3A_95] : memref<256x100xbf16, #tpu.memory_space<vmem>>, vector<256x100xbf16>
    %dot_general3A_97 = arith.constant dense<0.000000e+00> : vector<2000x100xf32>
    %dot_general3A_98 = tpu.matmul %convert_element_type3A_93, %get3A_96, %dot_general3A_97 {dimension_numbers = #tpu.dot_dimension_numbers<[1], [0], [0], [1], [0, 0, 1, 1], [], []>, transpose_lhs_hint = false} : vector<2000x256xbf16>, vector<256x100xbf16>, vector<2000x100xf32> -> vector<2000x100xf32>
    %get3A_99 = arith.constant 0 : index
    %get3A_100 = arith.constant 0 : index
    %get3A_101 = vector.load %arg17[%get3A_99, %get3A_100] : memref<1x100xf32, #tpu.memory_space<vmem>>, vector<1x100xf32>
    %add3A_102 = vector.broadcast %get3A_101 : vector<1x100xf32> to vector<2000x100xf32>
    %add3A_103 = arith.addf %dot_general3A_98, %add3A_102 : vector<2000x100xf32>
    %eq3A = arith.constant 0 : i32
    %eq3A_104 = arith.cmpi eq, %arg0, %eq3A : i32
    %convert_element_type3A_105 = arith.extui %eq3A_104 : i1 to i32
    %cond3A = arith.constant 0 : i32
    %cond3A_106 = arith.cmpi ne, %convert_element_type3A_105, %cond3A : i32
    scf.if %cond3A_106 {
      %broadcast_in_dim3A_116 = arith.constant 0.000000e+00 : f32
      %broadcast_in_dim3A_117 = vector.broadcast %broadcast_in_dim3A_116 : f32 to vector<1x100xf32>
      %swap3A_118 = arith.constant 0 : index
      %swap3A_119 = arith.constant 0 : index
      %swap3A_120 = vector.load %arg18[%swap3A_118, %swap3A_119] : memref<1x100xf32, #tpu.memory_space<vmem>>, vector<1x100xf32>
      tpu.vector_store %arg18[%swap3A_118, %swap3A_119], %broadcast_in_dim3A_117 {strides = array<i32>} : memref<1x100xf32, #tpu.memory_space<vmem>>, vector<1x100xf32>,
    } else {
    }
    %get3A_107 = arith.constant 0 : index
    %get3A_108 = arith.constant 0 : index
    %get3A_109 = vector.load %arg18[%get3A_107, %get3A_108] : memref<1x100xf32, #tpu.memory_space<vmem>>, vector<1x100xf32>
    %reduce_sum3A = arith.constant dense<0.000000e+00> : vector<100xf32>
    %reduce_sum3A_110 = vector.multi_reduction <add>, %add3A_103, %reduce_sum3A [0] : vector<2000x100xf32> to vector<100xf32>
    %broadcast_in_dim3A = vector.shape_cast %reduce_sum3A_110 : vector<100xf32> to vector<1x100xf32>
    %mul3A = arith.constant 9.99999974E-5 : f32
    %mul3A_111 = vector.broadcast %mul3A : f32 to vector<1x100xf32>
    %mul3A_112 = arith.mulf %broadcast_in_dim3A, %mul3A_111 : vector<1x100xf32>
    %add3A_113 = arith.addf %get3A_109, %mul3A_112 : vector<1x100xf32>
    %swap3A = arith.constant 0 : index
    %swap3A_114 = arith.constant 0 : index
    %swap3A_115 = vector.load %arg18[%swap3A, %swap3A_114] : memref<1x100xf32, #tpu.memory_space<vmem>>, vector<1x100xf32>
    tpu.vector_store %arg18[%swap3A, %swap3A_114], %add3A_113 {strides = array<i32>} : memref<1x100xf32, #tpu.memory_space<vmem>>, vector<1x100xf32>,
    return
  }
  func.func @transform_0(%arg0: i32) -> (i32, i32, i32) {
    %c0_i32 = arith.constant 0 : i32
    %c0_i32_0 = arith.constant 0 : i32
    %c0_i32_1 = arith.constant 0 : i32
    return %c0_i32, %arg0, %c0_i32_0 : i32, i32, i32
  }
  func.func @transform_1(%arg0: i32) -> (i32, i32, i32) {
    %c1_i32 = arith.constant 1 : i32
    %c0_i32 = arith.constant 0 : i32
    %c0_i32_0 = arith.constant 0 : i32
    return %c1_i32, %arg0, %c0_i32 : i32, i32, i32
  }
  func.func @transform_2(%arg0: i32) -> (i32, i32, i32) {
    %c0_i32 = arith.constant 0 : i32
    %c0_i32_0 = arith.constant 0 : i32
    %c0_i32_1 = arith.constant 0 : i32
    return %c0_i32, %arg0, %c0_i32_0 : i32, i32, i32
  }
  func.func @transform_3(%arg0: i32) -> (i32, i32, i32) {
    %c1_i32 = arith.constant 1 : i32
    %c0_i32 = arith.constant 0 : i32
    %c0_i32_0 = arith.constant 0 : i32
    return %c1_i32, %arg0, %c0_i32 : i32, i32, i32
  }
  func.func @transform_4(%arg0: i32) -> (i32, i32, i32) {
    %c0_i32 = arith.constant 0 : i32
    %c0_i32_0 = arith.constant 0 : i32
    %c0_i32_1 = arith.constant 0 : i32
    return %c0_i32, %arg0, %c0_i32_0 : i32, i32, i32
  }
  func.func @transform_5(%arg0: i32) -> (i32, i32, i32) {
    %c1_i32 = arith.constant 1 : i32
    %c0_i32 = arith.constant 0 : i32
    %c0_i32_0 = arith.constant 0 : i32
    return %c1_i32, %arg0, %c0_i32 : i32, i32, i32
  }
  func.func @transform_6(%arg0: i32) -> (i32, i32, i32) {
    %c0_i32 = arith.constant 0 : i32
    %c0_i32_0 = arith.constant 0 : i32
    %c0_i32_1 = arith.constant 0 : i32
    return %c0_i32, %arg0, %c0_i32_0 : i32, i32, i32
  }
  func.func @transform_7(%arg0: i32) -> (i32, i32, i32) {
    %c1_i32 = arith.constant 1 : i32
    %c0_i32 = arith.constant 0 : i32
    %c0_i32_0 = arith.constant 0 : i32
    return %c1_i32, %arg0, %c0_i32 : i32, i32, i32
  }
  func.func @transform_8(%arg0: i32) -> (i32, i32) {
    %c0_i32 = arith.constant 0 : i32
    %c0_i32_0 = arith.constant 0 : i32
    return %arg0, %c0_i32 : i32, i32
  }
  func.func @transform_9(%arg0: i32) -> (i32, i32) {
    %c0_i32 = arith.constant 0 : i32
    %c0_i32_0 = arith.constant 0 : i32
    %c0_i32_1 = arith.constant 0 : i32
    return %c0_i32, %c0_i32_0 : i32, i32
  }
  func.func @transform_10(%arg0: i32) -> (i32, i32) {
    %c0_i32 = arith.constant 0 : i32
    %c0_i32_0 = arith.constant 0 : i32
    %c0_i32_1 = arith.constant 0 : i32
    return %c0_i32, %c0_i32_0 : i32, i32
  }
  func.func @transform_11(%arg0: i32) -> (i32, i32) {
    %c0_i32 = arith.constant 0 : i32
    %c0_i32_0 = arith.constant 0 : i32
    %c0_i32_1 = arith.constant 0 : i32
    return %c0_i32, %c0_i32_0 : i32, i32
  }
  func.func @transform_12(%arg0: i32) -> (i32, i32) {
    %c0_i32 = arith.constant 0 : i32
    %c0_i32_0 = arith.constant 0 : i32
    %c0_i32_1 = arith.constant 0 : i32
    return %c0_i32, %c0_i32_0 : i32, i32
  }
  func.func @transform_13(%arg0: i32) -> (i32, i32) {
    %c0_i32 = arith.constant 0 : i32
    %c0_i32_0 = arith.constant 0 : i32
    %c0_i32_1 = arith.constant 0 : i32
    return %c0_i32, %c0_i32_0 : i32, i32
  }
  func.func @transform_14(%arg0: i32) -> (i32, i32) {
    %c0_i32 = arith.constant 0 : i32
    %c0_i32_0 = arith.constant 0 : i32
    %c0_i32_1 = arith.constant 0 : i32
    return %c0_i32, %c0_i32_0 : i32, i32
  }
  func.func @transform_15(%arg0: i32) -> (i32, i32) {
    %c0_i32 = arith.constant 0 : i32
    %c0_i32_0 = arith.constant 0 : i32
    %c0_i32_1 = arith.constant 0 : i32
    return %c0_i32, %c0_i32_0 : i32, i32
  }
  func.func @transform_16(%arg0: i32) -> (i32, i32) {
    %c0_i32 = arith.constant 0 : i32
    %c0_i32_0 = arith.constant 0 : i32
    %c0_i32_1 = arith.constant 0 : i32
    return %c0_i32, %c0_i32_0 : i32, i32
  }
  func.func @transform_17(%arg0: i32) -> (i32, i32) {
    %c0_i32 = arith.constant 0 : i32
    %c0_i32_0 = arith.constant 0 : i32
    %c0_i32_1 = arith.constant 0 : i32
    return %c0_i32, %c0_i32_0 : i32, i32
  }
}

</mosaic_0001>

<sc_bundles>
// kernel: kernel.15.cloned.1.call-start
scs
__scs_entry_jumppad:
0x0: {  	(pc) =	sbr.rel $0x88, $3  }
0x1: {  	(tag) =	ssettag $0x0;
	lr =	simm.s32 $0x1  }
0x2: {  	[smem:$0x3F8E] =	sst lr;
	_ =	strace $0xD0000000  }
0x3: {  	_ = 	snop  }
0x4: {  	_ = 	snop  }
0x5: {  	_ = 	snop  }
0x6: {  	_ = 	snop  }
0x7: {  	_ = 	snop  }
__scs_overlays_trampoline_lowered:
0x8: {  	[smem:$0x3F9D] =	sst s0  }
0x9: {  	[smem:$0x3F9E] =	sst s1  }
0xa: {  	[smem:$0x3F9F] =	sst s2  }
0xb: {  	[smem:$0x3FA0] =	sst s3  }
0xc: {  	[smem:$0x3FA1] =	sst s4  }
0xd: {  	[smem:$0x3FA2] =	sst s5  }
0xe: {  	[smem:$0x3FA3] =	sst s6  }
0xf: {  	[smem:$0x3FA4] =	sst s7  }
0x10: {  	[smem:$0x3FA5] =	sst s8  }
0x11: {  	[smem:$0x3FA6] =	sst s9;
	s0 =	simm.s32 @!p0 $0x0  }
0x12: {  	s1 =	sld [smem:$0x3F8C];
	s0 =	simm.s32 @p0 $0x1  }
0x13: {  	[smem:$0x3FA7] =	sst s0;
	s0 =	simm.s32 @!p1 $0x0  }
0x14: {  	s2 =	sld [smem:$0x3F8B];
	s0 =	simm.s32 @p1 $0x1  }
0x15: {  	[smem:$0x3FA8] =	sst s0;
	s0 =	simm.s32 @!p2 $0x0  }
0x16: {  	s3 =	sld [smem:$0x3FDB];
	s0 =	simm.s32 @p2 $0x1  }
0x17: {  	s4 =	simm.s32 $0x1BF5;
	[smem:$0x3FAA] =	sst s0  }
0x18: {  	s0 =	sld [smem:$0x3F8D];
	_ =	swait.ge [sflag:s4], $0x0  }
0x19: {  	s7 =	sld [smem:$0x3F8E]  }
0x1a: {  	s8 =	sadd.s32 $0xFFFFE003, lr  }
0x1b: {  	s9 =	sadd.s32 $0xFFFFFEF7, lr;
	s5 =	simm.s32 $0xFFFFFFFF;
	p2 =	slt.u32 s8, $0xFFFFF086  }
0x1c: {  	p1 =	slt.u32 s9, $0xF7A;
	s5 =	simm.s32 @!p2 $0x0  }
0x1d: {  	s5 =	simm.s32 @p1 $0x1;
	p0 =	seq.s32 s7, s2  }
0x1e: {  	s7 =	smul.u32 @!p0 $0xF7A, s2;
	p2 =	seq.s32 @!p0 s5, $0x0  }
0x1f: {  	s9 =	smul.u32 $0xF7A, s1;
	s8 =	simm.s32 @!p0 $0x1BF5;
	p2 =	por !p2, p0  }
0x20: {  	[sflag:s8] =	ssyncset.s32 @!p0 $0xFFFFF086;
	s6 =	sadd.s32 @!p0 s3, s7;
	s7 =	simm.s32 @!p0 $0x108  }
0x21: {  	s3 =	sadd.s32 s3, s9;
	s6 =	sadd.s32 @!p0 $0x88, s6;
	s7 =	simm.s32 @p2 $0x1082  }
0x22: {  	[simem:s7], [sflag:s8] =	dma.local @!p0 [hbm:s6], $0xF7A  }
0x23: {  	s9 =	sor.u32 $0xD0000000, s2;
	s6 =	simm.s32 $0x108;
	_ =	swait.ge @!p0 [sflag:s8], $0x0  }
0x24: {  	s3 =	sadd.s32 $0x88, s3;
	s6 =	simm.s32 @!p1 $0x1082;
	[sflag:s4] =	ssyncset.s32 $0xFFFFF086  }
0x25: {  	[simem:s6], [sflag:s4] =	dma.local [hbm:s3], $0xF7A  }
0x26: {  	[smem:$0x3F8E] =	sst s1;
	(tag) =	ssettag s2;
	_ =	strace s9  }
0x27: {  	s1 =	sld [smem:$0x3F9E]  }
0x28: {  	s2 =	sld [smem:$0x3F9F]  }
0x29: {  	s4 =	sld [smem:$0x3FA1]  }
0x2a: {  	p0 =	seq.s32 s5, $0x0;
	s5 =	sld [smem:$0x3FA2]  }
0x2b: {  	s6 =	sld [smem:$0x3FA3]  }
0x2c: {  	s7 =	sld [smem:$0x3FA4]  }
0x2d: {  	s3 =	simm.s32 $0x108;
	s8 =	sld [smem:$0x3FA5]  }
0x2e: {  	s3 =	simm.s32 @!p0 $0x1082;
	s9 =	sld [smem:$0x3FA6]  }
0x2f: {  	lr =	sadd.s32 s0, s3;
	s0 =	sld [smem:$0x3F9D]  }
0x30: {  	s3 =	sld [smem:$0x3FA0]  }
0x31: {  	[smem:$0x3FA9] =	sst s10  }
0x32: {  	s10 =	sld [smem:$0x3FA7];
	_ =	sdelay $0x3  }
0x33: {  	p0 =	seq.s32 s10, $0x1;
	s10 =	sld [smem:$0x3FA9];
	_ =	sdelay $0x3  }
0x34: {  	[smem:$0x3FA9] =	sst s10  }
0x35: {  	s10 =	sld [smem:$0x3FA8];
	_ =	sdelay $0x3  }
0x36: {  	p1 =	seq.s32 s10, $0x1;
	s10 =	sld [smem:$0x3FA9];
	_ =	sdelay $0x3  }
0x37: {  	[smem:$0x3FA9] =	sst s10  }
0x38: {  	s10 =	sld [smem:$0x3FAA]  }
0x39: {  	_ = 	snop;
	(pc) =	sbr.ind lr, $3  }
0x3a: {  	_ = 	snop  }
0x3b: {  	_ = 	snop  }
0x3c: {  	p2 =	seq.s32 s10, $0x1;
	s10 =	sld [smem:$0x3FA9]  }
0x3d: {  	_ =	shalt  }
0x3e: {  	_ =	shalt  }
0x3f: {  	_ =	shalt  }
0x40: {  	_ =	shalt  }
0x41: {  	_ =	shalt  }
0x42: {  	_ =	shalt  }
0x43: {  	_ =	shalt  }
0x44: {  	_ =	shalt  }
0x45: {  	_ =	shalt  }
0x46: {  	_ =	shalt  }
0x47: {  	_ =	shalt  }
0x48: {  	_ =	shalt  }
0x49: {  	_ =	shalt  }
0x4a: {  	_ =	shalt  }
0x4b: {  	_ =	shalt  }
0x4c: {  	_ =	shalt  }
0x4d: {  	_ =	shalt  }
0x4e: {  	_ =	shalt  }
0x4f: {  	_ =	shalt  }
0x50: {  	_ =	shalt  }
0x51: {  	_ =	shalt  }
0x52: {  	_ =	shalt  }
0x53: {  	_ =	shalt  }
0x54: {  	_ =	shalt  }
0x55: {  	_ =	shalt  }
0x56: {  	_ =	shalt  }
0x57: {  	_ =	shalt  }
0x58: {  	_ =	shalt  }
0x59: {  	_ =	shalt  }
0x5a: {  	_ =	shalt  }
0x5b: {  	_ =	shalt  }
0x5c: {  	_ =	shalt  }
0x5d: {  	_ =	shalt  }
0x5e: {  	_ =	shalt  }
0x5f: {  	_ =	shalt  }
0x60: {  	_ =	shalt  }
0x61: {  	_ =	shalt  }
0x62: {  	_ =	shalt  }
0x63: {  	_ =	shalt  }
0x64: {  	_ =	shalt  }
0x65: {  	_ =	shalt  }
0x66: {  	_ =	shalt  }
0x67: {  	_ =	shalt  }
0x68: {  	_ =	shalt  }
0x69: {  	_ =	shalt  }
0x6a: {  	_ =	shalt  }
0x6b: {  	_ =	shalt  }
0x6c: {  	_ =	shalt  }
0x6d: {  	_ =	shalt  }
0x6e: {  	_ =	shalt  }
0x6f: {  	_ =	shalt  }
0x70: {  	_ =	shalt  }
0x71: {  	_ =	shalt  }
0x72: {  	_ =	shalt  }
0x73: {  	_ =	shalt  }
0x74: {  	_ =	shalt  }
0x75: {  	_ =	shalt  }
0x76: {  	_ =	shalt  }
0x77: {  	_ =	shalt  }
0x78: {  	_ =	shalt  }
0x79: {  	_ =	shalt  }
0x7a: {  	_ =	shalt  }
0x7b: {  	_ =	shalt  }
0x7c: {  	_ =	shalt  }
0x7d: {  	_ =	shalt  }
0x7e: {  	_ =	shalt  }
0x7f: {  	_ =	shalt  }
0x80: {  	_ =	shalt  }
0x81: {  	_ =	shalt  }
0x82: {  	_ =	shalt  }
0x83: {  	_ =	shalt  }
0x84: {  	_ =	shalt  }
0x85: {  	_ =	shalt  }
0x86: {  	_ =	shalt  }
0x87: {  	_ =	shalt  }
.Lfunc_end0:
.L_simem_size_0:
called_computation_lowered:
.L_overlay_start_0:
0x88: {  	s2 =	sld [smem:$0x3FD9]  }
0x89: {  	s3 =	sld [smem:$0x3FFE];
	_ =	sdelay $0x1  }
0x8a: {  	s1 =	srdreg.scid  }
0x8b: {  	s0 =	sand.u32 $0x1, s1  }
0x8c: {  	s17 =	sshll.u32 s0, $0xA;
	s2 =	sadd.s32 s3, s2  }
0x8d: {  	s2 =	sadd.s32 s2, s17  }
0x8e: {  	[smem:$0x3FB5] =	sst s2  }
0x8f: {  	_ = 	snop  }
0x90: {  	(tm) =	ssettm $0x1  }
0x91: {  	s18 =	sld [smem:$0x3FFB];
	_ =	sdelay $0x3  }
0x92: {  	_ =	strace s18  }
0x93: {  	s2 =	sld [smem:$0x3FFC];
	_ =	sdelay $0x3  }
0x94: {  	_ =	strace s2  }
0x95: {  	s2 =	sld [smem:$0x3FFD];
	_ =	sdelay $0x3  }
0x96: {  	_ =	strace s2  }
0x97: {  	_ =	strace $0x8FFFFFFF  }
0x98: {  	s19 =	sld [smem:$0x3FDB];
	_ =	sdelay $0x1  }
0x99: {  	s20 =	simm.s32 $_scs_section_size  }
0x9a: {  	s4 =	simm.s32 $_size__tile_overlayer_lowered;
	s5 =	simm.s32 $_tile_overlayer_lowered  }
0x9b: {  	s6 =	simm.s32 $0x1BFF;
	s21 =	sshll.u32 s5, $0x1;
	s3 =	sadd.s32 s20, s19  }
0x9c: {  	s22 =	simm.s32 $0x0;
	s4 =	sshll.u32 s4, $0x1;
	s5 =	sadd.s32 s21, s3  }
0x9d: {  	[timem:s22], [sflag:s6] =	dma.local [hbm:s5], s4  }
0x9e: {  	_ =	swait.ge [sflag:s6], s4  }
0x9f: {  	s4 =	ssub.s32 $0x0, s4;
	[sflag:s6] =	ssyncset.done $0x0  }
0xa0: {  	[sflag:s6] =	ssyncadd.s32 s4;
	_ =	sdelay $0x1  }
0xa1: {  	s23 =	simm.s32 $0x1B8B  }
0xa2: {  	_ =	swait.ge [sflag:s23], $0x1  }
0xa3: {  	[sflag:s23] =	ssyncset.done $0x0  }
0xa4: {  	[sflag:s23] =	ssyncadd.s32 $0xFFFFFFFF  }
0xa5: {  	s4 =	sld [smem:$0x0]  }
0xa6: {  	s5 =	sand.u32 $0xFFFFFFFE, s1  }
0xa7: {  	p0 =	sne.s32 s1, s5  }
0xa8: {  	s5 =	sshll.u32 @p0 s5, $0xE  }
0xa9: {  	s5 =	sadd.s32 @p0 $0x11B8D, s5;
	s6 =	sshll.u32 @p0 s4, $0x11  }
0xaa: {  	s5 =	sor.u32 @p0 s6, s5  }
0xab: {  	[sflag:s5] =	ssyncadd.remote.s32 @p0 $0x1;
	_ =	sdelay $0x1  }
0xac: {  	s5 =	simm.s32 @p0 $0x1B8D  }
0xad: {  	_ =	swait.eq @p0 [sflag:s5], $0x1  }
0xae: {  	[sflag:s5] =	ssyncadd.s32 @p0 $0xFFFFFFFF  }
0xaf: {  	s6 =	sshll.u32 @!p0 s1, $0xE  }
0xb0: {  	s6 =	sor.u32 @!p0 $0x4000, s6;
	s5 =	simm.s32 @!p0 $0x1B8D  }
0xb1: {  	s4 =	sshll.u32 @!p0 s4, $0x11;
	s6 =	sadd.s32 @!p0 $0x11B8D, s6;
	_ =	swait.eq @!p0 [sflag:s5], $0x1  }
0xb2: {  	s4 =	sor.u32 @!p0 s4, s6;
	[sflag:s5] =	ssyncadd.s32 @!p0 $0xFFFFFFFF  }
0xb3: {  	s25 =	simm.s32 $0x1B8E;
	s24 =	sld [smem:$0x3FFE];
	[sflag:s4] =	ssyncadd.remote.s32 @!p0 $0x1  }
0xb4: {  	s26 =	simm.s32 $execute0_lowered;
	[smem:$0x3FD2] =	sst s25  }
0xb5: {  	s5 =	sshll.u32 s26, $0x1;
	_ =	strace $0x8000004F;
	[dreg:$0x1] =	wrdreg $0xFFFFFFFF  }
0xb6: {  	s28 =	simm.s32 $_size_execute0_lowered;
	s3 =	sadd.s32 s3, s5;
	[dreg:$0x0] =	wrdreg $0x0  }
0xb7: {  	s5 =	sshll.u32 s28, $0x1;
	[dreg:$0x2] =	wrdreg s3  }
0xb8: {  	[dreg:$0x3] =	wrdreg s5  }
0xb9: {  	[dreg:$0x4] =	wrdreg $0xC0  }
0xba: {  	_ =	task [dreg:s22], $0x5FFFF  }
0xbb: {  	[dreg:$0x1] =	wrdreg $0xFFFFFFFF  }
0xbc: {  	[dreg:$0x0] =	wrdreg $0x60  }
0xbd: {  	[dreg:$0x2] =	wrdreg s24  }
0xbe: {  	[dreg:$0x3] =	wrdreg $0x9  }
0xbf: {  	_ =	task.clear_ibuf [dreg:s22], $0x4FFFF;
	_ =	strace $0x9000004F  }
0xc0: {  	s29 =	simm.s32 $0x9;
	_ =	strace $0x80000051  }
0xc1: {  	_ =	swait.ge [sflag:s29], $0x1  }
0xc2: {  	[sflag:s29] =	ssyncadd.s32 $0xFFFFFFFF  }
0xc3: {  	_ =	strace $0x90000051  }
0xc4: {  	_ =	sfence  }
0xc5: {  	s30 =	sld [smem:$0x0];
	_ =	sdelay $0x2  }
0xc6: {  	s31 =	sshll.u32 s1, $0xD;
	s1 =	sshrl.u32 s1, $0x2  }
0xc7: {  	s4 =	sand.u32 $0x4000, s31;
	s1 =	sadd.s32 s1, s30  }
0xc8: {  	s0 =	sor.u32 s4, s0;
	s1 =	sshll.u32 s1, $0x11  }
0xc9: {  	s0 =	sor.u32 s1, s0  }
0xca: {  	s0 =	sadd.s32 $0x8F2B, s0  }
0xcb: {  	[sflag:s0] =	ssyncadd.remote.s32 $0x1  }
0xcc: {  	_ =	sfence.sel $0xFFFF  }
0xcd: {  	[dreg:$0x0] =	wrdreg $0xFFFFFFFF;
	(pc) =	sbr.abs _section_cstart, $3  }
0xce: {  	[dreg:$0x1] =	wrdreg $0xFFFFFFFF  }
0xcf: {  	_ =	task.clear_ibuf [dreg:s22], $0x2FFFF;
	_ =	strace $0x9FFFFFFF  }
0xd0: {  	(tm) =	ssettm $0x7FFFFFFF  }
0xd1: {  	_ =	shalt  }
tec
execute0_lowered:
.L_overlay_start_1:
0x0: {  	(tag) =	ssettag $0x1  }
0x1: {  	s4 =	rddreg [dreg:$0x0]  }
0x2: {  	s0 =	rddreg [dreg:$0x1]  }
0x3: {  	s3 =	srdreg.scid;
	s1 =	stileid.u32;
	s2 =	simm.s32 $0x0  }
0x4: {  	s11 =	simm.s32 $0x4080;
	s12 =	simm.s32 $0x100;
	s13 =	simm.s32 $0x7F00  }
0x5: {  	s14 =	simm.s32 $0x180;
	s15 =	simm.s32 $0xBD80;
	s16 =	simm.s32 $0x1  }
0x6: {  	s17 =	simm.s32 $0x0;
	s5 =	sand.u32 $0x1, s3;
	s6 =	smul.u32 $0x1400, s1  }
0x7: {  	[smem:$0x7FF] =	sst s2;
	s3 =	sadd.s32 $0x4600, s4;
	s28 =	smul.u32 $0x13880, s1  }
0x8: {  	s7 =	smul.u32 $0xA00, s5;
	_ =	strace $0x80000050;
	s8 =	ssub.s32 $0x2, s5  }
0x9: {  	s10 =	smul.u32 $0x9C40, s5;
	s9 =	sshrl.u32 s8, $0x1;
	s30 =	sadd.s32 s28, s4  }
0xa: {  	s6 =	sadd.s32 s7, s6;
	s31 =	ssub.s32 s8, s9;
	s7 =	simm.s32 $0x2  }
0xb: {  	s8 =	simm.s32 $0x7D;
	s9 =	simm.s32 $0x200;
	s6 =	sshrl.u32 s6, $0x3  }
0xc: {  	s29 =	sadd.s32 s6, s4;
	s4 =	smax.u32 s31, $0x1;
	s6 =	sadd.s32 s10, s30  }
0xd: {  	s10 =	simm.s32 $0x80;
	s5 =	sadd.s32 $0x3E8E00, s29;
	s6 =	sadd.s32 $0x3EB600, s6  }
.LBB2_1:
0xe: {  	s18 =	sadd.s32 $0x0, s5  }
0xf: {  	[tilespmem:s2], [sflag:$0x2] =	stream.linear.gather [hbm4b:s18+s2], $0x200, $0x38;
	[tilespmem:$0xFC00] =	vst v63  }
0x10: {  	_ =	swait.ge [sflag:s7], $0x200  }
0x11: {  	[sflag:s7] =	ssyncset.done $0x0  }
0x12: {  	[sflag:s7] =	ssyncadd.s32 $0xFFFFFE00  }
0x13: {  	[tilespmem:s9], [sflag:$0x1] =	stream.indirect.gather [hbm4b:s3+s8], $0x80, s2, s8, $0xb8;
	[tilespmem:$0xFC00] =	vst v63  }
0x14: {  	_ = 	snop  }
0x15: {  	[tilespmem:s11], [sflag:$0x1] =	stream.indirect.gather [hbm4b:s3+s8], $0x80, s10, s8, $0xb8;
	[tilespmem:$0xFC00] =	vst v63  }
0x16: {  	_ = 	snop  }
0x17: {  	[tilespmem:s13], [sflag:$0x1] =	stream.indirect.gather [hbm4b:s3+s8], $0x80, s12, s8, $0xb8;
	[tilespmem:$0xFC00] =	vst v63  }
0x18: {  	_ = 	snop  }
0x19: {  	[tilespmem:s15], [sflag:$0x1] =	stream.indirect.gather [hbm4b:s3+s8], $0x80, s14, s8, $0xb8;
	[tilespmem:$0xFC00] =	vst v63  }
0x1a: {  	_ =	swait.ge [sflag:s16], $0x3E80  }
0x1b: {  	[sflag:s16] =	ssyncset.done $0x0  }
0x1c: {  	[sflag:s16] =	ssyncadd.s32 $0xFFFFC180  }
0x1d: {  	_ =	swait.ge [sflag:s16], $0x3E80  }
0x1e: {  	[sflag:s16] =	ssyncset.done $0x0  }
0x1f: {  	[sflag:s16] =	ssyncadd.s32 $0xFFFFC180  }
0x20: {  	_ =	swait.ge [sflag:s16], $0x3E80  }
0x21: {  	[sflag:s16] =	ssyncset.done $0x0  }
0x22: {  	[sflag:s16] =	ssyncadd.s32 $0xFFFFC180  }
0x23: {  	_ =	swait.ge [sflag:s16], $0x3E80  }
0x24: {  	[sflag:s16] =	ssyncset.done $0x0  }
0x25: {  	[sflag:s16] =	ssyncadd.s32 $0xFFFFC180  }
0x26: {  	[hbm4b:s6+s2] =	stream.linear.scatter [tilespmem:s9], [sflag:$0x2], $0xFA00, $0x38;
	[tilespmem:$0xFC00] =	vst v63  }
0x27: {  	s19 =	simm.s32 $0x40;
	_ =	swait.ge [sflag:s7], $0xFA00  }
0x28: {  	s20 =	simm.s32 $0x80;
	s18 =	sadd.s32 $0x1F40, s6;
	[sflag:s7] =	ssyncset.done $0x0  }
.LBB2_2:
0x29: {  	s21 =	sadd.s32 s19, s5  }
0x2a: {  	[sflag:s7] =	ssyncadd.s32 $0xFFFF0600;
	s19 =	smov.u32 s20;
	s22 =	sadd.s32 $0x40, s20  }
0x2b: {  	[tilespmem:s2], [sflag:$0x2] =	stream.linear.gather [hbm4b:s21+s2], $0x200, $0x38;
	[tilespmem:$0xFC00] =	vst v63  }
0x2c: {  	p0 =	sne.s32 s20, $0x100;
	_ =	swait.ge [sflag:s7], $0x200  }
0x2d: {  	[sflag:s7] =	ssyncset.done $0x0  }
0x2e: {  	[sflag:s7] =	ssyncadd.s32 $0xFFFFFE00  }
0x2f: {  	[tilespmem:s9], [sflag:$0x1] =	stream.indirect.gather [hbm4b:s3+s8], $0x80, s2, s8, $0xb8;
	[tilespmem:$0xFC00] =	vst v63  }
0x30: {  	_ = 	snop  }
0x31: {  	[tilespmem:s11], [sflag:$0x1] =	stream.indirect.gather [hbm4b:s3+s8], $0x80, s10, s8, $0xb8;
	[tilespmem:$0xFC00] =	vst v63  }
0x32: {  	_ = 	snop  }
0x33: {  	[tilespmem:s13], [sflag:$0x1] =	stream.indirect.gather [hbm4b:s3+s8], $0x80, s12, s8, $0xb8;
	[tilespmem:$0xFC00] =	vst v63  }
0x34: {  	_ = 	snop  }
0x35: {  	[tilespmem:s15], [sflag:$0x1] =	stream.indirect.gather [hbm4b:s3+s8], $0x80, s14, s8, $0xb8;
	[tilespmem:$0xFC00] =	vst v63  }
0x36: {  	_ =	swait.ge [sflag:s16], $0x3E80  }
0x37: {  	[sflag:s16] =	ssyncset.done $0x0  }
0x38: {  	[sflag:s16] =	ssyncadd.s32 $0xFFFFC180  }
0x39: {  	_ =	swait.ge [sflag:s16], $0x3E80  }
0x3a: {  	[sflag:s16] =	ssyncset.done $0x0  }
0x3b: {  	[sflag:s16] =	ssyncadd.s32 $0xFFFFC180  }
0x3c: {  	_ =	swait.ge [sflag:s16], $0x3E80  }
0x3d: {  	[sflag:s16] =	ssyncset.done $0x0  }
0x3e: {  	[sflag:s16] =	ssyncadd.s32 $0xFFFFC180  }
0x3f: {  	_ =	swait.ge [sflag:s16], $0x3E80  }
.Ltmp0:
0x40: {  	[sflag:s16] =	ssyncset.done $0x0;
	(pc) =	sbr.rel @p0 .LBB2_2-.Ltmp0, $4  }
0x41: {  	[sflag:s16] =	ssyncadd.s32 $0xFFFFC180  }
0x42: {  	[hbm4b:s18+s2] =	stream.linear.scatter [tilespmem:s9], [sflag:$0x2], $0xFA00, $0x38;
	[tilespmem:$0xFC00] =	vst v63  }
0x43: {  	_ =	swait.ge [sflag:s7], $0xFA00  }
0x44: {  	s20 =	smov.u32 s22;
	s18 =	sadd.s32 $0x1F40, s18;
	[sflag:s7] =	ssyncset.done $0x0  }
0x45: {  	s19 =	sadd.s32 s19, s5;
	[sflag:s7] =	ssyncadd.s32 $0xFFFF0600  }
0x46: {  	[tilespmem:s2], [sflag:$0x2] =	stream.linear.gather [hbm4b:s19+s2], $0x200, $0x38;
	[tilespmem:$0xFC00] =	vst v63  }
0x47: {  	_ =	swait.ge [sflag:s7], $0x200  }
0x48: {  	[sflag:s7] =	ssyncset.done $0x0  }
0x49: {  	[sflag:s7] =	ssyncadd.s32 $0xFFFFFE00  }
0x4a: {  	[tilespmem:s9], [sflag:$0x1] =	stream.indirect.gather [hbm4b:s3+s8], $0x80, s2, s8, $0xb8;
	[tilespmem:$0xFC00] =	vst v63  }
0x4b: {  	_ = 	snop  }
0x4c: {  	[tilespmem:s11], [sflag:$0x1] =	stream.indirect.gather [hbm4b:s3+s8], $0x80, s10, s8, $0xb8;
	[tilespmem:$0xFC00] =	vst v63  }
0x4d: {  	_ = 	snop  }
0x4e: {  	[tilespmem:s13], [sflag:$0x1] =	stream.indirect.gather [hbm4b:s3+s8], $0x80, s12, s8, $0xb8;
	[tilespmem:$0xFC00] =	vst v63  }
0x4f: {  	_ = 	snop  }
0x50: {  	[tilespmem:s15], [sflag:$0x1] =	stream.indirect.gather [hbm4b:s3+s8], $0x80, s14, s8, $0xb8;
	[tilespmem:$0xFC00] =	vst v63  }
0x51: {  	_ =	swait.ge [sflag:s16], $0x3E80  }
0x52: {  	[sflag:s16] =	ssyncset.done $0x0  }
0x53: {  	[sflag:s16] =	ssyncadd.s32 $0xFFFFC180  }
0x54: {  	_ =	swait.ge [sflag:s16], $0x3E80  }
0x55: {  	[sflag:s16] =	ssyncset.done $0x0  }
0x56: {  	[sflag:s16] =	ssyncadd.s32 $0xFFFFC180  }
0x57: {  	_ =	swait.ge [sflag:s16], $0x3E80  }
0x58: {  	[sflag:s16] =	ssyncset.done $0x0  }
0x59: {  	[sflag:s16] =	ssyncadd.s32 $0xFFFFC180  }
0x5a: {  	s17 =	sadd.s32 $0x1, s17;
	_ =	swait.ge [sflag:s16], $0x3E80  }
0x5b: {  	p0 =	sne.s32 s17, s4;
	[sflag:s16] =	ssyncset.done $0x0  }
.Ltmp1:
0x5c: {  	[sflag:s16] =	ssyncadd.s32 $0xFFFFC180;
	(pc) =	sbr.rel @p0 .LBB2_1-.Ltmp1, $4  }
0x5d: {  	[hbm4b:s18+s2] =	stream.linear.scatter [tilespmem:s9], [sflag:$0x2], $0xFA00, $0x38;
	[tilespmem:$0xFC00] =	vst v63  }
0x5e: {  	_ =	swait.ge [sflag:s7], $0xFA00  }
0x5f: {  	[sflag:s7] =	ssyncset.done $0x0  }
0x60: {  	[sflag:s7] =	ssyncadd.s32 $0xFFFF0600  }
0x61: {  	_ =	sfence.sel $0x180000  }
0x62: {  	[bflag:$0x0] =	sbarrier.arrive $0xFFFF  }
0x63: {  	p0 =	sne.s32 s1, $0x0;
	_ =	strace $0x90000050  }
0x64: {  	s0 =	sadd.s32 @!p0 $0x100000, s0;
	[bflag:$0x2] =	sbarrier.arrive $0xFFFF  }
0x65: {  	[sflag:s0] =	ssyncadd.tile.s32 @!p0 $0x1;
	_ =	shalt  }
.Lfunc_end2:
_tile_overlayer_lowered:
.L_overlay_start_2:
0x66: {  	(tag) =	ssettag $0x2  }
0x67: {  	s0 =	rddreg [dreg:$0x0];
	s2 =	stileid.u32  }
0x68: {  	s1 =	rddreg [dreg:$0x1];
	p0 =	sne.s32 s2, $0x0  }
0x69: {  	s3 =	rddreg [dreg:$0x2];
	[bflag:$0x3] =	sbarrier.arrive $0xFFFF;
	s2 =	simm.s32 @!p0 $0x1C02  }
0x6a: {  	[timem:s3], [sflag:s2] =	dma.local @!p0 [hbm:s0], s1  }
0x6b: {  	s0 =	simm.s32 @!p0 $0x2  }
0x6c: {  	_ =	swait.ge @!p0 [sflag:s0], s1  }
0x6d: {  	s1 =	ssub.s32 @!p0 $0x0, s1;
	[sflag:s0] =	ssyncset.done @!p0 $0x0  }
0x6e: {  	[sflag:s0] =	ssyncadd.s32 @!p0 s1  }
0x6f: {  	[bflag:$0x3] =	sbarrier.arrive $0xFFFF  }
0x70: {  	_ =	shalt  }

// kernel: kernel.18.cloned.1.call-start
scs
__scs_entry_jumppad:
0x0: {  	(pc) =	sbr.rel $0x88, $3  }
0x1: {  	(tag) =	ssettag $0x0;
	lr =	simm.s32 $0x1  }
0x2: {  	[smem:$0x3F8E] =	sst lr;
	_ =	strace $0xD0000000  }
0x3: {  	_ = 	snop  }
0x4: {  	_ = 	snop  }
0x5: {  	_ = 	snop  }
0x6: {  	_ = 	snop  }
0x7: {  	_ = 	snop  }
__scs_overlays_trampoline_lowered:
0x8: {  	[smem:$0x3F9D] =	sst s0  }
0x9: {  	[smem:$0x3F9E] =	sst s1  }
0xa: {  	[smem:$0x3F9F] =	sst s2  }
0xb: {  	[smem:$0x3FA0] =	sst s3  }
0xc: {  	[smem:$0x3FA1] =	sst s4  }
0xd: {  	[smem:$0x3FA2] =	sst s5  }
0xe: {  	[smem:$0x3FA3] =	sst s6  }
0xf: {  	[smem:$0x3FA4] =	sst s7  }
0x10: {  	[smem:$0x3FA5] =	sst s8  }
0x11: {  	[smem:$0x3FA6] =	sst s9;
	s0 =	simm.s32 @!p0 $0x0  }
0x12: {  	s1 =	sld [smem:$0x3F8C];
	s0 =	simm.s32 @p0 $0x1  }
0x13: {  	[smem:$0x3FA7] =	sst s0;
	s0 =	simm.s32 @!p1 $0x0  }
0x14: {  	s2 =	sld [smem:$0x3F8B];
	s0 =	simm.s32 @p1 $0x1  }
0x15: {  	[smem:$0x3FA8] =	sst s0;
	s0 =	simm.s32 @!p2 $0x0  }
0x16: {  	s3 =	sld [smem:$0x3FDB];
	s0 =	simm.s32 @p2 $0x1  }
0x17: {  	s4 =	simm.s32 $0x1BF5;
	[smem:$0x3FAA] =	sst s0  }
0x18: {  	s0 =	sld [smem:$0x3F8D];
	_ =	swait.ge [sflag:s4], $0x0  }
0x19: {  	s7 =	sld [smem:$0x3F8E]  }
0x1a: {  	s8 =	sadd.s32 $0xFFFFE003, lr  }
0x1b: {  	s9 =	sadd.s32 $0xFFFFFEF7, lr;
	s5 =	simm.s32 $0xFFFFFFFF;
	p2 =	slt.u32 s8, $0xFFFFF086  }
0x1c: {  	p1 =	slt.u32 s9, $0xF7A;
	s5 =	simm.s32 @!p2 $0x0  }
0x1d: {  	s5 =	simm.s32 @p1 $0x1;
	p0 =	seq.s32 s7, s2  }
0x1e: {  	s7 =	smul.u32 @!p0 $0xF7A, s2;
	p2 =	seq.s32 @!p0 s5, $0x0  }
0x1f: {  	s9 =	smul.u32 $0xF7A, s1;
	s8 =	simm.s32 @!p0 $0x1BF5;
	p2 =	por !p2, p0  }
0x20: {  	[sflag:s8] =	ssyncset.s32 @!p0 $0xFFFFF086;
	s6 =	sadd.s32 @!p0 s3, s7;
	s7 =	simm.s32 @!p0 $0x108  }
0x21: {  	s3 =	sadd.s32 s3, s9;
	s6 =	sadd.s32 @!p0 $0x88, s6;
	s7 =	simm.s32 @p2 $0x1082  }
0x22: {  	[simem:s7], [sflag:s8] =	dma.local @!p0 [hbm:s6], $0xF7A  }
0x23: {  	s9 =	sor.u32 $0xD0000000, s2;
	s6 =	simm.s32 $0x108;
	_ =	swait.ge @!p0 [sflag:s8], $0x0  }
0x24: {  	s3 =	sadd.s32 $0x88, s3;
	s6 =	simm.s32 @!p1 $0x1082;
	[sflag:s4] =	ssyncset.s32 $0xFFFFF086  }
0x25: {  	[simem:s6], [sflag:s4] =	dma.local [hbm:s3], $0xF7A  }
0x26: {  	[smem:$0x3F8E] =	sst s1;
	(tag) =	ssettag s2;
	_ =	strace s9  }
0x27: {  	s1 =	sld [smem:$0x3F9E]  }
0x28: {  	s2 =	sld [smem:$0x3F9F]  }
0x29: {  	s4 =	sld [smem:$0x3FA1]  }
0x2a: {  	p0 =	seq.s32 s5, $0x0;
	s5 =	sld [smem:$0x3FA2]  }
0x2b: {  	s6 =	sld [smem:$0x3FA3]  }
0x2c: {  	s7 =	sld [smem:$0x3FA4]  }
0x2d: {  	s3 =	simm.s32 $0x108;
	s8 =	sld [smem:$0x3FA5]  }
0x2e: {  	s3 =	simm.s32 @!p0 $0x1082;
	s9 =	sld [smem:$0x3FA6]  }
0x2f: {  	lr =	sadd.s32 s0, s3;
	s0 =	sld [smem:$0x3F9D]  }
0x30: {  	s3 =	sld [smem:$0x3FA0]  }
0x31: {  	[smem:$0x3FA9] =	sst s10  }
0x32: {  	s10 =	sld [smem:$0x3FA7];
	_ =	sdelay $0x3  }
0x33: {  	p0 =	seq.s32 s10, $0x1;
	s10 =	sld [smem:$0x3FA9];
	_ =	sdelay $0x3  }
0x34: {  	[smem:$0x3FA9] =	sst s10  }
0x35: {  	s10 =	sld [smem:$0x3FA8];
	_ =	sdelay $0x3  }
0x36: {  	p1 =	seq.s32 s10, $0x1;
	s10 =	sld [smem:$0x3FA9];
	_ =	sdelay $0x3  }
0x37: {  	[smem:$0x3FA9] =	sst s10  }
0x38: {  	s10 =	sld [smem:$0x3FAA]  }
0x39: {  	_ = 	snop;
	(pc) =	sbr.ind lr, $3  }
0x3a: {  	_ = 	snop  }
0x3b: {  	_ = 	snop  }
0x3c: {  	p2 =	seq.s32 s10, $0x1;
	s10 =	sld [smem:$0x3FA9]  }
0x3d: {  	_ =	shalt  }
0x3e: {  	_ =	shalt  }
0x3f: {  	_ =	shalt  }
0x40: {  	_ =	shalt  }
0x41: {  	_ =	shalt  }
0x42: {  	_ =	shalt  }
0x43: {  	_ =	shalt  }
0x44: {  	_ =	shalt  }
0x45: {  	_ =	shalt  }
0x46: {  	_ =	shalt  }
0x47: {  	_ =	shalt  }
0x48: {  	_ =	shalt  }
0x49: {  	_ =	shalt  }
0x4a: {  	_ =	shalt  }
0x4b: {  	_ =	shalt  }
0x4c: {  	_ =	shalt  }
0x4d: {  	_ =	shalt  }
0x4e: {  	_ =	shalt  }
0x4f: {  	_ =	shalt  }
0x50: {  	_ =	shalt  }
0x51: {  	_ =	shalt  }
0x52: {  	_ =	shalt  }
0x53: {  	_ =	shalt  }
0x54: {  	_ =	shalt  }
0x55: {  	_ =	shalt  }
0x56: {  	_ =	shalt  }
0x57: {  	_ =	shalt  }
0x58: {  	_ =	shalt  }
0x59: {  	_ =	shalt  }
0x5a: {  	_ =	shalt  }
0x5b: {  	_ =	shalt  }
0x5c: {  	_ =	shalt  }
0x5d: {  	_ =	shalt  }
0x5e: {  	_ =	shalt  }
0x5f: {  	_ =	shalt  }
0x60: {  	_ =	shalt  }
0x61: {  	_ =	shalt  }
0x62: {  	_ =	shalt  }
0x63: {  	_ =	shalt  }
0x64: {  	_ =	shalt  }
0x65: {  	_ =	shalt  }
0x66: {  	_ =	shalt  }
0x67: {  	_ =	shalt  }
0x68: {  	_ =	shalt  }
0x69: {  	_ =	shalt  }
0x6a: {  	_ =	shalt  }
0x6b: {  	_ =	shalt  }
0x6c: {  	_ =	shalt  }
0x6d: {  	_ =	shalt  }
0x6e: {  	_ =	shalt  }
0x6f: {  	_ =	shalt  }
0x70: {  	_ =	shalt  }
0x71: {  	_ =	shalt  }
0x72: {  	_ =	shalt  }
0x73: {  	_ =	shalt  }
0x74: {  	_ =	shalt  }
0x75: {  	_ =	shalt  }
0x76: {  	_ =	shalt  }
0x77: {  	_ =	shalt  }
0x78: {  	_ =	shalt  }
0x79: {  	_ =	shalt  }
0x7a: {  	_ =	shalt  }
0x7b: {  	_ =	shalt  }
0x7c: {  	_ =	shalt  }
0x7d: {  	_ =	shalt  }
0x7e: {  	_ =	shalt  }
0x7f: {  	_ =	shalt  }
0x80: {  	_ =	shalt  }
0x81: {  	_ =	shalt  }
0x82: {  	_ =	shalt  }
0x83: {  	_ =	shalt  }
0x84: {  	_ =	shalt  }
0x85: {  	_ =	shalt  }
0x86: {  	_ =	shalt  }
0x87: {  	_ =	shalt  }
.Lfunc_end0:
.L_simem_size_0:
called_computation.1_lowered:
.L_overlay_start_0:
0x88: {  	s2 =	sld [smem:$0x3FD9]  }
0x89: {  	s3 =	sld [smem:$0x3FFE];
	_ =	sdelay $0x1  }
0x8a: {  	s1 =	srdreg.scid  }
0x8b: {  	s0 =	sand.u32 $0x1, s1  }
0x8c: {  	s16 =	sshll.u32 s0, $0xA;
	s2 =	sadd.s32 s3, s2  }
0x8d: {  	s2 =	sadd.s32 s2, s16  }
0x8e: {  	[smem:$0x3FB5] =	sst s2  }
0x8f: {  	_ = 	snop  }
0x90: {  	(tm) =	ssettm $0x1  }
0x91: {  	s17 =	sld [smem:$0x3FFB];
	_ =	sdelay $0x3  }
0x92: {  	_ =	strace s17  }
0x93: {  	s2 =	sld [smem:$0x3FFC];
	_ =	sdelay $0x3  }
0x94: {  	_ =	strace s2  }
0x95: {  	s2 =	sld [smem:$0x3FFD];
	_ =	sdelay $0x3  }
0x96: {  	_ =	strace s2  }
0x97: {  	_ =	strace $0x8FFFFFFF  }
0x98: {  	s18 =	sld [smem:$0x3FDB];
	_ =	sdelay $0x1  }
0x99: {  	s19 =	simm.s32 $_scs_section_size  }
0x9a: {  	s4 =	simm.s32 $_size__tile_overlayer_lowered;
	s5 =	simm.s32 $_tile_overlayer_lowered  }
0x9b: {  	s22 =	simm.s32 $0x1BFF;
	s21 =	sshll.u32 s5, $0x1;
	s2 =	sadd.s32 s19, s18  }
0x9c: {  	s6 =	simm.s32 $0x0;
	s20 =	sshll.u32 s4, $0x1;
	s4 =	sadd.s32 s21, s2  }
0x9d: {  	[timem:s6], [sflag:s22] =	dma.local [hbm:s4], s20  }
0x9e: {  	_ =	swait.ge [sflag:s22], s20  }
0x9f: {  	s3 =	ssub.s32 $0x0, s20;
	[sflag:s22] =	ssyncset.done $0x0  }
0xa0: {  	[sflag:s22] =	ssyncadd.s32 s3;
	_ =	sdelay $0x1  }
0xa1: {  	s23 =	simm.s32 $0x1B8B  }
0xa2: {  	_ =	swait.ge [sflag:s23], $0x1  }
0xa3: {  	[sflag:s23] =	ssyncset.done $0x0  }
0xa4: {  	s25 =	simm.s32 $0x1B8E;
	s24 =	sld [smem:$0x3FFE];
	[sflag:s23] =	ssyncadd.s32 $0xFFFFFFFF  }
0xa5: {  	s26 =	simm.s32 $execute0_lowered;
	[smem:$0x3FD2] =	sst s25  }
0xa6: {  	s4 =	sshll.u32 s26, $0x1;
	_ =	strace $0x80000046;
	[dreg:$0x1] =	wrdreg $0xFFFFFFFF  }
0xa7: {  	s28 =	simm.s32 $_size_execute0_lowered;
	s2 =	sadd.s32 s2, s4;
	[dreg:$0x0] =	wrdreg $0x0  }
0xa8: {  	s4 =	sshll.u32 s28, $0x1;
	[dreg:$0x2] =	wrdreg s2  }
0xa9: {  	[dreg:$0x3] =	wrdreg s4  }
0xaa: {  	[dreg:$0x4] =	wrdreg $0xC0  }
0xab: {  	_ =	task [dreg:s6], $0x5FFFF  }
0xac: {  	[dreg:$0x1] =	wrdreg $0xFFFFFFFF  }
0xad: {  	[dreg:$0x0] =	wrdreg $0x60  }
0xae: {  	[dreg:$0x2] =	wrdreg s24  }
0xaf: {  	[dreg:$0x3] =	wrdreg $0xA  }
0xb0: {  	_ =	task.clear_ibuf [dreg:s6], $0x4FFFF;
	_ =	strace $0x90000046  }
0xb1: {  	s29 =	simm.s32 $0xA;
	_ =	strace $0x80000048  }
0xb2: {  	_ =	swait.ge [sflag:s29], $0x1  }
0xb3: {  	[sflag:s29] =	ssyncadd.s32 $0xFFFFFFFF  }
0xb4: {  	_ =	strace $0x90000048  }
0xb5: {  	_ =	sfence  }
0xb6: {  	s30 =	sld [smem:$0x0];
	_ =	sdelay $0x2  }
0xb7: {  	s31 =	sshll.u32 s1, $0xD;
	s1 =	sshrl.u32 s1, $0x2  }
0xb8: {  	s3 =	sand.u32 $0x4000, s31;
	s1 =	sadd.s32 s1, s30  }
0xb9: {  	s0 =	sor.u32 s3, s0;
	s1 =	sshll.u32 s1, $0x11  }
0xba: {  	s0 =	sor.u32 s1, s0  }
0xbb: {  	s0 =	sadd.s32 $0x8F2B, s0  }
0xbc: {  	[sflag:s0] =	ssyncadd.remote.s32 $0x1  }
0xbd: {  	_ =	sfence.sel $0xFFFF  }
0xbe: {  	[dreg:$0x0] =	wrdreg $0xFFFFFFFF;
	(pc) =	sbr.abs _section_cstart, $3  }
0xbf: {  	[dreg:$0x1] =	wrdreg $0xFFFFFFFF  }
0xc0: {  	_ =	task.clear_ibuf [dreg:s6], $0x2FFFF;
	_ =	strace $0x9FFFFFFF  }
0xc1: {  	(tm) =	ssettm $0x7FFFFFFF  }
tec
execute0_lowered:
.L_overlay_start_1:
0x0: {  	(tag) =	ssettag $0x1  }
0x1: {  	s4 =	rddreg [dreg:$0x0]  }
0x2: {  	s0 =	rddreg [dreg:$0x1]  }
0x3: {  	s3 =	srdreg.scid;
	s1 =	stileid.u32;
	s2 =	simm.s32 $0x0  }
0x4: {  	s11 =	simm.s32 $0x4080;
	s12 =	simm.s32 $0x100;
	s13 =	simm.s32 $0x7F00  }
0x5: {  	s14 =	simm.s32 $0x180;
	s15 =	simm.s32 $0xBD80;
	s16 =	simm.s32 $0x1  }
0x6: {  	s17 =	simm.s32 $0x0;
	s5 =	sand.u32 $0x1, s3;
	s6 =	smul.u32 $0x1400, s1  }
0x7: {  	[smem:$0x7FF] =	sst s2;
	s3 =	sadd.s32 $0x4600, s4;
	s28 =	smul.u32 $0x13880, s1  }
0x8: {  	s7 =	smul.u32 $0xA00, s5;
	_ =	strace $0x80000047;
	s8 =	ssub.s32 $0x2, s5  }
0x9: {  	s10 =	smul.u32 $0x9C40, s5;
	s9 =	sshrl.u32 s8, $0x1;
	s30 =	sadd.s32 s28, s4  }
0xa: {  	s6 =	sadd.s32 s7, s6;
	s31 =	ssub.s32 s8, s9;
	s7 =	simm.s32 $0x2  }
0xb: {  	s8 =	simm.s32 $0x7D;
	s9 =	simm.s32 $0x200;
	s6 =	sshrl.u32 s6, $0x3  }
0xc: {  	s29 =	sadd.s32 s6, s4;
	s4 =	smax.u32 s31, $0x1;
	s6 =	sadd.s32 s10, s30  }
0xd: {  	s10 =	simm.s32 $0x80;
	s5 =	sadd.s32 $0x35600, s29;
	s6 =	sadd.s32 $0x37E00, s6  }
.LBB2_1:
0xe: {  	s18 =	sadd.s32 $0x0, s5  }
0xf: {  	[tilespmem:s2], [sflag:$0x2] =	stream.linear.gather [hbm4b:s18+s2], $0x200, $0x38;
	[tilespmem:$0xFC00] =	vst v63  }
0x10: {  	_ =	swait.ge [sflag:s7], $0x200  }
0x11: {  	[sflag:s7] =	ssyncset.done $0x0  }
0x12: {  	[sflag:s7] =	ssyncadd.s32 $0xFFFFFE00  }
0x13: {  	[tilespmem:s9], [sflag:$0x1] =	stream.indirect.gather [hbm4b:s3+s8], $0x80, s2, s8, $0xb8;
	[tilespmem:$0xFC00] =	vst v63  }
0x14: {  	_ = 	snop  }
0x15: {  	[tilespmem:s11], [sflag:$0x1] =	stream.indirect.gather [hbm4b:s3+s8], $0x80, s10, s8, $0xb8;
	[tilespmem:$0xFC00] =	vst v63  }
0x16: {  	_ = 	snop  }
0x17: {  	[tilespmem:s13], [sflag:$0x1] =	stream.indirect.gather [hbm4b:s3+s8], $0x80, s12, s8, $0xb8;
	[tilespmem:$0xFC00] =	vst v63  }
0x18: {  	_ = 	snop  }
0x19: {  	[tilespmem:s15], [sflag:$0x1] =	stream.indirect.gather [hbm4b:s3+s8], $0x80, s14, s8, $0xb8;
	[tilespmem:$0xFC00] =	vst v63  }
0x1a: {  	_ =	swait.ge [sflag:s16], $0x3E80  }
0x1b: {  	[sflag:s16] =	ssyncset.done $0x0  }
0x1c: {  	[sflag:s16] =	ssyncadd.s32 $0xFFFFC180  }
0x1d: {  	_ =	swait.ge [sflag:s16], $0x3E80  }
0x1e: {  	[sflag:s16] =	ssyncset.done $0x0  }
0x1f: {  	[sflag:s16] =	ssyncadd.s32 $0xFFFFC180  }
0x20: {  	_ =	swait.ge [sflag:s16], $0x3E80  }
0x21: {  	[sflag:s16] =	ssyncset.done $0x0  }
0x22: {  	[sflag:s16] =	ssyncadd.s32 $0xFFFFC180  }
0x23: {  	_ =	swait.ge [sflag:s16], $0x3E80  }
0x24: {  	[sflag:s16] =	ssyncset.done $0x0  }
0x25: {  	[sflag:s16] =	ssyncadd.s32 $0xFFFFC180  }
0x26: {  	[hbm4b:s6+s2] =	stream.linear.scatter [tilespmem:s9], [sflag:$0x2], $0xFA00, $0x38;
	[tilespmem:$0xFC00] =	vst v63  }
0x27: {  	s19 =	simm.s32 $0x40;
	_ =	swait.ge [sflag:s7], $0xFA00  }
0x28: {  	s20 =	simm.s32 $0x80;
	s18 =	sadd.s32 $0x1F40, s6;
	[sflag:s7] =	ssyncset.done $0x0  }
.LBB2_2:
0x29: {  	s21 =	sadd.s32 s19, s5  }
0x2a: {  	[sflag:s7] =	ssyncadd.s32 $0xFFFF0600;
	s19 =	smov.u32 s20;
	s22 =	sadd.s32 $0x40, s20  }
0x2b: {  	[tilespmem:s2], [sflag:$0x2] =	stream.linear.gather [hbm4b:s21+s2], $0x200, $0x38;
	[tilespmem:$0xFC00] =	vst v63  }
0x2c: {  	p0 =	sne.s32 s20, $0x100;
	_ =	swait.ge [sflag:s7], $0x200  }
0x2d: {  	[sflag:s7] =	ssyncset.done $0x0  }
0x2e: {  	[sflag:s7] =	ssyncadd.s32 $0xFFFFFE00  }
0x2f: {  	[tilespmem:s9], [sflag:$0x1] =	stream.indirect.gather [hbm4b:s3+s8], $0x80, s2, s8, $0xb8;
	[tilespmem:$0xFC00] =	vst v63  }
0x30: {  	_ = 	snop  }
0x31: {  	[tilespmem:s11], [sflag:$0x1] =	stream.indirect.gather [hbm4b:s3+s8], $0x80, s10, s8, $0xb8;
	[tilespmem:$0xFC00] =	vst v63  }
0x32: {  	_ = 	snop  }
0x33: {  	[tilespmem:s13], [sflag:$0x1] =	stream.indirect.gather [hbm4b:s3+s8], $0x80, s12, s8, $0xb8;
	[tilespmem:$0xFC00] =	vst v63  }
0x34: {  	_ = 	snop  }
0x35: {  	[tilespmem:s15], [sflag:$0x1] =	stream.indirect.gather [hbm4b:s3+s8], $0x80, s14, s8, $0xb8;
	[tilespmem:$0xFC00] =	vst v63  }
0x36: {  	_ =	swait.ge [sflag:s16], $0x3E80  }
0x37: {  	[sflag:s16] =	ssyncset.done $0x0  }
0x38: {  	[sflag:s16] =	ssyncadd.s32 $0xFFFFC180  }
0x39: {  	_ =	swait.ge [sflag:s16], $0x3E80  }
0x3a: {  	[sflag:s16] =	ssyncset.done $0x0  }
0x3b: {  	[sflag:s16] =	ssyncadd.s32 $0xFFFFC180  }
0x3c: {  	_ =	swait.ge [sflag:s16], $0x3E80  }
0x3d: {  	[sflag:s16] =	ssyncset.done $0x0  }
0x3e: {  	[sflag:s16] =	ssyncadd.s32 $0xFFFFC180  }
0x3f: {  	_ =	swait.ge [sflag:s16], $0x3E80  }
.Ltmp0:
0x40: {  	[sflag:s16] =	ssyncset.done $0x0;
	(pc) =	sbr.rel @p0 .LBB2_2-.Ltmp0, $4  }
0x41: {  	[sflag:s16] =	ssyncadd.s32 $0xFFFFC180  }
0x42: {  	[hbm4b:s18+s2] =	stream.linear.scatter [tilespmem:s9], [sflag:$0x2], $0xFA00, $0x38;
	[tilespmem:$0xFC00] =	vst v63  }
0x43: {  	_ =	swait.ge [sflag:s7], $0xFA00  }
0x44: {  	s20 =	smov.u32 s22;
	s18 =	sadd.s32 $0x1F40, s18;
	[sflag:s7] =	ssyncset.done $0x0  }
0x45: {  	s19 =	sadd.s32 s19, s5;
	[sflag:s7] =	ssyncadd.s32 $0xFFFF0600  }
0x46: {  	[tilespmem:s2], [sflag:$0x2] =	stream.linear.gather [hbm4b:s19+s2], $0x200, $0x38;
	[tilespmem:$0xFC00] =	vst v63  }
0x47: {  	_ =	swait.ge [sflag:s7], $0x200  }
0x48: {  	[sflag:s7] =	ssyncset.done $0x0  }
0x49: {  	[sflag:s7] =	ssyncadd.s32 $0xFFFFFE00  }
0x4a: {  	[tilespmem:s9], [sflag:$0x1] =	stream.indirect.gather [hbm4b:s3+s8], $0x80, s2, s8, $0xb8;
	[tilespmem:$0xFC00] =	vst v63  }
0x4b: {  	_ = 	snop  }
0x4c: {  	[tilespmem:s11], [sflag:$0x1] =	stream.indirect.gather [hbm4b:s3+s8], $0x80, s10, s8, $0xb8;
	[tilespmem:$0xFC00] =	vst v63  }
0x4d: {  	_ = 	snop  }
0x4e: {  	[tilespmem:s13], [sflag:$0x1] =	stream.indirect.gather [hbm4b:s3+s8], $0x80, s12, s8, $0xb8;
	[tilespmem:$0xFC00] =	vst v63  }
0x4f: {  	_ = 	snop  }
0x50: {  	[tilespmem:s15], [sflag:$0x1] =	stream.indirect.gather [hbm4b:s3+s8], $0x80, s14, s8, $0xb8;
	[tilespmem:$0xFC00] =	vst v63  }
0x51: {  	_ =	swait.ge [sflag:s16], $0x3E80  }
0x52: {  	[sflag:s16] =	ssyncset.done $0x0  }
0x53: {  	[sflag:s16] =	ssyncadd.s32 $0xFFFFC180  }
0x54: {  	_ =	swait.ge [sflag:s16], $0x3E80  }
0x55: {  	[sflag:s16] =	ssyncset.done $0x0  }
0x56: {  	[sflag:s16] =	ssyncadd.s32 $0xFFFFC180  }
0x57: {  	_ =	swait.ge [sflag:s16], $0x3E80  }
0x58: {  	[sflag:s16] =	ssyncset.done $0x0  }
0x59: {  	[sflag:s16] =	ssyncadd.s32 $0xFFFFC180  }
0x5a: {  	s17 =	sadd.s32 $0x1, s17;
	_ =	swait.ge [sflag:s16], $0x3E80  }
0x5b: {  	p0 =	sne.s32 s17, s4;
	[sflag:s16] =	ssyncset.done $0x0  }
.Ltmp1:
0x5c: {  	[sflag:s16] =	ssyncadd.s32 $0xFFFFC180;
	(pc) =	sbr.rel @p0 .LBB2_1-.Ltmp1, $4  }
0x5d: {  	[hbm4b:s18+s2] =	stream.linear.scatter [tilespmem:s9], [sflag:$0x2], $0xFA00, $0x38;
	[tilespmem:$0xFC00] =	vst v63  }
0x5e: {  	_ =	swait.ge [sflag:s7], $0xFA00  }
0x5f: {  	[sflag:s7] =	ssyncset.done $0x0  }
0x60: {  	[sflag:s7] =	ssyncadd.s32 $0xFFFF0600  }
0x61: {  	_ =	sfence.sel $0x180000  }
0x62: {  	[bflag:$0x0] =	sbarrier.arrive $0xFFFF  }
0x63: {  	p0 =	sne.s32 s1, $0x0;
	_ =	strace $0x90000047  }
0x64: {  	s0 =	sadd.s32 @!p0 $0x100000, s0;
	[bflag:$0x2] =	sbarrier.arrive $0xFFFF  }
0x65: {  	[sflag:s0] =	ssyncadd.tile.s32 @!p0 $0x1;
	_ =	shalt  }
.Lfunc_end2:
_tile_overlayer_lowered:
.L_overlay_start_2:
0x66: {  	(tag) =	ssettag $0x2  }
0x67: {  	s0 =	rddreg [dreg:$0x0];
	s2 =	stileid.u32  }
0x68: {  	s1 =	rddreg [dreg:$0x1];
	p0 =	sne.s32 s2, $0x0  }
0x69: {  	s3 =	rddreg [dreg:$0x2];
	[bflag:$0x3] =	sbarrier.arrive $0xFFFF;
	s2 =	simm.s32 @!p0 $0x1C02  }
0x6a: {  	[timem:s3], [sflag:s2] =	dma.local @!p0 [hbm:s0], s1  }
0x6b: {  	s0 =	simm.s32 @!p0 $0x2  }
0x6c: {  	_ =	swait.ge @!p0 [sflag:s0], s1  }
0x6d: {  	s1 =	ssub.s32 @!p0 $0x0, s1;
	[sflag:s0] =	ssyncset.done @!p0 $0x0  }
0x6e: {  	[sflag:s0] =	ssyncadd.s32 @!p0 s1  }
0x6f: {  	[bflag:$0x3] =	sbarrier.arrive $0xFFFF  }
0x70: {  	_ =	shalt  }

// kernel: kernel.21.cloned.1.call-start
scs
__scs_entry_jumppad:
0x0: {  	(pc) =	sbr.rel $0x88, $3  }
0x1: {  	(tag) =	ssettag $0x0;
	lr =	simm.s32 $0x1  }
0x2: {  	[smem:$0x3F8E] =	sst lr;
	_ =	strace $0xD0000000  }
0x3: {  	_ = 	snop  }
0x4: {  	_ = 	snop  }
0x5: {  	_ = 	snop  }
0x6: {  	_ = 	snop  }
0x7: {  	_ = 	snop  }
__scs_overlays_trampoline_lowered:
0x8: {  	[smem:$0x3F9D] =	sst s0  }
0x9: {  	[smem:$0x3F9E] =	sst s1  }
0xa: {  	[smem:$0x3F9F] =	sst s2  }
0xb: {  	[smem:$0x3FA0] =	sst s3  }
0xc: {  	[smem:$0x3FA1] =	sst s4  }
0xd: {  	[smem:$0x3FA2] =	sst s5  }
0xe: {  	[smem:$0x3FA3] =	sst s6  }
0xf: {  	[smem:$0x3FA4] =	sst s7  }
0x10: {  	[smem:$0x3FA5] =	sst s8  }
0x11: {  	[smem:$0x3FA6] =	sst s9;
	s0 =	simm.s32 @!p0 $0x0  }
0x12: {  	s1 =	sld [smem:$0x3F8C];
	s0 =	simm.s32 @p0 $0x1  }
0x13: {  	[smem:$0x3FA7] =	sst s0;
	s0 =	simm.s32 @!p1 $0x0  }
0x14: {  	s2 =	sld [smem:$0x3F8B];
	s0 =	simm.s32 @p1 $0x1  }
0x15: {  	[smem:$0x3FA8] =	sst s0;
	s0 =	simm.s32 @!p2 $0x0  }
0x16: {  	s3 =	sld [smem:$0x3FDB];
	s0 =	simm.s32 @p2 $0x1  }
0x17: {  	s4 =	simm.s32 $0x1BF5;
	[smem:$0x3FAA] =	sst s0  }
0x18: {  	s0 =	sld [smem:$0x3F8D];
	_ =	swait.ge [sflag:s4], $0x0  }
0x19: {  	s7 =	sld [smem:$0x3F8E]  }
0x1a: {  	s8 =	sadd.s32 $0xFFFFE003, lr  }
0x1b: {  	s9 =	sadd.s32 $0xFFFFFEF7, lr;
	s5 =	simm.s32 $0xFFFFFFFF;
	p2 =	slt.u32 s8, $0xFFFFF086  }
0x1c: {  	p1 =	slt.u32 s9, $0xF7A;
	s5 =	simm.s32 @!p2 $0x0  }
0x1d: {  	s5 =	simm.s32 @p1 $0x1;
	p0 =	seq.s32 s7, s2  }
0x1e: {  	s7 =	smul.u32 @!p0 $0xF7A, s2;
	p2 =	seq.s32 @!p0 s5, $0x0  }
0x1f: {  	s9 =	smul.u32 $0xF7A, s1;
	s8 =	simm.s32 @!p0 $0x1BF5;
	p2 =	por !p2, p0  }
0x20: {  	[sflag:s8] =	ssyncset.s32 @!p0 $0xFFFFF086;
	s6 =	sadd.s32 @!p0 s3, s7;
	s7 =	simm.s32 @!p0 $0x108  }
0x21: {  	s3 =	sadd.s32 s3, s9;
	s6 =	sadd.s32 @!p0 $0x88, s6;
	s7 =	simm.s32 @p2 $0x1082  }
0x22: {  	[simem:s7], [sflag:s8] =	dma.local @!p0 [hbm:s6], $0xF7A  }
0x23: {  	s9 =	sor.u32 $0xD0000000, s2;
	s6 =	simm.s32 $0x108;
	_ =	swait.ge @!p0 [sflag:s8], $0x0  }
0x24: {  	s3 =	sadd.s32 $0x88, s3;
	s6 =	simm.s32 @!p1 $0x1082;
	[sflag:s4] =	ssyncset.s32 $0xFFFFF086  }
0x25: {  	[simem:s6], [sflag:s4] =	dma.local [hbm:s3], $0xF7A  }
0x26: {  	[smem:$0x3F8E] =	sst s1;
	(tag) =	ssettag s2;
	_ =	strace s9  }
0x27: {  	s1 =	sld [smem:$0x3F9E]  }
0x28: {  	s2 =	sld [smem:$0x3F9F]  }
0x29: {  	s4 =	sld [smem:$0x3FA1]  }
0x2a: {  	p0 =	seq.s32 s5, $0x0;
	s5 =	sld [smem:$0x3FA2]  }
0x2b: {  	s6 =	sld [smem:$0x3FA3]  }
0x2c: {  	s7 =	sld [smem:$0x3FA4]  }
0x2d: {  	s3 =	simm.s32 $0x108;
	s8 =	sld [smem:$0x3FA5]  }
0x2e: {  	s3 =	simm.s32 @!p0 $0x1082;
	s9 =	sld [smem:$0x3FA6]  }
0x2f: {  	lr =	sadd.s32 s0, s3;
	s0 =	sld [smem:$0x3F9D]  }
0x30: {  	s3 =	sld [smem:$0x3FA0]  }
0x31: {  	[smem:$0x3FA9] =	sst s10  }
0x32: {  	s10 =	sld [smem:$0x3FA7];
	_ =	sdelay $0x3  }
0x33: {  	p0 =	seq.s32 s10, $0x1;
	s10 =	sld [smem:$0x3FA9];
	_ =	sdelay $0x3  }
0x34: {  	[smem:$0x3FA9] =	sst s10  }
0x35: {  	s10 =	sld [smem:$0x3FA8];
	_ =	sdelay $0x3  }
0x36: {  	p1 =	seq.s32 s10, $0x1;
	s10 =	sld [smem:$0x3FA9];
	_ =	sdelay $0x3  }
0x37: {  	[smem:$0x3FA9] =	sst s10  }
0x38: {  	s10 =	sld [smem:$0x3FAA]  }
0x39: {  	_ = 	snop;
	(pc) =	sbr.ind lr, $3  }
0x3a: {  	_ = 	snop  }
0x3b: {  	_ = 	snop  }
0x3c: {  	p2 =	seq.s32 s10, $0x1;
	s10 =	sld [smem:$0x3FA9]  }
0x3d: {  	_ =	shalt  }
0x3e: {  	_ =	shalt  }
0x3f: {  	_ =	shalt  }
0x40: {  	_ =	shalt  }
0x41: {  	_ =	shalt  }
0x42: {  	_ =	shalt  }
0x43: {  	_ =	shalt  }
0x44: {  	_ =	shalt  }
0x45: {  	_ =	shalt  }
0x46: {  	_ =	shalt  }
0x47: {  	_ =	shalt  }
0x48: {  	_ =	shalt  }
0x49: {  	_ =	shalt  }
0x4a: {  	_ =	shalt  }
0x4b: {  	_ =	shalt  }
0x4c: {  	_ =	shalt  }
0x4d: {  	_ =	shalt  }
0x4e: {  	_ =	shalt  }
0x4f: {  	_ =	shalt  }
0x50: {  	_ =	shalt  }
0x51: {  	_ =	shalt  }
0x52: {  	_ =	shalt  }
0x53: {  	_ =	shalt  }
0x54: {  	_ =	shalt  }
0x55: {  	_ =	shalt  }
0x56: {  	_ =	shalt  }
0x57: {  	_ =	shalt  }
0x58: {  	_ =	shalt  }
0x59: {  	_ =	shalt  }
0x5a: {  	_ =	shalt  }
0x5b: {  	_ =	shalt  }
0x5c: {  	_ =	shalt  }
0x5d: {  	_ =	shalt  }
0x5e: {  	_ =	shalt  }
0x5f: {  	_ =	shalt  }
0x60: {  	_ =	shalt  }
0x61: {  	_ =	shalt  }
0x62: {  	_ =	shalt  }
0x63: {  	_ =	shalt  }
0x64: {  	_ =	shalt  }
0x65: {  	_ =	shalt  }
0x66: {  	_ =	shalt  }
0x67: {  	_ =	shalt  }
0x68: {  	_ =	shalt  }
0x69: {  	_ =	shalt  }
0x6a: {  	_ =	shalt  }
0x6b: {  	_ =	shalt  }
0x6c: {  	_ =	shalt  }
0x6d: {  	_ =	shalt  }
0x6e: {  	_ =	shalt  }
0x6f: {  	_ =	shalt  }
0x70: {  	_ =	shalt  }
0x71: {  	_ =	shalt  }
0x72: {  	_ =	shalt  }
0x73: {  	_ =	shalt  }
0x74: {  	_ =	shalt  }
0x75: {  	_ =	shalt  }
0x76: {  	_ =	shalt  }
0x77: {  	_ =	shalt  }
0x78: {  	_ =	shalt  }
0x79: {  	_ =	shalt  }
0x7a: {  	_ =	shalt  }
0x7b: {  	_ =	shalt  }
0x7c: {  	_ =	shalt  }
0x7d: {  	_ =	shalt  }
0x7e: {  	_ =	shalt  }
0x7f: {  	_ =	shalt  }
0x80: {  	_ =	shalt  }
0x81: {  	_ =	shalt  }
0x82: {  	_ =	shalt  }
0x83: {  	_ =	shalt  }
0x84: {  	_ =	shalt  }
0x85: {  	_ =	shalt  }
0x86: {  	_ =	shalt  }
0x87: {  	_ =	shalt  }
.Lfunc_end0:
.L_simem_size_0:
called_computation.2_lowered:
.L_overlay_start_0:
0x88: {  	s2 =	sld [smem:$0x3FD9]  }
0x89: {  	s3 =	sld [smem:$0x3FFE];
	_ =	sdelay $0x1  }
0x8a: {  	s1 =	srdreg.scid  }
0x8b: {  	s0 =	sand.u32 $0x1, s1  }
0x8c: {  	s17 =	sshll.u32 s0, $0xA;
	s2 =	sadd.s32 s3, s2  }
0x8d: {  	s2 =	sadd.s32 s2, s17  }
0x8e: {  	[smem:$0x3FB5] =	sst s2  }
0x8f: {  	_ = 	snop  }
0x90: {  	(tm) =	ssettm $0x1  }
0x91: {  	s18 =	sld [smem:$0x3FFB];
	_ =	sdelay $0x3  }
0x92: {  	_ =	strace s18  }
0x93: {  	s2 =	sld [smem:$0x3FFC];
	_ =	sdelay $0x3  }
0x94: {  	_ =	strace s2  }
0x95: {  	s2 =	sld [smem:$0x3FFD];
	_ =	sdelay $0x3  }
0x96: {  	_ =	strace s2  }
0x97: {  	_ =	strace $0x8FFFFFFF  }
0x98: {  	s19 =	sld [smem:$0x3FDB];
	_ =	sdelay $0x1  }
0x99: {  	s20 =	simm.s32 $_scs_section_size  }
0x9a: {  	s4 =	simm.s32 $_size__tile_overlayer_lowered;
	s5 =	simm.s32 $_tile_overlayer_lowered  }
0x9b: {  	s6 =	simm.s32 $0x1BFF;
	s21 =	sshll.u32 s5, $0x1;
	s3 =	sadd.s32 s20, s19  }
0x9c: {  	s22 =	simm.s32 $0x0;
	s4 =	sshll.u32 s4, $0x1;
	s5 =	sadd.s32 s21, s3  }
0x9d: {  	[timem:s22], [sflag:s6] =	dma.local [hbm:s5], s4  }
0x9e: {  	_ =	swait.ge [sflag:s6], s4  }
0x9f: {  	s4 =	ssub.s32 $0x0, s4;
	[sflag:s6] =	ssyncset.done $0x0  }
0xa0: {  	[sflag:s6] =	ssyncadd.s32 s4;
	_ =	sdelay $0x1  }
0xa1: {  	s23 =	simm.s32 $0x1B8B  }
0xa2: {  	_ =	swait.ge [sflag:s23], $0x1  }
0xa3: {  	[sflag:s23] =	ssyncset.done $0x0  }
0xa4: {  	[sflag:s23] =	ssyncadd.s32 $0xFFFFFFFF  }
0xa5: {  	s4 =	sld [smem:$0x0]  }
0xa6: {  	s5 =	sand.u32 $0xFFFFFFFE, s1  }
0xa7: {  	p0 =	sne.s32 s1, s5  }
0xa8: {  	s5 =	sshll.u32 @p0 s5, $0xE  }
0xa9: {  	s5 =	sadd.s32 @p0 $0x11B8D, s5;
	s6 =	sshll.u32 @p0 s4, $0x11  }
0xaa: {  	s5 =	sor.u32 @p0 s6, s5  }
0xab: {  	[sflag:s5] =	ssyncadd.remote.s32 @p0 $0x1;
	_ =	sdelay $0x1  }
0xac: {  	s5 =	simm.s32 @p0 $0x1B8D  }
0xad: {  	_ =	swait.eq @p0 [sflag:s5], $0x1  }
0xae: {  	[sflag:s5] =	ssyncadd.s32 @p0 $0xFFFFFFFF  }
0xaf: {  	s6 =	sshll.u32 @!p0 s1, $0xE  }
0xb0: {  	s6 =	sor.u32 @!p0 $0x4000, s6;
	s5 =	simm.s32 @!p0 $0x1B8D  }
0xb1: {  	s4 =	sshll.u32 @!p0 s4, $0x11;
	s6 =	sadd.s32 @!p0 $0x11B8D, s6;
	_ =	swait.eq @!p0 [sflag:s5], $0x1  }
0xb2: {  	s4 =	sor.u32 @!p0 s4, s6;
	[sflag:s5] =	ssyncadd.s32 @!p0 $0xFFFFFFFF  }
0xb3: {  	s25 =	simm.s32 $0x1B8E;
	s24 =	sld [smem:$0x3FFE];
	[sflag:s4] =	ssyncadd.remote.s32 @!p0 $0x1  }
0xb4: {  	s26 =	simm.s32 $execute0_lowered;
	[smem:$0x3FD2] =	sst s25  }
0xb5: {  	s5 =	sshll.u32 s26, $0x1;
	_ =	strace $0x80000049;
	[dreg:$0x1] =	wrdreg $0xFFFFFFFF  }
0xb6: {  	s28 =	simm.s32 $_size_execute0_lowered;
	s3 =	sadd.s32 s3, s5;
	[dreg:$0x0] =	wrdreg $0x0  }
0xb7: {  	s5 =	sshll.u32 s28, $0x1;
	[dreg:$0x2] =	wrdreg s3  }
0xb8: {  	[dreg:$0x3] =	wrdreg s5  }
0xb9: {  	[dreg:$0x4] =	wrdreg $0xC0  }
0xba: {  	_ =	task [dreg:s22], $0x5FFFF  }
0xbb: {  	[dreg:$0x1] =	wrdreg $0xFFFFFFFF  }
0xbc: {  	[dreg:$0x0] =	wrdreg $0x60  }
0xbd: {  	[dreg:$0x2] =	wrdreg s24  }
0xbe: {  	[dreg:$0x3] =	wrdreg $0xC  }
0xbf: {  	_ =	task.clear_ibuf [dreg:s22], $0x4FFFF;
	_ =	strace $0x90000049  }
0xc0: {  	s29 =	simm.s32 $0xC;
	_ =	strace $0x8000004B  }
0xc1: {  	_ =	swait.ge [sflag:s29], $0x1  }
0xc2: {  	[sflag:s29] =	ssyncadd.s32 $0xFFFFFFFF  }
0xc3: {  	_ =	strace $0x9000004B  }
0xc4: {  	_ =	sfence  }
0xc5: {  	s30 =	sld [smem:$0x0];
	_ =	sdelay $0x2  }
0xc6: {  	s31 =	sshll.u32 s1, $0xD;
	s1 =	sshrl.u32 s1, $0x2  }
0xc7: {  	s4 =	sand.u32 $0x4000, s31;
	s1 =	sadd.s32 s1, s30  }
0xc8: {  	s0 =	sor.u32 s4, s0;
	s1 =	sshll.u32 s1, $0x11  }
0xc9: {  	s0 =	sor.u32 s1, s0  }
0xca: {  	s0 =	sadd.s32 $0x8F2B, s0  }
0xcb: {  	[sflag:s0] =	ssyncadd.remote.s32 $0x1  }
0xcc: {  	_ =	sfence.sel $0xFFFF  }
0xcd: {  	[dreg:$0x0] =	wrdreg $0xFFFFFFFF;
	(pc) =	sbr.abs _section_cstart, $3  }
0xce: {  	[dreg:$0x1] =	wrdreg $0xFFFFFFFF  }
0xcf: {  	_ =	task.clear_ibuf [dreg:s22], $0x2FFFF;
	_ =	strace $0x9FFFFFFF  }
0xd0: {  	(tm) =	ssettm $0x7FFFFFFF  }
0xd1: {  	_ =	shalt  }
tec
execute0_lowered:
.L_overlay_start_1:
0x0: {  	(tag) =	ssettag $0x1  }
0x1: {  	s4 =	rddreg [dreg:$0x0]  }
0x2: {  	s0 =	rddreg [dreg:$0x1]  }
0x3: {  	s3 =	srdreg.scid;
	s1 =	stileid.u32;
	s2 =	simm.s32 $0x0  }
0x4: {  	s11 =	simm.s32 $0x4080;
	s12 =	simm.s32 $0x100;
	s13 =	simm.s32 $0x7F00  }
0x5: {  	s14 =	simm.s32 $0x180;
	s15 =	simm.s32 $0xBD80;
	s16 =	simm.s32 $0x1  }
0x6: {  	s17 =	simm.s32 $0x0;
	s5 =	sand.u32 $0x1, s3;
	s6 =	smul.u32 $0x1400, s1  }
0x7: {  	[smem:$0x7FF] =	sst s2;
	s3 =	sadd.s32 $0x4600, s4;
	s28 =	smul.u32 $0x13880, s1  }
0x8: {  	s7 =	smul.u32 $0xA00, s5;
	_ =	strace $0x8000004A;
	s8 =	ssub.s32 $0x2, s5  }
0x9: {  	s10 =	smul.u32 $0x9C40, s5;
	s9 =	sshrl.u32 s8, $0x1;
	s30 =	sadd.s32 s28, s4  }
0xa: {  	s6 =	sadd.s32 s7, s6;
	s31 =	ssub.s32 s8, s9;
	s7 =	simm.s32 $0x2  }
0xb: {  	s8 =	simm.s32 $0x7D;
	s9 =	simm.s32 $0x200;
	s6 =	sshrl.u32 s6, $0x3  }
0xc: {  	s29 =	sadd.s32 s6, s4;
	s4 =	smax.u32 s31, $0x1;
	s6 =	sadd.s32 s10, s30  }
0xd: {  	s10 =	simm.s32 $0x80;
	s5 =	sadd.s32 $0x170600, s29;
	s6 =	sadd.s32 $0x172E00, s6  }
.LBB2_1:
0xe: {  	s18 =	sadd.s32 $0x0, s5  }
0xf: {  	[tilespmem:s2], [sflag:$0x2] =	stream.linear.gather [hbm4b:s18+s2], $0x200, $0x38;
	[tilespmem:$0xFC00] =	vst v63  }
0x10: {  	_ =	swait.ge [sflag:s7], $0x200  }
0x11: {  	[sflag:s7] =	ssyncset.done $0x0  }
0x12: {  	[sflag:s7] =	ssyncadd.s32 $0xFFFFFE00  }
0x13: {  	[tilespmem:s9], [sflag:$0x1] =	stream.indirect.gather [hbm4b:s3+s8], $0x80, s2, s8, $0xb8;
	[tilespmem:$0xFC00] =	vst v63  }
0x14: {  	_ = 	snop  }
0x15: {  	[tilespmem:s11], [sflag:$0x1] =	stream.indirect.gather [hbm4b:s3+s8], $0x80, s10, s8, $0xb8;
	[tilespmem:$0xFC00] =	vst v63  }
0x16: {  	_ = 	snop  }
0x17: {  	[tilespmem:s13], [sflag:$0x1] =	stream.indirect.gather [hbm4b:s3+s8], $0x80, s12, s8, $0xb8;
	[tilespmem:$0xFC00] =	vst v63  }
0x18: {  	_ = 	snop  }
0x19: {  	[tilespmem:s15], [sflag:$0x1] =	stream.indirect.gather [hbm4b:s3+s8], $0x80, s14, s8, $0xb8;
	[tilespmem:$0xFC00] =	vst v63  }
0x1a: {  	_ =	swait.ge [sflag:s16], $0x3E80  }
0x1b: {  	[sflag:s16] =	ssyncset.done $0x0  }
0x1c: {  	[sflag:s16] =	ssyncadd.s32 $0xFFFFC180  }
0x1d: {  	_ =	swait.ge [sflag:s16], $0x3E80  }
0x1e: {  	[sflag:s16] =	ssyncset.done $0x0  }
0x1f: {  	[sflag:s16] =	ssyncadd.s32 $0xFFFFC180  }
0x20: {  	_ =	swait.ge [sflag:s16], $0x3E80  }
0x21: {  	[sflag:s16] =	ssyncset.done $0x0  }
0x22: {  	[sflag:s16] =	ssyncadd.s32 $0xFFFFC180  }
0x23: {  	_ =	swait.ge [sflag:s16], $0x3E80  }
0x24: {  	[sflag:s16] =	ssyncset.done $0x0  }
0x25: {  	[sflag:s16] =	ssyncadd.s32 $0xFFFFC180  }
0x26: {  	[hbm4b:s6+s2] =	stream.linear.scatter [tilespmem:s9], [sflag:$0x2], $0xFA00, $0x38;
	[tilespmem:$0xFC00] =	vst v63  }
0x27: {  	s19 =	simm.s32 $0x40;
	_ =	swait.ge [sflag:s7], $0xFA00  }
0x28: {  	s20 =	simm.s32 $0x80;
	s18 =	sadd.s32 $0x1F40, s6;
	[sflag:s7] =	ssyncset.done $0x0  }
.LBB2_2:
0x29: {  	s21 =	sadd.s32 s19, s5  }
0x2a: {  	[sflag:s7] =	ssyncadd.s32 $0xFFFF0600;
	s19 =	smov.u32 s20;
	s22 =	sadd.s32 $0x40, s20  }
0x2b: {  	[tilespmem:s2], [sflag:$0x2] =	stream.linear.gather [hbm4b:s21+s2], $0x200, $0x38;
	[tilespmem:$0xFC00] =	vst v63  }
0x2c: {  	p0 =	sne.s32 s20, $0x100;
	_ =	swait.ge [sflag:s7], $0x200  }
0x2d: {  	[sflag:s7] =	ssyncset.done $0x0  }
0x2e: {  	[sflag:s7] =	ssyncadd.s32 $0xFFFFFE00  }
0x2f: {  	[tilespmem:s9], [sflag:$0x1] =	stream.indirect.gather [hbm4b:s3+s8], $0x80, s2, s8, $0xb8;
	[tilespmem:$0xFC00] =	vst v63  }
0x30: {  	_ = 	snop  }
0x31: {  	[tilespmem:s11], [sflag:$0x1] =	stream.indirect.gather [hbm4b:s3+s8], $0x80, s10, s8, $0xb8;
	[tilespmem:$0xFC00] =	vst v63  }
0x32: {  	_ = 	snop  }
0x33: {  	[tilespmem:s13], [sflag:$0x1] =	stream.indirect.gather [hbm4b:s3+s8], $0x80, s12, s8, $0xb8;
	[tilespmem:$0xFC00] =	vst v63  }
0x34: {  	_ = 	snop  }
0x35: {  	[tilespmem:s15], [sflag:$0x1] =	stream.indirect.gather [hbm4b:s3+s8], $0x80, s14, s8, $0xb8;
	[tilespmem:$0xFC00] =	vst v63  }
0x36: {  	_ =	swait.ge [sflag:s16], $0x3E80  }
0x37: {  	[sflag:s16] =	ssyncset.done $0x0  }
0x38: {  	[sflag:s16] =	ssyncadd.s32 $0xFFFFC180  }
0x39: {  	_ =	swait.ge [sflag:s16], $0x3E80  }
0x3a: {  	[sflag:s16] =	ssyncset.done $0x0  }
0x3b: {  	[sflag:s16] =	ssyncadd.s32 $0xFFFFC180  }
0x3c: {  	_ =	swait.ge [sflag:s16], $0x3E80  }
0x3d: {  	[sflag:s16] =	ssyncset.done $0x0  }
0x3e: {  	[sflag:s16] =	ssyncadd.s32 $0xFFFFC180  }
0x3f: {  	_ =	swait.ge [sflag:s16], $0x3E80  }
.Ltmp0:
0x40: {  	[sflag:s16] =	ssyncset.done $0x0;
	(pc) =	sbr.rel @p0 .LBB2_2-.Ltmp0, $4  }
0x41: {  	[sflag:s16] =	ssyncadd.s32 $0xFFFFC180  }
0x42: {  	[hbm4b:s18+s2] =	stream.linear.scatter [tilespmem:s9], [sflag:$0x2], $0xFA00, $0x38;
	[tilespmem:$0xFC00] =	vst v63  }
0x43: {  	_ =	swait.ge [sflag:s7], $0xFA00  }
0x44: {  	s20 =	smov.u32 s22;
	s18 =	sadd.s32 $0x1F40, s18;
	[sflag:s7] =	ssyncset.done $0x0  }
0x45: {  	s19 =	sadd.s32 s19, s5;
	[sflag:s7] =	ssyncadd.s32 $0xFFFF0600  }
0x46: {  	[tilespmem:s2], [sflag:$0x2] =	stream.linear.gather [hbm4b:s19+s2], $0x200, $0x38;
	[tilespmem:$0xFC00] =	vst v63  }
0x47: {  	_ =	swait.ge [sflag:s7], $0x200  }
0x48: {  	[sflag:s7] =	ssyncset.done $0x0  }
0x49: {  	[sflag:s7] =	ssyncadd.s32 $0xFFFFFE00  }
0x4a: {  	[tilespmem:s9], [sflag:$0x1] =	stream.indirect.gather [hbm4b:s3+s8], $0x80, s2, s8, $0xb8;
	[tilespmem:$0xFC00] =	vst v63  }
0x4b: {  	_ = 	snop  }
0x4c: {  	[tilespmem:s11], [sflag:$0x1] =	stream.indirect.gather [hbm4b:s3+s8], $0x80, s10, s8, $0xb8;
	[tilespmem:$0xFC00] =	vst v63  }
0x4d: {  	_ = 	snop  }
0x4e: {  	[tilespmem:s13], [sflag:$0x1] =	stream.indirect.gather [hbm4b:s3+s8], $0x80, s12, s8, $0xb8;
	[tilespmem:$0xFC00] =	vst v63  }
0x4f: {  	_ = 	snop  }
0x50: {  	[tilespmem:s15], [sflag:$0x1] =	stream.indirect.gather [hbm4b:s3+s8], $0x80, s14, s8, $0xb8;
	[tilespmem:$0xFC00] =	vst v63  }
0x51: {  	_ =	swait.ge [sflag:s16], $0x3E80  }
0x52: {  	[sflag:s16] =	ssyncset.done $0x0  }
0x53: {  	[sflag:s16] =	ssyncadd.s32 $0xFFFFC180  }
0x54: {  	_ =	swait.ge [sflag:s16], $0x3E80  }
0x55: {  	[sflag:s16] =	ssyncset.done $0x0  }
0x56: {  	[sflag:s16] =	ssyncadd.s32 $0xFFFFC180  }
0x57: {  	_ =	swait.ge [sflag:s16], $0x3E80  }
0x58: {  	[sflag:s16] =	ssyncset.done $0x0  }
0x59: {  	[sflag:s16] =	ssyncadd.s32 $0xFFFFC180  }
0x5a: {  	s17 =	sadd.s32 $0x1, s17;
	_ =	swait.ge [sflag:s16], $0x3E80  }
0x5b: {  	p0 =	sne.s32 s17, s4;
	[sflag:s16] =	ssyncset.done $0x0  }
.Ltmp1:
0x5c: {  	[sflag:s16] =	ssyncadd.s32 $0xFFFFC180;
	(pc) =	sbr.rel @p0 .LBB2_1-.Ltmp1, $4  }
0x5d: {  	[hbm4b:s18+s2] =	stream.linear.scatter [tilespmem:s9], [sflag:$0x2], $0xFA00, $0x38;
	[tilespmem:$0xFC00] =	vst v63  }
0x5e: {  	_ =	swait.ge [sflag:s7], $0xFA00  }
0x5f: {  	[sflag:s7] =	ssyncset.done $0x0  }
0x60: {  	[sflag:s7] =	ssyncadd.s32 $0xFFFF0600  }
0x61: {  	_ =	sfence.sel $0x180000  }
0x62: {  	[bflag:$0x0] =	sbarrier.arrive $0xFFFF  }
0x63: {  	p0 =	sne.s32 s1, $0x0;
	_ =	strace $0x9000004A  }
0x64: {  	s0 =	sadd.s32 @!p0 $0x100000, s0;
	[bflag:$0x2] =	sbarrier.arrive $0xFFFF  }
0x65: {  	[sflag:s0] =	ssyncadd.tile.s32 @!p0 $0x1;
	_ =	shalt  }
.Lfunc_end2:
_tile_overlayer_lowered:
.L_overlay_start_2:
0x66: {  	(tag) =	ssettag $0x2  }
0x67: {  	s0 =	rddreg [dreg:$0x0];
	s2 =	stileid.u32  }
0x68: {  	s1 =	rddreg [dreg:$0x1];
	p0 =	sne.s32 s2, $0x0  }
0x69: {  	s3 =	rddreg [dreg:$0x2];
	[bflag:$0x3] =	sbarrier.arrive $0xFFFF;
	s2 =	simm.s32 @!p0 $0x1C02  }
0x6a: {  	[timem:s3], [sflag:s2] =	dma.local @!p0 [hbm:s0], s1  }
0x6b: {  	s0 =	simm.s32 @!p0 $0x2  }
0x6c: {  	_ =	swait.ge @!p0 [sflag:s0], s1  }
0x6d: {  	s1 =	ssub.s32 @!p0 $0x0, s1;
	[sflag:s0] =	ssyncset.done @!p0 $0x0  }
0x6e: {  	[sflag:s0] =	ssyncadd.s32 @!p0 s1  }
0x6f: {  	[bflag:$0x3] =	sbarrier.arrive $0xFFFF  }
0x70: {  	_ =	shalt  }

// kernel: kernel.24.cloned.1.call-start
scs
__scs_entry_jumppad:
0x0: {  	(pc) =	sbr.rel $0x88, $3  }
0x1: {  	(tag) =	ssettag $0x0;
	lr =	simm.s32 $0x1  }
0x2: {  	[smem:$0x3F8E] =	sst lr;
	_ =	strace $0xD0000000  }
0x3: {  	_ = 	snop  }
0x4: {  	_ = 	snop  }
0x5: {  	_ = 	snop  }
0x6: {  	_ = 	snop  }
0x7: {  	_ = 	snop  }
__scs_overlays_trampoline_lowered:
0x8: {  	[smem:$0x3F9D] =	sst s0  }
0x9: {  	[smem:$0x3F9E] =	sst s1  }
0xa: {  	[smem:$0x3F9F] =	sst s2  }
0xb: {  	[smem:$0x3FA0] =	sst s3  }
0xc: {  	[smem:$0x3FA1] =	sst s4  }
0xd: {  	[smem:$0x3FA2] =	sst s5  }
0xe: {  	[smem:$0x3FA3] =	sst s6  }
0xf: {  	[smem:$0x3FA4] =	sst s7  }
0x10: {  	[smem:$0x3FA5] =	sst s8  }
0x11: {  	[smem:$0x3FA6] =	sst s9;
	s0 =	simm.s32 @!p0 $0x0  }
0x12: {  	s1 =	sld [smem:$0x3F8C];
	s0 =	simm.s32 @p0 $0x1  }
0x13: {  	[smem:$0x3FA7] =	sst s0;
	s0 =	simm.s32 @!p1 $0x0  }
0x14: {  	s2 =	sld [smem:$0x3F8B];
	s0 =	simm.s32 @p1 $0x1  }
0x15: {  	[smem:$0x3FA8] =	sst s0;
	s0 =	simm.s32 @!p2 $0x0  }
0x16: {  	s3 =	sld [smem:$0x3FDB];
	s0 =	simm.s32 @p2 $0x1  }
0x17: {  	s4 =	simm.s32 $0x1BF5;
	[smem:$0x3FAA] =	sst s0  }
0x18: {  	s0 =	sld [smem:$0x3F8D];
	_ =	swait.ge [sflag:s4], $0x0  }
0x19: {  	s7 =	sld [smem:$0x3F8E]  }
0x1a: {  	s8 =	sadd.s32 $0xFFFFE003, lr  }
0x1b: {  	s9 =	sadd.s32 $0xFFFFFEF7, lr;
	s5 =	simm.s32 $0xFFFFFFFF;
	p2 =	slt.u32 s8, $0xFFFFF086  }
0x1c: {  	p1 =	slt.u32 s9, $0xF7A;
	s5 =	simm.s32 @!p2 $0x0  }
0x1d: {  	s5 =	simm.s32 @p1 $0x1;
	p0 =	seq.s32 s7, s2  }
0x1e: {  	s7 =	smul.u32 @!p0 $0xF7A, s2;
	p2 =	seq.s32 @!p0 s5, $0x0  }
0x1f: {  	s9 =	smul.u32 $0xF7A, s1;
	s8 =	simm.s32 @!p0 $0x1BF5;
	p2 =	por !p2, p0  }
0x20: {  	[sflag:s8] =	ssyncset.s32 @!p0 $0xFFFFF086;
	s6 =	sadd.s32 @!p0 s3, s7;
	s7 =	simm.s32 @!p0 $0x108  }
0x21: {  	s3 =	sadd.s32 s3, s9;
	s6 =	sadd.s32 @!p0 $0x88, s6;
	s7 =	simm.s32 @p2 $0x1082  }
0x22: {  	[simem:s7], [sflag:s8] =	dma.local @!p0 [hbm:s6], $0xF7A  }
0x23: {  	s9 =	sor.u32 $0xD0000000, s2;
	s6 =	simm.s32 $0x108;
	_ =	swait.ge @!p0 [sflag:s8], $0x0  }
0x24: {  	s3 =	sadd.s32 $0x88, s3;
	s6 =	simm.s32 @!p1 $0x1082;
	[sflag:s4] =	ssyncset.s32 $0xFFFFF086  }
0x25: {  	[simem:s6], [sflag:s4] =	dma.local [hbm:s3], $0xF7A  }
0x26: {  	[smem:$0x3F8E] =	sst s1;
	(tag) =	ssettag s2;
	_ =	strace s9  }
0x27: {  	s1 =	sld [smem:$0x3F9E]  }
0x28: {  	s2 =	sld [smem:$0x3F9F]  }
0x29: {  	s4 =	sld [smem:$0x3FA1]  }
0x2a: {  	p0 =	seq.s32 s5, $0x0;
	s5 =	sld [smem:$0x3FA2]  }
0x2b: {  	s6 =	sld [smem:$0x3FA3]  }
0x2c: {  	s7 =	sld [smem:$0x3FA4]  }
0x2d: {  	s3 =	simm.s32 $0x108;
	s8 =	sld [smem:$0x3FA5]  }
0x2e: {  	s3 =	simm.s32 @!p0 $0x1082;
	s9 =	sld [smem:$0x3FA6]  }
0x2f: {  	lr =	sadd.s32 s0, s3;
	s0 =	sld [smem:$0x3F9D]  }
0x30: {  	s3 =	sld [smem:$0x3FA0]  }
0x31: {  	[smem:$0x3FA9] =	sst s10  }
0x32: {  	s10 =	sld [smem:$0x3FA7];
	_ =	sdelay $0x3  }
0x33: {  	p0 =	seq.s32 s10, $0x1;
	s10 =	sld [smem:$0x3FA9];
	_ =	sdelay $0x3  }
0x34: {  	[smem:$0x3FA9] =	sst s10  }
0x35: {  	s10 =	sld [smem:$0x3FA8];
	_ =	sdelay $0x3  }
0x36: {  	p1 =	seq.s32 s10, $0x1;
	s10 =	sld [smem:$0x3FA9];
	_ =	sdelay $0x3  }
0x37: {  	[smem:$0x3FA9] =	sst s10  }
0x38: {  	s10 =	sld [smem:$0x3FAA]  }
0x39: {  	_ = 	snop;
	(pc) =	sbr.ind lr, $3  }
0x3a: {  	_ = 	snop  }
0x3b: {  	_ = 	snop  }
0x3c: {  	p2 =	seq.s32 s10, $0x1;
	s10 =	sld [smem:$0x3FA9]  }
0x3d: {  	_ =	shalt  }
0x3e: {  	_ =	shalt  }
0x3f: {  	_ =	shalt  }
0x40: {  	_ =	shalt  }
0x41: {  	_ =	shalt  }
0x42: {  	_ =	shalt  }
0x43: {  	_ =	shalt  }
0x44: {  	_ =	shalt  }
0x45: {  	_ =	shalt  }
0x46: {  	_ =	shalt  }
0x47: {  	_ =	shalt  }
0x48: {  	_ =	shalt  }
0x49: {  	_ =	shalt  }
0x4a: {  	_ =	shalt  }
0x4b: {  	_ =	shalt  }
0x4c: {  	_ =	shalt  }
0x4d: {  	_ =	shalt  }
0x4e: {  	_ =	shalt  }
0x4f: {  	_ =	shalt  }
0x50: {  	_ =	shalt  }
0x51: {  	_ =	shalt  }
0x52: {  	_ =	shalt  }
0x53: {  	_ =	shalt  }
0x54: {  	_ =	shalt  }
0x55: {  	_ =	shalt  }
0x56: {  	_ =	shalt  }
0x57: {  	_ =	shalt  }
0x58: {  	_ =	shalt  }
0x59: {  	_ =	shalt  }
0x5a: {  	_ =	shalt  }
0x5b: {  	_ =	shalt  }
0x5c: {  	_ =	shalt  }
0x5d: {  	_ =	shalt  }
0x5e: {  	_ =	shalt  }
0x5f: {  	_ =	shalt  }
0x60: {  	_ =	shalt  }
0x61: {  	_ =	shalt  }
0x62: {  	_ =	shalt  }
0x63: {  	_ =	shalt  }
0x64: {  	_ =	shalt  }
0x65: {  	_ =	shalt  }
0x66: {  	_ =	shalt  }
0x67: {  	_ =	shalt  }
0x68: {  	_ =	shalt  }
0x69: {  	_ =	shalt  }
0x6a: {  	_ =	shalt  }
0x6b: {  	_ =	shalt  }
0x6c: {  	_ =	shalt  }
0x6d: {  	_ =	shalt  }
0x6e: {  	_ =	shalt  }
0x6f: {  	_ =	shalt  }
0x70: {  	_ =	shalt  }
0x71: {  	_ =	shalt  }
0x72: {  	_ =	shalt  }
0x73: {  	_ =	shalt  }
0x74: {  	_ =	shalt  }
0x75: {  	_ =	shalt  }
0x76: {  	_ =	shalt  }
0x77: {  	_ =	shalt  }
0x78: {  	_ =	shalt  }
0x79: {  	_ =	shalt  }
0x7a: {  	_ =	shalt  }
0x7b: {  	_ =	shalt  }
0x7c: {  	_ =	shalt  }
0x7d: {  	_ =	shalt  }
0x7e: {  	_ =	shalt  }
0x7f: {  	_ =	shalt  }
0x80: {  	_ =	shalt  }
0x81: {  	_ =	shalt  }
0x82: {  	_ =	shalt  }
0x83: {  	_ =	shalt  }
0x84: {  	_ =	shalt  }
0x85: {  	_ =	shalt  }
0x86: {  	_ =	shalt  }
0x87: {  	_ =	shalt  }
.Lfunc_end0:
.L_simem_size_0:
called_computation.3_lowered:
.L_overlay_start_0:
0x88: {  	s2 =	sld [smem:$0x3FD9]  }
0x89: {  	s3 =	sld [smem:$0x3FFE];
	_ =	sdelay $0x1  }
0x8a: {  	s1 =	srdreg.scid  }
0x8b: {  	s0 =	sand.u32 $0x1, s1  }
0x8c: {  	s17 =	sshll.u32 s0, $0xA;
	s2 =	sadd.s32 s3, s2  }
0x8d: {  	s2 =	sadd.s32 s2, s17  }
0x8e: {  	[smem:$0x3FB5] =	sst s2  }
0x8f: {  	_ = 	snop  }
0x90: {  	(tm) =	ssettm $0x1  }
0x91: {  	s18 =	sld [smem:$0x3FFB];
	_ =	sdelay $0x3  }
0x92: {  	_ =	strace s18  }
0x93: {  	s2 =	sld [smem:$0x3FFC];
	_ =	sdelay $0x3  }
0x94: {  	_ =	strace s2  }
0x95: {  	s2 =	sld [smem:$0x3FFD];
	_ =	sdelay $0x3  }
0x96: {  	_ =	strace s2  }
0x97: {  	_ =	strace $0x8FFFFFFF  }
0x98: {  	s19 =	sld [smem:$0x3FDB];
	_ =	sdelay $0x1  }
0x99: {  	s20 =	simm.s32 $_scs_section_size  }
0x9a: {  	s4 =	simm.s32 $_size__tile_overlayer_lowered;
	s5 =	simm.s32 $_tile_overlayer_lowered  }
0x9b: {  	s6 =	simm.s32 $0x1BFF;
	s21 =	sshll.u32 s5, $0x1;
	s3 =	sadd.s32 s20, s19  }
0x9c: {  	s22 =	simm.s32 $0x0;
	s4 =	sshll.u32 s4, $0x1;
	s5 =	sadd.s32 s21, s3  }
0x9d: {  	[timem:s22], [sflag:s6] =	dma.local [hbm:s5], s4  }
0x9e: {  	_ =	swait.ge [sflag:s6], s4  }
0x9f: {  	s4 =	ssub.s32 $0x0, s4;
	[sflag:s6] =	ssyncset.done $0x0  }
0xa0: {  	[sflag:s6] =	ssyncadd.s32 s4;
	_ =	sdelay $0x1  }
0xa1: {  	s23 =	simm.s32 $0x1B8B  }
0xa2: {  	_ =	swait.ge [sflag:s23], $0x1  }
0xa3: {  	[sflag:s23] =	ssyncset.done $0x0  }
0xa4: {  	[sflag:s23] =	ssyncadd.s32 $0xFFFFFFFF  }
0xa5: {  	s4 =	sld [smem:$0x0]  }
0xa6: {  	s5 =	sand.u32 $0xFFFFFFFE, s1  }
0xa7: {  	p0 =	sne.s32 s1, s5  }
0xa8: {  	s5 =	sshll.u32 @p0 s5, $0xE  }
0xa9: {  	s5 =	sadd.s32 @p0 $0x11B8D, s5;
	s6 =	sshll.u32 @p0 s4, $0x11  }
0xaa: {  	s5 =	sor.u32 @p0 s6, s5  }
0xab: {  	[sflag:s5] =	ssyncadd.remote.s32 @p0 $0x1;
	_ =	sdelay $0x1  }
0xac: {  	s5 =	simm.s32 @p0 $0x1B8D  }
0xad: {  	_ =	swait.eq @p0 [sflag:s5], $0x1  }
0xae: {  	[sflag:s5] =	ssyncadd.s32 @p0 $0xFFFFFFFF  }
0xaf: {  	s6 =	sshll.u32 @!p0 s1, $0xE  }
0xb0: {  	s6 =	sor.u32 @!p0 $0x4000, s6;
	s5 =	simm.s32 @!p0 $0x1B8D  }
0xb1: {  	s4 =	sshll.u32 @!p0 s4, $0x11;
	s6 =	sadd.s32 @!p0 $0x11B8D, s6;
	_ =	swait.eq @!p0 [sflag:s5], $0x1  }
0xb2: {  	s4 =	sor.u32 @!p0 s4, s6;
	[sflag:s5] =	ssyncadd.s32 @!p0 $0xFFFFFFFF  }
0xb3: {  	s25 =	simm.s32 $0x1B8E;
	s24 =	sld [smem:$0x3FFE];
	[sflag:s4] =	ssyncadd.remote.s32 @!p0 $0x1  }
0xb4: {  	s26 =	simm.s32 $execute0_lowered;
	[smem:$0x3FD2] =	sst s25  }
0xb5: {  	s5 =	sshll.u32 s26, $0x1;
	_ =	strace $0x8000004C;
	[dreg:$0x1] =	wrdreg $0xFFFFFFFF  }
0xb6: {  	s28 =	simm.s32 $_size_execute0_lowered;
	s3 =	sadd.s32 s3, s5;
	[dreg:$0x0] =	wrdreg $0x0  }
0xb7: {  	s5 =	sshll.u32 s28, $0x1;
	[dreg:$0x2] =	wrdreg s3  }
0xb8: {  	[dreg:$0x3] =	wrdreg s5  }
0xb9: {  	[dreg:$0x4] =	wrdreg $0xC0  }
0xba: {  	_ =	task [dreg:s22], $0x5FFFF  }
0xbb: {  	[dreg:$0x1] =	wrdreg $0xFFFFFFFF  }
0xbc: {  	[dreg:$0x0] =	wrdreg $0x60  }
0xbd: {  	[dreg:$0x2] =	wrdreg s24  }
0xbe: {  	[dreg:$0x3] =	wrdreg $0xB  }
0xbf: {  	_ =	task.clear_ibuf [dreg:s22], $0x4FFFF;
	_ =	strace $0x9000004C  }
0xc0: {  	s29 =	simm.s32 $0xB;
	_ =	strace $0x8000004E  }
0xc1: {  	_ =	swait.ge [sflag:s29], $0x1  }
0xc2: {  	[sflag:s29] =	ssyncadd.s32 $0xFFFFFFFF  }
0xc3: {  	_ =	strace $0x9000004E  }
0xc4: {  	_ =	sfence  }
0xc5: {  	s30 =	sld [smem:$0x0];
	_ =	sdelay $0x2  }
0xc6: {  	s31 =	sshll.u32 s1, $0xD;
	s1 =	sshrl.u32 s1, $0x2  }
0xc7: {  	s4 =	sand.u32 $0x4000, s31;
	s1 =	sadd.s32 s1, s30  }
0xc8: {  	s0 =	sor.u32 s4, s0;
	s1 =	sshll.u32 s1, $0x11  }
0xc9: {  	s0 =	sor.u32 s1, s0  }
0xca: {  	s0 =	sadd.s32 $0x8F2B, s0  }
0xcb: {  	[sflag:s0] =	ssyncadd.remote.s32 $0x1  }
0xcc: {  	_ =	sfence.sel $0xFFFF  }
0xcd: {  	[dreg:$0x0] =	wrdreg $0xFFFFFFFF;
	(pc) =	sbr.abs _section_cstart, $3  }
0xce: {  	[dreg:$0x1] =	wrdreg $0xFFFFFFFF  }
0xcf: {  	_ =	task.clear_ibuf [dreg:s22], $0x2FFFF;
	_ =	strace $0x9FFFFFFF  }
0xd0: {  	(tm) =	ssettm $0x7FFFFFFF  }
0xd1: {  	_ =	shalt  }
tec
execute0_lowered:
.L_overlay_start_1:
0x0: {  	(tag) =	ssettag $0x1  }
0x1: {  	s4 =	rddreg [dreg:$0x0]  }
0x2: {  	s0 =	rddreg [dreg:$0x1]  }
0x3: {  	s3 =	srdreg.scid;
	s1 =	stileid.u32;
	s2 =	simm.s32 $0x0  }
0x4: {  	s11 =	simm.s32 $0x4080;
	s12 =	simm.s32 $0x100;
	s13 =	simm.s32 $0x7F00  }
0x5: {  	s14 =	simm.s32 $0x180;
	s15 =	simm.s32 $0xBD80;
	s16 =	simm.s32 $0x1  }
0x6: {  	s17 =	simm.s32 $0x0;
	s5 =	sand.u32 $0x1, s3;
	s6 =	smul.u32 $0x1400, s1  }
0x7: {  	[smem:$0x7FF] =	sst s2;
	s3 =	sadd.s32 $0x4600, s4;
	s28 =	smul.u32 $0x13880, s1  }
0x8: {  	s7 =	smul.u32 $0xA00, s5;
	_ =	strace $0x8000004D;
	s8 =	ssub.s32 $0x2, s5  }
0x9: {  	s10 =	smul.u32 $0x9C40, s5;
	s9 =	sshrl.u32 s8, $0x1;
	s30 =	sadd.s32 s28, s4  }
0xa: {  	s6 =	sadd.s32 s7, s6;
	s31 =	ssub.s32 s8, s9;
	s7 =	simm.s32 $0x2  }
0xb: {  	s8 =	simm.s32 $0x7D;
	s9 =	simm.s32 $0x200;
	s6 =	sshrl.u32 s6, $0x3  }
0xc: {  	s29 =	sadd.s32 s6, s4;
	s4 =	smax.u32 s31, $0x1;
	s6 =	sadd.s32 s10, s30  }
0xd: {  	s10 =	simm.s32 $0x80;
	s5 =	sadd.s32 $0x2AB600, s29;
	s6 =	sadd.s32 $0x2ADE00, s6  }
.LBB2_1:
0xe: {  	s18 =	sadd.s32 $0x0, s5  }
0xf: {  	[tilespmem:s2], [sflag:$0x2] =	stream.linear.gather [hbm4b:s18+s2], $0x200, $0x38;
	[tilespmem:$0xFC00] =	vst v63  }
0x10: {  	_ =	swait.ge [sflag:s7], $0x200  }
0x11: {  	[sflag:s7] =	ssyncset.done $0x0  }
0x12: {  	[sflag:s7] =	ssyncadd.s32 $0xFFFFFE00  }
0x13: {  	[tilespmem:s9], [sflag:$0x1] =	stream.indirect.gather [hbm4b:s3+s8], $0x80, s2, s8, $0xb8;
	[tilespmem:$0xFC00] =	vst v63  }
0x14: {  	_ = 	snop  }
0x15: {  	[tilespmem:s11], [sflag:$0x1] =	stream.indirect.gather [hbm4b:s3+s8], $0x80, s10, s8, $0xb8;
	[tilespmem:$0xFC00] =	vst v63  }
0x16: {  	_ = 	snop  }
0x17: {  	[tilespmem:s13], [sflag:$0x1] =	stream.indirect.gather [hbm4b:s3+s8], $0x80, s12, s8, $0xb8;
	[tilespmem:$0xFC00] =	vst v63  }
0x18: {  	_ = 	snop  }
0x19: {  	[tilespmem:s15], [sflag:$0x1] =	stream.indirect.gather [hbm4b:s3+s8], $0x80, s14, s8, $0xb8;
	[tilespmem:$0xFC00] =	vst v63  }
0x1a: {  	_ =	swait.ge [sflag:s16], $0x3E80  }
0x1b: {  	[sflag:s16] =	ssyncset.done $0x0  }
0x1c: {  	[sflag:s16] =	ssyncadd.s32 $0xFFFFC180  }
0x1d: {  	_ =	swait.ge [sflag:s16], $0x3E80  }
0x1e: {  	[sflag:s16] =	ssyncset.done $0x0  }
0x1f: {  	[sflag:s16] =	ssyncadd.s32 $0xFFFFC180  }
0x20: {  	_ =	swait.ge [sflag:s16], $0x3E80  }
0x21: {  	[sflag:s16] =	ssyncset.done $0x0  }
0x22: {  	[sflag:s16] =	ssyncadd.s32 $0xFFFFC180  }
0x23: {  	_ =	swait.ge [sflag:s16], $0x3E80  }
0x24: {  	[sflag:s16] =	ssyncset.done $0x0  }
0x25: {  	[sflag:s16] =	ssyncadd.s32 $0xFFFFC180  }
0x26: {  	[hbm4b:s6+s2] =	stream.linear.scatter [tilespmem:s9], [sflag:$0x2], $0xFA00, $0x38;
	[tilespmem:$0xFC00] =	vst v63  }
0x27: {  	s19 =	simm.s32 $0x40;
	_ =	swait.ge [sflag:s7], $0xFA00  }
0x28: {  	s20 =	simm.s32 $0x80;
	s18 =	sadd.s32 $0x1F40, s6;
	[sflag:s7] =	ssyncset.done $0x0  }
.LBB2_2:
0x29: {  	s21 =	sadd.s32 s19, s5  }
0x2a: {  	[sflag:s7] =	ssyncadd.s32 $0xFFFF0600;
	s19 =	smov.u32 s20;
	s22 =	sadd.s32 $0x40, s20  }
0x2b: {  	[tilespmem:s2], [sflag:$0x2] =	stream.linear.gather [hbm4b:s21+s2], $0x200, $0x38;
	[tilespmem:$0xFC00] =	vst v63  }
0x2c: {  	p0 =	sne.s32 s20, $0x100;
	_ =	swait.ge [sflag:s7], $0x200  }
0x2d: {  	[sflag:s7] =	ssyncset.done $0x0  }
0x2e: {  	[sflag:s7] =	ssyncadd.s32 $0xFFFFFE00  }
0x2f: {  	[tilespmem:s9], [sflag:$0x1] =	stream.indirect.gather [hbm4b:s3+s8], $0x80, s2, s8, $0xb8;
	[tilespmem:$0xFC00] =	vst v63  }
0x30: {  	_ = 	snop  }
0x31: {  	[tilespmem:s11], [sflag:$0x1] =	stream.indirect.gather [hbm4b:s3+s8], $0x80, s10, s8, $0xb8;
	[tilespmem:$0xFC00] =	vst v63  }
0x32: {  	_ = 	snop  }
0x33: {  	[tilespmem:s13], [sflag:$0x1] =	stream.indirect.gather [hbm4b:s3+s8], $0x80, s12, s8, $0xb8;
	[tilespmem:$0xFC00] =	vst v63  }
0x34: {  	_ = 	snop  }
0x35: {  	[tilespmem:s15], [sflag:$0x1] =	stream.indirect.gather [hbm4b:s3+s8], $0x80, s14, s8, $0xb8;
	[tilespmem:$0xFC00] =	vst v63  }
0x36: {  	_ =	swait.ge [sflag:s16], $0x3E80  }
0x37: {  	[sflag:s16] =	ssyncset.done $0x0  }
0x38: {  	[sflag:s16] =	ssyncadd.s32 $0xFFFFC180  }
0x39: {  	_ =	swait.ge [sflag:s16], $0x3E80  }
0x3a: {  	[sflag:s16] =	ssyncset.done $0x0  }
0x3b: {  	[sflag:s16] =	ssyncadd.s32 $0xFFFFC180  }
0x3c: {  	_ =	swait.ge [sflag:s16], $0x3E80  }
0x3d: {  	[sflag:s16] =	ssyncset.done $0x0  }
0x3e: {  	[sflag:s16] =	ssyncadd.s32 $0xFFFFC180  }
0x3f: {  	_ =	swait.ge [sflag:s16], $0x3E80  }
.Ltmp0:
0x40: {  	[sflag:s16] =	ssyncset.done $0x0;
	(pc) =	sbr.rel @p0 .LBB2_2-.Ltmp0, $4  }
0x41: {  	[sflag:s16] =	ssyncadd.s32 $0xFFFFC180  }
0x42: {  	[hbm4b:s18+s2] =	stream.linear.scatter [tilespmem:s9], [sflag:$0x2], $0xFA00, $0x38;
	[tilespmem:$0xFC00] =	vst v63  }
0x43: {  	_ =	swait.ge [sflag:s7], $0xFA00  }
0x44: {  	s20 =	smov.u32 s22;
	s18 =	sadd.s32 $0x1F40, s18;
	[sflag:s7] =	ssyncset.done $0x0  }
0x45: {  	s19 =	sadd.s32 s19, s5;
	[sflag:s7] =	ssyncadd.s32 $0xFFFF0600  }
0x46: {  	[tilespmem:s2], [sflag:$0x2] =	stream.linear.gather [hbm4b:s19+s2], $0x200, $0x38;
	[tilespmem:$0xFC00] =	vst v63  }
0x47: {  	_ =	swait.ge [sflag:s7], $0x200  }
0x48: {  	[sflag:s7] =	ssyncset.done $0x0  }
0x49: {  	[sflag:s7] =	ssyncadd.s32 $0xFFFFFE00  }
0x4a: {  	[tilespmem:s9], [sflag:$0x1] =	stream.indirect.gather [hbm4b:s3+s8], $0x80, s2, s8, $0xb8;
	[tilespmem:$0xFC00] =	vst v63  }
0x4b: {  	_ = 	snop  }
0x4c: {  	[tilespmem:s11], [sflag:$0x1] =	stream.indirect.gather [hbm4b:s3+s8], $0x80, s10, s8, $0xb8;
	[tilespmem:$0xFC00] =	vst v63  }
0x4d: {  	_ = 	snop  }
0x4e: {  	[tilespmem:s13], [sflag:$0x1] =	stream.indirect.gather [hbm4b:s3+s8], $0x80, s12, s8, $0xb8;
	[tilespmem:$0xFC00] =	vst v63  }
0x4f: {  	_ = 	snop  }
0x50: {  	[tilespmem:s15], [sflag:$0x1] =	stream.indirect.gather [hbm4b:s3+s8], $0x80, s14, s8, $0xb8;
	[tilespmem:$0xFC00] =	vst v63  }
0x51: {  	_ =	swait.ge [sflag:s16], $0x3E80  }
0x52: {  	[sflag:s16] =	ssyncset.done $0x0  }
0x53: {  	[sflag:s16] =	ssyncadd.s32 $0xFFFFC180  }
0x54: {  	_ =	swait.ge [sflag:s16], $0x3E80  }
0x55: {  	[sflag:s16] =	ssyncset.done $0x0  }
0x56: {  	[sflag:s16] =	ssyncadd.s32 $0xFFFFC180  }
0x57: {  	_ =	swait.ge [sflag:s16], $0x3E80  }
0x58: {  	[sflag:s16] =	ssyncset.done $0x0  }
0x59: {  	[sflag:s16] =	ssyncadd.s32 $0xFFFFC180  }
0x5a: {  	s17 =	sadd.s32 $0x1, s17;
	_ =	swait.ge [sflag:s16], $0x3E80  }
0x5b: {  	p0 =	sne.s32 s17, s4;
	[sflag:s16] =	ssyncset.done $0x0  }
.Ltmp1:
0x5c: {  	[sflag:s16] =	ssyncadd.s32 $0xFFFFC180;
	(pc) =	sbr.rel @p0 .LBB2_1-.Ltmp1, $4  }
0x5d: {  	[hbm4b:s18+s2] =	stream.linear.scatter [tilespmem:s9], [sflag:$0x2], $0xFA00, $0x38;
	[tilespmem:$0xFC00] =	vst v63  }
0x5e: {  	_ =	swait.ge [sflag:s7], $0xFA00  }
0x5f: {  	[sflag:s7] =	ssyncset.done $0x0  }
0x60: {  	[sflag:s7] =	ssyncadd.s32 $0xFFFF0600  }
0x61: {  	_ =	sfence.sel $0x180000  }
0x62: {  	[bflag:$0x0] =	sbarrier.arrive $0xFFFF  }
0x63: {  	p0 =	sne.s32 s1, $0x0;
	_ =	strace $0x9000004D  }
0x64: {  	s0 =	sadd.s32 @!p0 $0x100000, s0;
	[bflag:$0x2] =	sbarrier.arrive $0xFFFF  }
0x65: {  	[sflag:s0] =	ssyncadd.tile.s32 @!p0 $0x1;
	_ =	shalt  }
.Lfunc_end2:
_tile_overlayer_lowered:
.L_overlay_start_2:
0x66: {  	(tag) =	ssettag $0x2  }
0x67: {  	s0 =	rddreg [dreg:$0x0];
	s2 =	stileid.u32  }
0x68: {  	s1 =	rddreg [dreg:$0x1];
	p0 =	sne.s32 s2, $0x0  }
0x69: {  	s3 =	rddreg [dreg:$0x2];
	[bflag:$0x3] =	sbarrier.arrive $0xFFFF;
	s2 =	simm.s32 @!p0 $0x1C02  }
0x6a: {  	[timem:s3], [sflag:s2] =	dma.local @!p0 [hbm:s0], s1  }
0x6b: {  	s0 =	simm.s32 @!p0 $0x2  }
0x6c: {  	_ =	swait.ge @!p0 [sflag:s0], s1  }
0x6d: {  	s1 =	ssub.s32 @!p0 $0x0, s1;
	[sflag:s0] =	ssyncset.done @!p0 $0x0  }
0x6e: {  	[sflag:s0] =	ssyncadd.s32 @!p0 s1  }
0x6f: {  	[bflag:$0x3] =	sbarrier.arrive $0xFFFF  }
0x70: {  	_ =	shalt  }

// kernel: kernel.27.cloned.1.call-start
scs
__scs_entry_jumppad:
0x0: {  	(pc) =	sbr.rel $0x88, $3  }
0x1: {  	(tag) =	ssettag $0x0;
	lr =	simm.s32 $0x1  }
0x2: {  	[smem:$0x3F8E] =	sst lr;
	_ =	strace $0xD0000000  }
0x3: {  	_ = 	snop  }
0x4: {  	_ = 	snop  }
0x5: {  	_ = 	snop  }
0x6: {  	_ = 	snop  }
0x7: {  	_ = 	snop  }
__scs_overlays_trampoline_lowered:
0x8: {  	[smem:$0x3F9D] =	sst s0  }
0x9: {  	[smem:$0x3F9E] =	sst s1  }
0xa: {  	[smem:$0x3F9F] =	sst s2  }
0xb: {  	[smem:$0x3FA0] =	sst s3  }
0xc: {  	[smem:$0x3FA1] =	sst s4  }
0xd: {  	[smem:$0x3FA2] =	sst s5  }
0xe: {  	[smem:$0x3FA3] =	sst s6  }
0xf: {  	[smem:$0x3FA4] =	sst s7  }
0x10: {  	[smem:$0x3FA5] =	sst s8  }
0x11: {  	[smem:$0x3FA6] =	sst s9;
	s0 =	simm.s32 @!p0 $0x0  }
0x12: {  	s1 =	sld [smem:$0x3F8C];
	s0 =	simm.s32 @p0 $0x1  }
0x13: {  	[smem:$0x3FA7] =	sst s0;
	s0 =	simm.s32 @!p1 $0x0  }
0x14: {  	s2 =	sld [smem:$0x3F8B];
	s0 =	simm.s32 @p1 $0x1  }
0x15: {  	[smem:$0x3FA8] =	sst s0;
	s0 =	simm.s32 @!p2 $0x0  }
0x16: {  	s3 =	sld [smem:$0x3FDB];
	s0 =	simm.s32 @p2 $0x1  }
0x17: {  	s4 =	simm.s32 $0x1BF5;
	[smem:$0x3FAA] =	sst s0  }
0x18: {  	s0 =	sld [smem:$0x3F8D];
	_ =	swait.ge [sflag:s4], $0x0  }
0x19: {  	s7 =	sld [smem:$0x3F8E]  }
0x1a: {  	s8 =	sadd.s32 $0xFFFFE003, lr  }
0x1b: {  	s9 =	sadd.s32 $0xFFFFFEF7, lr;
	s5 =	simm.s32 $0xFFFFFFFF;
	p2 =	slt.u32 s8, $0xFFFFF086  }
0x1c: {  	p1 =	slt.u32 s9, $0xF7A;
	s5 =	simm.s32 @!p2 $0x0  }
0x1d: {  	s5 =	simm.s32 @p1 $0x1;
	p0 =	seq.s32 s7, s2  }
0x1e: {  	s7 =	smul.u32 @!p0 $0xF7A, s2;
	p2 =	seq.s32 @!p0 s5, $0x0  }
0x1f: {  	s9 =	smul.u32 $0xF7A, s1;
	s8 =	simm.s32 @!p0 $0x1BF5;
	p2 =	por !p2, p0  }
0x20: {  	[sflag:s8] =	ssyncset.s32 @!p0 $0xFFFFF086;
	s6 =	sadd.s32 @!p0 s3, s7;
	s7 =	simm.s32 @!p0 $0x108  }
0x21: {  	s3 =	sadd.s32 s3, s9;
	s6 =	sadd.s32 @!p0 $0x88, s6;
	s7 =	simm.s32 @p2 $0x1082  }
0x22: {  	[simem:s7], [sflag:s8] =	dma.local @!p0 [hbm:s6], $0xF7A  }
0x23: {  	s9 =	sor.u32 $0xD0000000, s2;
	s6 =	simm.s32 $0x108;
	_ =	swait.ge @!p0 [sflag:s8], $0x0  }
0x24: {  	s3 =	sadd.s32 $0x88, s3;
	s6 =	simm.s32 @!p1 $0x1082;
	[sflag:s4] =	ssyncset.s32 $0xFFFFF086  }
0x25: {  	[simem:s6], [sflag:s4] =	dma.local [hbm:s3], $0xF7A  }
0x26: {  	[smem:$0x3F8E] =	sst s1;
	(tag) =	ssettag s2;
	_ =	strace s9  }
0x27: {  	s1 =	sld [smem:$0x3F9E]  }
0x28: {  	s2 =	sld [smem:$0x3F9F]  }
0x29: {  	s4 =	sld [smem:$0x3FA1]  }
0x2a: {  	p0 =	seq.s32 s5, $0x0;
	s5 =	sld [smem:$0x3FA2]  }
0x2b: {  	s6 =	sld [smem:$0x3FA3]  }
0x2c: {  	s7 =	sld [smem:$0x3FA4]  }
0x2d: {  	s3 =	simm.s32 $0x108;
	s8 =	sld [smem:$0x3FA5]  }
0x2e: {  	s3 =	simm.s32 @!p0 $0x1082;
	s9 =	sld [smem:$0x3FA6]  }
0x2f: {  	lr =	sadd.s32 s0, s3;
	s0 =	sld [smem:$0x3F9D]  }
0x30: {  	s3 =	sld [smem:$0x3FA0]  }
0x31: {  	[smem:$0x3FA9] =	sst s10  }
0x32: {  	s10 =	sld [smem:$0x3FA7];
	_ =	sdelay $0x3  }
0x33: {  	p0 =	seq.s32 s10, $0x1;
	s10 =	sld [smem:$0x3FA9];
	_ =	sdelay $0x3  }
0x34: {  	[smem:$0x3FA9] =	sst s10  }
0x35: {  	s10 =	sld [smem:$0x3FA8];
	_ =	sdelay $0x3  }
0x36: {  	p1 =	seq.s32 s10, $0x1;
	s10 =	sld [smem:$0x3FA9];
	_ =	sdelay $0x3  }
0x37: {  	[smem:$0x3FA9] =	sst s10  }
0x38: {  	s10 =	sld [smem:$0x3FAA]  }
0x39: {  	_ = 	snop;
	(pc) =	sbr.ind lr, $3  }
0x3a: {  	_ = 	snop  }
0x3b: {  	_ = 	snop  }
0x3c: {  	p2 =	seq.s32 s10, $0x1;
	s10 =	sld [smem:$0x3FA9]  }
0x3d: {  	_ =	shalt  }
0x3e: {  	_ =	shalt  }
0x3f: {  	_ =	shalt  }
0x40: {  	_ =	shalt  }
0x41: {  	_ =	shalt  }
0x42: {  	_ =	shalt  }
0x43: {  	_ =	shalt  }
0x44: {  	_ =	shalt  }
0x45: {  	_ =	shalt  }
0x46: {  	_ =	shalt  }
0x47: {  	_ =	shalt  }
0x48: {  	_ =	shalt  }
0x49: {  	_ =	shalt  }
0x4a: {  	_ =	shalt  }
0x4b: {  	_ =	shalt  }
0x4c: {  	_ =	shalt  }
0x4d: {  	_ =	shalt  }
0x4e: {  	_ =	shalt  }
0x4f: {  	_ =	shalt  }
0x50: {  	_ =	shalt  }
0x51: {  	_ =	shalt  }
0x52: {  	_ =	shalt  }
0x53: {  	_ =	shalt  }
0x54: {  	_ =	shalt  }
0x55: {  	_ =	shalt  }
0x56: {  	_ =	shalt  }
0x57: {  	_ =	shalt  }
0x58: {  	_ =	shalt  }
0x59: {  	_ =	shalt  }
0x5a: {  	_ =	shalt  }
0x5b: {  	_ =	shalt  }
0x5c: {  	_ =	shalt  }
0x5d: {  	_ =	shalt  }
0x5e: {  	_ =	shalt  }
0x5f: {  	_ =	shalt  }
0x60: {  	_ =	shalt  }
0x61: {  	_ =	shalt  }
0x62: {  	_ =	shalt  }
0x63: {  	_ =	shalt  }
0x64: {  	_ =	shalt  }
0x65: {  	_ =	shalt  }
0x66: {  	_ =	shalt  }
0x67: {  	_ =	shalt  }
0x68: {  	_ =	shalt  }
0x69: {  	_ =	shalt  }
0x6a: {  	_ =	shalt  }
0x6b: {  	_ =	shalt  }
0x6c: {  	_ =	shalt  }
0x6d: {  	_ =	shalt  }
0x6e: {  	_ =	shalt  }
0x6f: {  	_ =	shalt  }
0x70: {  	_ =	shalt  }
0x71: {  	_ =	shalt  }
0x72: {  	_ =	shalt  }
0x73: {  	_ =	shalt  }
0x74: {  	_ =	shalt  }
0x75: {  	_ =	shalt  }
0x76: {  	_ =	shalt  }
0x77: {  	_ =	shalt  }
0x78: {  	_ =	shalt  }
0x79: {  	_ =	shalt  }
0x7a: {  	_ =	shalt  }
0x7b: {  	_ =	shalt  }
0x7c: {  	_ =	shalt  }
0x7d: {  	_ =	shalt  }
0x7e: {  	_ =	shalt  }
0x7f: {  	_ =	shalt  }
0x80: {  	_ =	shalt  }
0x81: {  	_ =	shalt  }
0x82: {  	_ =	shalt  }
0x83: {  	_ =	shalt  }
0x84: {  	_ =	shalt  }
0x85: {  	_ =	shalt  }
0x86: {  	_ =	shalt  }
0x87: {  	_ =	shalt  }
.Lfunc_end0:
.L_simem_size_0:
called_computation.4_lowered:
.L_overlay_start_0:
0x88: {  	s2 =	sld [smem:$0x3FD9]  }
0x89: {  	s3 =	sld [smem:$0x3FFE];
	_ =	sdelay $0x1  }
0x8a: {  	s1 =	srdreg.scid  }
0x8b: {  	s0 =	sand.u32 $0x1, s1  }
0x8c: {  	s17 =	sshll.u32 s0, $0xA;
	s2 =	sadd.s32 s3, s2  }
0x8d: {  	s2 =	sadd.s32 s2, s17  }
0x8e: {  	[smem:$0x3FB5] =	sst s2  }
0x8f: {  	_ = 	snop  }
0x90: {  	(tm) =	ssettm $0x1  }
0x91: {  	s18 =	sld [smem:$0x3FFB];
	_ =	sdelay $0x3  }
0x92: {  	_ =	strace s18  }
0x93: {  	s2 =	sld [smem:$0x3FFC];
	_ =	sdelay $0x3  }
0x94: {  	_ =	strace s2  }
0x95: {  	s2 =	sld [smem:$0x3FFD];
	_ =	sdelay $0x3  }
0x96: {  	_ =	strace s2  }
0x97: {  	_ =	strace $0x8FFFFFFF  }
0x98: {  	s19 =	sld [smem:$0x3FDB];
	_ =	sdelay $0x1  }
0x99: {  	s20 =	simm.s32 $_scs_section_size  }
0x9a: {  	s4 =	simm.s32 $_size__tile_overlayer_lowered;
	s5 =	simm.s32 $_tile_overlayer_lowered  }
0x9b: {  	s6 =	simm.s32 $0x1BFF;
	s21 =	sshll.u32 s5, $0x1;
	s3 =	sadd.s32 s20, s19  }
0x9c: {  	s22 =	simm.s32 $0x0;
	s4 =	sshll.u32 s4, $0x1;
	s5 =	sadd.s32 s21, s3  }
0x9d: {  	[timem:s22], [sflag:s6] =	dma.local [hbm:s5], s4  }
0x9e: {  	_ =	swait.ge [sflag:s6], s4  }
0x9f: {  	s4 =	ssub.s32 $0x0, s4;
	[sflag:s6] =	ssyncset.done $0x0  }
0xa0: {  	[sflag:s6] =	ssyncadd.s32 s4;
	_ =	sdelay $0x1  }
0xa1: {  	s23 =	simm.s32 $0x1B8B  }
0xa2: {  	_ =	swait.ge [sflag:s23], $0x1  }
0xa3: {  	[sflag:s23] =	ssyncset.done $0x0  }
0xa4: {  	[sflag:s23] =	ssyncadd.s32 $0xFFFFFFFF  }
0xa5: {  	s4 =	sld [smem:$0x0]  }
0xa6: {  	s5 =	sand.u32 $0xFFFFFFFE, s1  }
0xa7: {  	p0 =	sne.s32 s1, s5  }
0xa8: {  	s5 =	sshll.u32 @p0 s5, $0xE  }
0xa9: {  	s5 =	sadd.s32 @p0 $0x11B8D, s5;
	s6 =	sshll.u32 @p0 s4, $0x11  }
0xaa: {  	s5 =	sor.u32 @p0 s6, s5  }
0xab: {  	[sflag:s5] =	ssyncadd.remote.s32 @p0 $0x1;
	_ =	sdelay $0x1  }
0xac: {  	s5 =	simm.s32 @p0 $0x1B8D  }
0xad: {  	_ =	swait.eq @p0 [sflag:s5], $0x1  }
0xae: {  	[sflag:s5] =	ssyncadd.s32 @p0 $0xFFFFFFFF  }
0xaf: {  	s6 =	sshll.u32 @!p0 s1, $0xE  }
0xb0: {  	s6 =	sor.u32 @!p0 $0x4000, s6;
	s5 =	simm.s32 @!p0 $0x1B8D  }
0xb1: {  	s4 =	sshll.u32 @!p0 s4, $0x11;
	s6 =	sadd.s32 @!p0 $0x11B8D, s6;
	_ =	swait.eq @!p0 [sflag:s5], $0x1  }
0xb2: {  	s4 =	sor.u32 @!p0 s4, s6;
	[sflag:s5] =	ssyncadd.s32 @!p0 $0xFFFFFFFF  }
0xb3: {  	s25 =	simm.s32 $0x1B8E;
	s24 =	sld [smem:$0x3FFE];
	[sflag:s4] =	ssyncadd.remote.s32 @!p0 $0x1  }
0xb4: {  	s26 =	simm.s32 $execute0_lowered;
	[smem:$0x3FD2] =	sst s25  }
0xb5: {  	s5 =	sshll.u32 s26, $0x1;
	_ =	strace $0x8000005B;
	[dreg:$0x1] =	wrdreg $0xFFFFFFFF  }
0xb6: {  	s28 =	simm.s32 $_size_execute0_lowered;
	s3 =	sadd.s32 s3, s5;
	[dreg:$0x0] =	wrdreg $0x0  }
0xb7: {  	s5 =	sshll.u32 s28, $0x1;
	[dreg:$0x2] =	wrdreg s3  }
0xb8: {  	[dreg:$0x3] =	wrdreg s5  }
0xb9: {  	[dreg:$0x4] =	wrdreg $0xC0  }
0xba: {  	_ =	task [dreg:s22], $0x5FFFF  }
0xbb: {  	[dreg:$0x1] =	wrdreg $0xFFFFFFFF  }
0xbc: {  	[dreg:$0x0] =	wrdreg $0x60  }
0xbd: {  	[dreg:$0x2] =	wrdreg s24  }
0xbe: {  	[dreg:$0x3] =	wrdreg $0x7F000  }
0xbf: {  	[dreg:$0x4] =	wrdreg $0x9  }
0xc0: {  	_ =	task.clear_ibuf [dreg:s22], $0x5FFFF;
	_ =	strace $0x9000005B  }
0xc1: {  	s29 =	simm.s32 $0x9;
	_ =	strace $0x8000005D  }
0xc2: {  	_ =	swait.ge [sflag:s29], $0x1  }
0xc3: {  	[sflag:s29] =	ssyncadd.s32 $0xFFFFFFFF  }
0xc4: {  	_ =	strace $0x9000005D  }
0xc5: {  	_ =	sfence  }
0xc6: {  	s30 =	sld [smem:$0x0];
	_ =	sdelay $0x2  }
0xc7: {  	s31 =	sshll.u32 s1, $0xD;
	s1 =	sshrl.u32 s1, $0x2  }
0xc8: {  	s4 =	sand.u32 $0x4000, s31;
	s1 =	sadd.s32 s1, s30  }
0xc9: {  	s0 =	sor.u32 s4, s0;
	s1 =	sshll.u32 s1, $0x11  }
0xca: {  	s0 =	sor.u32 s1, s0  }
0xcb: {  	s0 =	sadd.s32 $0x8F2B, s0  }
0xcc: {  	[sflag:s0] =	ssyncadd.remote.s32 $0x1  }
0xcd: {  	_ =	sfence.sel $0xFFFF  }
0xce: {  	[dreg:$0x0] =	wrdreg $0xFFFFFFFF;
	(pc) =	sbr.abs _section_cstart, $3  }
0xcf: {  	[dreg:$0x1] =	wrdreg $0xFFFFFFFF  }
0xd0: {  	_ =	task.clear_ibuf [dreg:s22], $0x2FFFF;
	_ =	strace $0x9FFFFFFF  }
0xd1: {  	(tm) =	ssettm $0x7FFFFFFF  }
tec
execute0_lowered:
.L_overlay_start_1:
0x0: {  	(tag) =	ssettag $0x1  }
0x1: {  	s4 =	rddreg [dreg:$0x0];
	s0 =	stileid.u32  }
0x2: {  	s1 =	srdreg.scid;
	s2 =	rddreg [dreg:$0x1];
	s3 =	simm.s32 $0x0  }
0x3: {  	s14 =	simm.s32 $0x200;
	s15 =	simm.s32 $0x7D;
	s16 =	simm.s32 $0x2140  }
0x4: {  	s17 =	simm.s32 $0x100;
	s18 =	simm.s32 $0x4080;
	s6 =	smul.u32 $0x1400, s0  }
0x5: {  	s19 =	simm.s32 $0x180;
	s20 =	simm.s32 $0x5FC0;
	s8 =	smul.u32 $0x13880, s0  }
0x6: {  	s5 =	sand.u32 $0x1, s1;
	s1 =	rddreg [dreg:$0x2];
	s9 =	smul.u32 $0xA000, s0  }
0x7: {  	s21 =	simm.s32 $0x0;
	[smem:$0x7FF] =	sst s3;
	s7 =	smul.u32 $0xA00, s5  }
0x8: {  	s30 =	sshll.u32 s0, $0x6;
	_ =	strace $0x8000005C;
	s10 =	smul.u32 $0x14000, s5  }
0x9: {  	s12 =	ssub.s32 $0x2, s5;
	s29 =	smul.u32 $0x9C40, s5;
	s5 =	sor.u32 $0x1C01, s30  }
0xa: {  	s8 =	sadd.s32 s8, s4;
	s26 =	sshrl.u32 s9, $0x3;
	s28 =	sshrl.u32 s12, $0x1  }
0xb: {  	s13 =	sadd.s32 s9, s2;
	s7 =	sadd.s32 s7, s6;
	s6 =	sadd.s32 s6, s10  }
0xc: {  	s10 =	ssub.s32 s12, s28;
	s31 =	sadd.s32 s29, s8;
	s12 =	simm.s32 $0x40  }
0xd: {  	s7 =	sshrl.u32 s7, $0x3;
	s6 =	sadd.s32 s6, s4;
	s9 =	sadd.s32 $0x1FA000, s31  }
0xe: {  	s11 =	sadd.s32 s7, s4;
	s7 =	sadd.s32 s26, s4;
	s6 =	sadd.s32 $0x332800, s6  }
0xf: {  	s4 =	sadd.s32 $0x30800, s7;
	s7 =	smax.u32 s10, $0x1;
	s8 =	sadd.s32 $0x1F7800, s11  }
0x10: {  	s10 =	sshrl.u32 s13, $0x3;
	s11 =	simm.s32 $0x1;
	s13 =	simm.s32 $0x80  }
.LBB2_1:
0x11: {  	[spmem:s10], [sflag:s5] =	dma.local [hbm:s4], $0x1400  }
0x12: {  	_ =	swait.ge [sflag:s11], $0x1400  }
0x13: {  	[sflag:s11] =	ssyncset.done $0x0  }
0x14: {  	[sflag:s11] =	ssyncadd.s32 $0xFFFFEC00  }
0x15: {  	s22 =	sadd.s32 $0x0, s8;
	[bflag:$0x0] =	sbarrier.arrive $0xFFFF  }
0x16: {  	[tilespmem:s3], [sflag:$0x1] =	stream.linear.gather [hbm4b:s22+s3], $0x200, $0x38;
	[tilespmem:$0x11F00] =	vst v63  }
0x17: {  	_ =	swait.ge [sflag:s11], $0x200  }
0x18: {  	[sflag:s11] =	ssyncset.done $0x0  }
0x19: {  	[sflag:s11] =	ssyncadd.s32 $0xFFFFFE00  }
0x1a: {  	[tilespmem:s14], [sflag:$0x1] =	stream.strided.gather [hbm4b:s9+s12], $0x7D00, s13, s12, $0x38;
	[tilespmem:$0x11F00] =	vst v63  }
0x1b: {  	_ =	swait.ge [sflag:s11], $0x7D00  }
0x1c: {  	[sflag:s11] =	ssyncset.done $0x0  }
0x1d: {  	[sflag:s11] =	ssyncadd.s32 $0xFFFF8300  }
0x1e: {  	[spmem:s2] =	stream.indirect.scatter.add.f32 [tilespmem:s14], [sflag:$0x1], $0x40, s3, s15, $0xb8;
	[tilespmem:$0x11F00] =	vst v63  }
0x1f: {  	_ =	swait.ge [sflag:s11], $0x1F40  }
0x20: {  	[sflag:s11] =	ssyncset.done $0x0  }
0x21: {  	[sflag:s11] =	ssyncadd.s32 $0xFFFFE0C0  }
0x22: {  	[spmem:s2] =	stream.indirect.scatter.add.f32 [tilespmem:s16], [sflag:$0x1], $0x40, s13, s15, $0xb8;
	[tilespmem:$0x11F00] =	vst v63  }
0x23: {  	_ =	swait.ge [sflag:s11], $0x1F40  }
0x24: {  	[sflag:s11] =	ssyncset.done $0x0  }
0x25: {  	[sflag:s11] =	ssyncadd.s32 $0xFFFFE0C0  }
0x26: {  	[spmem:s2] =	stream.indirect.scatter.add.f32 [tilespmem:s18], [sflag:$0x1], $0x40, s17, s15, $0xb8;
	[tilespmem:$0x11F00] =	vst v63  }
0x27: {  	_ =	swait.ge [sflag:s11], $0x1F40  }
0x28: {  	[sflag:s11] =	ssyncset.done $0x0  }
0x29: {  	[sflag:s11] =	ssyncadd.s32 $0xFFFFE0C0  }
0x2a: {  	[spmem:s2] =	stream.indirect.scatter.add.f32 [tilespmem:s20], [sflag:$0x1], $0x40, s19, s15, $0xb8;
	[tilespmem:$0x11F00] =	vst v63  }
0x2b: {  	s23 =	simm.s32 $0x40;
	_ =	swait.ge [sflag:s11], $0x1F40  }
0x2c: {  	s24 =	simm.s32 $0x80;
	s22 =	sadd.s32 $0x1F40, s9;
	[sflag:s11] =	ssyncset.done $0x0  }
.LBB2_2:
0x2d: {  	s25 =	sadd.s32 s23, s8  }
0x2e: {  	[sflag:s11] =	ssyncadd.s32 $0xFFFFE0C0;
	s23 =	smov.u32 s24;
	s26 =	sadd.s32 $0x40, s24  }
0x2f: {  	[tilespmem:s3], [sflag:$0x1] =	stream.linear.gather [hbm4b:s25+s3], $0x200, $0x38;
	[tilespmem:$0x11F00] =	vst v63  }
0x30: {  	p0 =	sne.s32 s24, $0x100;
	_ =	swait.ge [sflag:s11], $0x200  }
0x31: {  	[sflag:s11] =	ssyncset.done $0x0  }
0x32: {  	[sflag:s11] =	ssyncadd.s32 $0xFFFFFE00  }
0x33: {  	[tilespmem:s14], [sflag:$0x1] =	stream.strided.gather [hbm4b:s22+s12], $0x7D00, s13, s12, $0x38;
	[tilespmem:$0x11F00] =	vst v63  }
0x34: {  	_ =	swait.ge [sflag:s11], $0x7D00  }
0x35: {  	[sflag:s11] =	ssyncset.done $0x0  }
0x36: {  	[sflag:s11] =	ssyncadd.s32 $0xFFFF8300  }
0x37: {  	[spmem:s2] =	stream.indirect.scatter.add.f32 [tilespmem:s14], [sflag:$0x1], $0x40, s3, s15, $0xb8;
	[tilespmem:$0x11F00] =	vst v63  }
0x38: {  	_ =	swait.ge [sflag:s11], $0x1F40  }
0x39: {  	[sflag:s11] =	ssyncset.done $0x0  }
0x3a: {  	[sflag:s11] =	ssyncadd.s32 $0xFFFFE0C0  }
0x3b: {  	[spmem:s2] =	stream.indirect.scatter.add.f32 [tilespmem:s16], [sflag:$0x1], $0x40, s13, s15, $0xb8;
	[tilespmem:$0x11F00] =	vst v63  }
0x3c: {  	_ =	swait.ge [sflag:s11], $0x1F40  }
0x3d: {  	[sflag:s11] =	ssyncset.done $0x0  }
0x3e: {  	[sflag:s11] =	ssyncadd.s32 $0xFFFFE0C0  }
0x3f: {  	[spmem:s2] =	stream.indirect.scatter.add.f32 [tilespmem:s18], [sflag:$0x1], $0x40, s17, s15, $0xb8;
	[tilespmem:$0x11F00] =	vst v63  }
0x40: {  	_ =	swait.ge [sflag:s11], $0x1F40  }
.Ltmp0:
0x41: {  	[sflag:s11] =	ssyncset.done $0x0;
	(pc) =	sbr.rel @p0 .LBB2_2-.Ltmp0, $4  }
0x42: {  	[sflag:s11] =	ssyncadd.s32 $0xFFFFE0C0  }
0x43: {  	[spmem:s2] =	stream.indirect.scatter.add.f32 [tilespmem:s20], [sflag:$0x1], $0x40, s19, s15, $0xb8;
	[tilespmem:$0x11F00] =	vst v63  }
0x44: {  	_ =	swait.ge [sflag:s11], $0x1F40  }
0x45: {  	s24 =	smov.u32 s26;
	s22 =	sadd.s32 $0x1F40, s22;
	[sflag:s11] =	ssyncset.done $0x0  }
0x46: {  	s23 =	sadd.s32 s23, s8;
	[sflag:s11] =	ssyncadd.s32 $0xFFFFE0C0  }
0x47: {  	[tilespmem:s3], [sflag:$0x1] =	stream.linear.gather [hbm4b:s23+s3], $0x200, $0x38;
	[tilespmem:$0x11F00] =	vst v63  }
0x48: {  	_ =	swait.ge [sflag:s11], $0x200  }
0x49: {  	[sflag:s11] =	ssyncset.done $0x0  }
0x4a: {  	[sflag:s11] =	ssyncadd.s32 $0xFFFFFE00  }
0x4b: {  	[tilespmem:s14], [sflag:$0x1] =	stream.strided.gather [hbm4b:s22+s12], $0x7D00, s13, s12, $0x38;
	[tilespmem:$0x11F00] =	vst v63  }
0x4c: {  	_ =	swait.ge [sflag:s11], $0x7D00  }
0x4d: {  	[sflag:s11] =	ssyncset.done $0x0  }
0x4e: {  	[sflag:s11] =	ssyncadd.s32 $0xFFFF8300  }
0x4f: {  	[spmem:s2] =	stream.indirect.scatter.add.f32 [tilespmem:s14], [sflag:$0x1], $0x40, s3, s15, $0xb8;
	[tilespmem:$0x11F00] =	vst v63  }
0x50: {  	_ =	swait.ge [sflag:s11], $0x1F40  }
0x51: {  	[sflag:s11] =	ssyncset.done $0x0  }
0x52: {  	[sflag:s11] =	ssyncadd.s32 $0xFFFFE0C0  }
0x53: {  	[spmem:s2] =	stream.indirect.scatter.add.f32 [tilespmem:s16], [sflag:$0x1], $0x40, s13, s15, $0xb8;
	[tilespmem:$0x11F00] =	vst v63  }
0x54: {  	_ =	swait.ge [sflag:s11], $0x1F40  }
0x55: {  	[sflag:s11] =	ssyncset.done $0x0  }
0x56: {  	[sflag:s11] =	ssyncadd.s32 $0xFFFFE0C0  }
0x57: {  	[spmem:s2] =	stream.indirect.scatter.add.f32 [tilespmem:s18], [sflag:$0x1], $0x40, s17, s15, $0xb8;
	[tilespmem:$0x11F00] =	vst v63  }
0x58: {  	_ =	swait.ge [sflag:s11], $0x1F40  }
0x59: {  	[sflag:s11] =	ssyncset.done $0x0  }
0x5a: {  	[sflag:s11] =	ssyncadd.s32 $0xFFFFE0C0  }
0x5b: {  	[spmem:s2] =	stream.indirect.scatter.add.f32 [tilespmem:s20], [sflag:$0x1], $0x40, s19, s15, $0xb8;
	[tilespmem:$0x11F00] =	vst v63  }
0x5c: {  	_ =	swait.ge [sflag:s11], $0x1F40  }
0x5d: {  	s21 =	sadd.s32 $0x1, s21;
	[sflag:s11] =	ssyncset.done $0x0  }
0x5e: {  	p0 =	sne.s32 s21, s7;
	[sflag:s11] =	ssyncadd.s32 $0xFFFFE0C0  }
.Ltmp1:
0x5f: {  	[bflag:$0x0] =	sbarrier.arrive $0xFFFF;
	(pc) =	sbr.rel @p0 .LBB2_1-.Ltmp1, $4  }
0x60: {  	[hbm:s6], [sflag:s5] =	dma.local [spmem:s10], $0x1400  }
0x61: {  	_ =	swait.ge [sflag:s11], $0x1400  }
0x62: {  	[sflag:s11] =	ssyncset.done $0x0  }
0x63: {  	[sflag:s11] =	ssyncadd.s32 $0xFFFFEC00  }
0x64: {  	_ =	sfence.sel $0x180000  }
0x65: {  	[bflag:$0x0] =	sbarrier.arrive $0xFFFF  }
0x66: {  	p0 =	sne.s32 s0, $0x0;
	_ =	strace $0x9000005C  }
0x67: {  	s0 =	sadd.s32 @!p0 $0x100000, s1;
	[bflag:$0x2] =	sbarrier.arrive $0xFFFF  }
0x68: {  	[sflag:s0] =	ssyncadd.tile.s32 @!p0 $0x1;
	_ =	shalt  }
.Lfunc_end2:
_tile_overlayer_lowered:
.L_overlay_start_2:
0x69: {  	(tag) =	ssettag $0x2  }
0x6a: {  	s0 =	rddreg [dreg:$0x0];
	s2 =	stileid.u32  }
0x6b: {  	s1 =	rddreg [dreg:$0x1];
	p0 =	sne.s32 s2, $0x0  }
0x6c: {  	s3 =	rddreg [dreg:$0x2];
	[bflag:$0x3] =	sbarrier.arrive $0xFFFF;
	s2 =	simm.s32 @!p0 $0x1C01  }
0x6d: {  	[timem:s3], [sflag:s2] =	dma.local @!p0 [hbm:s0], s1  }
0x6e: {  	s0 =	simm.s32 @!p0 $0x1  }
0x6f: {  	_ =	swait.ge @!p0 [sflag:s0], s1  }
0x70: {  	s1 =	ssub.s32 @!p0 $0x0, s1;
	[sflag:s0] =	ssyncset.done @!p0 $0x0  }
0x71: {  	[sflag:s0] =	ssyncadd.s32 @!p0 s1  }
0x72: {  	[bflag:$0x3] =	sbarrier.arrive $0xFFFF  }
0x73: {  	_ =	shalt  }

// kernel: kernel.30.cloned.1.call-start
scs
__scs_entry_jumppad:
0x0: {  	(pc) =	sbr.rel $0x88, $3  }
0x1: {  	(tag) =	ssettag $0x0;
	lr =	simm.s32 $0x1  }
0x2: {  	[smem:$0x3F8E] =	sst lr;
	_ =	strace $0xD0000000  }
0x3: {  	_ = 	snop  }
0x4: {  	_ = 	snop  }
0x5: {  	_ = 	snop  }
0x6: {  	_ = 	snop  }
0x7: {  	_ = 	snop  }
__scs_overlays_trampoline_lowered:
0x8: {  	[smem:$0x3F9D] =	sst s0  }
0x9: {  	[smem:$0x3F9E] =	sst s1  }
0xa: {  	[smem:$0x3F9F] =	sst s2  }
0xb: {  	[smem:$0x3FA0] =	sst s3  }
0xc: {  	[smem:$0x3FA1] =	sst s4  }
0xd: {  	[smem:$0x3FA2] =	sst s5  }
0xe: {  	[smem:$0x3FA3] =	sst s6  }
0xf: {  	[smem:$0x3FA4] =	sst s7  }
0x10: {  	[smem:$0x3FA5] =	sst s8  }
0x11: {  	[smem:$0x3FA6] =	sst s9;
	s0 =	simm.s32 @!p0 $0x0  }
0x12: {  	s1 =	sld [smem:$0x3F8C];
	s0 =	simm.s32 @p0 $0x1  }
0x13: {  	[smem:$0x3FA7] =	sst s0;
	s0 =	simm.s32 @!p1 $0x0  }
0x14: {  	s2 =	sld [smem:$0x3F8B];
	s0 =	simm.s32 @p1 $0x1  }
0x15: {  	[smem:$0x3FA8] =	sst s0;
	s0 =	simm.s32 @!p2 $0x0  }
0x16: {  	s3 =	sld [smem:$0x3FDB];
	s0 =	simm.s32 @p2 $0x1  }
0x17: {  	s4 =	simm.s32 $0x1BF5;
	[smem:$0x3FAA] =	sst s0  }
0x18: {  	s0 =	sld [smem:$0x3F8D];
	_ =	swait.ge [sflag:s4], $0x0  }
0x19: {  	s7 =	sld [smem:$0x3F8E]  }
0x1a: {  	s8 =	sadd.s32 $0xFFFFE003, lr  }
0x1b: {  	s9 =	sadd.s32 $0xFFFFFEF7, lr;
	s5 =	simm.s32 $0xFFFFFFFF;
	p2 =	slt.u32 s8, $0xFFFFF086  }
0x1c: {  	p1 =	slt.u32 s9, $0xF7A;
	s5 =	simm.s32 @!p2 $0x0  }
0x1d: {  	s5 =	simm.s32 @p1 $0x1;
	p0 =	seq.s32 s7, s2  }
0x1e: {  	s7 =	smul.u32 @!p0 $0xF7A, s2;
	p2 =	seq.s32 @!p0 s5, $0x0  }
0x1f: {  	s9 =	smul.u32 $0xF7A, s1;
	s8 =	simm.s32 @!p0 $0x1BF5;
	p2 =	por !p2, p0  }
0x20: {  	[sflag:s8] =	ssyncset.s32 @!p0 $0xFFFFF086;
	s6 =	sadd.s32 @!p0 s3, s7;
	s7 =	simm.s32 @!p0 $0x108  }
0x21: {  	s3 =	sadd.s32 s3, s9;
	s6 =	sadd.s32 @!p0 $0x88, s6;
	s7 =	simm.s32 @p2 $0x1082  }
0x22: {  	[simem:s7], [sflag:s8] =	dma.local @!p0 [hbm:s6], $0xF7A  }
0x23: {  	s9 =	sor.u32 $0xD0000000, s2;
	s6 =	simm.s32 $0x108;
	_ =	swait.ge @!p0 [sflag:s8], $0x0  }
0x24: {  	s3 =	sadd.s32 $0x88, s3;
	s6 =	simm.s32 @!p1 $0x1082;
	[sflag:s4] =	ssyncset.s32 $0xFFFFF086  }
0x25: {  	[simem:s6], [sflag:s4] =	dma.local [hbm:s3], $0xF7A  }
0x26: {  	[smem:$0x3F8E] =	sst s1;
	(tag) =	ssettag s2;
	_ =	strace s9  }
0x27: {  	s1 =	sld [smem:$0x3F9E]  }
0x28: {  	s2 =	sld [smem:$0x3F9F]  }
0x29: {  	s4 =	sld [smem:$0x3FA1]  }
0x2a: {  	p0 =	seq.s32 s5, $0x0;
	s5 =	sld [smem:$0x3FA2]  }
0x2b: {  	s6 =	sld [smem:$0x3FA3]  }
0x2c: {  	s7 =	sld [smem:$0x3FA4]  }
0x2d: {  	s3 =	simm.s32 $0x108;
	s8 =	sld [smem:$0x3FA5]  }
0x2e: {  	s3 =	simm.s32 @!p0 $0x1082;
	s9 =	sld [smem:$0x3FA6]  }
0x2f: {  	lr =	sadd.s32 s0, s3;
	s0 =	sld [smem:$0x3F9D]  }
0x30: {  	s3 =	sld [smem:$0x3FA0]  }
0x31: {  	[smem:$0x3FA9] =	sst s10  }
0x32: {  	s10 =	sld [smem:$0x3FA7];
	_ =	sdelay $0x3  }
0x33: {  	p0 =	seq.s32 s10, $0x1;
	s10 =	sld [smem:$0x3FA9];
	_ =	sdelay $0x3  }
0x34: {  	[smem:$0x3FA9] =	sst s10  }
0x35: {  	s10 =	sld [smem:$0x3FA8];
	_ =	sdelay $0x3  }
0x36: {  	p1 =	seq.s32 s10, $0x1;
	s10 =	sld [smem:$0x3FA9];
	_ =	sdelay $0x3  }
0x37: {  	[smem:$0x3FA9] =	sst s10  }
0x38: {  	s10 =	sld [smem:$0x3FAA]  }
0x39: {  	_ = 	snop;
	(pc) =	sbr.ind lr, $3  }
0x3a: {  	_ = 	snop  }
0x3b: {  	_ = 	snop  }
0x3c: {  	p2 =	seq.s32 s10, $0x1;
	s10 =	sld [smem:$0x3FA9]  }
0x3d: {  	_ =	shalt  }
0x3e: {  	_ =	shalt  }
0x3f: {  	_ =	shalt  }
0x40: {  	_ =	shalt  }
0x41: {  	_ =	shalt  }
0x42: {  	_ =	shalt  }
0x43: {  	_ =	shalt  }
0x44: {  	_ =	shalt  }
0x45: {  	_ =	shalt  }
0x46: {  	_ =	shalt  }
0x47: {  	_ =	shalt  }
0x48: {  	_ =	shalt  }
0x49: {  	_ =	shalt  }
0x4a: {  	_ =	shalt  }
0x4b: {  	_ =	shalt  }
0x4c: {  	_ =	shalt  }
0x4d: {  	_ =	shalt  }
0x4e: {  	_ =	shalt  }
0x4f: {  	_ =	shalt  }
0x50: {  	_ =	shalt  }
0x51: {  	_ =	shalt  }
0x52: {  	_ =	shalt  }
0x53: {  	_ =	shalt  }
0x54: {  	_ =	shalt  }
0x55: {  	_ =	shalt  }
0x56: {  	_ =	shalt  }
0x57: {  	_ =	shalt  }
0x58: {  	_ =	shalt  }
0x59: {  	_ =	shalt  }
0x5a: {  	_ =	shalt  }
0x5b: {  	_ =	shalt  }
0x5c: {  	_ =	shalt  }
0x5d: {  	_ =	shalt  }
0x5e: {  	_ =	shalt  }
0x5f: {  	_ =	shalt  }
0x60: {  	_ =	shalt  }
0x61: {  	_ =	shalt  }
0x62: {  	_ =	shalt  }
0x63: {  	_ =	shalt  }
0x64: {  	_ =	shalt  }
0x65: {  	_ =	shalt  }
0x66: {  	_ =	shalt  }
0x67: {  	_ =	shalt  }
0x68: {  	_ =	shalt  }
0x69: {  	_ =	shalt  }
0x6a: {  	_ =	shalt  }
0x6b: {  	_ =	shalt  }
0x6c: {  	_ =	shalt  }
0x6d: {  	_ =	shalt  }
0x6e: {  	_ =	shalt  }
0x6f: {  	_ =	shalt  }
0x70: {  	_ =	shalt  }
0x71: {  	_ =	shalt  }
0x72: {  	_ =	shalt  }
0x73: {  	_ =	shalt  }
0x74: {  	_ =	shalt  }
0x75: {  	_ =	shalt  }
0x76: {  	_ =	shalt  }
0x77: {  	_ =	shalt  }
0x78: {  	_ =	shalt  }
0x79: {  	_ =	shalt  }
0x7a: {  	_ =	shalt  }
0x7b: {  	_ =	shalt  }
0x7c: {  	_ =	shalt  }
0x7d: {  	_ =	shalt  }
0x7e: {  	_ =	shalt  }
0x7f: {  	_ =	shalt  }
0x80: {  	_ =	shalt  }
0x81: {  	_ =	shalt  }
0x82: {  	_ =	shalt  }
0x83: {  	_ =	shalt  }
0x84: {  	_ =	shalt  }
0x85: {  	_ =	shalt  }
0x86: {  	_ =	shalt  }
0x87: {  	_ =	shalt  }
.Lfunc_end0:
.L_simem_size_0:
called_computation.5_lowered:
.L_overlay_start_0:
0x88: {  	s2 =	sld [smem:$0x3FD9]  }
0x89: {  	s3 =	sld [smem:$0x3FFE];
	_ =	sdelay $0x1  }
0x8a: {  	s1 =	srdreg.scid  }
0x8b: {  	s0 =	sand.u32 $0x1, s1  }
0x8c: {  	s17 =	sshll.u32 s0, $0xA;
	s2 =	sadd.s32 s3, s2  }
0x8d: {  	s2 =	sadd.s32 s2, s17  }
0x8e: {  	[smem:$0x3FB5] =	sst s2  }
0x8f: {  	_ = 	snop  }
0x90: {  	(tm) =	ssettm $0x1  }
0x91: {  	s18 =	sld [smem:$0x3FFB];
	_ =	sdelay $0x3  }
0x92: {  	_ =	strace s18  }
0x93: {  	s2 =	sld [smem:$0x3FFC];
	_ =	sdelay $0x3  }
0x94: {  	_ =	strace s2  }
0x95: {  	s2 =	sld [smem:$0x3FFD];
	_ =	sdelay $0x3  }
0x96: {  	_ =	strace s2  }
0x97: {  	_ =	strace $0x8FFFFFFF  }
0x98: {  	s19 =	sld [smem:$0x3FDB];
	_ =	sdelay $0x1  }
0x99: {  	s20 =	simm.s32 $_scs_section_size  }
0x9a: {  	s4 =	simm.s32 $_size__tile_overlayer_lowered;
	s5 =	simm.s32 $_tile_overlayer_lowered  }
0x9b: {  	s6 =	simm.s32 $0x1BFF;
	s21 =	sshll.u32 s5, $0x1;
	s3 =	sadd.s32 s20, s19  }
0x9c: {  	s22 =	simm.s32 $0x0;
	s4 =	sshll.u32 s4, $0x1;
	s5 =	sadd.s32 s21, s3  }
0x9d: {  	[timem:s22], [sflag:s6] =	dma.local [hbm:s5], s4  }
0x9e: {  	_ =	swait.ge [sflag:s6], s4  }
0x9f: {  	s4 =	ssub.s32 $0x0, s4;
	[sflag:s6] =	ssyncset.done $0x0  }
0xa0: {  	[sflag:s6] =	ssyncadd.s32 s4;
	_ =	sdelay $0x1  }
0xa1: {  	s23 =	simm.s32 $0x1B8B  }
0xa2: {  	_ =	swait.ge [sflag:s23], $0x1  }
0xa3: {  	[sflag:s23] =	ssyncset.done $0x0  }
0xa4: {  	[sflag:s23] =	ssyncadd.s32 $0xFFFFFFFF  }
0xa5: {  	s4 =	sld [smem:$0x0]  }
0xa6: {  	s5 =	sand.u32 $0xFFFFFFFE, s1  }
0xa7: {  	p0 =	sne.s32 s1, s5  }
0xa8: {  	s5 =	sshll.u32 @p0 s5, $0xE  }
0xa9: {  	s5 =	sadd.s32 @p0 $0x11B8D, s5;
	s6 =	sshll.u32 @p0 s4, $0x11  }
0xaa: {  	s5 =	sor.u32 @p0 s6, s5  }
0xab: {  	[sflag:s5] =	ssyncadd.remote.s32 @p0 $0x1;
	_ =	sdelay $0x1  }
0xac: {  	s5 =	simm.s32 @p0 $0x1B8D  }
0xad: {  	_ =	swait.eq @p0 [sflag:s5], $0x1  }
0xae: {  	[sflag:s5] =	ssyncadd.s32 @p0 $0xFFFFFFFF  }
0xaf: {  	s6 =	sshll.u32 @!p0 s1, $0xE  }
0xb0: {  	s6 =	sor.u32 @!p0 $0x4000, s6;
	s5 =	simm.s32 @!p0 $0x1B8D  }
0xb1: {  	s4 =	sshll.u32 @!p0 s4, $0x11;
	s6 =	sadd.s32 @!p0 $0x11B8D, s6;
	_ =	swait.eq @!p0 [sflag:s5], $0x1  }
0xb2: {  	s4 =	sor.u32 @!p0 s4, s6;
	[sflag:s5] =	ssyncadd.s32 @!p0 $0xFFFFFFFF  }
0xb3: {  	s25 =	simm.s32 $0x1B8E;
	s24 =	sld [smem:$0x3FFE];
	[sflag:s4] =	ssyncadd.remote.s32 @!p0 $0x1  }
0xb4: {  	s26 =	simm.s32 $execute0_lowered;
	[smem:$0x3FD2] =	sst s25  }
0xb5: {  	s5 =	sshll.u32 s26, $0x1;
	_ =	strace $0x80000052;
	[dreg:$0x1] =	wrdreg $0xFFFFFFFF  }
0xb6: {  	s28 =	simm.s32 $_size_execute0_lowered;
	s3 =	sadd.s32 s3, s5;
	[dreg:$0x0] =	wrdreg $0x0  }
0xb7: {  	s5 =	sshll.u32 s28, $0x1;
	[dreg:$0x2] =	wrdreg s3  }
0xb8: {  	[dreg:$0x3] =	wrdreg s5  }
0xb9: {  	[dreg:$0x4] =	wrdreg $0xC0  }
0xba: {  	_ =	task [dreg:s22], $0x5FFFF  }
0xbb: {  	[dreg:$0x1] =	wrdreg $0xFFFFFFFF  }
0xbc: {  	[dreg:$0x0] =	wrdreg $0x60  }
0xbd: {  	[dreg:$0x2] =	wrdreg s24  }
0xbe: {  	[dreg:$0x3] =	wrdreg $0x7F000  }
0xbf: {  	[dreg:$0x4] =	wrdreg $0xA  }
0xc0: {  	_ =	task.clear_ibuf [dreg:s22], $0x5FFFF;
	_ =	strace $0x90000052  }
0xc1: {  	s29 =	simm.s32 $0xA;
	_ =	strace $0x80000054  }
0xc2: {  	_ =	swait.ge [sflag:s29], $0x1  }
0xc3: {  	[sflag:s29] =	ssyncadd.s32 $0xFFFFFFFF  }
0xc4: {  	_ =	strace $0x90000054  }
0xc5: {  	_ =	sfence  }
0xc6: {  	s30 =	sld [smem:$0x0];
	_ =	sdelay $0x2  }
0xc7: {  	s31 =	sshll.u32 s1, $0xD;
	s1 =	sshrl.u32 s1, $0x2  }
0xc8: {  	s4 =	sand.u32 $0x4000, s31;
	s1 =	sadd.s32 s1, s30  }
0xc9: {  	s0 =	sor.u32 s4, s0;
	s1 =	sshll.u32 s1, $0x11  }
0xca: {  	s0 =	sor.u32 s1, s0  }
0xcb: {  	s0 =	sadd.s32 $0x8F2B, s0  }
0xcc: {  	[sflag:s0] =	ssyncadd.remote.s32 $0x1  }
0xcd: {  	_ =	sfence.sel $0xFFFF  }
0xce: {  	[dreg:$0x0] =	wrdreg $0xFFFFFFFF;
	(pc) =	sbr.abs _section_cstart, $3  }
0xcf: {  	[dreg:$0x1] =	wrdreg $0xFFFFFFFF  }
0xd0: {  	_ =	task.clear_ibuf [dreg:s22], $0x2FFFF;
	_ =	strace $0x9FFFFFFF  }
0xd1: {  	(tm) =	ssettm $0x7FFFFFFF  }
tec
execute0_lowered:
.L_overlay_start_1:
0x0: {  	(tag) =	ssettag $0x1  }
0x1: {  	s4 =	rddreg [dreg:$0x0];
	s0 =	stileid.u32  }
0x2: {  	s1 =	srdreg.scid;
	s2 =	rddreg [dreg:$0x1];
	s3 =	simm.s32 $0x0  }
0x3: {  	s14 =	simm.s32 $0x200;
	s15 =	simm.s32 $0x7D;
	s16 =	simm.s32 $0x2140  }
0x4: {  	s17 =	simm.s32 $0x100;
	s18 =	simm.s32 $0x4080;
	s6 =	smul.u32 $0x1400, s0  }
0x5: {  	s19 =	simm.s32 $0x180;
	s20 =	simm.s32 $0x5FC0;
	s8 =	smul.u32 $0x13880, s0  }
0x6: {  	s5 =	sand.u32 $0x1, s1;
	s1 =	rddreg [dreg:$0x2];
	s9 =	smul.u32 $0xA000, s0  }
0x7: {  	s21 =	simm.s32 $0x0;
	[smem:$0x7FF] =	sst s3;
	s7 =	smul.u32 $0xA00, s5  }
0x8: {  	s30 =	sshll.u32 s0, $0x6;
	_ =	strace $0x80000053;
	s10 =	smul.u32 $0x14000, s5  }
0x9: {  	s12 =	ssub.s32 $0x2, s5;
	s29 =	smul.u32 $0x9C40, s5;
	s5 =	sor.u32 $0x1C01, s30  }
0xa: {  	s8 =	sadd.s32 s8, s4;
	s26 =	sshrl.u32 s9, $0x3;
	s28 =	sshrl.u32 s12, $0x1  }
0xb: {  	s13 =	sadd.s32 s9, s2;
	s7 =	sadd.s32 s7, s6;
	s6 =	sadd.s32 s6, s10  }
0xc: {  	s10 =	ssub.s32 s12, s28;
	s31 =	sadd.s32 s29, s8;
	s12 =	simm.s32 $0x40  }
0xd: {  	s7 =	sshrl.u32 s7, $0x3;
	s6 =	sadd.s32 s6, s4;
	s9 =	sadd.s32 $0x523E00, s31  }
0xe: {  	s11 =	sadd.s32 s7, s4;
	s7 =	sadd.s32 s26, s4;
	s6 =	sadd.s32 $0x44800, s6  }
0xf: {  	s4 =	sadd.s32 $0x30800, s7;
	s7 =	smax.u32 s10, $0x1;
	s8 =	sadd.s32 $0x2E000, s11  }
0x10: {  	s10 =	sshrl.u32 s13, $0x3;
	s11 =	simm.s32 $0x1;
	s13 =	simm.s32 $0x80  }
.LBB2_1:
0x11: {  	[spmem:s10], [sflag:s5] =	dma.local [hbm:s4], $0x1400  }
0x12: {  	_ =	swait.ge [sflag:s11], $0x1400  }
0x13: {  	[sflag:s11] =	ssyncset.done $0x0  }
0x14: {  	[sflag:s11] =	ssyncadd.s32 $0xFFFFEC00  }
0x15: {  	s22 =	sadd.s32 $0x0, s8;
	[bflag:$0x0] =	sbarrier.arrive $0xFFFF  }
0x16: {  	[tilespmem:s3], [sflag:$0x1] =	stream.linear.gather [hbm4b:s22+s3], $0x200, $0x38;
	[tilespmem:$0x11F00] =	vst v63  }
0x17: {  	_ =	swait.ge [sflag:s11], $0x200  }
0x18: {  	[sflag:s11] =	ssyncset.done $0x0  }
0x19: {  	[sflag:s11] =	ssyncadd.s32 $0xFFFFFE00  }
0x1a: {  	[tilespmem:s14], [sflag:$0x1] =	stream.strided.gather [hbm4b:s9+s12], $0x7D00, s13, s12, $0x38;
	[tilespmem:$0x11F00] =	vst v63  }
0x1b: {  	_ =	swait.ge [sflag:s11], $0x7D00  }
0x1c: {  	[sflag:s11] =	ssyncset.done $0x0  }
0x1d: {  	[sflag:s11] =	ssyncadd.s32 $0xFFFF8300  }
0x1e: {  	[spmem:s2] =	stream.indirect.scatter.add.f32 [tilespmem:s14], [sflag:$0x1], $0x40, s3, s15, $0xb8;
	[tilespmem:$0x11F00] =	vst v63  }
0x1f: {  	_ =	swait.ge [sflag:s11], $0x1F40  }
0x20: {  	[sflag:s11] =	ssyncset.done $0x0  }
0x21: {  	[sflag:s11] =	ssyncadd.s32 $0xFFFFE0C0  }
0x22: {  	[spmem:s2] =	stream.indirect.scatter.add.f32 [tilespmem:s16], [sflag:$0x1], $0x40, s13, s15, $0xb8;
	[tilespmem:$0x11F00] =	vst v63  }
0x23: {  	_ =	swait.ge [sflag:s11], $0x1F40  }
0x24: {  	[sflag:s11] =	ssyncset.done $0x0  }
0x25: {  	[sflag:s11] =	ssyncadd.s32 $0xFFFFE0C0  }
0x26: {  	[spmem:s2] =	stream.indirect.scatter.add.f32 [tilespmem:s18], [sflag:$0x1], $0x40, s17, s15, $0xb8;
	[tilespmem:$0x11F00] =	vst v63  }
0x27: {  	_ =	swait.ge [sflag:s11], $0x1F40  }
0x28: {  	[sflag:s11] =	ssyncset.done $0x0  }
0x29: {  	[sflag:s11] =	ssyncadd.s32 $0xFFFFE0C0  }
0x2a: {  	[spmem:s2] =	stream.indirect.scatter.add.f32 [tilespmem:s20], [sflag:$0x1], $0x40, s19, s15, $0xb8;
	[tilespmem:$0x11F00] =	vst v63  }
0x2b: {  	s23 =	simm.s32 $0x40;
	_ =	swait.ge [sflag:s11], $0x1F40  }
0x2c: {  	s24 =	simm.s32 $0x80;
	s22 =	sadd.s32 $0x1F40, s9;
	[sflag:s11] =	ssyncset.done $0x0  }
.LBB2_2:
0x2d: {  	s25 =	sadd.s32 s23, s8  }
0x2e: {  	[sflag:s11] =	ssyncadd.s32 $0xFFFFE0C0;
	s23 =	smov.u32 s24;
	s26 =	sadd.s32 $0x40, s24  }
0x2f: {  	[tilespmem:s3], [sflag:$0x1] =	stream.linear.gather [hbm4b:s25+s3], $0x200, $0x38;
	[tilespmem:$0x11F00] =	vst v63  }
0x30: {  	p0 =	sne.s32 s24, $0x100;
	_ =	swait.ge [sflag:s11], $0x200  }
0x31: {  	[sflag:s11] =	ssyncset.done $0x0  }
0x32: {  	[sflag:s11] =	ssyncadd.s32 $0xFFFFFE00  }
0x33: {  	[tilespmem:s14], [sflag:$0x1] =	stream.strided.gather [hbm4b:s22+s12], $0x7D00, s13, s12, $0x38;
	[tilespmem:$0x11F00] =	vst v63  }
0x34: {  	_ =	swait.ge [sflag:s11], $0x7D00  }
0x35: {  	[sflag:s11] =	ssyncset.done $0x0  }
0x36: {  	[sflag:s11] =	ssyncadd.s32 $0xFFFF8300  }
0x37: {  	[spmem:s2] =	stream.indirect.scatter.add.f32 [tilespmem:s14], [sflag:$0x1], $0x40, s3, s15, $0xb8;
	[tilespmem:$0x11F00] =	vst v63  }
0x38: {  	_ =	swait.ge [sflag:s11], $0x1F40  }
0x39: {  	[sflag:s11] =	ssyncset.done $0x0  }
0x3a: {  	[sflag:s11] =	ssyncadd.s32 $0xFFFFE0C0  }
0x3b: {  	[spmem:s2] =	stream.indirect.scatter.add.f32 [tilespmem:s16], [sflag:$0x1], $0x40, s13, s15, $0xb8;
	[tilespmem:$0x11F00] =	vst v63  }
0x3c: {  	_ =	swait.ge [sflag:s11], $0x1F40  }
0x3d: {  	[sflag:s11] =	ssyncset.done $0x0  }
0x3e: {  	[sflag:s11] =	ssyncadd.s32 $0xFFFFE0C0  }
0x3f: {  	[spmem:s2] =	stream.indirect.scatter.add.f32 [tilespmem:s18], [sflag:$0x1], $0x40, s17, s15, $0xb8;
	[tilespmem:$0x11F00] =	vst v63  }
0x40: {  	_ =	swait.ge [sflag:s11], $0x1F40  }
.Ltmp0:
0x41: {  	[sflag:s11] =	ssyncset.done $0x0;
	(pc) =	sbr.rel @p0 .LBB2_2-.Ltmp0, $4  }
0x42: {  	[sflag:s11] =	ssyncadd.s32 $0xFFFFE0C0  }
0x43: {  	[spmem:s2] =	stream.indirect.scatter.add.f32 [tilespmem:s20], [sflag:$0x1], $0x40, s19, s15, $0xb8;
	[tilespmem:$0x11F00] =	vst v63  }
0x44: {  	_ =	swait.ge [sflag:s11], $0x1F40  }
0x45: {  	s24 =	smov.u32 s26;
	s22 =	sadd.s32 $0x1F40, s22;
	[sflag:s11] =	ssyncset.done $0x0  }
0x46: {  	s23 =	sadd.s32 s23, s8;
	[sflag:s11] =	ssyncadd.s32 $0xFFFFE0C0  }
0x47: {  	[tilespmem:s3], [sflag:$0x1] =	stream.linear.gather [hbm4b:s23+s3], $0x200, $0x38;
	[tilespmem:$0x11F00] =	vst v63  }
0x48: {  	_ =	swait.ge [sflag:s11], $0x200  }
0x49: {  	[sflag:s11] =	ssyncset.done $0x0  }
0x4a: {  	[sflag:s11] =	ssyncadd.s32 $0xFFFFFE00  }
0x4b: {  	[tilespmem:s14], [sflag:$0x1] =	stream.strided.gather [hbm4b:s22+s12], $0x7D00, s13, s12, $0x38;
	[tilespmem:$0x11F00] =	vst v63  }
0x4c: {  	_ =	swait.ge [sflag:s11], $0x7D00  }
0x4d: {  	[sflag:s11] =	ssyncset.done $0x0  }
0x4e: {  	[sflag:s11] =	ssyncadd.s32 $0xFFFF8300  }
0x4f: {  	[spmem:s2] =	stream.indirect.scatter.add.f32 [tilespmem:s14], [sflag:$0x1], $0x40, s3, s15, $0xb8;
	[tilespmem:$0x11F00] =	vst v63  }
0x50: {  	_ =	swait.ge [sflag:s11], $0x1F40  }
0x51: {  	[sflag:s11] =	ssyncset.done $0x0  }
0x52: {  	[sflag:s11] =	ssyncadd.s32 $0xFFFFE0C0  }
0x53: {  	[spmem:s2] =	stream.indirect.scatter.add.f32 [tilespmem:s16], [sflag:$0x1], $0x40, s13, s15, $0xb8;
	[tilespmem:$0x11F00] =	vst v63  }
0x54: {  	_ =	swait.ge [sflag:s11], $0x1F40  }
0x55: {  	[sflag:s11] =	ssyncset.done $0x0  }
0x56: {  	[sflag:s11] =	ssyncadd.s32 $0xFFFFE0C0  }
0x57: {  	[spmem:s2] =	stream.indirect.scatter.add.f32 [tilespmem:s18], [sflag:$0x1], $0x40, s17, s15, $0xb8;
	[tilespmem:$0x11F00] =	vst v63  }
0x58: {  	_ =	swait.ge [sflag:s11], $0x1F40  }
0x59: {  	[sflag:s11] =	ssyncset.done $0x0  }
0x5a: {  	[sflag:s11] =	ssyncadd.s32 $0xFFFFE0C0  }
0x5b: {  	[spmem:s2] =	stream.indirect.scatter.add.f32 [tilespmem:s20], [sflag:$0x1], $0x40, s19, s15, $0xb8;
	[tilespmem:$0x11F00] =	vst v63  }
0x5c: {  	_ =	swait.ge [sflag:s11], $0x1F40  }
0x5d: {  	s21 =	sadd.s32 $0x1, s21;
	[sflag:s11] =	ssyncset.done $0x0  }
0x5e: {  	p0 =	sne.s32 s21, s7;
	[sflag:s11] =	ssyncadd.s32 $0xFFFFE0C0  }
.Ltmp1:
0x5f: {  	[bflag:$0x0] =	sbarrier.arrive $0xFFFF;
	(pc) =	sbr.rel @p0 .LBB2_1-.Ltmp1, $4  }
0x60: {  	[hbm:s6], [sflag:s5] =	dma.local [spmem:s10], $0x1400  }
0x61: {  	_ =	swait.ge [sflag:s11], $0x1400  }
0x62: {  	[sflag:s11] =	ssyncset.done $0x0  }
0x63: {  	[sflag:s11] =	ssyncadd.s32 $0xFFFFEC00  }
0x64: {  	_ =	sfence.sel $0x180000  }
0x65: {  	[bflag:$0x0] =	sbarrier.arrive $0xFFFF  }
0x66: {  	p0 =	sne.s32 s0, $0x0;
	_ =	strace $0x90000053  }
0x67: {  	s0 =	sadd.s32 @!p0 $0x100000, s1;
	[bflag:$0x2] =	sbarrier.arrive $0xFFFF  }
0x68: {  	[sflag:s0] =	ssyncadd.tile.s32 @!p0 $0x1;
	_ =	shalt  }
.Lfunc_end2:
_tile_overlayer_lowered:
.L_overlay_start_2:
0x69: {  	(tag) =	ssettag $0x2  }
0x6a: {  	s0 =	rddreg [dreg:$0x0];
	s2 =	stileid.u32  }
0x6b: {  	s1 =	rddreg [dreg:$0x1];
	p0 =	sne.s32 s2, $0x0  }
0x6c: {  	s3 =	rddreg [dreg:$0x2];
	[bflag:$0x3] =	sbarrier.arrive $0xFFFF;
	s2 =	simm.s32 @!p0 $0x1C01  }
0x6d: {  	[timem:s3], [sflag:s2] =	dma.local @!p0 [hbm:s0], s1  }
0x6e: {  	s0 =	simm.s32 @!p0 $0x1  }
0x6f: {  	_ =	swait.ge @!p0 [sflag:s0], s1  }
0x70: {  	s1 =	ssub.s32 @!p0 $0x0, s1;
	[sflag:s0] =	ssyncset.done @!p0 $0x0  }
0x71: {  	[sflag:s0] =	ssyncadd.s32 @!p0 s1  }
0x72: {  	[bflag:$0x3] =	sbarrier.arrive $0xFFFF  }
0x73: {  	_ =	shalt  }

// kernel: kernel.33.cloned.1.call-start
scs
__scs_entry_jumppad:
0x0: {  	(pc) =	sbr.rel $0x88, $3  }
0x1: {  	(tag) =	ssettag $0x0;
	lr =	simm.s32 $0x1  }
0x2: {  	[smem:$0x3F8E] =	sst lr;
	_ =	strace $0xD0000000  }
0x3: {  	_ = 	snop  }
0x4: {  	_ = 	snop  }
0x5: {  	_ = 	snop  }
0x6: {  	_ = 	snop  }
0x7: {  	_ = 	snop  }
__scs_overlays_trampoline_lowered:
0x8: {  	[smem:$0x3F9D] =	sst s0  }
0x9: {  	[smem:$0x3F9E] =	sst s1  }
0xa: {  	[smem:$0x3F9F] =	sst s2  }
0xb: {  	[smem:$0x3FA0] =	sst s3  }
0xc: {  	[smem:$0x3FA1] =	sst s4  }
0xd: {  	[smem:$0x3FA2] =	sst s5  }
0xe: {  	[smem:$0x3FA3] =	sst s6  }
0xf: {  	[smem:$0x3FA4] =	sst s7  }
0x10: {  	[smem:$0x3FA5] =	sst s8  }
0x11: {  	[smem:$0x3FA6] =	sst s9;
	s0 =	simm.s32 @!p0 $0x0  }
0x12: {  	s1 =	sld [smem:$0x3F8C];
	s0 =	simm.s32 @p0 $0x1  }
0x13: {  	[smem:$0x3FA7] =	sst s0;
	s0 =	simm.s32 @!p1 $0x0  }
0x14: {  	s2 =	sld [smem:$0x3F8B];
	s0 =	simm.s32 @p1 $0x1  }
0x15: {  	[smem:$0x3FA8] =	sst s0;
	s0 =	simm.s32 @!p2 $0x0  }
0x16: {  	s3 =	sld [smem:$0x3FDB];
	s0 =	simm.s32 @p2 $0x1  }
0x17: {  	s4 =	simm.s32 $0x1BF5;
	[smem:$0x3FAA] =	sst s0  }
0x18: {  	s0 =	sld [smem:$0x3F8D];
	_ =	swait.ge [sflag:s4], $0x0  }
0x19: {  	s7 =	sld [smem:$0x3F8E]  }
0x1a: {  	s8 =	sadd.s32 $0xFFFFE003, lr  }
0x1b: {  	s9 =	sadd.s32 $0xFFFFFEF7, lr;
	s5 =	simm.s32 $0xFFFFFFFF;
	p2 =	slt.u32 s8, $0xFFFFF086  }
0x1c: {  	p1 =	slt.u32 s9, $0xF7A;
	s5 =	simm.s32 @!p2 $0x0  }
0x1d: {  	s5 =	simm.s32 @p1 $0x1;
	p0 =	seq.s32 s7, s2  }
0x1e: {  	s7 =	smul.u32 @!p0 $0xF7A, s2;
	p2 =	seq.s32 @!p0 s5, $0x0  }
0x1f: {  	s9 =	smul.u32 $0xF7A, s1;
	s8 =	simm.s32 @!p0 $0x1BF5;
	p2 =	por !p2, p0  }
0x20: {  	[sflag:s8] =	ssyncset.s32 @!p0 $0xFFFFF086;
	s6 =	sadd.s32 @!p0 s3, s7;
	s7 =	simm.s32 @!p0 $0x108  }
0x21: {  	s3 =	sadd.s32 s3, s9;
	s6 =	sadd.s32 @!p0 $0x88, s6;
	s7 =	simm.s32 @p2 $0x1082  }
0x22: {  	[simem:s7], [sflag:s8] =	dma.local @!p0 [hbm:s6], $0xF7A  }
0x23: {  	s9 =	sor.u32 $0xD0000000, s2;
	s6 =	simm.s32 $0x108;
	_ =	swait.ge @!p0 [sflag:s8], $0x0  }
0x24: {  	s3 =	sadd.s32 $0x88, s3;
	s6 =	simm.s32 @!p1 $0x1082;
	[sflag:s4] =	ssyncset.s32 $0xFFFFF086  }
0x25: {  	[simem:s6], [sflag:s4] =	dma.local [hbm:s3], $0xF7A  }
0x26: {  	[smem:$0x3F8E] =	sst s1;
	(tag) =	ssettag s2;
	_ =	strace s9  }
0x27: {  	s1 =	sld [smem:$0x3F9E]  }
0x28: {  	s2 =	sld [smem:$0x3F9F]  }
0x29: {  	s4 =	sld [smem:$0x3FA1]  }
0x2a: {  	p0 =	seq.s32 s5, $0x0;
	s5 =	sld [smem:$0x3FA2]  }
0x2b: {  	s6 =	sld [smem:$0x3FA3]  }
0x2c: {  	s7 =	sld [smem:$0x3FA4]  }
0x2d: {  	s3 =	simm.s32 $0x108;
	s8 =	sld [smem:$0x3FA5]  }
0x2e: {  	s3 =	simm.s32 @!p0 $0x1082;
	s9 =	sld [smem:$0x3FA6]  }
0x2f: {  	lr =	sadd.s32 s0, s3;
	s0 =	sld [smem:$0x3F9D]  }
0x30: {  	s3 =	sld [smem:$0x3FA0]  }
0x31: {  	[smem:$0x3FA9] =	sst s10  }
0x32: {  	s10 =	sld [smem:$0x3FA7];
	_ =	sdelay $0x3  }
0x33: {  	p0 =	seq.s32 s10, $0x1;
	s10 =	sld [smem:$0x3FA9];
	_ =	sdelay $0x3  }
0x34: {  	[smem:$0x3FA9] =	sst s10  }
0x35: {  	s10 =	sld [smem:$0x3FA8];
	_ =	sdelay $0x3  }
0x36: {  	p1 =	seq.s32 s10, $0x1;
	s10 =	sld [smem:$0x3FA9];
	_ =	sdelay $0x3  }
0x37: {  	[smem:$0x3FA9] =	sst s10  }
0x38: {  	s10 =	sld [smem:$0x3FAA]  }
0x39: {  	_ = 	snop;
	(pc) =	sbr.ind lr, $3  }
0x3a: {  	_ = 	snop  }
0x3b: {  	_ = 	snop  }
0x3c: {  	p2 =	seq.s32 s10, $0x1;
	s10 =	sld [smem:$0x3FA9]  }
0x3d: {  	_ =	shalt  }
0x3e: {  	_ =	shalt  }
0x3f: {  	_ =	shalt  }
0x40: {  	_ =	shalt  }
0x41: {  	_ =	shalt  }
0x42: {  	_ =	shalt  }
0x43: {  	_ =	shalt  }
0x44: {  	_ =	shalt  }
0x45: {  	_ =	shalt  }
0x46: {  	_ =	shalt  }
0x47: {  	_ =	shalt  }
0x48: {  	_ =	shalt  }
0x49: {  	_ =	shalt  }
0x4a: {  	_ =	shalt  }
0x4b: {  	_ =	shalt  }
0x4c: {  	_ =	shalt  }
0x4d: {  	_ =	shalt  }
0x4e: {  	_ =	shalt  }
0x4f: {  	_ =	shalt  }
0x50: {  	_ =	shalt  }
0x51: {  	_ =	shalt  }
0x52: {  	_ =	shalt  }
0x53: {  	_ =	shalt  }
0x54: {  	_ =	shalt  }
0x55: {  	_ =	shalt  }
0x56: {  	_ =	shalt  }
0x57: {  	_ =	shalt  }
0x58: {  	_ =	shalt  }
0x59: {  	_ =	shalt  }
0x5a: {  	_ =	shalt  }
0x5b: {  	_ =	shalt  }
0x5c: {  	_ =	shalt  }
0x5d: {  	_ =	shalt  }
0x5e: {  	_ =	shalt  }
0x5f: {  	_ =	shalt  }
0x60: {  	_ =	shalt  }
0x61: {  	_ =	shalt  }
0x62: {  	_ =	shalt  }
0x63: {  	_ =	shalt  }
0x64: {  	_ =	shalt  }
0x65: {  	_ =	shalt  }
0x66: {  	_ =	shalt  }
0x67: {  	_ =	shalt  }
0x68: {  	_ =	shalt  }
0x69: {  	_ =	shalt  }
0x6a: {  	_ =	shalt  }
0x6b: {  	_ =	shalt  }
0x6c: {  	_ =	shalt  }
0x6d: {  	_ =	shalt  }
0x6e: {  	_ =	shalt  }
0x6f: {  	_ =	shalt  }
0x70: {  	_ =	shalt  }
0x71: {  	_ =	shalt  }
0x72: {  	_ =	shalt  }
0x73: {  	_ =	shalt  }
0x74: {  	_ =	shalt  }
0x75: {  	_ =	shalt  }
0x76: {  	_ =	shalt  }
0x77: {  	_ =	shalt  }
0x78: {  	_ =	shalt  }
0x79: {  	_ =	shalt  }
0x7a: {  	_ =	shalt  }
0x7b: {  	_ =	shalt  }
0x7c: {  	_ =	shalt  }
0x7d: {  	_ =	shalt  }
0x7e: {  	_ =	shalt  }
0x7f: {  	_ =	shalt  }
0x80: {  	_ =	shalt  }
0x81: {  	_ =	shalt  }
0x82: {  	_ =	shalt  }
0x83: {  	_ =	shalt  }
0x84: {  	_ =	shalt  }
0x85: {  	_ =	shalt  }
0x86: {  	_ =	shalt  }
0x87: {  	_ =	shalt  }
.Lfunc_end0:
.L_simem_size_0:
called_computation.6_lowered:
.L_overlay_start_0:
0x88: {  	s2 =	sld [smem:$0x3FD9]  }
0x89: {  	s3 =	sld [smem:$0x3FFE];
	_ =	sdelay $0x1  }
0x8a: {  	s1 =	srdreg.scid  }
0x8b: {  	s0 =	sand.u32 $0x1, s1  }
0x8c: {  	s17 =	sshll.u32 s0, $0xA;
	s2 =	sadd.s32 s3, s2  }
0x8d: {  	s2 =	sadd.s32 s2, s17  }
0x8e: {  	[smem:$0x3FB5] =	sst s2  }
0x8f: {  	_ = 	snop  }
0x90: {  	(tm) =	ssettm $0x1  }
0x91: {  	s18 =	sld [smem:$0x3FFB];
	_ =	sdelay $0x3  }
0x92: {  	_ =	strace s18  }
0x93: {  	s2 =	sld [smem:$0x3FFC];
	_ =	sdelay $0x3  }
0x94: {  	_ =	strace s2  }
0x95: {  	s2 =	sld [smem:$0x3FFD];
	_ =	sdelay $0x3  }
0x96: {  	_ =	strace s2  }
0x97: {  	_ =	strace $0x8FFFFFFF  }
0x98: {  	s19 =	sld [smem:$0x3FDB];
	_ =	sdelay $0x1  }
0x99: {  	s20 =	simm.s32 $_scs_section_size  }
0x9a: {  	s4 =	simm.s32 $_size__tile_overlayer_lowered;
	s5 =	simm.s32 $_tile_overlayer_lowered  }
0x9b: {  	s6 =	simm.s32 $0x1BFF;
	s21 =	sshll.u32 s5, $0x1;
	s3 =	sadd.s32 s20, s19  }
0x9c: {  	s22 =	simm.s32 $0x0;
	s4 =	sshll.u32 s4, $0x1;
	s5 =	sadd.s32 s21, s3  }
0x9d: {  	[timem:s22], [sflag:s6] =	dma.local [hbm:s5], s4  }
0x9e: {  	_ =	swait.ge [sflag:s6], s4  }
0x9f: {  	s4 =	ssub.s32 $0x0, s4;
	[sflag:s6] =	ssyncset.done $0x0  }
0xa0: {  	[sflag:s6] =	ssyncadd.s32 s4;
	_ =	sdelay $0x1  }
0xa1: {  	s23 =	simm.s32 $0x1B8B  }
0xa2: {  	_ =	swait.ge [sflag:s23], $0x1  }
0xa3: {  	[sflag:s23] =	ssyncset.done $0x0  }
0xa4: {  	[sflag:s23] =	ssyncadd.s32 $0xFFFFFFFF  }
0xa5: {  	s4 =	sld [smem:$0x0]  }
0xa6: {  	s5 =	sand.u32 $0xFFFFFFFE, s1  }
0xa7: {  	p0 =	sne.s32 s1, s5  }
0xa8: {  	s5 =	sshll.u32 @p0 s5, $0xE  }
0xa9: {  	s5 =	sadd.s32 @p0 $0x11B8D, s5;
	s6 =	sshll.u32 @p0 s4, $0x11  }
0xaa: {  	s5 =	sor.u32 @p0 s6, s5  }
0xab: {  	[sflag:s5] =	ssyncadd.remote.s32 @p0 $0x1;
	_ =	sdelay $0x1  }
0xac: {  	s5 =	simm.s32 @p0 $0x1B8D  }
0xad: {  	_ =	swait.eq @p0 [sflag:s5], $0x1  }
0xae: {  	[sflag:s5] =	ssyncadd.s32 @p0 $0xFFFFFFFF  }
0xaf: {  	s6 =	sshll.u32 @!p0 s1, $0xE  }
0xb0: {  	s6 =	sor.u32 @!p0 $0x4000, s6;
	s5 =	simm.s32 @!p0 $0x1B8D  }
0xb1: {  	s4 =	sshll.u32 @!p0 s4, $0x11;
	s6 =	sadd.s32 @!p0 $0x11B8D, s6;
	_ =	swait.eq @!p0 [sflag:s5], $0x1  }
0xb2: {  	s4 =	sor.u32 @!p0 s4, s6;
	[sflag:s5] =	ssyncadd.s32 @!p0 $0xFFFFFFFF  }
0xb3: {  	s25 =	simm.s32 $0x1B8E;
	s24 =	sld [smem:$0x3FFE];
	[sflag:s4] =	ssyncadd.remote.s32 @!p0 $0x1  }
0xb4: {  	s26 =	simm.s32 $execute0_lowered;
	[smem:$0x3FD2] =	sst s25  }
0xb5: {  	s5 =	sshll.u32 s26, $0x1;
	_ =	strace $0x80000055;
	[dreg:$0x1] =	wrdreg $0xFFFFFFFF  }
0xb6: {  	s28 =	simm.s32 $_size_execute0_lowered;
	s3 =	sadd.s32 s3, s5;
	[dreg:$0x0] =	wrdreg $0x0  }
0xb7: {  	s5 =	sshll.u32 s28, $0x1;
	[dreg:$0x2] =	wrdreg s3  }
0xb8: {  	[dreg:$0x3] =	wrdreg s5  }
0xb9: {  	[dreg:$0x4] =	wrdreg $0xC0  }
0xba: {  	_ =	task [dreg:s22], $0x5FFFF  }
0xbb: {  	[dreg:$0x1] =	wrdreg $0xFFFFFFFF  }
0xbc: {  	[dreg:$0x0] =	wrdreg $0x60  }
0xbd: {  	[dreg:$0x2] =	wrdreg s24  }
0xbe: {  	[dreg:$0x3] =	wrdreg $0x7F000  }
0xbf: {  	[dreg:$0x4] =	wrdreg $0xC  }
0xc0: {  	_ =	task.clear_ibuf [dreg:s22], $0x5FFFF;
	_ =	strace $0x90000055  }
0xc1: {  	s29 =	simm.s32 $0xC;
	_ =	strace $0x80000057  }
0xc2: {  	_ =	swait.ge [sflag:s29], $0x1  }
0xc3: {  	[sflag:s29] =	ssyncadd.s32 $0xFFFFFFFF  }
0xc4: {  	_ =	strace $0x90000057  }
0xc5: {  	_ =	sfence  }
0xc6: {  	s30 =	sld [smem:$0x0];
	_ =	sdelay $0x2  }
0xc7: {  	s31 =	sshll.u32 s1, $0xD;
	s1 =	sshrl.u32 s1, $0x2  }
0xc8: {  	s4 =	sand.u32 $0x4000, s31;
	s1 =	sadd.s32 s1, s30  }
0xc9: {  	s0 =	sor.u32 s4, s0;
	s1 =	sshll.u32 s1, $0x11  }
0xca: {  	s0 =	sor.u32 s1, s0  }
0xcb: {  	s0 =	sadd.s32 $0x8F2B, s0  }
0xcc: {  	[sflag:s0] =	ssyncadd.remote.s32 $0x1  }
0xcd: {  	_ =	sfence.sel $0xFFFF  }
0xce: {  	[dreg:$0x0] =	wrdreg $0xFFFFFFFF;
	(pc) =	sbr.abs _section_cstart, $3  }
0xcf: {  	[dreg:$0x1] =	wrdreg $0xFFFFFFFF  }
0xd0: {  	_ =	task.clear_ibuf [dreg:s22], $0x2FFFF;
	_ =	strace $0x9FFFFFFF  }
0xd1: {  	(tm) =	ssettm $0x7FFFFFFF  }
tec
execute0_lowered:
.L_overlay_start_1:
0x0: {  	(tag) =	ssettag $0x1  }
0x1: {  	s4 =	rddreg [dreg:$0x0];
	s0 =	stileid.u32  }
0x2: {  	s1 =	srdreg.scid;
	s2 =	rddreg [dreg:$0x1];
	s3 =	simm.s32 $0x0  }
0x3: {  	s14 =	simm.s32 $0x200;
	s15 =	simm.s32 $0x7D;
	s16 =	simm.s32 $0x2140  }
0x4: {  	s17 =	simm.s32 $0x100;
	s18 =	simm.s32 $0x4080;
	s6 =	smul.u32 $0x1400, s0  }
0x5: {  	s19 =	simm.s32 $0x180;
	s20 =	simm.s32 $0x5FC0;
	s8 =	smul.u32 $0x13880, s0  }
0x6: {  	s5 =	sand.u32 $0x1, s1;
	s1 =	rddreg [dreg:$0x2];
	s9 =	smul.u32 $0xA000, s0  }
0x7: {  	s21 =	simm.s32 $0x0;
	[smem:$0x7FF] =	sst s3;
	s7 =	smul.u32 $0xA00, s5  }
0x8: {  	s30 =	sshll.u32 s0, $0x6;
	_ =	strace $0x80000056;
	s10 =	smul.u32 $0x14000, s5  }
0x9: {  	s12 =	ssub.s32 $0x2, s5;
	s29 =	smul.u32 $0x9C40, s5;
	s5 =	sor.u32 $0x1C01, s30  }
0xa: {  	s8 =	sadd.s32 s8, s4;
	s26 =	sshrl.u32 s9, $0x3;
	s28 =	sshrl.u32 s12, $0x1  }
0xb: {  	s13 =	sadd.s32 s9, s2;
	s7 =	sadd.s32 s7, s6;
	s6 =	sadd.s32 s6, s10  }
0xc: {  	s10 =	ssub.s32 s12, s28;
	s31 =	sadd.s32 s29, s8;
	s12 =	simm.s32 $0x40  }
0xd: {  	s7 =	sshrl.u32 s7, $0x3;
	s6 =	sadd.s32 s6, s4;
	s9 =	sadd.s32 $0x65C600, s31  }
0xe: {  	s11 =	sadd.s32 s7, s4;
	s7 =	sadd.s32 s26, s4;
	s6 =	sadd.s32 $0x6F000, s6  }
0xf: {  	s4 =	sadd.s32 $0x30800, s7;
	s7 =	smax.u32 s10, $0x1;
	s8 =	sadd.s32 $0x6C800, s11  }
0x10: {  	s10 =	sshrl.u32 s13, $0x3;
	s11 =	simm.s32 $0x1;
	s13 =	simm.s32 $0x80  }
.LBB2_1:
0x11: {  	[spmem:s10], [sflag:s5] =	dma.local [hbm:s4], $0x1400  }
0x12: {  	_ =	swait.ge [sflag:s11], $0x1400  }
0x13: {  	[sflag:s11] =	ssyncset.done $0x0  }
0x14: {  	[sflag:s11] =	ssyncadd.s32 $0xFFFFEC00  }
0x15: {  	s22 =	sadd.s32 $0x0, s8;
	[bflag:$0x0] =	sbarrier.arrive $0xFFFF  }
0x16: {  	[tilespmem:s3], [sflag:$0x1] =	stream.linear.gather [hbm4b:s22+s3], $0x200, $0x38;
	[tilespmem:$0x11F00] =	vst v63  }
0x17: {  	_ =	swait.ge [sflag:s11], $0x200  }
0x18: {  	[sflag:s11] =	ssyncset.done $0x0  }
0x19: {  	[sflag:s11] =	ssyncadd.s32 $0xFFFFFE00  }
0x1a: {  	[tilespmem:s14], [sflag:$0x1] =	stream.strided.gather [hbm4b:s9+s12], $0x7D00, s13, s12, $0x38;
	[tilespmem:$0x11F00] =	vst v63  }
0x1b: {  	_ =	swait.ge [sflag:s11], $0x7D00  }
0x1c: {  	[sflag:s11] =	ssyncset.done $0x0  }
0x1d: {  	[sflag:s11] =	ssyncadd.s32 $0xFFFF8300  }
0x1e: {  	[spmem:s2] =	stream.indirect.scatter.add.f32 [tilespmem:s14], [sflag:$0x1], $0x40, s3, s15, $0xb8;
	[tilespmem:$0x11F00] =	vst v63  }
0x1f: {  	_ =	swait.ge [sflag:s11], $0x1F40  }
0x20: {  	[sflag:s11] =	ssyncset.done $0x0  }
0x21: {  	[sflag:s11] =	ssyncadd.s32 $0xFFFFE0C0  }
0x22: {  	[spmem:s2] =	stream.indirect.scatter.add.f32 [tilespmem:s16], [sflag:$0x1], $0x40, s13, s15, $0xb8;
	[tilespmem:$0x11F00] =	vst v63  }
0x23: {  	_ =	swait.ge [sflag:s11], $0x1F40  }
0x24: {  	[sflag:s11] =	ssyncset.done $0x0  }
0x25: {  	[sflag:s11] =	ssyncadd.s32 $0xFFFFE0C0  }
0x26: {  	[spmem:s2] =	stream.indirect.scatter.add.f32 [tilespmem:s18], [sflag:$0x1], $0x40, s17, s15, $0xb8;
	[tilespmem:$0x11F00] =	vst v63  }
0x27: {  	_ =	swait.ge [sflag:s11], $0x1F40  }
0x28: {  	[sflag:s11] =	ssyncset.done $0x0  }
0x29: {  	[sflag:s11] =	ssyncadd.s32 $0xFFFFE0C0  }
0x2a: {  	[spmem:s2] =	stream.indirect.scatter.add.f32 [tilespmem:s20], [sflag:$0x1], $0x40, s19, s15, $0xb8;
	[tilespmem:$0x11F00] =	vst v63  }
0x2b: {  	s23 =	simm.s32 $0x40;
	_ =	swait.ge [sflag:s11], $0x1F40  }
0x2c: {  	s24 =	simm.s32 $0x80;
	s22 =	sadd.s32 $0x1F40, s9;
	[sflag:s11] =	ssyncset.done $0x0  }
.LBB2_2:
0x2d: {  	s25 =	sadd.s32 s23, s8  }
0x2e: {  	[sflag:s11] =	ssyncadd.s32 $0xFFFFE0C0;
	s23 =	smov.u32 s24;
	s26 =	sadd.s32 $0x40, s24  }
0x2f: {  	[tilespmem:s3], [sflag:$0x1] =	stream.linear.gather [hbm4b:s25+s3], $0x200, $0x38;
	[tilespmem:$0x11F00] =	vst v63  }
0x30: {  	p0 =	sne.s32 s24, $0x100;
	_ =	swait.ge [sflag:s11], $0x200  }
0x31: {  	[sflag:s11] =	ssyncset.done $0x0  }
0x32: {  	[sflag:s11] =	ssyncadd.s32 $0xFFFFFE00  }
0x33: {  	[tilespmem:s14], [sflag:$0x1] =	stream.strided.gather [hbm4b:s22+s12], $0x7D00, s13, s12, $0x38;
	[tilespmem:$0x11F00] =	vst v63  }
0x34: {  	_ =	swait.ge [sflag:s11], $0x7D00  }
0x35: {  	[sflag:s11] =	ssyncset.done $0x0  }
0x36: {  	[sflag:s11] =	ssyncadd.s32 $0xFFFF8300  }
0x37: {  	[spmem:s2] =	stream.indirect.scatter.add.f32 [tilespmem:s14], [sflag:$0x1], $0x40, s3, s15, $0xb8;
	[tilespmem:$0x11F00] =	vst v63  }
0x38: {  	_ =	swait.ge [sflag:s11], $0x1F40  }
0x39: {  	[sflag:s11] =	ssyncset.done $0x0  }
0x3a: {  	[sflag:s11] =	ssyncadd.s32 $0xFFFFE0C0  }
0x3b: {  	[spmem:s2] =	stream.indirect.scatter.add.f32 [tilespmem:s16], [sflag:$0x1], $0x40, s13, s15, $0xb8;
	[tilespmem:$0x11F00] =	vst v63  }
0x3c: {  	_ =	swait.ge [sflag:s11], $0x1F40  }
0x3d: {  	[sflag:s11] =	ssyncset.done $0x0  }
0x3e: {  	[sflag:s11] =	ssyncadd.s32 $0xFFFFE0C0  }
0x3f: {  	[spmem:s2] =	stream.indirect.scatter.add.f32 [tilespmem:s18], [sflag:$0x1], $0x40, s17, s15, $0xb8;
	[tilespmem:$0x11F00] =	vst v63  }
0x40: {  	_ =	swait.ge [sflag:s11], $0x1F40  }
.Ltmp0:
0x41: {  	[sflag:s11] =	ssyncset.done $0x0;
	(pc) =	sbr.rel @p0 .LBB2_2-.Ltmp0, $4  }
0x42: {  	[sflag:s11] =	ssyncadd.s32 $0xFFFFE0C0  }
0x43: {  	[spmem:s2] =	stream.indirect.scatter.add.f32 [tilespmem:s20], [sflag:$0x1], $0x40, s19, s15, $0xb8;
	[tilespmem:$0x11F00] =	vst v63  }
0x44: {  	_ =	swait.ge [sflag:s11], $0x1F40  }
0x45: {  	s24 =	smov.u32 s26;
	s22 =	sadd.s32 $0x1F40, s22;
	[sflag:s11] =	ssyncset.done $0x0  }
0x46: {  	s23 =	sadd.s32 s23, s8;
	[sflag:s11] =	ssyncadd.s32 $0xFFFFE0C0  }
0x47: {  	[tilespmem:s3], [sflag:$0x1] =	stream.linear.gather [hbm4b:s23+s3], $0x200, $0x38;
	[tilespmem:$0x11F00] =	vst v63  }
0x48: {  	_ =	swait.ge [sflag:s11], $0x200  }
0x49: {  	[sflag:s11] =	ssyncset.done $0x0  }
0x4a: {  	[sflag:s11] =	ssyncadd.s32 $0xFFFFFE00  }
0x4b: {  	[tilespmem:s14], [sflag:$0x1] =	stream.strided.gather [hbm4b:s22+s12], $0x7D00, s13, s12, $0x38;
	[tilespmem:$0x11F00] =	vst v63  }
0x4c: {  	_ =	swait.ge [sflag:s11], $0x7D00  }
0x4d: {  	[sflag:s11] =	ssyncset.done $0x0  }
0x4e: {  	[sflag:s11] =	ssyncadd.s32 $0xFFFF8300  }
0x4f: {  	[spmem:s2] =	stream.indirect.scatter.add.f32 [tilespmem:s14], [sflag:$0x1], $0x40, s3, s15, $0xb8;
	[tilespmem:$0x11F00] =	vst v63  }
0x50: {  	_ =	swait.ge [sflag:s11], $0x1F40  }
0x51: {  	[sflag:s11] =	ssyncset.done $0x0  }
0x52: {  	[sflag:s11] =	ssyncadd.s32 $0xFFFFE0C0  }
0x53: {  	[spmem:s2] =	stream.indirect.scatter.add.f32 [tilespmem:s16], [sflag:$0x1], $0x40, s13, s15, $0xb8;
	[tilespmem:$0x11F00] =	vst v63  }
0x54: {  	_ =	swait.ge [sflag:s11], $0x1F40  }
0x55: {  	[sflag:s11] =	ssyncset.done $0x0  }
0x56: {  	[sflag:s11] =	ssyncadd.s32 $0xFFFFE0C0  }
0x57: {  	[spmem:s2] =	stream.indirect.scatter.add.f32 [tilespmem:s18], [sflag:$0x1], $0x40, s17, s15, $0xb8;
	[tilespmem:$0x11F00] =	vst v63  }
0x58: {  	_ =	swait.ge [sflag:s11], $0x1F40  }
0x59: {  	[sflag:s11] =	ssyncset.done $0x0  }
0x5a: {  	[sflag:s11] =	ssyncadd.s32 $0xFFFFE0C0  }
0x5b: {  	[spmem:s2] =	stream.indirect.scatter.add.f32 [tilespmem:s20], [sflag:$0x1], $0x40, s19, s15, $0xb8;
	[tilespmem:$0x11F00] =	vst v63  }
0x5c: {  	_ =	swait.ge [sflag:s11], $0x1F40  }
0x5d: {  	s21 =	sadd.s32 $0x1, s21;
	[sflag:s11] =	ssyncset.done $0x0  }
0x5e: {  	p0 =	sne.s32 s21, s7;
	[sflag:s11] =	ssyncadd.s32 $0xFFFFE0C0  }
.Ltmp1:
0x5f: {  	[bflag:$0x0] =	sbarrier.arrive $0xFFFF;
	(pc) =	sbr.rel @p0 .LBB2_1-.Ltmp1, $4  }
0x60: {  	[hbm:s6], [sflag:s5] =	dma.local [spmem:s10], $0x1400  }
0x61: {  	_ =	swait.ge [sflag:s11], $0x1400  }
0x62: {  	[sflag:s11] =	ssyncset.done $0x0  }
0x63: {  	[sflag:s11] =	ssyncadd.s32 $0xFFFFEC00  }
0x64: {  	_ =	sfence.sel $0x180000  }
0x65: {  	[bflag:$0x0] =	sbarrier.arrive $0xFFFF  }
0x66: {  	p0 =	sne.s32 s0, $0x0;
	_ =	strace $0x90000056  }
0x67: {  	s0 =	sadd.s32 @!p0 $0x100000, s1;
	[bflag:$0x2] =	sbarrier.arrive $0xFFFF  }
0x68: {  	[sflag:s0] =	ssyncadd.tile.s32 @!p0 $0x1;
	_ =	shalt  }
.Lfunc_end2:
_tile_overlayer_lowered:
.L_overlay_start_2:
0x69: {  	(tag) =	ssettag $0x2  }
0x6a: {  	s0 =	rddreg [dreg:$0x0];
	s2 =	stileid.u32  }
0x6b: {  	s1 =	rddreg [dreg:$0x1];
	p0 =	sne.s32 s2, $0x0  }
0x6c: {  	s3 =	rddreg [dreg:$0x2];
	[bflag:$0x3] =	sbarrier.arrive $0xFFFF;
	s2 =	simm.s32 @!p0 $0x1C01  }
0x6d: {  	[timem:s3], [sflag:s2] =	dma.local @!p0 [hbm:s0], s1  }
0x6e: {  	s0 =	simm.s32 @!p0 $0x1  }
0x6f: {  	_ =	swait.ge @!p0 [sflag:s0], s1  }
0x70: {  	s1 =	ssub.s32 @!p0 $0x0, s1;
	[sflag:s0] =	ssyncset.done @!p0 $0x0  }
0x71: {  	[sflag:s0] =	ssyncadd.s32 @!p0 s1  }
0x72: {  	[bflag:$0x3] =	sbarrier.arrive $0xFFFF  }
0x73: {  	_ =	shalt  }

// kernel: kernel.36.cloned.1.call-start
scs
__scs_entry_jumppad:
0x0: {  	(pc) =	sbr.rel $0x88, $3  }
0x1: {  	(tag) =	ssettag $0x0;
	lr =	simm.s32 $0x1  }
0x2: {  	[smem:$0x3F8E] =	sst lr;
	_ =	strace $0xD0000000  }
0x3: {  	_ = 	snop  }
0x4: {  	_ = 	snop  }
0x5: {  	_ = 	snop  }
0x6: {  	_ = 	snop  }
0x7: {  	_ = 	snop  }
__scs_overlays_trampoline_lowered:
0x8: {  	[smem:$0x3F9D] =	sst s0  }
0x9: {  	[smem:$0x3F9E] =	sst s1  }
0xa: {  	[smem:$0x3F9F] =	sst s2  }
0xb: {  	[smem:$0x3FA0] =	sst s3  }
0xc: {  	[smem:$0x3FA1] =	sst s4  }
0xd: {  	[smem:$0x3FA2] =	sst s5  }
0xe: {  	[smem:$0x3FA3] =	sst s6  }
0xf: {  	[smem:$0x3FA4] =	sst s7  }
0x10: {  	[smem:$0x3FA5] =	sst s8  }
0x11: {  	[smem:$0x3FA6] =	sst s9;
	s0 =	simm.s32 @!p0 $0x0  }
0x12: {  	s1 =	sld [smem:$0x3F8C];
	s0 =	simm.s32 @p0 $0x1  }
0x13: {  	[smem:$0x3FA7] =	sst s0;
	s0 =	simm.s32 @!p1 $0x0  }
0x14: {  	s2 =	sld [smem:$0x3F8B];
	s0 =	simm.s32 @p1 $0x1  }
0x15: {  	[smem:$0x3FA8] =	sst s0;
	s0 =	simm.s32 @!p2 $0x0  }
0x16: {  	s3 =	sld [smem:$0x3FDB];
	s0 =	simm.s32 @p2 $0x1  }
0x17: {  	s4 =	simm.s32 $0x1BF5;
	[smem:$0x3FAA] =	sst s0  }
0x18: {  	s0 =	sld [smem:$0x3F8D];
	_ =	swait.ge [sflag:s4], $0x0  }
0x19: {  	s7 =	sld [smem:$0x3F8E]  }
0x1a: {  	s8 =	sadd.s32 $0xFFFFE003, lr  }
0x1b: {  	s9 =	sadd.s32 $0xFFFFFEF7, lr;
	s5 =	simm.s32 $0xFFFFFFFF;
	p2 =	slt.u32 s8, $0xFFFFF086  }
0x1c: {  	p1 =	slt.u32 s9, $0xF7A;
	s5 =	simm.s32 @!p2 $0x0  }
0x1d: {  	s5 =	simm.s32 @p1 $0x1;
	p0 =	seq.s32 s7, s2  }
0x1e: {  	s7 =	smul.u32 @!p0 $0xF7A, s2;
	p2 =	seq.s32 @!p0 s5, $0x0  }
0x1f: {  	s9 =	smul.u32 $0xF7A, s1;
	s8 =	simm.s32 @!p0 $0x1BF5;
	p2 =	por !p2, p0  }
0x20: {  	[sflag:s8] =	ssyncset.s32 @!p0 $0xFFFFF086;
	s6 =	sadd.s32 @!p0 s3, s7;
	s7 =	simm.s32 @!p0 $0x108  }
0x21: {  	s3 =	sadd.s32 s3, s9;
	s6 =	sadd.s32 @!p0 $0x88, s6;
	s7 =	simm.s32 @p2 $0x1082  }
0x22: {  	[simem:s7], [sflag:s8] =	dma.local @!p0 [hbm:s6], $0xF7A  }
0x23: {  	s9 =	sor.u32 $0xD0000000, s2;
	s6 =	simm.s32 $0x108;
	_ =	swait.ge @!p0 [sflag:s8], $0x0  }
0x24: {  	s3 =	sadd.s32 $0x88, s3;
	s6 =	simm.s32 @!p1 $0x1082;
	[sflag:s4] =	ssyncset.s32 $0xFFFFF086  }
0x25: {  	[simem:s6], [sflag:s4] =	dma.local [hbm:s3], $0xF7A  }
0x26: {  	[smem:$0x3F8E] =	sst s1;
	(tag) =	ssettag s2;
	_ =	strace s9  }
0x27: {  	s1 =	sld [smem:$0x3F9E]  }
0x28: {  	s2 =	sld [smem:$0x3F9F]  }
0x29: {  	s4 =	sld [smem:$0x3FA1]  }
0x2a: {  	p0 =	seq.s32 s5, $0x0;
	s5 =	sld [smem:$0x3FA2]  }
0x2b: {  	s6 =	sld [smem:$0x3FA3]  }
0x2c: {  	s7 =	sld [smem:$0x3FA4]  }
0x2d: {  	s3 =	simm.s32 $0x108;
	s8 =	sld [smem:$0x3FA5]  }
0x2e: {  	s3 =	simm.s32 @!p0 $0x1082;
	s9 =	sld [smem:$0x3FA6]  }
0x2f: {  	lr =	sadd.s32 s0, s3;
	s0 =	sld [smem:$0x3F9D]  }
0x30: {  	s3 =	sld [smem:$0x3FA0]  }
0x31: {  	[smem:$0x3FA9] =	sst s10  }
0x32: {  	s10 =	sld [smem:$0x3FA7];
	_ =	sdelay $0x3  }
0x33: {  	p0 =	seq.s32 s10, $0x1;
	s10 =	sld [smem:$0x3FA9];
	_ =	sdelay $0x3  }
0x34: {  	[smem:$0x3FA9] =	sst s10  }
0x35: {  	s10 =	sld [smem:$0x3FA8];
	_ =	sdelay $0x3  }
0x36: {  	p1 =	seq.s32 s10, $0x1;
	s10 =	sld [smem:$0x3FA9];
	_ =	sdelay $0x3  }
0x37: {  	[smem:$0x3FA9] =	sst s10  }
0x38: {  	s10 =	sld [smem:$0x3FAA]  }
0x39: {  	_ = 	snop;
	(pc) =	sbr.ind lr, $3  }
0x3a: {  	_ = 	snop  }
0x3b: {  	_ = 	snop  }
0x3c: {  	p2 =	seq.s32 s10, $0x1;
	s10 =	sld [smem:$0x3FA9]  }
0x3d: {  	_ =	shalt  }
0x3e: {  	_ =	shalt  }
0x3f: {  	_ =	shalt  }
0x40: {  	_ =	shalt  }
0x41: {  	_ =	shalt  }
0x42: {  	_ =	shalt  }
0x43: {  	_ =	shalt  }
0x44: {  	_ =	shalt  }
0x45: {  	_ =	shalt  }
0x46: {  	_ =	shalt  }
0x47: {  	_ =	shalt  }
0x48: {  	_ =	shalt  }
0x49: {  	_ =	shalt  }
0x4a: {  	_ =	shalt  }
0x4b: {  	_ =	shalt  }
0x4c: {  	_ =	shalt  }
0x4d: {  	_ =	shalt  }
0x4e: {  	_ =	shalt  }
0x4f: {  	_ =	shalt  }
0x50: {  	_ =	shalt  }
0x51: {  	_ =	shalt  }
0x52: {  	_ =	shalt  }
0x53: {  	_ =	shalt  }
0x54: {  	_ =	shalt  }
0x55: {  	_ =	shalt  }
0x56: {  	_ =	shalt  }
0x57: {  	_ =	shalt  }
0x58: {  	_ =	shalt  }
0x59: {  	_ =	shalt  }
0x5a: {  	_ =	shalt  }
0x5b: {  	_ =	shalt  }
0x5c: {  	_ =	shalt  }
0x5d: {  	_ =	shalt  }
0x5e: {  	_ =	shalt  }
0x5f: {  	_ =	shalt  }
0x60: {  	_ =	shalt  }
0x61: {  	_ =	shalt  }
0x62: {  	_ =	shalt  }
0x63: {  	_ =	shalt  }
0x64: {  	_ =	shalt  }
0x65: {  	_ =	shalt  }
0x66: {  	_ =	shalt  }
0x67: {  	_ =	shalt  }
0x68: {  	_ =	shalt  }
0x69: {  	_ =	shalt  }
0x6a: {  	_ =	shalt  }
0x6b: {  	_ =	shalt  }
0x6c: {  	_ =	shalt  }
0x6d: {  	_ =	shalt  }
0x6e: {  	_ =	shalt  }
0x6f: {  	_ =	shalt  }
0x70: {  	_ =	shalt  }
0x71: {  	_ =	shalt  }
0x72: {  	_ =	shalt  }
0x73: {  	_ =	shalt  }
0x74: {  	_ =	shalt  }
0x75: {  	_ =	shalt  }
0x76: {  	_ =	shalt  }
0x77: {  	_ =	shalt  }
0x78: {  	_ =	shalt  }
0x79: {  	_ =	shalt  }
0x7a: {  	_ =	shalt  }
0x7b: {  	_ =	shalt  }
0x7c: {  	_ =	shalt  }
0x7d: {  	_ =	shalt  }
0x7e: {  	_ =	shalt  }
0x7f: {  	_ =	shalt  }
0x80: {  	_ =	shalt  }
0x81: {  	_ =	shalt  }
0x82: {  	_ =	shalt  }
0x83: {  	_ =	shalt  }
0x84: {  	_ =	shalt  }
0x85: {  	_ =	shalt  }
0x86: {  	_ =	shalt  }
0x87: {  	_ =	shalt  }
.Lfunc_end0:
.L_simem_size_0:
called_computation.7_lowered:
.L_overlay_start_0:
0x88: {  	s2 =	sld [smem:$0x3FD9]  }
0x89: {  	s3 =	sld [smem:$0x3FFE];
	_ =	sdelay $0x1  }
0x8a: {  	s1 =	srdreg.scid  }
0x8b: {  	s0 =	sand.u32 $0x1, s1  }
0x8c: {  	s17 =	sshll.u32 s0, $0xA;
	s2 =	sadd.s32 s3, s2  }
0x8d: {  	s2 =	sadd.s32 s2, s17  }
0x8e: {  	[smem:$0x3FB5] =	sst s2  }
0x8f: {  	_ = 	snop  }
0x90: {  	(tm) =	ssettm $0x1  }
0x91: {  	s18 =	sld [smem:$0x3FFB];
	_ =	sdelay $0x3  }
0x92: {  	_ =	strace s18  }
0x93: {  	s2 =	sld [smem:$0x3FFC];
	_ =	sdelay $0x3  }
0x94: {  	_ =	strace s2  }
0x95: {  	s2 =	sld [smem:$0x3FFD];
	_ =	sdelay $0x3  }
0x96: {  	_ =	strace s2  }
0x97: {  	_ =	strace $0x8FFFFFFF  }
0x98: {  	s19 =	sld [smem:$0x3FDB];
	_ =	sdelay $0x1  }
0x99: {  	s20 =	simm.s32 $_scs_section_size  }
0x9a: {  	s4 =	simm.s32 $_size__tile_overlayer_lowered;
	s5 =	simm.s32 $_tile_overlayer_lowered  }
0x9b: {  	s6 =	simm.s32 $0x1BFF;
	s21 =	sshll.u32 s5, $0x1;
	s3 =	sadd.s32 s20, s19  }
0x9c: {  	s22 =	simm.s32 $0x0;
	s4 =	sshll.u32 s4, $0x1;
	s5 =	sadd.s32 s21, s3  }
0x9d: {  	[timem:s22], [sflag:s6] =	dma.local [hbm:s5], s4  }
0x9e: {  	_ =	swait.ge [sflag:s6], s4  }
0x9f: {  	s4 =	ssub.s32 $0x0, s4;
	[sflag:s6] =	ssyncset.done $0x0  }
0xa0: {  	[sflag:s6] =	ssyncadd.s32 s4;
	_ =	sdelay $0x1  }
0xa1: {  	s23 =	simm.s32 $0x1B8B  }
0xa2: {  	_ =	swait.ge [sflag:s23], $0x1  }
0xa3: {  	[sflag:s23] =	ssyncset.done $0x0  }
0xa4: {  	[sflag:s23] =	ssyncadd.s32 $0xFFFFFFFF  }
0xa5: {  	s4 =	sld [smem:$0x0]  }
0xa6: {  	s5 =	sand.u32 $0xFFFFFFFE, s1  }
0xa7: {  	p0 =	sne.s32 s1, s5  }
0xa8: {  	s5 =	sshll.u32 @p0 s5, $0xE  }
0xa9: {  	s5 =	sadd.s32 @p0 $0x11B8D, s5;
	s6 =	sshll.u32 @p0 s4, $0x11  }
0xaa: {  	s5 =	sor.u32 @p0 s6, s5  }
0xab: {  	[sflag:s5] =	ssyncadd.remote.s32 @p0 $0x1;
	_ =	sdelay $0x1  }
0xac: {  	s5 =	simm.s32 @p0 $0x1B8D  }
0xad: {  	_ =	swait.eq @p0 [sflag:s5], $0x1  }
0xae: {  	[sflag:s5] =	ssyncadd.s32 @p0 $0xFFFFFFFF  }
0xaf: {  	s6 =	sshll.u32 @!p0 s1, $0xE  }
0xb0: {  	s6 =	sor.u32 @!p0 $0x4000, s6;
	s5 =	simm.s32 @!p0 $0x1B8D  }
0xb1: {  	s4 =	sshll.u32 @!p0 s4, $0x11;
	s6 =	sadd.s32 @!p0 $0x11B8D, s6;
	_ =	swait.eq @!p0 [sflag:s5], $0x1  }
0xb2: {  	s4 =	sor.u32 @!p0 s4, s6;
	[sflag:s5] =	ssyncadd.s32 @!p0 $0xFFFFFFFF  }
0xb3: {  	s25 =	simm.s32 $0x1B8E;
	s24 =	sld [smem:$0x3FFE];
	[sflag:s4] =	ssyncadd.remote.s32 @!p0 $0x1  }
0xb4: {  	s26 =	simm.s32 $execute0_lowered;
	[smem:$0x3FD2] =	sst s25  }
0xb5: {  	s5 =	sshll.u32 s26, $0x1;
	_ =	strace $0x80000058;
	[dreg:$0x1] =	wrdreg $0xFFFFFFFF  }
0xb6: {  	s28 =	simm.s32 $_size_execute0_lowered;
	s3 =	sadd.s32 s3, s5;
	[dreg:$0x0] =	wrdreg $0x0  }
0xb7: {  	s5 =	sshll.u32 s28, $0x1;
	[dreg:$0x2] =	wrdreg s3  }
0xb8: {  	[dreg:$0x3] =	wrdreg s5  }
0xb9: {  	[dreg:$0x4] =	wrdreg $0xC0  }
0xba: {  	_ =	task [dreg:s22], $0x5FFFF  }
0xbb: {  	[dreg:$0x1] =	wrdreg $0xFFFFFFFF  }
0xbc: {  	[dreg:$0x0] =	wrdreg $0x60  }
0xbd: {  	[dreg:$0x2] =	wrdreg s24  }
0xbe: {  	[dreg:$0x3] =	wrdreg $0x7F000  }
0xbf: {  	[dreg:$0x4] =	wrdreg $0xB  }
0xc0: {  	_ =	task.clear_ibuf [dreg:s22], $0x5FFFF;
	_ =	strace $0x90000058  }
0xc1: {  	s29 =	simm.s32 $0xB;
	_ =	strace $0x8000005A  }
0xc2: {  	_ =	swait.ge [sflag:s29], $0x1  }
0xc3: {  	[sflag:s29] =	ssyncadd.s32 $0xFFFFFFFF  }
0xc4: {  	_ =	strace $0x9000005A  }
0xc5: {  	_ =	sfence  }
0xc6: {  	s30 =	sld [smem:$0x0];
	_ =	sdelay $0x2  }
0xc7: {  	s31 =	sshll.u32 s1, $0xD;
	s1 =	sshrl.u32 s1, $0x2  }
0xc8: {  	s4 =	sand.u32 $0x4000, s31;
	s1 =	sadd.s32 s1, s30  }
0xc9: {  	s0 =	sor.u32 s4, s0;
	s1 =	sshll.u32 s1, $0x11  }
0xca: {  	s0 =	sor.u32 s1, s0  }
0xcb: {  	s0 =	sadd.s32 $0x8F2B, s0  }
0xcc: {  	[sflag:s0] =	ssyncadd.remote.s32 $0x1  }
0xcd: {  	_ =	sfence.sel $0xFFFF  }
0xce: {  	[dreg:$0x0] =	wrdreg $0xFFFFFFFF;
	(pc) =	sbr.abs _section_cstart, $3  }
0xcf: {  	[dreg:$0x1] =	wrdreg $0xFFFFFFFF  }
0xd0: {  	_ =	task.clear_ibuf [dreg:s22], $0x2FFFF;
	_ =	strace $0x9FFFFFFF  }
0xd1: {  	(tm) =	ssettm $0x7FFFFFFF  }
tec
execute0_lowered:
.L_overlay_start_1:
0x0: {  	(tag) =	ssettag $0x1  }
0x1: {  	s4 =	rddreg [dreg:$0x0];
	s0 =	stileid.u32  }
0x2: {  	s1 =	srdreg.scid;
	s2 =	rddreg [dreg:$0x1];
	s3 =	simm.s32 $0x0  }
0x3: {  	s14 =	simm.s32 $0x200;
	s15 =	simm.s32 $0x7D;
	s16 =	simm.s32 $0x2140  }
0x4: {  	s17 =	simm.s32 $0x100;
	s18 =	simm.s32 $0x4080;
	s6 =	smul.u32 $0x1400, s0  }
0x5: {  	s19 =	simm.s32 $0x180;
	s20 =	simm.s32 $0x5FC0;
	s8 =	smul.u32 $0x13880, s0  }
0x6: {  	s5 =	sand.u32 $0x1, s1;
	s1 =	rddreg [dreg:$0x2];
	s9 =	smul.u32 $0xA000, s0  }
0x7: {  	s21 =	simm.s32 $0x0;
	[smem:$0x7FF] =	sst s3;
	s7 =	smul.u32 $0xA00, s5  }
0x8: {  	s30 =	sshll.u32 s0, $0x6;
	_ =	strace $0x80000059;
	s10 =	smul.u32 $0x14000, s5  }
0x9: {  	s12 =	ssub.s32 $0x2, s5;
	s29 =	smul.u32 $0x9C40, s5;
	s5 =	sor.u32 $0x1C01, s30  }
0xa: {  	s8 =	sadd.s32 s8, s4;
	s26 =	sshrl.u32 s9, $0x3;
	s28 =	sshrl.u32 s12, $0x1  }
0xb: {  	s13 =	sadd.s32 s9, s2;
	s7 =	sadd.s32 s7, s6;
	s6 =	sadd.s32 s6, s10  }
0xc: {  	s10 =	ssub.s32 s12, s28;
	s31 =	sadd.s32 s29, s8;
	s12 =	simm.s32 $0x40  }
0xd: {  	s7 =	sshrl.u32 s7, $0x3;
	s6 =	sadd.s32 s6, s4;
	s9 =	sadd.s32 $0x97000, s31  }
0xe: {  	s11 =	sadd.s32 s7, s4;
	s7 =	sadd.s32 s26, s4;
	s6 =	sadd.s32 $0x1CF800, s6  }
0xf: {  	s4 =	sadd.s32 $0x30800, s7;
	s7 =	smax.u32 s10, $0x1;
	s8 =	sadd.s32 $0x2B800, s11  }
0x10: {  	s10 =	sshrl.u32 s13, $0x3;
	s11 =	simm.s32 $0x1;
	s13 =	simm.s32 $0x80  }
.LBB2_1:
0x11: {  	[spmem:s10], [sflag:s5] =	dma.local [hbm:s4], $0x1400  }
0x12: {  	_ =	swait.ge [sflag:s11], $0x1400  }
0x13: {  	[sflag:s11] =	ssyncset.done $0x0  }
0x14: {  	[sflag:s11] =	ssyncadd.s32 $0xFFFFEC00  }
0x15: {  	s22 =	sadd.s32 $0x0, s8;
	[bflag:$0x0] =	sbarrier.arrive $0xFFFF  }
0x16: {  	[tilespmem:s3], [sflag:$0x1] =	stream.linear.gather [hbm4b:s22+s3], $0x200, $0x38;
	[tilespmem:$0x11F00] =	vst v63  }
0x17: {  	_ =	swait.ge [sflag:s11], $0x200  }
0x18: {  	[sflag:s11] =	ssyncset.done $0x0  }
0x19: {  	[sflag:s11] =	ssyncadd.s32 $0xFFFFFE00  }
0x1a: {  	[tilespmem:s14], [sflag:$0x1] =	stream.strided.gather [hbm4b:s9+s12], $0x7D00, s13, s12, $0x38;
	[tilespmem:$0x11F00] =	vst v63  }
0x1b: {  	_ =	swait.ge [sflag:s11], $0x7D00  }
0x1c: {  	[sflag:s11] =	ssyncset.done $0x0  }
0x1d: {  	[sflag:s11] =	ssyncadd.s32 $0xFFFF8300  }
0x1e: {  	[spmem:s2] =	stream.indirect.scatter.add.f32 [tilespmem:s14], [sflag:$0x1], $0x40, s3, s15, $0xb8;
	[tilespmem:$0x11F00] =	vst v63  }
0x1f: {  	_ =	swait.ge [sflag:s11], $0x1F40  }
0x20: {  	[sflag:s11] =	ssyncset.done $0x0  }
0x21: {  	[sflag:s11] =	ssyncadd.s32 $0xFFFFE0C0  }
0x22: {  	[spmem:s2] =	stream.indirect.scatter.add.f32 [tilespmem:s16], [sflag:$0x1], $0x40, s13, s15, $0xb8;
	[tilespmem:$0x11F00] =	vst v63  }
0x23: {  	_ =	swait.ge [sflag:s11], $0x1F40  }
0x24: {  	[sflag:s11] =	ssyncset.done $0x0  }
0x25: {  	[sflag:s11] =	ssyncadd.s32 $0xFFFFE0C0  }
0x26: {  	[spmem:s2] =	stream.indirect.scatter.add.f32 [tilespmem:s18], [sflag:$0x1], $0x40, s17, s15, $0xb8;
	[tilespmem:$0x11F00] =	vst v63  }
0x27: {  	_ =	swait.ge [sflag:s11], $0x1F40  }
0x28: {  	[sflag:s11] =	ssyncset.done $0x0  }
0x29: {  	[sflag:s11] =	ssyncadd.s32 $0xFFFFE0C0  }
0x2a: {  	[spmem:s2] =	stream.indirect.scatter.add.f32 [tilespmem:s20], [sflag:$0x1], $0x40, s19, s15, $0xb8;
	[tilespmem:$0x11F00] =	vst v63  }
0x2b: {  	s23 =	simm.s32 $0x40;
	_ =	swait.ge [sflag:s11], $0x1F40  }
0x2c: {  	s24 =	simm.s32 $0x80;
	s22 =	sadd.s32 $0x1F40, s9;
	[sflag:s11] =	ssyncset.done $0x0  }
.LBB2_2:
0x2d: {  	s25 =	sadd.s32 s23, s8  }
0x2e: {  	[sflag:s11] =	ssyncadd.s32 $0xFFFFE0C0;
	s23 =	smov.u32 s24;
	s26 =	sadd.s32 $0x40, s24  }
0x2f: {  	[tilespmem:s3], [sflag:$0x1] =	stream.linear.gather [hbm4b:s25+s3], $0x200, $0x38;
	[tilespmem:$0x11F00] =	vst v63  }
0x30: {  	p0 =	sne.s32 s24, $0x100;
	_ =	swait.ge [sflag:s11], $0x200  }
0x31: {  	[sflag:s11] =	ssyncset.done $0x0  }
0x32: {  	[sflag:s11] =	ssyncadd.s32 $0xFFFFFE00  }
0x33: {  	[tilespmem:s14], [sflag:$0x1] =	stream.strided.gather [hbm4b:s22+s12], $0x7D00, s13, s12, $0x38;
	[tilespmem:$0x11F00] =	vst v63  }
0x34: {  	_ =	swait.ge [sflag:s11], $0x7D00  }
0x35: {  	[sflag:s11] =	ssyncset.done $0x0  }
0x36: {  	[sflag:s11] =	ssyncadd.s32 $0xFFFF8300  }
0x37: {  	[spmem:s2] =	stream.indirect.scatter.add.f32 [tilespmem:s14], [sflag:$0x1], $0x40, s3, s15, $0xb8;
	[tilespmem:$0x11F00] =	vst v63  }
0x38: {  	_ =	swait.ge [sflag:s11], $0x1F40  }
0x39: {  	[sflag:s11] =	ssyncset.done $0x0  }
0x3a: {  	[sflag:s11] =	ssyncadd.s32 $0xFFFFE0C0  }
0x3b: {  	[spmem:s2] =	stream.indirect.scatter.add.f32 [tilespmem:s16], [sflag:$0x1], $0x40, s13, s15, $0xb8;
	[tilespmem:$0x11F00] =	vst v63  }
0x3c: {  	_ =	swait.ge [sflag:s11], $0x1F40  }
0x3d: {  	[sflag:s11] =	ssyncset.done $0x0  }
0x3e: {  	[sflag:s11] =	ssyncadd.s32 $0xFFFFE0C0  }
0x3f: {  	[spmem:s2] =	stream.indirect.scatter.add.f32 [tilespmem:s18], [sflag:$0x1], $0x40, s17, s15, $0xb8;
	[tilespmem:$0x11F00] =	vst v63  }
0x40: {  	_ =	swait.ge [sflag:s11], $0x1F40  }
.Ltmp0:
0x41: {  	[sflag:s11] =	ssyncset.done $0x0;
	(pc) =	sbr.rel @p0 .LBB2_2-.Ltmp0, $4  }
0x42: {  	[sflag:s11] =	ssyncadd.s32 $0xFFFFE0C0  }
0x43: {  	[spmem:s2] =	stream.indirect.scatter.add.f32 [tilespmem:s20], [sflag:$0x1], $0x40, s19, s15, $0xb8;
	[tilespmem:$0x11F00] =	vst v63  }
0x44: {  	_ =	swait.ge [sflag:s11], $0x1F40  }
0x45: {  	s24 =	smov.u32 s26;
	s22 =	sadd.s32 $0x1F40, s22;
	[sflag:s11] =	ssyncset.done $0x0  }
0x46: {  	s23 =	sadd.s32 s23, s8;
	[sflag:s11] =	ssyncadd.s32 $0xFFFFE0C0  }
0x47: {  	[tilespmem:s3], [sflag:$0x1] =	stream.linear.gather [hbm4b:s23+s3], $0x200, $0x38;
	[tilespmem:$0x11F00] =	vst v63  }
0x48: {  	_ =	swait.ge [sflag:s11], $0x200  }
0x49: {  	[sflag:s11] =	ssyncset.done $0x0  }
0x4a: {  	[sflag:s11] =	ssyncadd.s32 $0xFFFFFE00  }
0x4b: {  	[tilespmem:s14], [sflag:$0x1] =	stream.strided.gather [hbm4b:s22+s12], $0x7D00, s13, s12, $0x38;
	[tilespmem:$0x11F00] =	vst v63  }
0x4c: {  	_ =	swait.ge [sflag:s11], $0x7D00  }
0x4d: {  	[sflag:s11] =	ssyncset.done $0x0  }
0x4e: {  	[sflag:s11] =	ssyncadd.s32 $0xFFFF8300  }
0x4f: {  	[spmem:s2] =	stream.indirect.scatter.add.f32 [tilespmem:s14], [sflag:$0x1], $0x40, s3, s15, $0xb8;
	[tilespmem:$0x11F00] =	vst v63  }
0x50: {  	_ =	swait.ge [sflag:s11], $0x1F40  }
0x51: {  	[sflag:s11] =	ssyncset.done $0x0  }
0x52: {  	[sflag:s11] =	ssyncadd.s32 $0xFFFFE0C0  }
0x53: {  	[spmem:s2] =	stream.indirect.scatter.add.f32 [tilespmem:s16], [sflag:$0x1], $0x40, s13, s15, $0xb8;
	[tilespmem:$0x11F00] =	vst v63  }
0x54: {  	_ =	swait.ge [sflag:s11], $0x1F40  }
0x55: {  	[sflag:s11] =	ssyncset.done $0x0  }
0x56: {  	[sflag:s11] =	ssyncadd.s32 $0xFFFFE0C0  }
0x57: {  	[spmem:s2] =	stream.indirect.scatter.add.f32 [tilespmem:s18], [sflag:$0x1], $0x40, s17, s15, $0xb8;
	[tilespmem:$0x11F00] =	vst v63  }
0x58: {  	_ =	swait.ge [sflag:s11], $0x1F40  }
0x59: {  	[sflag:s11] =	ssyncset.done $0x0  }
0x5a: {  	[sflag:s11] =	ssyncadd.s32 $0xFFFFE0C0  }
0x5b: {  	[spmem:s2] =	stream.indirect.scatter.add.f32 [tilespmem:s20], [sflag:$0x1], $0x40, s19, s15, $0xb8;
	[tilespmem:$0x11F00] =	vst v63  }
0x5c: {  	_ =	swait.ge [sflag:s11], $0x1F40  }
0x5d: {  	s21 =	sadd.s32 $0x1, s21;
	[sflag:s11] =	ssyncset.done $0x0  }
0x5e: {  	p0 =	sne.s32 s21, s7;
	[sflag:s11] =	ssyncadd.s32 $0xFFFFE0C0  }
.Ltmp1:
0x5f: {  	[bflag:$0x0] =	sbarrier.arrive $0xFFFF;
	(pc) =	sbr.rel @p0 .LBB2_1-.Ltmp1, $4  }
0x60: {  	[hbm:s6], [sflag:s5] =	dma.local [spmem:s10], $0x1400  }
0x61: {  	_ =	swait.ge [sflag:s11], $0x1400  }
0x62: {  	[sflag:s11] =	ssyncset.done $0x0  }
0x63: {  	[sflag:s11] =	ssyncadd.s32 $0xFFFFEC00  }
0x64: {  	_ =	sfence.sel $0x180000  }
0x65: {  	[bflag:$0x0] =	sbarrier.arrive $0xFFFF  }
0x66: {  	p0 =	sne.s32 s0, $0x0;
	_ =	strace $0x90000059  }
0x67: {  	s0 =	sadd.s32 @!p0 $0x100000, s1;
	[bflag:$0x2] =	sbarrier.arrive $0xFFFF  }
0x68: {  	[sflag:s0] =	ssyncadd.tile.s32 @!p0 $0x1;
	_ =	shalt  }
.Lfunc_end2:
_tile_overlayer_lowered:
.L_overlay_start_2:
0x69: {  	(tag) =	ssettag $0x2  }
0x6a: {  	s0 =	rddreg [dreg:$0x0];
	s2 =	stileid.u32  }
0x6b: {  	s1 =	rddreg [dreg:$0x1];
	p0 =	sne.s32 s2, $0x0  }
0x6c: {  	s3 =	rddreg [dreg:$0x2];
	[bflag:$0x3] =	sbarrier.arrive $0xFFFF;
	s2 =	simm.s32 @!p0 $0x1C01  }
0x6d: {  	[timem:s3], [sflag:s2] =	dma.local @!p0 [hbm:s0], s1  }
0x6e: {  	s0 =	simm.s32 @!p0 $0x1  }
0x6f: {  	_ =	swait.ge @!p0 [sflag:s0], s1  }
0x70: {  	s1 =	ssub.s32 @!p0 $0x0, s1;
	[sflag:s0] =	ssyncset.done @!p0 $0x0  }
0x71: {  	[sflag:s0] =	ssyncadd.s32 @!p0 s1  }
0x72: {  	[bflag:$0x3] =	sbarrier.arrive $0xFFFF  }
0x73: {  	_ =	shalt  }

</sc_bundles>
